<compile_context>
chip_gen: v7x
topology: tpu7x:2x2x1
jax: 0.10.2.dev20260603
libtpu: 0.0.44.dev20260713+nightly
codegen_flags: <defaults>
</compile_context>

<pallas_src>
import functools

import jax
import jax.numpy as jnp
from jax import lax
from jax.experimental import pallas as pl
from jax.experimental.pallas import tpu as pltpu
from jax.experimental.pallas import tpu_sc as plsc

N_NODES_P = 10240
ROWS_PER_TILE = 640
E_CHUNKS = 2500
CH_MAIN = 78
CH_EXTRA_W = 4
CH_MAX = 79
NBUF = 6
CHUNK = 128
NC, NS = 2, 16
F = 64
DEG_W = 16


def _sc_mesh():
    return plsc.VectorSubcoreMesh(core_axis_name="c", subcore_axis_name="s",
                                  num_cores=NC, num_subcores=NS)



def _make_degree_kernel():
    mesh = _sc_mesh()

    @functools.partial(
        pl.kernel,
        out_type=jax.ShapeDtypeStruct((NC, N_NODES_P, DEG_W), jnp.float32),
        mesh=mesh,
        compiler_params=pltpu.CompilerParams(use_tc_tiling_on_sc=False),
        scratch_types=[
            pltpu.VMEM((CH_MAX, CHUNK), jnp.int32),
            pltpu.VMEM((CHUNK, DEG_W), jnp.float32),
            pltpu.VMEM((ROWS_PER_TILE, DEG_W), jnp.float32),
            pltpu.VMEM_SHARED((N_NODES_P, DEG_W), jnp.float32),
            pltpu.SemaphoreType.DMA,
        ],
    )
    def deg_kernel(ei_hbm, out_hbm, dst_v, ones_v, zbuf, acc_sh, sem):
        cid = lax.axis_index("c")
        sid = lax.axis_index("s")
        wid = sid * NC + cid
        c0 = wid * CH_MAIN + jnp.minimum(wid, CH_EXTRA_W)
        extra = wid < CH_EXTRA_W

        one_row = jnp.where(lax.iota(jnp.int32, 16) == 0, 1.0, 0.0).astype(jnp.float32)
        zero = jnp.zeros((16,), jnp.float32)

        def fill(i, _):
            ones_v[i, :] = one_row
            return 0
        lax.fori_loop(0, CHUNK, fill, 0)

        def zfill(i, _):
            zbuf[i, :] = zero
            return 0
        lax.fori_loop(0, ROWS_PER_TILE, zfill, 0)

        pltpu.sync_copy(zbuf, acc_sh.at[pl.ds(sid * ROWS_PER_TILE, ROWS_PER_TILE)])
        plsc.subcore_barrier()

        pltpu.sync_copy(ei_hbm.at[1, pl.ds(c0, CH_MAIN)],
                        dst_v.at[pl.ds(0, CH_MAIN)])

        @pl.when(extra)
        def _():
            pltpu.sync_copy(ei_hbm.at[1, pl.ds(c0 + CH_MAIN, 1)],
                            dst_v.at[pl.ds(CH_MAIN, 1)])

        def chunk(j, _):
            pltpu.sync_copy(ones_v, acc_sh.at[dst_v.at[j]], add=True)
            return 0
        nw = jnp.where(extra, CH_MAIN + 1, CH_MAIN)
        lax.fori_loop(0, nw, chunk, 0)

        plsc.subcore_barrier()
        pltpu.sync_copy(
            acc_sh.at[pl.ds(sid * ROWS_PER_TILE, ROWS_PER_TILE)],
            out_hbm.at[cid, pl.ds(sid * ROWS_PER_TILE, ROWS_PER_TILE)])

    return deg_kernel


def _make_aggregate_kernel():
    mesh = _sc_mesh()

    @functools.partial(
        pl.kernel,
        out_type=jax.ShapeDtypeStruct((NC, N_NODES_P, F), jnp.float32),
        mesh=mesh,
        compiler_params=pltpu.CompilerParams(use_tc_tiling_on_sc=False),
        scratch_types=[
            pltpu.VMEM((CH_MAX, CHUNK), jnp.int32),
            pltpu.VMEM((CH_MAX, CHUNK), jnp.int32),
            pltpu.VMEM((NBUF, CHUNK, F), jnp.float32),
            pltpu.VMEM((CHUNK, F), jnp.float32),
            pltpu.VMEM_SHARED((N_NODES_P, F), jnp.float32),
        ] + [pltpu.SemaphoreType.DMA] * (2 * NBUF),
    )
    def agg_kernel(ei_hbm, y_hbm, out_hbm,
                   src_v, dst_v, rows_v, zbuf, acc_sh, *sems):
        gsems = sems[:NBUF]
        ssems = sems[NBUF:]
        cid = lax.axis_index("c")
        sid = lax.axis_index("s")
        wid = sid * NC + cid
        c0 = wid * CH_MAIN + jnp.minimum(wid, CH_EXTRA_W)
        extra = wid < CH_EXTRA_W
        nw = jnp.where(extra, CH_MAIN + 1, CH_MAIN)

        zero = jnp.zeros((16,), jnp.float32)

        def zfill(i, _):
            for j in range(F // 16):
                zbuf[i, pl.ds(j * 16, 16)] = zero
            return 0
        lax.fori_loop(0, CHUNK, zfill, 0)

        for k in range(ROWS_PER_TILE // CHUNK):
            pltpu.sync_copy(
                zbuf, acc_sh.at[pl.ds(sid * ROWS_PER_TILE + k * CHUNK, CHUNK)])
        plsc.subcore_barrier()

        pltpu.sync_copy(ei_hbm.at[0, pl.ds(c0, CH_MAIN)],
                        src_v.at[pl.ds(0, CH_MAIN)])
        pltpu.sync_copy(ei_hbm.at[1, pl.ds(c0, CH_MAIN)],
                        dst_v.at[pl.ds(0, CH_MAIN)])

        @pl.when(extra)
        def _():
            pltpu.sync_copy(ei_hbm.at[0, pl.ds(c0 + CH_MAIN, 1)],
                            src_v.at[pl.ds(CH_MAIN, 1)])
            pltpu.sync_copy(ei_hbm.at[1, pl.ds(c0 + CH_MAIN, 1)],
                            dst_v.at[pl.ds(CH_MAIN, 1)])

        for b in range(NBUF):
            pltpu.async_copy(y_hbm.at[src_v.at[b]], rows_v.at[b], gsems[b])

        def group(g, _):
            for b in range(NBUF):
                j = g * NBUF + b
                bp = (b - 1) % NBUF
                pltpu.make_async_copy(
                    y_hbm.at[src_v.at[j]], rows_v.at[b], gsems[b]).wait()
                pltpu.async_copy(rows_v.at[b], acc_sh.at[dst_v.at[j]],
                                 ssems[b], add=True)

                @pl.when(j >= 1)
                def _():
                    pltpu.make_async_copy(
                        rows_v.at[bp], acc_sh.at[dst_v.at[j - 1]],
                        ssems[bp]).wait()

                @pl.when((j >= 1) & (j - 1 + NBUF < nw))
                def _():
                    pltpu.async_copy(
                        y_hbm.at[src_v.at[j - 1 + NBUF]], rows_v.at[bp],
                        gsems[bp])
            return 0
        lax.fori_loop(0, CH_MAIN // NBUF, group, 0)

        bl = (CH_MAIN - 1) % NBUF

        @pl.when(extra)
        def _():
            b = CH_MAIN % NBUF
            pltpu.make_async_copy(
                y_hbm.at[src_v.at[CH_MAIN]], rows_v.at[b], gsems[b]).wait()
            pltpu.async_copy(rows_v.at[b], acc_sh.at[dst_v.at[CH_MAIN]],
                             ssems[b], add=True)
            pltpu.make_async_copy(
                rows_v.at[b], acc_sh.at[dst_v.at[CH_MAIN]], ssems[b]).wait()

        pltpu.make_async_copy(
            rows_v.at[bl], acc_sh.at[dst_v.at[CH_MAIN - 1]], ssems[bl]).wait()

        plsc.subcore_barrier()
        pltpu.sync_copy(
            acc_sh.at[pl.ds(sid * ROWS_PER_TILE, ROWS_PER_TILE)],
            out_hbm.at[cid, pl.ds(sid * ROWS_PER_TILE, ROWS_PER_TILE)])

    return agg_kernel



NP2 = N_NODES_P // 2
NREAL2 = 5000


def _xw1_body(x_ref, w_ref, xw_ref):
    xw_ref[...] = jnp.dot(x_ref[...], w_ref[...],
                          preferred_element_type=jnp.float32)


def _tc_xw1(x2, Wb1):
    return pl.pallas_call(
        _xw1_body,
        out_shape=jax.ShapeDtypeStruct((NREAL2, 128), jnp.float32),
    )(x2, Wb1)


def _scale1_body(xw_ref, dp_ref, y_ref, dis_ref):
    degw = dp_ref[0] + dp_ref[1]
    G = jnp.where(degw > 0, lax.rsqrt(jnp.maximum(degw, 1e-30)), 0.0)
    G4 = jnp.broadcast_to(G[:, None, :], (N_NODES_P // 8, 4, 128)
                          ).reshape(NP2, 128)
    lane = lax.broadcasted_iota(jnp.int32, (NP2, 128), 1)
    m = lax.broadcasted_iota(jnp.int32, (NP2, 128), 0) % 4
    ev = jnp.sum(jnp.where(lane == 32 * m, G4, 0.0), axis=1, keepdims=True)
    od = jnp.sum(jnp.where(lane == 32 * m + 16, G4, 0.0), axis=1,
                 keepdims=True)
    dis2 = jnp.concatenate(
        [jnp.broadcast_to(ev, (NP2, F)),
         jnp.broadcast_to(od, (NP2, F))], axis=1)
    dis_ref[...] = dis2
    y_ref[...] = jnp.concatenate(
        [dis2[:NREAL2, :] * xw_ref[...],
         jnp.zeros((NP2 - NREAL2, 128), jnp.float32)], axis=0)


def _tc_scale1(xw, dp):
    return pl.pallas_call(
        _scale1_body,
        out_shape=[jax.ShapeDtypeStruct((NP2, 128), jnp.float32),
                   jax.ShapeDtypeStruct((NP2, 128), jnp.float32)],
    )(xw, dp)


def _mid_body(agg_ref, dis_ref, b_ref, w_ref, xk_ref, y_ref):
    agg = agg_ref[0] + agg_ref[1]
    dis = dis_ref[...]
    xk = jnp.maximum(dis * agg + b_ref[...], 0.0)
    xk_ref[...] = xk
    y_ref[...] = dis * jnp.dot(xk, w_ref[...], preferred_element_type=jnp.float32)


def _tc_mid(agg_p, dis2, bb, Wb_next):
    return pl.pallas_call(
        _mid_body,
        out_shape=[jax.ShapeDtypeStruct((NP2, 128), jnp.float32),
                   jax.ShapeDtypeStruct((NP2, 128), jnp.float32)],
    )(agg_p, dis2, bb, Wb_next)


def _final_body(agg_ref, dis_ref, b_ref, x1_ref, x2_ref, pp_ref,
                wf_ref, bf_ref, out_ref):
    agg = agg_ref[0] + agg_ref[1]
    x3 = jnp.maximum(dis_ref[...] * agg + b_ref[...], 0.0)

    Pp = pp_ref[...]
    Pe = Pp[:, :64]
    Po = Pp[:, 64:]

    dn = (((0,), (0,)), ((), ()))

    def pool(xp):
        return (lax.dot_general(Pe, xp[:, :F], dn,
                                preferred_element_type=jnp.float32)
                + lax.dot_general(Po, xp[:, F:], dn,
                                  preferred_element_type=jnp.float32))

    s1 = pool(x1_ref[...])
    s2 = pool(x2_ref[...])
    s3 = pool(x3)
    pooled = jnp.concatenate([s1, s2, s3], axis=1)

    counts = jnp.sum(Pe, axis=0, keepdims=True) + jnp.sum(Po, axis=0,
                                                          keepdims=True)
    inv = 1.0 / jnp.maximum(counts, 1.0)
    pooled = pooled * inv.T

    logits = jnp.dot(pooled, wf_ref[...], preferred_element_type=jnp.float32)
    logits = logits + bf_ref[...]
    m = jnp.max(logits, axis=1, keepdims=True)
    e = jnp.exp(logits - m)
    out_ref[...] = e / jnp.sum(e, axis=1, keepdims=True)


def _tc_final(agg_p, dis2, bb3, x1p, x2p, Pp, Wf, bfr):
    return pl.pallas_call(
        _final_body,
        out_shape=jax.ShapeDtypeStruct((64, 10), jnp.float32),
    )(agg_p, dis2, bb3, x1p, x2p, Pp, Wf, bfr)



def _block_diag2(W):
    a, b = W.shape
    Z = jnp.zeros((a, b), W.dtype)
    return jnp.concatenate(
        [jnp.concatenate([W, Z], axis=1), jnp.concatenate([Z, W], axis=1)],
        axis=0)


def kernel(x, edge_index, batch, W1, b1, W2, b2, W3, b3, Wf, bf):
    n = x.shape[0]
    ei3 = edge_index.astype(jnp.int32).reshape(2, E_CHUNKS, CHUNK)

    x2 = x.reshape(NREAL2, 2 * x.shape[1])
    batch_pad = jnp.concatenate(
        [batch.astype(jnp.int32), jnp.full((N_NODES_P - n,), 64, jnp.int32)])
    Pp = (batch_pad[:, None] == jnp.arange(64, dtype=jnp.int32)[None, :]
          ).astype(jnp.float32).reshape(NP2, 128)

    deg_kernel = _make_degree_kernel()
    agg_kernel = _make_aggregate_kernel()

    dp = deg_kernel(ei3).reshape(NC, N_NODES_P * DEG_W // 128, 128)

    Wb1 = _block_diag2(W1)
    Wb2 = _block_diag2(W2)
    Wb3 = _block_diag2(W3)
    bb1 = jnp.concatenate([b1, b1]).reshape(1, 128)
    bb2 = jnp.concatenate([b2, b2]).reshape(1, 128)
    bb3 = jnp.concatenate([b3, b3]).reshape(1, 128)
    bfr = bf.reshape(1, 10)

    def agg(yp):
        parts = agg_kernel(ei3, yp.reshape(N_NODES_P, F))
        return parts.reshape(NC, NP2, 128)

    xw1 = _tc_xw1(x2, Wb1)
    y1p, dis2 = _tc_scale1(xw1, dp)
    x1p, y2p = _tc_mid(agg(y1p), dis2, bb1, Wb2)
    x2p, y3p = _tc_mid(agg(y2p), dis2, bb2, Wb3)
    return _tc_final(agg(y3p), dis2, bb3, x1p, x2p, Pp, Wf, bfr)

# --- scband reference (transcript-rebuilt; emitter-appended) ---
"""Pipeline reference for scband-superpixel-gcn-46866683134517 (READ-ONLY COPY).

The authoritative reference and input builder live on the scoring server;
editing this copy changes nothing except your own understanding.
"""

import jax, jax.numpy as jnp
import numpy as np

N_NODES = 10000
N_EDGES = 320000
D_IN = 128
F_SIZE = 64
N_GRAPHS = 64
N_OUT = 10


def gcn_conv(x, W, b, src, dst, n_nodes):
    # PyG GCNConv with add_self_loops=False, symmetric normalization
    deg = jax.ops.segment_sum(jnp.ones(src.shape[0], dtype=x.dtype), dst, num_segments=n_nodes)
    deg_inv_sqrt = jnp.where(deg > 0, deg ** -0.5, 0.0)
    norm = deg_inv_sqrt[src] * deg_inv_sqrt[dst]
    xw = x @ W
    msg = xw[src] * norm[:, None]
    out = jax.ops.segment_sum(msg, dst, num_segments=n_nodes)
    return out + b


def setup_inputs(seed: int = 0) -> dict:
    key = jax.random.key(seed)
    ks = jax.random.split(key, 12)
    x = jax.random.normal(ks[0], (N_NODES, D_IN), dtype=jnp.float32)
    edge_index = jax.random.randint(ks[1], (2, N_EDGES), 0, N_NODES, dtype=jnp.int64)
    batch = jnp.sort(jax.random.randint(ks[2], (N_NODES,), 0, N_GRAPHS, dtype=jnp.int64))
    def glorot(k, fan_in, fan_out):
        lim = (6.0 / (fan_in + fan_out)) ** 0.5
        return jax.random.uniform(k, (fan_in, fan_out), dtype=jnp.float32, minval=-lim, maxval=lim)
    W1 = glorot(ks[3], D_IN, F_SIZE)
    b1 = jnp.zeros((F_SIZE,), dtype=jnp.float32)
    W2 = glorot(ks[4], F_SIZE, F_SIZE)
    b2 = jnp.zeros((F_SIZE,), dtype=jnp.float32)
    W3 = glorot(ks[5], F_SIZE, F_SIZE)
    b3 = jnp.zeros((F_SIZE,), dtype=jnp.float32)
    Wf = glorot(ks[6], 3 * F_SIZE, N_OUT)
    bf = jnp.zeros((N_OUT,), dtype=jnp.float32)
    return {"x": x, "edge_index": edge_index, "batch": batch, "W1": W1, "b1": b1, "W2": W2, "b2": b2, "W3": W3, "b3": b3, "Wf": Wf, "bf": bf}


def reference(x, edge_index, batch, W1, b1, W2, b2, W3, b3, Wf, bf):
    src = edge_index[0]
    dst = edge_index[1]
    x1 = jax.nn.relu(gcn_conv(x, W1, b1, src, dst, N_NODES))
    x2 = jax.nn.relu(gcn_conv(x1, W2, b2, src, dst, N_NODES))
    x3 = jax.nn.relu(gcn_conv(x2, W3, b3, src, dst, N_NODES))
    h = jnp.concatenate([x1, x2, x3], axis=1)
    sums = jax.ops.segment_sum(h, batch, num_segments=N_GRAPHS)
    counts = jax.ops.segment_sum(jnp.ones((N_NODES,), dtype=h.dtype), batch, num_segments=N_GRAPHS)
    pooled = sums / jnp.clip(counts, 1.0)[:, None]
    logits = pooled @ Wf + bf
    return jax.nn.softmax(logits, axis=1)

if __name__ == "__main__":
    import jax
    _d = setup_inputs()
    print(jax.jit(kernel)(*tuple(_d.values())))

</pallas_src>

<mosaic_0001>
#map = affine_map<(d0, d1) -> (0, 0, 0)>
#map1 = affine_map<(d0, d1) -> (0, 0)>
module attributes {stable_mosaic.version = 14 : i64} {
  func.func @agg_kernel(%arg0: i32, %arg1: i32, %arg2: memref<2x2500x128xi32, #tpu.memory_space<hbm>>, %arg3: memref<10240x64xf32, #tpu.memory_space<hbm>>, %arg4: memref<2x10240x64xf32, #tpu.memory_space<hbm>>, %arg5: memref<79x128xi32, #tpu.memory_space<vmem>>, %arg6: memref<79x128xi32, #tpu.memory_space<vmem>>, %arg7: memref<6x128x64xf32, #tpu.memory_space<vmem>>, %arg8: memref<128x64xf32, #tpu.memory_space<vmem>>, %arg9: memref<10240x64xf32, #tpu.memory_space<vmem_shared>>, %arg10: memref<!tpu.dma_semaphore, #tpu.memory_space<semaphore_mem>>, %arg11: memref<!tpu.dma_semaphore, #tpu.memory_space<semaphore_mem>>, %arg12: memref<!tpu.dma_semaphore, #tpu.memory_space<semaphore_mem>>, %arg13: memref<!tpu.dma_semaphore, #tpu.memory_space<semaphore_mem>>, %arg14: memref<!tpu.dma_semaphore, #tpu.memory_space<semaphore_mem>>, %arg15: memref<!tpu.dma_semaphore, #tpu.memory_space<semaphore_mem>>, %arg16: memref<!tpu.dma_semaphore, #tpu.memory_space<semaphore_mem>>, %arg17: memref<!tpu.dma_semaphore, #tpu.memory_space<semaphore_mem>>, %arg18: memref<!tpu.dma_semaphore, #tpu.memory_space<semaphore_mem>>, %arg19: memref<!tpu.dma_semaphore, #tpu.memory_space<semaphore_mem>>, %arg20: memref<!tpu.dma_semaphore, #tpu.memory_space<semaphore_mem>>, %arg21: memref<!tpu.dma_semaphore, #tpu.memory_space<semaphore_mem>>) attributes {dimension_semantics = [#tpu.dimension_semantics<core_parallel>, #tpu.dimension_semantics<subcore_parallel>], iteration_bounds = array<i64: 2, 16>, scalar_prefetch = 0 : i64, scratch_operands = 17 : i64, tpu.core_type = #tpu.core_type<sc_vector_subcore>, window_params = [{transform_indices = #map}, {transform_indices = #map1}, {transform_indices = #map}]} {
    %mul3A = arith.constant 2 : i32
    %mul3A_0 = arith.muli %arg1, %mul3A : i32
    %add3A = arith.addi %mul3A_0, %arg0 : i32
    %mul3A_1 = arith.constant 78 : i32
    %mul3A_2 = arith.muli %add3A, %mul3A_1 : i32
    %min3A = arith.constant 4 : i32
    %min3A_3 = arith.minsi %add3A, %min3A : i32
    %add3A_4 = arith.addi %mul3A_2, %min3A_3 : i32
    %lt3A = arith.constant 4 : i32
    %lt3A_5 = arith.cmpi slt, %add3A, %lt3A : i32
    %jit3A = arith.constant 79 : i32
    %jit3A_6 = arith.constant 78 : i32
    %select_n3A = arith.select %lt3A_5, %jit3A, %jit3A_6 : i32
    %broadcast_in_dim3A = arith.constant 0.000000e+00 : f32
    %broadcast_in_dim3A_7 = vector.broadcast %broadcast_in_dim3A : f32 to vector<16xf32>
    %scan3A = arith.constant 0 : i32
    %scan3A_8 = arith.constant 0 : i32
    %scan3A_9 = arith.constant 128 : i32
    %scan3A_10 = arith.addi %scan3A_8, %scan3A_9 : i32
    %scan3A_11 = arith.constant 1 : i32
    %scan3A_12 = scf.for %scan3A_133 = %scan3A_8 to %scan3A_10 step %scan3A_11 iter_args(%scan3A_134 = %scan3A) -> (i32)  : i32 {
      %swap3A = arith.index_cast %scan3A_133 : i32 to index
      %swap3A_135 = arith.constant 0 : index
      %swap3A_136 = tpu.vector_load %arg8[%swap3A, %swap3A_135] {strides = array<i32>} : memref<128x64xf32, #tpu.memory_space<vmem>>, vector<1x16xf32>,
      %swap3A_137 = vector.shape_cast %swap3A_136 : vector<1x16xf32> to vector<16xf32>
      %swap3A_138 = vector.shape_cast %broadcast_in_dim3A_7 : vector<16xf32> to vector<1x16xf32>
      tpu.vector_store %arg8[%swap3A, %swap3A_135], %swap3A_138 {strides = array<i32>} : memref<128x64xf32, #tpu.memory_space<vmem>>, vector<1x16xf32>,
      %swap3A_139 = arith.index_cast %scan3A_133 : i32 to index
      %swap3A_140 = arith.constant 16 : index
      %swap3A_141 = tpu.vector_load %arg8[%swap3A_139, %swap3A_140] {strides = array<i32>} : memref<128x64xf32, #tpu.memory_space<vmem>>, vector<1x16xf32>,
      %swap3A_142 = vector.shape_cast %swap3A_141 : vector<1x16xf32> to vector<16xf32>
      %swap3A_143 = vector.shape_cast %broadcast_in_dim3A_7 : vector<16xf32> to vector<1x16xf32>
      tpu.vector_store %arg8[%swap3A_139, %swap3A_140], %swap3A_143 {strides = array<i32>} : memref<128x64xf32, #tpu.memory_space<vmem>>, vector<1x16xf32>,
      %swap3A_144 = arith.index_cast %scan3A_133 : i32 to index
      %swap3A_145 = arith.constant 32 : index
      %swap3A_146 = tpu.vector_load %arg8[%swap3A_144, %swap3A_145] {strides = array<i32>} : memref<128x64xf32, #tpu.memory_space<vmem>>, vector<1x16xf32>,
      %swap3A_147 = vector.shape_cast %swap3A_146 : vector<1x16xf32> to vector<16xf32>
      %swap3A_148 = vector.shape_cast %broadcast_in_dim3A_7 : vector<16xf32> to vector<1x16xf32>
      tpu.vector_store %arg8[%swap3A_144, %swap3A_145], %swap3A_148 {strides = array<i32>} : memref<128x64xf32, #tpu.memory_space<vmem>>, vector<1x16xf32>,
      %swap3A_149 = arith.index_cast %scan3A_133 : i32 to index
      %swap3A_150 = arith.constant 48 : index
      %swap3A_151 = tpu.vector_load %arg8[%swap3A_149, %swap3A_150] {strides = array<i32>} : memref<128x64xf32, #tpu.memory_space<vmem>>, vector<1x16xf32>,
      %swap3A_152 = vector.shape_cast %swap3A_151 : vector<1x16xf32> to vector<16xf32>
      %swap3A_153 = vector.shape_cast %broadcast_in_dim3A_7 : vector<16xf32> to vector<1x16xf32>
      tpu.vector_store %arg8[%swap3A_149, %swap3A_150], %swap3A_153 {strides = array<i32>} : memref<128x64xf32, #tpu.memory_space<vmem>>, vector<1x16xf32>,
      %scan3A_154 = arith.constant 0 : i32
      scf.yield %scan3A_154 : i32
    }
    %scan3A_13 = arith.constant 128 : i32
    %mul3A_14 = arith.constant 640 : i32
    %mul3A_15 = arith.muli %arg1, %mul3A_14 : i32
    %add3A_16 = arith.constant 0 : i32
    %add3A_17 = arith.addi %mul3A_15, %add3A_16 : i32
    "tpu.region"() ({
      %run_scoped3A_133 = tpu.sem_alloc : memref<!tpu.dma_semaphore, #tpu.memory_space<semaphore_mem>>
      %dma_start3A_134 = arith.constant 0 : i32
      %dma_start3A_135 = tpu.memref_slice %arg9[%add3A_17, %dma_start3A_134] : memref<10240x64xf32, #tpu.memory_space<vmem_shared>> -> memref<128x64xf32, #tpu.memory_space<vmem_shared>>
      %dma_start3A_136 = arith.constant 0 : i32
      %dma_start3A_137 = tpu.memref_slice %arg9[%add3A_17, %dma_start3A_136] : memref<10240x64xf32, #tpu.memory_space<vmem_shared>> -> memref<128x64xf32, #tpu.memory_space<vmem_shared>>
      tpu.enqueue_dma source(%arg8 : memref<128x64xf32, #tpu.memory_space<vmem>>) target(%dma_start3A_137 : memref<128x64xf32, #tpu.memory_space<vmem_shared>>) target_semaphore(%run_scoped3A_133 : memref<!tpu.dma_semaphore, #tpu.memory_space<semaphore_mem>>)
      %dma_wait3A_138 = arith.constant 0 : i32
      %dma_wait3A_139 = tpu.memref_slice %arg9[%add3A_17, %dma_wait3A_138] : memref<10240x64xf32, #tpu.memory_space<vmem_shared>> -> memref<128x64xf32, #tpu.memory_space<vmem_shared>>
      %dma_wait3A_140 = arith.constant 0 : i32
      %dma_wait3A_141 = tpu.memref_slice %arg9[%add3A_17, %dma_wait3A_140] : memref<10240x64xf32, #tpu.memory_space<vmem_shared>> -> memref<128x64xf32, #tpu.memory_space<vmem_shared>>
      tpu.wait_dma2 semaphore(%run_scoped3A_133 : memref<!tpu.dma_semaphore, #tpu.memory_space<semaphore_mem>>) src(%arg8 : memref<128x64xf32, #tpu.memory_space<vmem>>) dst(%dma_wait3A_141 : memref<128x64xf32, #tpu.memory_space<vmem_shared>>)
      tpu.yield
    }) : () -> ()
    %mul3A_18 = arith.constant 640 : i32
    %mul3A_19 = arith.muli %arg1, %mul3A_18 : i32
    %add3A_20 = arith.constant 128 : i32
    %add3A_21 = arith.addi %mul3A_19, %add3A_20 : i32
    "tpu.region"() ({
      %run_scoped3A_133 = tpu.sem_alloc : memref<!tpu.dma_semaphore, #tpu.memory_space<semaphore_mem>>
      %dma_start3A_134 = arith.constant 0 : i32
      %dma_start3A_135 = tpu.memref_slice %arg9[%add3A_21, %dma_start3A_134] : memref<10240x64xf32, #tpu.memory_space<vmem_shared>> -> memref<128x64xf32, #tpu.memory_space<vmem_shared>>
      %dma_start3A_136 = arith.constant 0 : i32
      %dma_start3A_137 = tpu.memref_slice %arg9[%add3A_21, %dma_start3A_136] : memref<10240x64xf32, #tpu.memory_space<vmem_shared>> -> memref<128x64xf32, #tpu.memory_space<vmem_shared>>
      tpu.enqueue_dma source(%arg8 : memref<128x64xf32, #tpu.memory_space<vmem>>) target(%dma_start3A_137 : memref<128x64xf32, #tpu.memory_space<vmem_shared>>) target_semaphore(%run_scoped3A_133 : memref<!tpu.dma_semaphore, #tpu.memory_space<semaphore_mem>>)
      %dma_wait3A_138 = arith.constant 0 : i32
      %dma_wait3A_139 = tpu.memref_slice %arg9[%add3A_21, %dma_wait3A_138] : memref<10240x64xf32, #tpu.memory_space<vmem_shared>> -> memref<128x64xf32, #tpu.memory_space<vmem_shared>>
      %dma_wait3A_140 = arith.constant 0 : i32
      %dma_wait3A_141 = tpu.memref_slice %arg9[%add3A_21, %dma_wait3A_140] : memref<10240x64xf32, #tpu.memory_space<vmem_shared>> -> memref<128x64xf32, #tpu.memory_space<vmem_shared>>
      tpu.wait_dma2 semaphore(%run_scoped3A_133 : memref<!tpu.dma_semaphore, #tpu.memory_space<semaphore_mem>>) src(%arg8 : memref<128x64xf32, #tpu.memory_space<vmem>>) dst(%dma_wait3A_141 : memref<128x64xf32, #tpu.memory_space<vmem_shared>>)
      tpu.yield
    }) : () -> ()
    %mul3A_22 = arith.constant 640 : i32
    %mul3A_23 = arith.muli %arg1, %mul3A_22 : i32
    %add3A_24 = arith.constant 256 : i32
    %add3A_25 = arith.addi %mul3A_23, %add3A_24 : i32
    "tpu.region"() ({
      %run_scoped3A_133 = tpu.sem_alloc : memref<!tpu.dma_semaphore, #tpu.memory_space<semaphore_mem>>
      %dma_start3A_134 = arith.constant 0 : i32
      %dma_start3A_135 = tpu.memref_slice %arg9[%add3A_25, %dma_start3A_134] : memref<10240x64xf32, #tpu.memory_space<vmem_shared>> -> memref<128x64xf32, #tpu.memory_space<vmem_shared>>
      %dma_start3A_136 = arith.constant 0 : i32
      %dma_start3A_137 = tpu.memref_slice %arg9[%add3A_25, %dma_start3A_136] : memref<10240x64xf32, #tpu.memory_space<vmem_shared>> -> memref<128x64xf32, #tpu.memory_space<vmem_shared>>
      tpu.enqueue_dma source(%arg8 : memref<128x64xf32, #tpu.memory_space<vmem>>) target(%dma_start3A_137 : memref<128x64xf32, #tpu.memory_space<vmem_shared>>) target_semaphore(%run_scoped3A_133 : memref<!tpu.dma_semaphore, #tpu.memory_space<semaphore_mem>>)
      %dma_wait3A_138 = arith.constant 0 : i32
      %dma_wait3A_139 = tpu.memref_slice %arg9[%add3A_25, %dma_wait3A_138] : memref<10240x64xf32, #tpu.memory_space<vmem_shared>> -> memref<128x64xf32, #tpu.memory_space<vmem_shared>>
      %dma_wait3A_140 = arith.constant 0 : i32
      %dma_wait3A_141 = tpu.memref_slice %arg9[%add3A_25, %dma_wait3A_140] : memref<10240x64xf32, #tpu.memory_space<vmem_shared>> -> memref<128x64xf32, #tpu.memory_space<vmem_shared>>
      tpu.wait_dma2 semaphore(%run_scoped3A_133 : memref<!tpu.dma_semaphore, #tpu.memory_space<semaphore_mem>>) src(%arg8 : memref<128x64xf32, #tpu.memory_space<vmem>>) dst(%dma_wait3A_141 : memref<128x64xf32, #tpu.memory_space<vmem_shared>>)
      tpu.yield
    }) : () -> ()
    %mul3A_26 = arith.constant 640 : i32
    %mul3A_27 = arith.muli %arg1, %mul3A_26 : i32
    %add3A_28 = arith.constant 384 : i32
    %add3A_29 = arith.addi %mul3A_27, %add3A_28 : i32
    "tpu.region"() ({
      %run_scoped3A_133 = tpu.sem_alloc : memref<!tpu.dma_semaphore, #tpu.memory_space<semaphore_mem>>
      %dma_start3A_134 = arith.constant 0 : i32
      %dma_start3A_135 = tpu.memref_slice %arg9[%add3A_29, %dma_start3A_134] : memref<10240x64xf32, #tpu.memory_space<vmem_shared>> -> memref<128x64xf32, #tpu.memory_space<vmem_shared>>
      %dma_start3A_136 = arith.constant 0 : i32
      %dma_start3A_137 = tpu.memref_slice %arg9[%add3A_29, %dma_start3A_136] : memref<10240x64xf32, #tpu.memory_space<vmem_shared>> -> memref<128x64xf32, #tpu.memory_space<vmem_shared>>
      tpu.enqueue_dma source(%arg8 : memref<128x64xf32, #tpu.memory_space<vmem>>) target(%dma_start3A_137 : memref<128x64xf32, #tpu.memory_space<vmem_shared>>) target_semaphore(%run_scoped3A_133 : memref<!tpu.dma_semaphore, #tpu.memory_space<semaphore_mem>>)
      %dma_wait3A_138 = arith.constant 0 : i32
      %dma_wait3A_139 = tpu.memref_slice %arg9[%add3A_29, %dma_wait3A_138] : memref<10240x64xf32, #tpu.memory_space<vmem_shared>> -> memref<128x64xf32, #tpu.memory_space<vmem_shared>>
      %dma_wait3A_140 = arith.constant 0 : i32
      %dma_wait3A_141 = tpu.memref_slice %arg9[%add3A_29, %dma_wait3A_140] : memref<10240x64xf32, #tpu.memory_space<vmem_shared>> -> memref<128x64xf32, #tpu.memory_space<vmem_shared>>
      tpu.wait_dma2 semaphore(%run_scoped3A_133 : memref<!tpu.dma_semaphore, #tpu.memory_space<semaphore_mem>>) src(%arg8 : memref<128x64xf32, #tpu.memory_space<vmem>>) dst(%dma_wait3A_141 : memref<128x64xf32, #tpu.memory_space<vmem_shared>>)
      tpu.yield
    }) : () -> ()
    %mul3A_30 = arith.constant 640 : i32
    %mul3A_31 = arith.muli %arg1, %mul3A_30 : i32
    %add3A_32 = arith.constant 512 : i32
    %add3A_33 = arith.addi %mul3A_31, %add3A_32 : i32
    "tpu.region"() ({
      %run_scoped3A_133 = tpu.sem_alloc : memref<!tpu.dma_semaphore, #tpu.memory_space<semaphore_mem>>
      %dma_start3A_134 = arith.constant 0 : i32
      %dma_start3A_135 = tpu.memref_slice %arg9[%add3A_33, %dma_start3A_134] : memref<10240x64xf32, #tpu.memory_space<vmem_shared>> -> memref<128x64xf32, #tpu.memory_space<vmem_shared>>
      %dma_start3A_136 = arith.constant 0 : i32
      %dma_start3A_137 = tpu.memref_slice %arg9[%add3A_33, %dma_start3A_136] : memref<10240x64xf32, #tpu.memory_space<vmem_shared>> -> memref<128x64xf32, #tpu.memory_space<vmem_shared>>
      tpu.enqueue_dma source(%arg8 : memref<128x64xf32, #tpu.memory_space<vmem>>) target(%dma_start3A_137 : memref<128x64xf32, #tpu.memory_space<vmem_shared>>) target_semaphore(%run_scoped3A_133 : memref<!tpu.dma_semaphore, #tpu.memory_space<semaphore_mem>>)
      %dma_wait3A_138 = arith.constant 0 : i32
      %dma_wait3A_139 = tpu.memref_slice %arg9[%add3A_33, %dma_wait3A_138] : memref<10240x64xf32, #tpu.memory_space<vmem_shared>> -> memref<128x64xf32, #tpu.memory_space<vmem_shared>>
      %dma_wait3A_140 = arith.constant 0 : i32
      %dma_wait3A_141 = tpu.memref_slice %arg9[%add3A_33, %dma_wait3A_140] : memref<10240x64xf32, #tpu.memory_space<vmem_shared>> -> memref<128x64xf32, #tpu.memory_space<vmem_shared>>
      tpu.wait_dma2 semaphore(%run_scoped3A_133 : memref<!tpu.dma_semaphore, #tpu.memory_space<semaphore_mem>>) src(%arg8 : memref<128x64xf32, #tpu.memory_space<vmem>>) dst(%dma_wait3A_141 : memref<128x64xf32, #tpu.memory_space<vmem_shared>>)
      tpu.yield
    }) : () -> ()
    %barrier3A = arith.constant 0 : index
    tpu.barrier barrier_id(%barrier3A)
    %run_scoped3A = arith.constant 0 : i32
    "tpu.region"() ({
      %run_scoped3A_133 = tpu.sem_alloc : memref<!tpu.dma_semaphore, #tpu.memory_space<semaphore_mem>>
      %dma_start3A_134 = arith.constant 0 : i32
      %dma_start3A_135 = arith.constant 0 : i32
      %dma_start3A_136 = tpu.memref_slice %arg5[%dma_start3A_134, %dma_start3A_135] : memref<79x128xi32, #tpu.memory_space<vmem>> -> memref<78x128xi32, #tpu.memory_space<vmem>>
      %dma_start3A_137 = arith.constant 0 : i32
      %dma_start3A_138 = tpu.memref_slice %arg2[%run_scoped3A, %add3A_4, %dma_start3A_137] : memref<2x2500x128xi32, #tpu.memory_space<hbm>> -> memref<1x78x128xi32, #tpu.memory_space<hbm>>
      %dma_start3A_139 = tpu.memref_squeeze %dma_start3A_138 : memref<1x78x128xi32, #tpu.memory_space<hbm>> -> memref<78x128xi32, #tpu.memory_space<hbm>>
      %dma_start3A_140 = arith.constant 0 : i32
      %dma_start3A_141 = arith.constant 0 : i32
      %dma_start3A_142 = tpu.memref_slice %arg5[%dma_start3A_140, %dma_start3A_141] : memref<79x128xi32, #tpu.memory_space<vmem>> -> memref<78x128xi32, #tpu.memory_space<vmem>>
      %dma_start3A_143 = arith.constant 0 : i32
      %dma_start3A_144 = tpu.memref_slice %arg2[%run_scoped3A, %add3A_4, %dma_start3A_143] : memref<2x2500x128xi32, #tpu.memory_space<hbm>> -> memref<1x78x128xi32, #tpu.memory_space<hbm>>
      %dma_start3A_145 = tpu.memref_squeeze %dma_start3A_144 : memref<1x78x128xi32, #tpu.memory_space<hbm>> -> memref<78x128xi32, #tpu.memory_space<hbm>>
      tpu.enqueue_dma source(%dma_start3A_145 : memref<78x128xi32, #tpu.memory_space<hbm>>) target(%dma_start3A_142 : memref<78x128xi32, #tpu.memory_space<vmem>>) target_semaphore(%run_scoped3A_133 : memref<!tpu.dma_semaphore, #tpu.memory_space<semaphore_mem>>)
      %dma_wait3A_146 = arith.constant 0 : i32
      %dma_wait3A_147 = arith.constant 0 : i32
      %dma_wait3A_148 = tpu.memref_slice %arg5[%dma_wait3A_146, %dma_wait3A_147] : memref<79x128xi32, #tpu.memory_space<vmem>> -> memref<78x128xi32, #tpu.memory_space<vmem>>
      %dma_wait3A_149 = arith.constant 0 : i32
      %dma_wait3A_150 = tpu.memref_slice %arg2[%run_scoped3A, %add3A_4, %dma_wait3A_149] : memref<2x2500x128xi32, #tpu.memory_space<hbm>> -> memref<1x78x128xi32, #tpu.memory_space<hbm>>
      %dma_wait3A_151 = tpu.memref_squeeze %dma_wait3A_150 : memref<1x78x128xi32, #tpu.memory_space<hbm>> -> memref<78x128xi32, #tpu.memory_space<hbm>>
      %dma_wait3A_152 = arith.constant 0 : i32
      %dma_wait3A_153 = arith.constant 0 : i32
      %dma_wait3A_154 = tpu.memref_slice %arg5[%dma_wait3A_152, %dma_wait3A_153] : memref<79x128xi32, #tpu.memory_space<vmem>> -> memref<78x128xi32, #tpu.memory_space<vmem>>
      %dma_wait3A_155 = arith.constant 0 : i32
      %dma_wait3A_156 = tpu.memref_slice %arg2[%run_scoped3A, %add3A_4, %dma_wait3A_155] : memref<2x2500x128xi32, #tpu.memory_space<hbm>> -> memref<1x78x128xi32, #tpu.memory_space<hbm>>
      %dma_wait3A_157 = tpu.memref_squeeze %dma_wait3A_156 : memref<1x78x128xi32, #tpu.memory_space<hbm>> -> memref<78x128xi32, #tpu.memory_space<hbm>>
      tpu.wait_dma2 semaphore(%run_scoped3A_133 : memref<!tpu.dma_semaphore, #tpu.memory_space<semaphore_mem>>) src(%dma_wait3A_157 : memref<78x128xi32, #tpu.memory_space<hbm>>) dst(%dma_wait3A_154 : memref<78x128xi32, #tpu.memory_space<vmem>>)
      tpu.yield
    }) : () -> ()
    %run_scoped3A_34 = arith.constant 1 : i32
    "tpu.region"() ({
      %run_scoped3A_133 = tpu.sem_alloc : memref<!tpu.dma_semaphore, #tpu.memory_space<semaphore_mem>>
      %dma_start3A_134 = arith.constant 0 : i32
      %dma_start3A_135 = arith.constant 0 : i32
      %dma_start3A_136 = tpu.memref_slice %arg6[%dma_start3A_134, %dma_start3A_135] : memref<79x128xi32, #tpu.memory_space<vmem>> -> memref<78x128xi32, #tpu.memory_space<vmem>>
      %dma_start3A_137 = arith.constant 0 : i32
      %dma_start3A_138 = tpu.memref_slice %arg2[%run_scoped3A_34, %add3A_4, %dma_start3A_137] : memref<2x2500x128xi32, #tpu.memory_space<hbm>> -> memref<1x78x128xi32, #tpu.memory_space<hbm>>
      %dma_start3A_139 = tpu.memref_squeeze %dma_start3A_138 : memref<1x78x128xi32, #tpu.memory_space<hbm>> -> memref<78x128xi32, #tpu.memory_space<hbm>>
      %dma_start3A_140 = arith.constant 0 : i32
      %dma_start3A_141 = arith.constant 0 : i32
      %dma_start3A_142 = tpu.memref_slice %arg6[%dma_start3A_140, %dma_start3A_141] : memref<79x128xi32, #tpu.memory_space<vmem>> -> memref<78x128xi32, #tpu.memory_space<vmem>>
      %dma_start3A_143 = arith.constant 0 : i32
      %dma_start3A_144 = tpu.memref_slice %arg2[%run_scoped3A_34, %add3A_4, %dma_start3A_143] : memref<2x2500x128xi32, #tpu.memory_space<hbm>> -> memref<1x78x128xi32, #tpu.memory_space<hbm>>
      %dma_start3A_145 = tpu.memref_squeeze %dma_start3A_144 : memref<1x78x128xi32, #tpu.memory_space<hbm>> -> memref<78x128xi32, #tpu.memory_space<hbm>>
      tpu.enqueue_dma source(%dma_start3A_145 : memref<78x128xi32, #tpu.memory_space<hbm>>) target(%dma_start3A_142 : memref<78x128xi32, #tpu.memory_space<vmem>>) target_semaphore(%run_scoped3A_133 : memref<!tpu.dma_semaphore, #tpu.memory_space<semaphore_mem>>)
      %dma_wait3A_146 = arith.constant 0 : i32
      %dma_wait3A_147 = arith.constant 0 : i32
      %dma_wait3A_148 = tpu.memref_slice %arg6[%dma_wait3A_146, %dma_wait3A_147] : memref<79x128xi32, #tpu.memory_space<vmem>> -> memref<78x128xi32, #tpu.memory_space<vmem>>
      %dma_wait3A_149 = arith.constant 0 : i32
      %dma_wait3A_150 = tpu.memref_slice %arg2[%run_scoped3A_34, %add3A_4, %dma_wait3A_149] : memref<2x2500x128xi32, #tpu.memory_space<hbm>> -> memref<1x78x128xi32, #tpu.memory_space<hbm>>
      %dma_wait3A_151 = tpu.memref_squeeze %dma_wait3A_150 : memref<1x78x128xi32, #tpu.memory_space<hbm>> -> memref<78x128xi32, #tpu.memory_space<hbm>>
      %dma_wait3A_152 = arith.constant 0 : i32
      %dma_wait3A_153 = arith.constant 0 : i32
      %dma_wait3A_154 = tpu.memref_slice %arg6[%dma_wait3A_152, %dma_wait3A_153] : memref<79x128xi32, #tpu.memory_space<vmem>> -> memref<78x128xi32, #tpu.memory_space<vmem>>
      %dma_wait3A_155 = arith.constant 0 : i32
      %dma_wait3A_156 = tpu.memref_slice %arg2[%run_scoped3A_34, %add3A_4, %dma_wait3A_155] : memref<2x2500x128xi32, #tpu.memory_space<hbm>> -> memref<1x78x128xi32, #tpu.memory_space<hbm>>
      %dma_wait3A_157 = tpu.memref_squeeze %dma_wait3A_156 : memref<1x78x128xi32, #tpu.memory_space<hbm>> -> memref<78x128xi32, #tpu.memory_space<hbm>>
      tpu.wait_dma2 semaphore(%run_scoped3A_133 : memref<!tpu.dma_semaphore, #tpu.memory_space<semaphore_mem>>) src(%dma_wait3A_157 : memref<78x128xi32, #tpu.memory_space<hbm>>) dst(%dma_wait3A_154 : memref<78x128xi32, #tpu.memory_space<vmem>>)
      tpu.yield
    }) : () -> ()
    %convert_element_type3A = arith.extui %lt3A_5 : i1 to i32
    %cond3A = arith.constant 0 : i32
    %cond3A_35 = arith.cmpi ne, %convert_element_type3A, %cond3A : i32
    scf.if %cond3A_35 {
      %add3A_133 = arith.constant 78 : i32
      %add3A_134 = arith.addi %add3A_4, %add3A_133 : i32
      %run_scoped3A_135 = arith.constant 0 : i32
      "tpu.region"() ({
        %run_scoped3A_139 = tpu.sem_alloc : memref<!tpu.dma_semaphore, #tpu.memory_space<semaphore_mem>>
        %dma_start3A_140 = arith.constant 78 : i32
        %dma_start3A_141 = arith.constant 0 : i32
        %dma_start3A_142 = tpu.memref_slice %arg5[%dma_start3A_140, %dma_start3A_141] : memref<79x128xi32, #tpu.memory_space<vmem>> -> memref<1x128xi32, #tpu.memory_space<vmem>>
        %dma_start3A_143 = arith.constant 0 : i32
        %dma_start3A_144 = tpu.memref_slice %arg2[%run_scoped3A_135, %add3A_134, %dma_start3A_143] : memref<2x2500x128xi32, #tpu.memory_space<hbm>> -> memref<1x1x128xi32, #tpu.memory_space<hbm>>
        %dma_start3A_145 = tpu.memref_squeeze %dma_start3A_144 : memref<1x1x128xi32, #tpu.memory_space<hbm>> -> memref<1x128xi32, #tpu.memory_space<hbm>>
        %dma_start3A_146 = arith.constant 78 : i32
        %dma_start3A_147 = arith.constant 0 : i32
        %dma_start3A_148 = tpu.memref_slice %arg5[%dma_start3A_146, %dma_start3A_147] : memref<79x128xi32, #tpu.memory_space<vmem>> -> memref<1x128xi32, #tpu.memory_space<vmem>>
        %dma_start3A_149 = arith.constant 0 : i32
        %dma_start3A_150 = tpu.memref_slice %arg2[%run_scoped3A_135, %add3A_134, %dma_start3A_149] : memref<2x2500x128xi32, #tpu.memory_space<hbm>> -> memref<1x1x128xi32, #tpu.memory_space<hbm>>
        %dma_start3A_151 = tpu.memref_squeeze %dma_start3A_150 : memref<1x1x128xi32, #tpu.memory_space<hbm>> -> memref<1x128xi32, #tpu.memory_space<hbm>>
        tpu.enqueue_dma source(%dma_start3A_151 : memref<1x128xi32, #tpu.memory_space<hbm>>) target(%dma_start3A_148 : memref<1x128xi32, #tpu.memory_space<vmem>>) target_semaphore(%run_scoped3A_139 : memref<!tpu.dma_semaphore, #tpu.memory_space<semaphore_mem>>)
        %dma_wait3A_152 = arith.constant 78 : i32
        %dma_wait3A_153 = arith.constant 0 : i32
        %dma_wait3A_154 = tpu.memref_slice %arg5[%dma_wait3A_152, %dma_wait3A_153] : memref<79x128xi32, #tpu.memory_space<vmem>> -> memref<1x128xi32, #tpu.memory_space<vmem>>
        %dma_wait3A_155 = arith.constant 0 : i32
        %dma_wait3A_156 = tpu.memref_slice %arg2[%run_scoped3A_135, %add3A_134, %dma_wait3A_155] : memref<2x2500x128xi32, #tpu.memory_space<hbm>> -> memref<1x1x128xi32, #tpu.memory_space<hbm>>
        %dma_wait3A_157 = tpu.memref_squeeze %dma_wait3A_156 : memref<1x1x128xi32, #tpu.memory_space<hbm>> -> memref<1x128xi32, #tpu.memory_space<hbm>>
        %dma_wait3A_158 = arith.constant 78 : i32
        %dma_wait3A_159 = arith.constant 0 : i32
        %dma_wait3A_160 = tpu.memref_slice %arg5[%dma_wait3A_158, %dma_wait3A_159] : memref<79x128xi32, #tpu.memory_space<vmem>> -> memref<1x128xi32, #tpu.memory_space<vmem>>
        %dma_wait3A_161 = arith.constant 0 : i32
        %dma_wait3A_162 = tpu.memref_slice %arg2[%run_scoped3A_135, %add3A_134, %dma_wait3A_161] : memref<2x2500x128xi32, #tpu.memory_space<hbm>> -> memref<1x1x128xi32, #tpu.memory_space<hbm>>
        %dma_wait3A_163 = tpu.memref_squeeze %dma_wait3A_162 : memref<1x1x128xi32, #tpu.memory_space<hbm>> -> memref<1x128xi32, #tpu.memory_space<hbm>>
        tpu.wait_dma2 semaphore(%run_scoped3A_139 : memref<!tpu.dma_semaphore, #tpu.memory_space<semaphore_mem>>) src(%dma_wait3A_163 : memref<1x128xi32, #tpu.memory_space<hbm>>) dst(%dma_wait3A_160 : memref<1x128xi32, #tpu.memory_space<vmem>>)
        tpu.yield
      }) : () -> ()
      %add3A_136 = arith.constant 78 : i32
      %add3A_137 = arith.addi %add3A_4, %add3A_136 : i32
      %run_scoped3A_138 = arith.constant 1 : i32
      "tpu.region"() ({
        %run_scoped3A_139 = tpu.sem_alloc : memref<!tpu.dma_semaphore, #tpu.memory_space<semaphore_mem>>
        %dma_start3A_140 = arith.constant 78 : i32
        %dma_start3A_141 = arith.constant 0 : i32
        %dma_start3A_142 = tpu.memref_slice %arg6[%dma_start3A_140, %dma_start3A_141] : memref<79x128xi32, #tpu.memory_space<vmem>> -> memref<1x128xi32, #tpu.memory_space<vmem>>
        %dma_start3A_143 = arith.constant 0 : i32
        %dma_start3A_144 = tpu.memref_slice %arg2[%run_scoped3A_138, %add3A_137, %dma_start3A_143] : memref<2x2500x128xi32, #tpu.memory_space<hbm>> -> memref<1x1x128xi32, #tpu.memory_space<hbm>>
        %dma_start3A_145 = tpu.memref_squeeze %dma_start3A_144 : memref<1x1x128xi32, #tpu.memory_space<hbm>> -> memref<1x128xi32, #tpu.memory_space<hbm>>
        %dma_start3A_146 = arith.constant 78 : i32
        %dma_start3A_147 = arith.constant 0 : i32
        %dma_start3A_148 = tpu.memref_slice %arg6[%dma_start3A_146, %dma_start3A_147] : memref<79x128xi32, #tpu.memory_space<vmem>> -> memref<1x128xi32, #tpu.memory_space<vmem>>
        %dma_start3A_149 = arith.constant 0 : i32
        %dma_start3A_150 = tpu.memref_slice %arg2[%run_scoped3A_138, %add3A_137, %dma_start3A_149] : memref<2x2500x128xi32, #tpu.memory_space<hbm>> -> memref<1x1x128xi32, #tpu.memory_space<hbm>>
        %dma_start3A_151 = tpu.memref_squeeze %dma_start3A_150 : memref<1x1x128xi32, #tpu.memory_space<hbm>> -> memref<1x128xi32, #tpu.memory_space<hbm>>
        tpu.enqueue_dma source(%dma_start3A_151 : memref<1x128xi32, #tpu.memory_space<hbm>>) target(%dma_start3A_148 : memref<1x128xi32, #tpu.memory_space<vmem>>) target_semaphore(%run_scoped3A_139 : memref<!tpu.dma_semaphore, #tpu.memory_space<semaphore_mem>>)
        %dma_wait3A_152 = arith.constant 78 : i32
        %dma_wait3A_153 = arith.constant 0 : i32
        %dma_wait3A_154 = tpu.memref_slice %arg6[%dma_wait3A_152, %dma_wait3A_153] : memref<79x128xi32, #tpu.memory_space<vmem>> -> memref<1x128xi32, #tpu.memory_space<vmem>>
        %dma_wait3A_155 = arith.constant 0 : i32
        %dma_wait3A_156 = tpu.memref_slice %arg2[%run_scoped3A_138, %add3A_137, %dma_wait3A_155] : memref<2x2500x128xi32, #tpu.memory_space<hbm>> -> memref<1x1x128xi32, #tpu.memory_space<hbm>>
        %dma_wait3A_157 = tpu.memref_squeeze %dma_wait3A_156 : memref<1x1x128xi32, #tpu.memory_space<hbm>> -> memref<1x128xi32, #tpu.memory_space<hbm>>
        %dma_wait3A_158 = arith.constant 78 : i32
        %dma_wait3A_159 = arith.constant 0 : i32
        %dma_wait3A_160 = tpu.memref_slice %arg6[%dma_wait3A_158, %dma_wait3A_159] : memref<79x128xi32, #tpu.memory_space<vmem>> -> memref<1x128xi32, #tpu.memory_space<vmem>>
        %dma_wait3A_161 = arith.constant 0 : i32
        %dma_wait3A_162 = tpu.memref_slice %arg2[%run_scoped3A_138, %add3A_137, %dma_wait3A_161] : memref<2x2500x128xi32, #tpu.memory_space<hbm>> -> memref<1x1x128xi32, #tpu.memory_space<hbm>>
        %dma_wait3A_163 = tpu.memref_squeeze %dma_wait3A_162 : memref<1x1x128xi32, #tpu.memory_space<hbm>> -> memref<1x128xi32, #tpu.memory_space<hbm>>
        tpu.wait_dma2 semaphore(%run_scoped3A_139 : memref<!tpu.dma_semaphore, #tpu.memory_space<semaphore_mem>>) src(%dma_wait3A_163 : memref<1x128xi32, #tpu.memory_space<hbm>>) dst(%dma_wait3A_160 : memref<1x128xi32, #tpu.memory_space<vmem>>)
        tpu.yield
      }) : () -> ()
    } else {
    }
    %dma_start3A = arith.constant 0 : i32
    %dma_start3A_36 = arith.constant 0 : i32
    %dma_start3A_37 = arith.constant 0 : i32
    %dma_start3A_38 = arith.constant 0 : i32
    %dma_start3A_39 = tpu.memref_slice %arg7[%dma_start3A_36, %dma_start3A_37, %dma_start3A_38] : memref<6x128x64xf32, #tpu.memory_space<vmem>> -> memref<1x128x64xf32, #tpu.memory_space<vmem>>
    %dma_start3A_40 = tpu.memref_squeeze %dma_start3A_39 : memref<1x128x64xf32, #tpu.memory_space<vmem>> -> memref<128x64xf32, #tpu.memory_space<vmem>>
    %dma_start3A_41 = arith.constant 0 : i32
    %dma_start3A_42 = tpu.memref_slice %arg5[%dma_start3A, %dma_start3A_41] : memref<79x128xi32, #tpu.memory_space<vmem>> -> memref<1x128xi32, #tpu.memory_space<vmem>>
    %dma_start3A_43 = tpu.memref_squeeze %dma_start3A_42 : memref<1x128xi32, #tpu.memory_space<vmem>> -> memref<128xi32, #tpu.memory_space<vmem>>
    %dma_start3A_44 = arith.constant 0 : i32
    %dma_start3A_45 = arith.constant 0 : i32
    %dma_start3A_46 = tpu.memref_slice %arg3[%dma_start3A_44, %dma_start3A_45] : memref<10240x64xf32, #tpu.memory_space<hbm>> -> memref<10240x64xf32, #tpu.memory_space<hbm>>
    tpu.enqueue_indirect_dma source(%dma_start3A_46 : memref<10240x64xf32, #tpu.memory_space<hbm>>) target(%dma_start3A_40 : memref<128x64xf32, #tpu.memory_space<vmem>>) offsets(%dma_start3A_43 : memref<128xi32, #tpu.memory_space<vmem>>) semaphore(%arg10 : memref<!tpu.dma_semaphore, #tpu.memory_space<semaphore_mem>>)
    %dma_start3A_47 = arith.constant 1 : i32
    %dma_start3A_48 = arith.constant 1 : i32
    %dma_start3A_49 = arith.constant 0 : i32
    %dma_start3A_50 = arith.constant 0 : i32
    %dma_start3A_51 = tpu.memref_slice %arg7[%dma_start3A_48, %dma_start3A_49, %dma_start3A_50] : memref<6x128x64xf32, #tpu.memory_space<vmem>> -> memref<1x128x64xf32, #tpu.memory_space<vmem>>
    %dma_start3A_52 = tpu.memref_squeeze %dma_start3A_51 : memref<1x128x64xf32, #tpu.memory_space<vmem>> -> memref<128x64xf32, #tpu.memory_space<vmem>>
    %dma_start3A_53 = arith.constant 0 : i32
    %dma_start3A_54 = tpu.memref_slice %arg5[%dma_start3A_47, %dma_start3A_53] : memref<79x128xi32, #tpu.memory_space<vmem>> -> memref<1x128xi32, #tpu.memory_space<vmem>>
    %dma_start3A_55 = tpu.memref_squeeze %dma_start3A_54 : memref<1x128xi32, #tpu.memory_space<vmem>> -> memref<128xi32, #tpu.memory_space<vmem>>
    %dma_start3A_56 = arith.constant 0 : i32
    %dma_start3A_57 = arith.constant 0 : i32
    %dma_start3A_58 = tpu.memref_slice %arg3[%dma_start3A_56, %dma_start3A_57] : memref<10240x64xf32, #tpu.memory_space<hbm>> -> memref<10240x64xf32, #tpu.memory_space<hbm>>
    tpu.enqueue_indirect_dma source(%dma_start3A_58 : memref<10240x64xf32, #tpu.memory_space<hbm>>) target(%dma_start3A_52 : memref<128x64xf32, #tpu.memory_space<vmem>>) offsets(%dma_start3A_55 : memref<128xi32, #tpu.memory_space<vmem>>) semaphore(%arg11 : memref<!tpu.dma_semaphore, #tpu.memory_space<semaphore_mem>>)
    %dma_start3A_59 = arith.constant 2 : i32
    %dma_start3A_60 = arith.constant 2 : i32
    %dma_start3A_61 = arith.constant 0 : i32
    %dma_start3A_62 = arith.constant 0 : i32
    %dma_start3A_63 = tpu.memref_slice %arg7[%dma_start3A_60, %dma_start3A_61, %dma_start3A_62] : memref<6x128x64xf32, #tpu.memory_space<vmem>> -> memref<1x128x64xf32, #tpu.memory_space<vmem>>
    %dma_start3A_64 = tpu.memref_squeeze %dma_start3A_63 : memref<1x128x64xf32, #tpu.memory_space<vmem>> -> memref<128x64xf32, #tpu.memory_space<vmem>>
    %dma_start3A_65 = arith.constant 0 : i32
    %dma_start3A_66 = tpu.memref_slice %arg5[%dma_start3A_59, %dma_start3A_65] : memref<79x128xi32, #tpu.memory_space<vmem>> -> memref<1x128xi32, #tpu.memory_space<vmem>>
    %dma_start3A_67 = tpu.memref_squeeze %dma_start3A_66 : memref<1x128xi32, #tpu.memory_space<vmem>> -> memref<128xi32, #tpu.memory_space<vmem>>
    %dma_start3A_68 = arith.constant 0 : i32
    %dma_start3A_69 = arith.constant 0 : i32
    %dma_start3A_70 = tpu.memref_slice %arg3[%dma_start3A_68, %dma_start3A_69] : memref<10240x64xf32, #tpu.memory_space<hbm>> -> memref<10240x64xf32, #tpu.memory_space<hbm>>
    tpu.enqueue_indirect_dma source(%dma_start3A_70 : memref<10240x64xf32, #tpu.memory_space<hbm>>) target(%dma_start3A_64 : memref<128x64xf32, #tpu.memory_space<vmem>>) offsets(%dma_start3A_67 : memref<128xi32, #tpu.memory_space<vmem>>) semaphore(%arg12 : memref<!tpu.dma_semaphore, #tpu.memory_space<semaphore_mem>>)
    %dma_start3A_71 = arith.constant 3 : i32
    %dma_start3A_72 = arith.constant 3 : i32
    %dma_start3A_73 = arith.constant 0 : i32
    %dma_start3A_74 = arith.constant 0 : i32
    %dma_start3A_75 = tpu.memref_slice %arg7[%dma_start3A_72, %dma_start3A_73, %dma_start3A_74] : memref<6x128x64xf32, #tpu.memory_space<vmem>> -> memref<1x128x64xf32, #tpu.memory_space<vmem>>
    %dma_start3A_76 = tpu.memref_squeeze %dma_start3A_75 : memref<1x128x64xf32, #tpu.memory_space<vmem>> -> memref<128x64xf32, #tpu.memory_space<vmem>>
    %dma_start3A_77 = arith.constant 0 : i32
    %dma_start3A_78 = tpu.memref_slice %arg5[%dma_start3A_71, %dma_start3A_77] : memref<79x128xi32, #tpu.memory_space<vmem>> -> memref<1x128xi32, #tpu.memory_space<vmem>>
    %dma_start3A_79 = tpu.memref_squeeze %dma_start3A_78 : memref<1x128xi32, #tpu.memory_space<vmem>> -> memref<128xi32, #tpu.memory_space<vmem>>
    %dma_start3A_80 = arith.constant 0 : i32
    %dma_start3A_81 = arith.constant 0 : i32
    %dma_start3A_82 = tpu.memref_slice %arg3[%dma_start3A_80, %dma_start3A_81] : memref<10240x64xf32, #tpu.memory_space<hbm>> -> memref<10240x64xf32, #tpu.memory_space<hbm>>
    tpu.enqueue_indirect_dma source(%dma_start3A_82 : memref<10240x64xf32, #tpu.memory_space<hbm>>) target(%dma_start3A_76 : memref<128x64xf32, #tpu.memory_space<vmem>>) offsets(%dma_start3A_79 : memref<128xi32, #tpu.memory_space<vmem>>) semaphore(%arg13 : memref<!tpu.dma_semaphore, #tpu.memory_space<semaphore_mem>>)
    %dma_start3A_83 = arith.constant 4 : i32
    %dma_start3A_84 = arith.constant 4 : i32
    %dma_start3A_85 = arith.constant 0 : i32
    %dma_start3A_86 = arith.constant 0 : i32
    %dma_start3A_87 = tpu.memref_slice %arg7[%dma_start3A_84, %dma_start3A_85, %dma_start3A_86] : memref<6x128x64xf32, #tpu.memory_space<vmem>> -> memref<1x128x64xf32, #tpu.memory_space<vmem>>
    %dma_start3A_88 = tpu.memref_squeeze %dma_start3A_87 : memref<1x128x64xf32, #tpu.memory_space<vmem>> -> memref<128x64xf32, #tpu.memory_space<vmem>>
    %dma_start3A_89 = arith.constant 0 : i32
    %dma_start3A_90 = tpu.memref_slice %arg5[%dma_start3A_83, %dma_start3A_89] : memref<79x128xi32, #tpu.memory_space<vmem>> -> memref<1x128xi32, #tpu.memory_space<vmem>>
    %dma_start3A_91 = tpu.memref_squeeze %dma_start3A_90 : memref<1x128xi32, #tpu.memory_space<vmem>> -> memref<128xi32, #tpu.memory_space<vmem>>
    %dma_start3A_92 = arith.constant 0 : i32
    %dma_start3A_93 = arith.constant 0 : i32
    %dma_start3A_94 = tpu.memref_slice %arg3[%dma_start3A_92, %dma_start3A_93] : memref<10240x64xf32, #tpu.memory_space<hbm>> -> memref<10240x64xf32, #tpu.memory_space<hbm>>
    tpu.enqueue_indirect_dma source(%dma_start3A_94 : memref<10240x64xf32, #tpu.memory_space<hbm>>) target(%dma_start3A_88 : memref<128x64xf32, #tpu.memory_space<vmem>>) offsets(%dma_start3A_91 : memref<128xi32, #tpu.memory_space<vmem>>) semaphore(%arg14 : memref<!tpu.dma_semaphore, #tpu.memory_space<semaphore_mem>>)
    %dma_start3A_95 = arith.constant 5 : i32
    %dma_start3A_96 = arith.constant 5 : i32
    %dma_start3A_97 = arith.constant 0 : i32
    %dma_start3A_98 = arith.constant 0 : i32
    %dma_start3A_99 = tpu.memref_slice %arg7[%dma_start3A_96, %dma_start3A_97, %dma_start3A_98] : memref<6x128x64xf32, #tpu.memory_space<vmem>> -> memref<1x128x64xf32, #tpu.memory_space<vmem>>
    %dma_start3A_100 = tpu.memref_squeeze %dma_start3A_99 : memref<1x128x64xf32, #tpu.memory_space<vmem>> -> memref<128x64xf32, #tpu.memory_space<vmem>>
    %dma_start3A_101 = arith.constant 0 : i32
    %dma_start3A_102 = tpu.memref_slice %arg5[%dma_start3A_95, %dma_start3A_101] : memref<79x128xi32, #tpu.memory_space<vmem>> -> memref<1x128xi32, #tpu.memory_space<vmem>>
    %dma_start3A_103 = tpu.memref_squeeze %dma_start3A_102 : memref<1x128xi32, #tpu.memory_space<vmem>> -> memref<128xi32, #tpu.memory_space<vmem>>
    %dma_start3A_104 = arith.constant 0 : i32
    %dma_start3A_105 = arith.constant 0 : i32
    %dma_start3A_106 = tpu.memref_slice %arg3[%dma_start3A_104, %dma_start3A_105] : memref<10240x64xf32, #tpu.memory_space<hbm>> -> memref<10240x64xf32, #tpu.memory_space<hbm>>
    tpu.enqueue_indirect_dma source(%dma_start3A_106 : memref<10240x64xf32, #tpu.memory_space<hbm>>) target(%dma_start3A_100 : memref<128x64xf32, #tpu.memory_space<vmem>>) offsets(%dma_start3A_103 : memref<128xi32, #tpu.memory_space<vmem>>) semaphore(%arg15 : memref<!tpu.dma_semaphore, #tpu.memory_space<semaphore_mem>>)
    %scan3A_107 = arith.constant 0 : i32
    %scan3A_108 = arith.constant 0 : i32
    %scan3A_109 = arith.constant 13 : i32
    %scan3A_110 = arith.addi %scan3A_108, %scan3A_109 : i32
    %scan3A_111 = arith.constant 1 : i32
    %scan3A_112 = scf.for %scan3A_133 = %scan3A_108 to %scan3A_110 step %scan3A_111 iter_args(%scan3A_134 = %scan3A_107) -> (i32)  : i32 {
      %mul3A_135 = arith.constant 6 : i32
      %mul3A_136 = arith.muli %scan3A_133, %mul3A_135 : i32
      %add3A_137 = arith.constant 0 : i32
      %add3A_138 = arith.addi %mul3A_136, %add3A_137 : i32
      %dma_wait3A_139 = arith.constant 0 : i32
      %dma_wait3A_140 = arith.constant 0 : i32
      %dma_wait3A_141 = arith.constant 0 : i32
      %dma_wait3A_142 = tpu.memref_slice %arg7[%dma_wait3A_139, %dma_wait3A_140, %dma_wait3A_141] : memref<6x128x64xf32, #tpu.memory_space<vmem>> -> memref<1x128x64xf32, #tpu.memory_space<vmem>>
      %dma_wait3A_143 = tpu.memref_squeeze %dma_wait3A_142 : memref<1x128x64xf32, #tpu.memory_space<vmem>> -> memref<128x64xf32, #tpu.memory_space<vmem>>
      %dma_wait3A_144 = arith.constant 0 : i32
      %dma_wait3A_145 = tpu.memref_slice %arg5[%add3A_138, %dma_wait3A_144] : memref<79x128xi32, #tpu.memory_space<vmem>> -> memref<1x128xi32, #tpu.memory_space<vmem>>
      %dma_wait3A_146 = tpu.memref_squeeze %dma_wait3A_145 : memref<1x128xi32, #tpu.memory_space<vmem>> -> memref<128xi32, #tpu.memory_space<vmem>>
      %dma_wait3A_147 = arith.constant 0 : i32
      %dma_wait3A_148 = arith.constant 0 : i32
      %dma_wait3A_149 = tpu.memref_slice %arg3[%dma_wait3A_147, %dma_wait3A_148] : memref<10240x64xf32, #tpu.memory_space<hbm>> -> memref<10240x64xf32, #tpu.memory_space<hbm>>
      tpu.wait_indirect_dma semaphore(%arg10 : memref<!tpu.dma_semaphore, #tpu.memory_space<semaphore_mem>>) src(%dma_wait3A_149 : memref<10240x64xf32, #tpu.memory_space<hbm>>) dst(%dma_wait3A_143 : memref<128x64xf32, #tpu.memory_space<vmem>>)
      %dma_start3A_150 = arith.constant 0 : i32
      %dma_start3A_151 = arith.constant 0 : i32
      %dma_start3A_152 = arith.constant 0 : i32
      %dma_start3A_153 = tpu.memref_slice %arg7[%dma_start3A_150, %dma_start3A_151, %dma_start3A_152] : memref<6x128x64xf32, #tpu.memory_space<vmem>> -> memref<1x128x64xf32, #tpu.memory_space<vmem>>
      %dma_start3A_154 = tpu.memref_squeeze %dma_start3A_153 : memref<1x128x64xf32, #tpu.memory_space<vmem>> -> memref<128x64xf32, #tpu.memory_space<vmem>>
      %dma_start3A_155 = arith.constant 0 : i32
      %dma_start3A_156 = tpu.memref_slice %arg6[%add3A_138, %dma_start3A_155] : memref<79x128xi32, #tpu.memory_space<vmem>> -> memref<1x128xi32, #tpu.memory_space<vmem>>
      %dma_start3A_157 = tpu.memref_squeeze %dma_start3A_156 : memref<1x128xi32, #tpu.memory_space<vmem>> -> memref<128xi32, #tpu.memory_space<vmem>>
      %dma_start3A_158 = arith.constant 0 : i32
      %dma_start3A_159 = arith.constant 0 : i32
      %dma_start3A_160 = tpu.memref_slice %arg9[%dma_start3A_158, %dma_start3A_159] : memref<10240x64xf32, #tpu.memory_space<vmem_shared>> -> memref<10240x64xf32, #tpu.memory_space<vmem_shared>>
      tpu.enqueue_indirect_dma source(%dma_start3A_154 : memref<128x64xf32, #tpu.memory_space<vmem>>) target(%dma_start3A_160 : memref<10240x64xf32, #tpu.memory_space<vmem_shared>>) offsets(%dma_start3A_157 : memref<128xi32, #tpu.memory_space<vmem>>) semaphore(%arg16 : memref<!tpu.dma_semaphore, #tpu.memory_space<semaphore_mem>>) {add = true}
      %ge3A = arith.constant 1 : i32
      %ge3A_161 = arith.cmpi sge, %add3A_138, %ge3A : i32
      %convert_element_type3A_162 = arith.extui %ge3A_161 : i1 to i32
      %cond3A_163 = arith.constant 0 : i32
      %cond3A_164 = arith.cmpi ne, %convert_element_type3A_162, %cond3A_163 : i32
      scf.if %cond3A_164 {
        %sub3A_385 = arith.constant 1 : i32
        %sub3A_386 = arith.subi %add3A_138, %sub3A_385 : i32
        %dma_wait3A_387 = arith.constant 5 : i32
        %dma_wait3A_388 = arith.constant 0 : i32
        %dma_wait3A_389 = arith.constant 0 : i32
        %dma_wait3A_390 = tpu.memref_slice %arg7[%dma_wait3A_387, %dma_wait3A_388, %dma_wait3A_389] : memref<6x128x64xf32, #tpu.memory_space<vmem>> -> memref<1x128x64xf32, #tpu.memory_space<vmem>>
        %dma_wait3A_391 = tpu.memref_squeeze %dma_wait3A_390 : memref<1x128x64xf32, #tpu.memory_space<vmem>> -> memref<128x64xf32, #tpu.memory_space<vmem>>
        %dma_wait3A_392 = arith.constant 0 : i32
        %dma_wait3A_393 = tpu.memref_slice %arg6[%sub3A_386, %dma_wait3A_392] : memref<79x128xi32, #tpu.memory_space<vmem>> -> memref<1x128xi32, #tpu.memory_space<vmem>>
        %dma_wait3A_394 = tpu.memref_squeeze %dma_wait3A_393 : memref<1x128xi32, #tpu.memory_space<vmem>> -> memref<128xi32, #tpu.memory_space<vmem>>
        %dma_wait3A_395 = arith.constant 0 : i32
        %dma_wait3A_396 = arith.constant 0 : i32
        %dma_wait3A_397 = tpu.memref_slice %arg9[%dma_wait3A_395, %dma_wait3A_396] : memref<10240x64xf32, #tpu.memory_space<vmem_shared>> -> memref<10240x64xf32, #tpu.memory_space<vmem_shared>>
        tpu.wait_indirect_dma semaphore(%arg21 : memref<!tpu.dma_semaphore, #tpu.memory_space<semaphore_mem>>) src(%dma_wait3A_391 : memref<128x64xf32, #tpu.memory_space<vmem>>) dst(%dma_wait3A_397 : memref<10240x64xf32, #tpu.memory_space<vmem_shared>>)
      } else {
      }
      %ge3A_165 = arith.constant 1 : i32
      %ge3A_166 = arith.cmpi sge, %add3A_138, %ge3A_165 : i32
      %sub3A = arith.constant 1 : i32
      %sub3A_167 = arith.subi %add3A_138, %sub3A : i32
      %add3A_168 = arith.constant 6 : i32
      %add3A_169 = arith.addi %sub3A_167, %add3A_168 : i32
      %lt3A_170 = arith.cmpi slt, %add3A_169, %select_n3A : i32
      %and3A = arith.andi %ge3A_166, %lt3A_170 : i1
      %convert_element_type3A_171 = arith.extui %and3A : i1 to i32
      %cond3A_172 = arith.constant 0 : i32
      %cond3A_173 = arith.cmpi ne, %convert_element_type3A_171, %cond3A_172 : i32
      scf.if %cond3A_173 {
        %sub3A_385 = arith.constant 1 : i32
        %sub3A_386 = arith.subi %add3A_138, %sub3A_385 : i32
        %add3A_387 = arith.constant 6 : i32
        %add3A_388 = arith.addi %sub3A_386, %add3A_387 : i32
        %dma_start3A_389 = arith.constant 5 : i32
        %dma_start3A_390 = arith.constant 0 : i32
        %dma_start3A_391 = arith.constant 0 : i32
        %dma_start3A_392 = tpu.memref_slice %arg7[%dma_start3A_389, %dma_start3A_390, %dma_start3A_391] : memref<6x128x64xf32, #tpu.memory_space<vmem>> -> memref<1x128x64xf32, #tpu.memory_space<vmem>>
        %dma_start3A_393 = tpu.memref_squeeze %dma_start3A_392 : memref<1x128x64xf32, #tpu.memory_space<vmem>> -> memref<128x64xf32, #tpu.memory_space<vmem>>
        %dma_start3A_394 = arith.constant 0 : i32
        %dma_start3A_395 = tpu.memref_slice %arg5[%add3A_388, %dma_start3A_394] : memref<79x128xi32, #tpu.memory_space<vmem>> -> memref<1x128xi32, #tpu.memory_space<vmem>>
        %dma_start3A_396 = tpu.memref_squeeze %dma_start3A_395 : memref<1x128xi32, #tpu.memory_space<vmem>> -> memref<128xi32, #tpu.memory_space<vmem>>
        %dma_start3A_397 = arith.constant 0 : i32
        %dma_start3A_398 = arith.constant 0 : i32
        %dma_start3A_399 = tpu.memref_slice %arg3[%dma_start3A_397, %dma_start3A_398] : memref<10240x64xf32, #tpu.memory_space<hbm>> -> memref<10240x64xf32, #tpu.memory_space<hbm>>
        tpu.enqueue_indirect_dma source(%dma_start3A_399 : memref<10240x64xf32, #tpu.memory_space<hbm>>) target(%dma_start3A_393 : memref<128x64xf32, #tpu.memory_space<vmem>>) offsets(%dma_start3A_396 : memref<128xi32, #tpu.memory_space<vmem>>) semaphore(%arg15 : memref<!tpu.dma_semaphore, #tpu.memory_space<semaphore_mem>>)
      } else {
      }
      %mul3A_174 = arith.constant 6 : i32
      %mul3A_175 = arith.muli %scan3A_133, %mul3A_174 : i32
      %add3A_176 = arith.constant 1 : i32
      %add3A_177 = arith.addi %mul3A_175, %add3A_176 : i32
      %dma_wait3A_178 = arith.constant 1 : i32
      %dma_wait3A_179 = arith.constant 0 : i32
      %dma_wait3A_180 = arith.constant 0 : i32
      %dma_wait3A_181 = tpu.memref_slice %arg7[%dma_wait3A_178, %dma_wait3A_179, %dma_wait3A_180] : memref<6x128x64xf32, #tpu.memory_space<vmem>> -> memref<1x128x64xf32, #tpu.memory_space<vmem>>
      %dma_wait3A_182 = tpu.memref_squeeze %dma_wait3A_181 : memref<1x128x64xf32, #tpu.memory_space<vmem>> -> memref<128x64xf32, #tpu.memory_space<vmem>>
      %dma_wait3A_183 = arith.constant 0 : i32
      %dma_wait3A_184 = tpu.memref_slice %arg5[%add3A_177, %dma_wait3A_183] : memref<79x128xi32, #tpu.memory_space<vmem>> -> memref<1x128xi32, #tpu.memory_space<vmem>>
      %dma_wait3A_185 = tpu.memref_squeeze %dma_wait3A_184 : memref<1x128xi32, #tpu.memory_space<vmem>> -> memref<128xi32, #tpu.memory_space<vmem>>
      %dma_wait3A_186 = arith.constant 0 : i32
      %dma_wait3A_187 = arith.constant 0 : i32
      %dma_wait3A_188 = tpu.memref_slice %arg3[%dma_wait3A_186, %dma_wait3A_187] : memref<10240x64xf32, #tpu.memory_space<hbm>> -> memref<10240x64xf32, #tpu.memory_space<hbm>>
      tpu.wait_indirect_dma semaphore(%arg11 : memref<!tpu.dma_semaphore, #tpu.memory_space<semaphore_mem>>) src(%dma_wait3A_188 : memref<10240x64xf32, #tpu.memory_space<hbm>>) dst(%dma_wait3A_182 : memref<128x64xf32, #tpu.memory_space<vmem>>)
      %dma_start3A_189 = arith.constant 1 : i32
      %dma_start3A_190 = arith.constant 0 : i32
      %dma_start3A_191 = arith.constant 0 : i32
      %dma_start3A_192 = tpu.memref_slice %arg7[%dma_start3A_189, %dma_start3A_190, %dma_start3A_191] : memref<6x128x64xf32, #tpu.memory_space<vmem>> -> memref<1x128x64xf32, #tpu.memory_space<vmem>>
      %dma_start3A_193 = tpu.memref_squeeze %dma_start3A_192 : memref<1x128x64xf32, #tpu.memory_space<vmem>> -> memref<128x64xf32, #tpu.memory_space<vmem>>
      %dma_start3A_194 = arith.constant 0 : i32
      %dma_start3A_195 = tpu.memref_slice %arg6[%add3A_177, %dma_start3A_194] : memref<79x128xi32, #tpu.memory_space<vmem>> -> memref<1x128xi32, #tpu.memory_space<vmem>>
      %dma_start3A_196 = tpu.memref_squeeze %dma_start3A_195 : memref<1x128xi32, #tpu.memory_space<vmem>> -> memref<128xi32, #tpu.memory_space<vmem>>
      %dma_start3A_197 = arith.constant 0 : i32
      %dma_start3A_198 = arith.constant 0 : i32
      %dma_start3A_199 = tpu.memref_slice %arg9[%dma_start3A_197, %dma_start3A_198] : memref<10240x64xf32, #tpu.memory_space<vmem_shared>> -> memref<10240x64xf32, #tpu.memory_space<vmem_shared>>
      tpu.enqueue_indirect_dma source(%dma_start3A_193 : memref<128x64xf32, #tpu.memory_space<vmem>>) target(%dma_start3A_199 : memref<10240x64xf32, #tpu.memory_space<vmem_shared>>) offsets(%dma_start3A_196 : memref<128xi32, #tpu.memory_space<vmem>>) semaphore(%arg17 : memref<!tpu.dma_semaphore, #tpu.memory_space<semaphore_mem>>) {add = true}
      %ge3A_200 = arith.constant 1 : i32
      %ge3A_201 = arith.cmpi sge, %add3A_177, %ge3A_200 : i32
      %convert_element_type3A_202 = arith.extui %ge3A_201 : i1 to i32
      %cond3A_203 = arith.constant 0 : i32
      %cond3A_204 = arith.cmpi ne, %convert_element_type3A_202, %cond3A_203 : i32
      scf.if %cond3A_204 {
        %sub3A_385 = arith.constant 1 : i32
        %sub3A_386 = arith.subi %add3A_177, %sub3A_385 : i32
        %dma_wait3A_387 = arith.constant 0 : i32
        %dma_wait3A_388 = arith.constant 0 : i32
        %dma_wait3A_389 = arith.constant 0 : i32
        %dma_wait3A_390 = tpu.memref_slice %arg7[%dma_wait3A_387, %dma_wait3A_388, %dma_wait3A_389] : memref<6x128x64xf32, #tpu.memory_space<vmem>> -> memref<1x128x64xf32, #tpu.memory_space<vmem>>
        %dma_wait3A_391 = tpu.memref_squeeze %dma_wait3A_390 : memref<1x128x64xf32, #tpu.memory_space<vmem>> -> memref<128x64xf32, #tpu.memory_space<vmem>>
        %dma_wait3A_392 = arith.constant 0 : i32
        %dma_wait3A_393 = tpu.memref_slice %arg6[%sub3A_386, %dma_wait3A_392] : memref<79x128xi32, #tpu.memory_space<vmem>> -> memref<1x128xi32, #tpu.memory_space<vmem>>
        %dma_wait3A_394 = tpu.memref_squeeze %dma_wait3A_393 : memref<1x128xi32, #tpu.memory_space<vmem>> -> memref<128xi32, #tpu.memory_space<vmem>>
        %dma_wait3A_395 = arith.constant 0 : i32
        %dma_wait3A_396 = arith.constant 0 : i32
        %dma_wait3A_397 = tpu.memref_slice %arg9[%dma_wait3A_395, %dma_wait3A_396] : memref<10240x64xf32, #tpu.memory_space<vmem_shared>> -> memref<10240x64xf32, #tpu.memory_space<vmem_shared>>
        tpu.wait_indirect_dma semaphore(%arg16 : memref<!tpu.dma_semaphore, #tpu.memory_space<semaphore_mem>>) src(%dma_wait3A_391 : memref<128x64xf32, #tpu.memory_space<vmem>>) dst(%dma_wait3A_397 : memref<10240x64xf32, #tpu.memory_space<vmem_shared>>)
      } else {
      }
      %ge3A_205 = arith.constant 1 : i32
      %ge3A_206 = arith.cmpi sge, %add3A_177, %ge3A_205 : i32
      %sub3A_207 = arith.constant 1 : i32
      %sub3A_208 = arith.subi %add3A_177, %sub3A_207 : i32
      %add3A_209 = arith.constant 6 : i32
      %add3A_210 = arith.addi %sub3A_208, %add3A_209 : i32
      %lt3A_211 = arith.cmpi slt, %add3A_210, %select_n3A : i32
      %and3A_212 = arith.andi %ge3A_206, %lt3A_211 : i1
      %convert_element_type3A_213 = arith.extui %and3A_212 : i1 to i32
      %cond3A_214 = arith.constant 0 : i32
      %cond3A_215 = arith.cmpi ne, %convert_element_type3A_213, %cond3A_214 : i32
      scf.if %cond3A_215 {
        %sub3A_385 = arith.constant 1 : i32
        %sub3A_386 = arith.subi %add3A_177, %sub3A_385 : i32
        %add3A_387 = arith.constant 6 : i32
        %add3A_388 = arith.addi %sub3A_386, %add3A_387 : i32
        %dma_start3A_389 = arith.constant 0 : i32
        %dma_start3A_390 = arith.constant 0 : i32
        %dma_start3A_391 = arith.constant 0 : i32
        %dma_start3A_392 = tpu.memref_slice %arg7[%dma_start3A_389, %dma_start3A_390, %dma_start3A_391] : memref<6x128x64xf32, #tpu.memory_space<vmem>> -> memref<1x128x64xf32, #tpu.memory_space<vmem>>
        %dma_start3A_393 = tpu.memref_squeeze %dma_start3A_392 : memref<1x128x64xf32, #tpu.memory_space<vmem>> -> memref<128x64xf32, #tpu.memory_space<vmem>>
        %dma_start3A_394 = arith.constant 0 : i32
        %dma_start3A_395 = tpu.memref_slice %arg5[%add3A_388, %dma_start3A_394] : memref<79x128xi32, #tpu.memory_space<vmem>> -> memref<1x128xi32, #tpu.memory_space<vmem>>
        %dma_start3A_396 = tpu.memref_squeeze %dma_start3A_395 : memref<1x128xi32, #tpu.memory_space<vmem>> -> memref<128xi32, #tpu.memory_space<vmem>>
        %dma_start3A_397 = arith.constant 0 : i32
        %dma_start3A_398 = arith.constant 0 : i32
        %dma_start3A_399 = tpu.memref_slice %arg3[%dma_start3A_397, %dma_start3A_398] : memref<10240x64xf32, #tpu.memory_space<hbm>> -> memref<10240x64xf32, #tpu.memory_space<hbm>>
        tpu.enqueue_indirect_dma source(%dma_start3A_399 : memref<10240x64xf32, #tpu.memory_space<hbm>>) target(%dma_start3A_393 : memref<128x64xf32, #tpu.memory_space<vmem>>) offsets(%dma_start3A_396 : memref<128xi32, #tpu.memory_space<vmem>>) semaphore(%arg10 : memref<!tpu.dma_semaphore, #tpu.memory_space<semaphore_mem>>)
      } else {
      }
      %mul3A_216 = arith.constant 6 : i32
      %mul3A_217 = arith.muli %scan3A_133, %mul3A_216 : i32
      %add3A_218 = arith.constant 2 : i32
      %add3A_219 = arith.addi %mul3A_217, %add3A_218 : i32
      %dma_wait3A_220 = arith.constant 2 : i32
      %dma_wait3A_221 = arith.constant 0 : i32
      %dma_wait3A_222 = arith.constant 0 : i32
      %dma_wait3A_223 = tpu.memref_slice %arg7[%dma_wait3A_220, %dma_wait3A_221, %dma_wait3A_222] : memref<6x128x64xf32, #tpu.memory_space<vmem>> -> memref<1x128x64xf32, #tpu.memory_space<vmem>>
      %dma_wait3A_224 = tpu.memref_squeeze %dma_wait3A_223 : memref<1x128x64xf32, #tpu.memory_space<vmem>> -> memref<128x64xf32, #tpu.memory_space<vmem>>
      %dma_wait3A_225 = arith.constant 0 : i32
      %dma_wait3A_226 = tpu.memref_slice %arg5[%add3A_219, %dma_wait3A_225] : memref<79x128xi32, #tpu.memory_space<vmem>> -> memref<1x128xi32, #tpu.memory_space<vmem>>
      %dma_wait3A_227 = tpu.memref_squeeze %dma_wait3A_226 : memref<1x128xi32, #tpu.memory_space<vmem>> -> memref<128xi32, #tpu.memory_space<vmem>>
      %dma_wait3A_228 = arith.constant 0 : i32
      %dma_wait3A_229 = arith.constant 0 : i32
      %dma_wait3A_230 = tpu.memref_slice %arg3[%dma_wait3A_228, %dma_wait3A_229] : memref<10240x64xf32, #tpu.memory_space<hbm>> -> memref<10240x64xf32, #tpu.memory_space<hbm>>
      tpu.wait_indirect_dma semaphore(%arg12 : memref<!tpu.dma_semaphore, #tpu.memory_space<semaphore_mem>>) src(%dma_wait3A_230 : memref<10240x64xf32, #tpu.memory_space<hbm>>) dst(%dma_wait3A_224 : memref<128x64xf32, #tpu.memory_space<vmem>>)
      %dma_start3A_231 = arith.constant 2 : i32
      %dma_start3A_232 = arith.constant 0 : i32
      %dma_start3A_233 = arith.constant 0 : i32
      %dma_start3A_234 = tpu.memref_slice %arg7[%dma_start3A_231, %dma_start3A_232, %dma_start3A_233] : memref<6x128x64xf32, #tpu.memory_space<vmem>> -> memref<1x128x64xf32, #tpu.memory_space<vmem>>
      %dma_start3A_235 = tpu.memref_squeeze %dma_start3A_234 : memref<1x128x64xf32, #tpu.memory_space<vmem>> -> memref<128x64xf32, #tpu.memory_space<vmem>>
      %dma_start3A_236 = arith.constant 0 : i32
      %dma_start3A_237 = tpu.memref_slice %arg6[%add3A_219, %dma_start3A_236] : memref<79x128xi32, #tpu.memory_space<vmem>> -> memref<1x128xi32, #tpu.memory_space<vmem>>
      %dma_start3A_238 = tpu.memref_squeeze %dma_start3A_237 : memref<1x128xi32, #tpu.memory_space<vmem>> -> memref<128xi32, #tpu.memory_space<vmem>>
      %dma_start3A_239 = arith.constant 0 : i32
      %dma_start3A_240 = arith.constant 0 : i32
      %dma_start3A_241 = tpu.memref_slice %arg9[%dma_start3A_239, %dma_start3A_240] : memref<10240x64xf32, #tpu.memory_space<vmem_shared>> -> memref<10240x64xf32, #tpu.memory_space<vmem_shared>>
      tpu.enqueue_indirect_dma source(%dma_start3A_235 : memref<128x64xf32, #tpu.memory_space<vmem>>) target(%dma_start3A_241 : memref<10240x64xf32, #tpu.memory_space<vmem_shared>>) offsets(%dma_start3A_238 : memref<128xi32, #tpu.memory_space<vmem>>) semaphore(%arg18 : memref<!tpu.dma_semaphore, #tpu.memory_space<semaphore_mem>>) {add = true}
      %ge3A_242 = arith.constant 1 : i32
      %ge3A_243 = arith.cmpi sge, %add3A_219, %ge3A_242 : i32
      %convert_element_type3A_244 = arith.extui %ge3A_243 : i1 to i32
      %cond3A_245 = arith.constant 0 : i32
      %cond3A_246 = arith.cmpi ne, %convert_element_type3A_244, %cond3A_245 : i32
      scf.if %cond3A_246 {
        %sub3A_385 = arith.constant 1 : i32
        %sub3A_386 = arith.subi %add3A_219, %sub3A_385 : i32
        %dma_wait3A_387 = arith.constant 1 : i32
        %dma_wait3A_388 = arith.constant 0 : i32
        %dma_wait3A_389 = arith.constant 0 : i32
        %dma_wait3A_390 = tpu.memref_slice %arg7[%dma_wait3A_387, %dma_wait3A_388, %dma_wait3A_389] : memref<6x128x64xf32, #tpu.memory_space<vmem>> -> memref<1x128x64xf32, #tpu.memory_space<vmem>>
        %dma_wait3A_391 = tpu.memref_squeeze %dma_wait3A_390 : memref<1x128x64xf32, #tpu.memory_space<vmem>> -> memref<128x64xf32, #tpu.memory_space<vmem>>
        %dma_wait3A_392 = arith.constant 0 : i32
        %dma_wait3A_393 = tpu.memref_slice %arg6[%sub3A_386, %dma_wait3A_392] : memref<79x128xi32, #tpu.memory_space<vmem>> -> memref<1x128xi32, #tpu.memory_space<vmem>>
        %dma_wait3A_394 = tpu.memref_squeeze %dma_wait3A_393 : memref<1x128xi32, #tpu.memory_space<vmem>> -> memref<128xi32, #tpu.memory_space<vmem>>
        %dma_wait3A_395 = arith.constant 0 : i32
        %dma_wait3A_396 = arith.constant 0 : i32
        %dma_wait3A_397 = tpu.memref_slice %arg9[%dma_wait3A_395, %dma_wait3A_396] : memref<10240x64xf32, #tpu.memory_space<vmem_shared>> -> memref<10240x64xf32, #tpu.memory_space<vmem_shared>>
        tpu.wait_indirect_dma semaphore(%arg17 : memref<!tpu.dma_semaphore, #tpu.memory_space<semaphore_mem>>) src(%dma_wait3A_391 : memref<128x64xf32, #tpu.memory_space<vmem>>) dst(%dma_wait3A_397 : memref<10240x64xf32, #tpu.memory_space<vmem_shared>>)
      } else {
      }
      %ge3A_247 = arith.constant 1 : i32
      %ge3A_248 = arith.cmpi sge, %add3A_219, %ge3A_247 : i32
      %sub3A_249 = arith.constant 1 : i32
      %sub3A_250 = arith.subi %add3A_219, %sub3A_249 : i32
      %add3A_251 = arith.constant 6 : i32
      %add3A_252 = arith.addi %sub3A_250, %add3A_251 : i32
      %lt3A_253 = arith.cmpi slt, %add3A_252, %select_n3A : i32
      %and3A_254 = arith.andi %ge3A_248, %lt3A_253 : i1
      %convert_element_type3A_255 = arith.extui %and3A_254 : i1 to i32
      %cond3A_256 = arith.constant 0 : i32
      %cond3A_257 = arith.cmpi ne, %convert_element_type3A_255, %cond3A_256 : i32
      scf.if %cond3A_257 {
        %sub3A_385 = arith.constant 1 : i32
        %sub3A_386 = arith.subi %add3A_219, %sub3A_385 : i32
        %add3A_387 = arith.constant 6 : i32
        %add3A_388 = arith.addi %sub3A_386, %add3A_387 : i32
        %dma_start3A_389 = arith.constant 1 : i32
        %dma_start3A_390 = arith.constant 0 : i32
        %dma_start3A_391 = arith.constant 0 : i32
        %dma_start3A_392 = tpu.memref_slice %arg7[%dma_start3A_389, %dma_start3A_390, %dma_start3A_391] : memref<6x128x64xf32, #tpu.memory_space<vmem>> -> memref<1x128x64xf32, #tpu.memory_space<vmem>>
        %dma_start3A_393 = tpu.memref_squeeze %dma_start3A_392 : memref<1x128x64xf32, #tpu.memory_space<vmem>> -> memref<128x64xf32, #tpu.memory_space<vmem>>
        %dma_start3A_394 = arith.constant 0 : i32
        %dma_start3A_395 = tpu.memref_slice %arg5[%add3A_388, %dma_start3A_394] : memref<79x128xi32, #tpu.memory_space<vmem>> -> memref<1x128xi32, #tpu.memory_space<vmem>>
        %dma_start3A_396 = tpu.memref_squeeze %dma_start3A_395 : memref<1x128xi32, #tpu.memory_space<vmem>> -> memref<128xi32, #tpu.memory_space<vmem>>
        %dma_start3A_397 = arith.constant 0 : i32
        %dma_start3A_398 = arith.constant 0 : i32
        %dma_start3A_399 = tpu.memref_slice %arg3[%dma_start3A_397, %dma_start3A_398] : memref<10240x64xf32, #tpu.memory_space<hbm>> -> memref<10240x64xf32, #tpu.memory_space<hbm>>
        tpu.enqueue_indirect_dma source(%dma_start3A_399 : memref<10240x64xf32, #tpu.memory_space<hbm>>) target(%dma_start3A_393 : memref<128x64xf32, #tpu.memory_space<vmem>>) offsets(%dma_start3A_396 : memref<128xi32, #tpu.memory_space<vmem>>) semaphore(%arg11 : memref<!tpu.dma_semaphore, #tpu.memory_space<semaphore_mem>>)
      } else {
      }
      %mul3A_258 = arith.constant 6 : i32
      %mul3A_259 = arith.muli %scan3A_133, %mul3A_258 : i32
      %add3A_260 = arith.constant 3 : i32
      %add3A_261 = arith.addi %mul3A_259, %add3A_260 : i32
      %dma_wait3A_262 = arith.constant 3 : i32
      %dma_wait3A_263 = arith.constant 0 : i32
      %dma_wait3A_264 = arith.constant 0 : i32
      %dma_wait3A_265 = tpu.memref_slice %arg7[%dma_wait3A_262, %dma_wait3A_263, %dma_wait3A_264] : memref<6x128x64xf32, #tpu.memory_space<vmem>> -> memref<1x128x64xf32, #tpu.memory_space<vmem>>
      %dma_wait3A_266 = tpu.memref_squeeze %dma_wait3A_265 : memref<1x128x64xf32, #tpu.memory_space<vmem>> -> memref<128x64xf32, #tpu.memory_space<vmem>>
      %dma_wait3A_267 = arith.constant 0 : i32
      %dma_wait3A_268 = tpu.memref_slice %arg5[%add3A_261, %dma_wait3A_267] : memref<79x128xi32, #tpu.memory_space<vmem>> -> memref<1x128xi32, #tpu.memory_space<vmem>>
      %dma_wait3A_269 = tpu.memref_squeeze %dma_wait3A_268 : memref<1x128xi32, #tpu.memory_space<vmem>> -> memref<128xi32, #tpu.memory_space<vmem>>
      %dma_wait3A_270 = arith.constant 0 : i32
      %dma_wait3A_271 = arith.constant 0 : i32
      %dma_wait3A_272 = tpu.memref_slice %arg3[%dma_wait3A_270, %dma_wait3A_271] : memref<10240x64xf32, #tpu.memory_space<hbm>> -> memref<10240x64xf32, #tpu.memory_space<hbm>>
      tpu.wait_indirect_dma semaphore(%arg13 : memref<!tpu.dma_semaphore, #tpu.memory_space<semaphore_mem>>) src(%dma_wait3A_272 : memref<10240x64xf32, #tpu.memory_space<hbm>>) dst(%dma_wait3A_266 : memref<128x64xf32, #tpu.memory_space<vmem>>)
      %dma_start3A_273 = arith.constant 3 : i32
      %dma_start3A_274 = arith.constant 0 : i32
      %dma_start3A_275 = arith.constant 0 : i32
      %dma_start3A_276 = tpu.memref_slice %arg7[%dma_start3A_273, %dma_start3A_274, %dma_start3A_275] : memref<6x128x64xf32, #tpu.memory_space<vmem>> -> memref<1x128x64xf32, #tpu.memory_space<vmem>>
      %dma_start3A_277 = tpu.memref_squeeze %dma_start3A_276 : memref<1x128x64xf32, #tpu.memory_space<vmem>> -> memref<128x64xf32, #tpu.memory_space<vmem>>
      %dma_start3A_278 = arith.constant 0 : i32
      %dma_start3A_279 = tpu.memref_slice %arg6[%add3A_261, %dma_start3A_278] : memref<79x128xi32, #tpu.memory_space<vmem>> -> memref<1x128xi32, #tpu.memory_space<vmem>>
      %dma_start3A_280 = tpu.memref_squeeze %dma_start3A_279 : memref<1x128xi32, #tpu.memory_space<vmem>> -> memref<128xi32, #tpu.memory_space<vmem>>
      %dma_start3A_281 = arith.constant 0 : i32
      %dma_start3A_282 = arith.constant 0 : i32
      %dma_start3A_283 = tpu.memref_slice %arg9[%dma_start3A_281, %dma_start3A_282] : memref<10240x64xf32, #tpu.memory_space<vmem_shared>> -> memref<10240x64xf32, #tpu.memory_space<vmem_shared>>
      tpu.enqueue_indirect_dma source(%dma_start3A_277 : memref<128x64xf32, #tpu.memory_space<vmem>>) target(%dma_start3A_283 : memref<10240x64xf32, #tpu.memory_space<vmem_shared>>) offsets(%dma_start3A_280 : memref<128xi32, #tpu.memory_space<vmem>>) semaphore(%arg19 : memref<!tpu.dma_semaphore, #tpu.memory_space<semaphore_mem>>) {add = true}
      %ge3A_284 = arith.constant 1 : i32
      %ge3A_285 = arith.cmpi sge, %add3A_261, %ge3A_284 : i32
      %convert_element_type3A_286 = arith.extui %ge3A_285 : i1 to i32
      %cond3A_287 = arith.constant 0 : i32
      %cond3A_288 = arith.cmpi ne, %convert_element_type3A_286, %cond3A_287 : i32
      scf.if %cond3A_288 {
        %sub3A_385 = arith.constant 1 : i32
        %sub3A_386 = arith.subi %add3A_261, %sub3A_385 : i32
        %dma_wait3A_387 = arith.constant 2 : i32
        %dma_wait3A_388 = arith.constant 0 : i32
        %dma_wait3A_389 = arith.constant 0 : i32
        %dma_wait3A_390 = tpu.memref_slice %arg7[%dma_wait3A_387, %dma_wait3A_388, %dma_wait3A_389] : memref<6x128x64xf32, #tpu.memory_space<vmem>> -> memref<1x128x64xf32, #tpu.memory_space<vmem>>
        %dma_wait3A_391 = tpu.memref_squeeze %dma_wait3A_390 : memref<1x128x64xf32, #tpu.memory_space<vmem>> -> memref<128x64xf32, #tpu.memory_space<vmem>>
        %dma_wait3A_392 = arith.constant 0 : i32
        %dma_wait3A_393 = tpu.memref_slice %arg6[%sub3A_386, %dma_wait3A_392] : memref<79x128xi32, #tpu.memory_space<vmem>> -> memref<1x128xi32, #tpu.memory_space<vmem>>
        %dma_wait3A_394 = tpu.memref_squeeze %dma_wait3A_393 : memref<1x128xi32, #tpu.memory_space<vmem>> -> memref<128xi32, #tpu.memory_space<vmem>>
        %dma_wait3A_395 = arith.constant 0 : i32
        %dma_wait3A_396 = arith.constant 0 : i32
        %dma_wait3A_397 = tpu.memref_slice %arg9[%dma_wait3A_395, %dma_wait3A_396] : memref<10240x64xf32, #tpu.memory_space<vmem_shared>> -> memref<10240x64xf32, #tpu.memory_space<vmem_shared>>
        tpu.wait_indirect_dma semaphore(%arg18 : memref<!tpu.dma_semaphore, #tpu.memory_space<semaphore_mem>>) src(%dma_wait3A_391 : memref<128x64xf32, #tpu.memory_space<vmem>>) dst(%dma_wait3A_397 : memref<10240x64xf32, #tpu.memory_space<vmem_shared>>)
      } else {
      }
      %ge3A_289 = arith.constant 1 : i32
      %ge3A_290 = arith.cmpi sge, %add3A_261, %ge3A_289 : i32
      %sub3A_291 = arith.constant 1 : i32
      %sub3A_292 = arith.subi %add3A_261, %sub3A_291 : i32
      %add3A_293 = arith.constant 6 : i32
      %add3A_294 = arith.addi %sub3A_292, %add3A_293 : i32
      %lt3A_295 = arith.cmpi slt, %add3A_294, %select_n3A : i32
      %and3A_296 = arith.andi %ge3A_290, %lt3A_295 : i1
      %convert_element_type3A_297 = arith.extui %and3A_296 : i1 to i32
      %cond3A_298 = arith.constant 0 : i32
      %cond3A_299 = arith.cmpi ne, %convert_element_type3A_297, %cond3A_298 : i32
      scf.if %cond3A_299 {
        %sub3A_385 = arith.constant 1 : i32
        %sub3A_386 = arith.subi %add3A_261, %sub3A_385 : i32
        %add3A_387 = arith.constant 6 : i32
        %add3A_388 = arith.addi %sub3A_386, %add3A_387 : i32
        %dma_start3A_389 = arith.constant 2 : i32
        %dma_start3A_390 = arith.constant 0 : i32
        %dma_start3A_391 = arith.constant 0 : i32
        %dma_start3A_392 = tpu.memref_slice %arg7[%dma_start3A_389, %dma_start3A_390, %dma_start3A_391] : memref<6x128x64xf32, #tpu.memory_space<vmem>> -> memref<1x128x64xf32, #tpu.memory_space<vmem>>
        %dma_start3A_393 = tpu.memref_squeeze %dma_start3A_392 : memref<1x128x64xf32, #tpu.memory_space<vmem>> -> memref<128x64xf32, #tpu.memory_space<vmem>>
        %dma_start3A_394 = arith.constant 0 : i32
        %dma_start3A_395 = tpu.memref_slice %arg5[%add3A_388, %dma_start3A_394] : memref<79x128xi32, #tpu.memory_space<vmem>> -> memref<1x128xi32, #tpu.memory_space<vmem>>
        %dma_start3A_396 = tpu.memref_squeeze %dma_start3A_395 : memref<1x128xi32, #tpu.memory_space<vmem>> -> memref<128xi32, #tpu.memory_space<vmem>>
        %dma_start3A_397 = arith.constant 0 : i32
        %dma_start3A_398 = arith.constant 0 : i32
        %dma_start3A_399 = tpu.memref_slice %arg3[%dma_start3A_397, %dma_start3A_398] : memref<10240x64xf32, #tpu.memory_space<hbm>> -> memref<10240x64xf32, #tpu.memory_space<hbm>>
        tpu.enqueue_indirect_dma source(%dma_start3A_399 : memref<10240x64xf32, #tpu.memory_space<hbm>>) target(%dma_start3A_393 : memref<128x64xf32, #tpu.memory_space<vmem>>) offsets(%dma_start3A_396 : memref<128xi32, #tpu.memory_space<vmem>>) semaphore(%arg12 : memref<!tpu.dma_semaphore, #tpu.memory_space<semaphore_mem>>)
      } else {
      }
      %mul3A_300 = arith.constant 6 : i32
      %mul3A_301 = arith.muli %scan3A_133, %mul3A_300 : i32
      %add3A_302 = arith.constant 4 : i32
      %add3A_303 = arith.addi %mul3A_301, %add3A_302 : i32
      %dma_wait3A_304 = arith.constant 4 : i32
      %dma_wait3A_305 = arith.constant 0 : i32
      %dma_wait3A_306 = arith.constant 0 : i32
      %dma_wait3A_307 = tpu.memref_slice %arg7[%dma_wait3A_304, %dma_wait3A_305, %dma_wait3A_306] : memref<6x128x64xf32, #tpu.memory_space<vmem>> -> memref<1x128x64xf32, #tpu.memory_space<vmem>>
      %dma_wait3A_308 = tpu.memref_squeeze %dma_wait3A_307 : memref<1x128x64xf32, #tpu.memory_space<vmem>> -> memref<128x64xf32, #tpu.memory_space<vmem>>
      %dma_wait3A_309 = arith.constant 0 : i32
      %dma_wait3A_310 = tpu.memref_slice %arg5[%add3A_303, %dma_wait3A_309] : memref<79x128xi32, #tpu.memory_space<vmem>> -> memref<1x128xi32, #tpu.memory_space<vmem>>
      %dma_wait3A_311 = tpu.memref_squeeze %dma_wait3A_310 : memref<1x128xi32, #tpu.memory_space<vmem>> -> memref<128xi32, #tpu.memory_space<vmem>>
      %dma_wait3A_312 = arith.constant 0 : i32
      %dma_wait3A_313 = arith.constant 0 : i32
      %dma_wait3A_314 = tpu.memref_slice %arg3[%dma_wait3A_312, %dma_wait3A_313] : memref<10240x64xf32, #tpu.memory_space<hbm>> -> memref<10240x64xf32, #tpu.memory_space<hbm>>
      tpu.wait_indirect_dma semaphore(%arg14 : memref<!tpu.dma_semaphore, #tpu.memory_space<semaphore_mem>>) src(%dma_wait3A_314 : memref<10240x64xf32, #tpu.memory_space<hbm>>) dst(%dma_wait3A_308 : memref<128x64xf32, #tpu.memory_space<vmem>>)
      %dma_start3A_315 = arith.constant 4 : i32
      %dma_start3A_316 = arith.constant 0 : i32
      %dma_start3A_317 = arith.constant 0 : i32
      %dma_start3A_318 = tpu.memref_slice %arg7[%dma_start3A_315, %dma_start3A_316, %dma_start3A_317] : memref<6x128x64xf32, #tpu.memory_space<vmem>> -> memref<1x128x64xf32, #tpu.memory_space<vmem>>
      %dma_start3A_319 = tpu.memref_squeeze %dma_start3A_318 : memref<1x128x64xf32, #tpu.memory_space<vmem>> -> memref<128x64xf32, #tpu.memory_space<vmem>>
      %dma_start3A_320 = arith.constant 0 : i32
      %dma_start3A_321 = tpu.memref_slice %arg6[%add3A_303, %dma_start3A_320] : memref<79x128xi32, #tpu.memory_space<vmem>> -> memref<1x128xi32, #tpu.memory_space<vmem>>
      %dma_start3A_322 = tpu.memref_squeeze %dma_start3A_321 : memref<1x128xi32, #tpu.memory_space<vmem>> -> memref<128xi32, #tpu.memory_space<vmem>>
      %dma_start3A_323 = arith.constant 0 : i32
      %dma_start3A_324 = arith.constant 0 : i32
      %dma_start3A_325 = tpu.memref_slice %arg9[%dma_start3A_323, %dma_start3A_324] : memref<10240x64xf32, #tpu.memory_space<vmem_shared>> -> memref<10240x64xf32, #tpu.memory_space<vmem_shared>>
      tpu.enqueue_indirect_dma source(%dma_start3A_319 : memref<128x64xf32, #tpu.memory_space<vmem>>) target(%dma_start3A_325 : memref<10240x64xf32, #tpu.memory_space<vmem_shared>>) offsets(%dma_start3A_322 : memref<128xi32, #tpu.memory_space<vmem>>) semaphore(%arg20 : memref<!tpu.dma_semaphore, #tpu.memory_space<semaphore_mem>>) {add = true}
      %ge3A_326 = arith.constant 1 : i32
      %ge3A_327 = arith.cmpi sge, %add3A_303, %ge3A_326 : i32
      %convert_element_type3A_328 = arith.extui %ge3A_327 : i1 to i32
      %cond3A_329 = arith.constant 0 : i32
      %cond3A_330 = arith.cmpi ne, %convert_element_type3A_328, %cond3A_329 : i32
      scf.if %cond3A_330 {
        %sub3A_385 = arith.constant 1 : i32
        %sub3A_386 = arith.subi %add3A_303, %sub3A_385 : i32
        %dma_wait3A_387 = arith.constant 3 : i32
        %dma_wait3A_388 = arith.constant 0 : i32
        %dma_wait3A_389 = arith.constant 0 : i32
        %dma_wait3A_390 = tpu.memref_slice %arg7[%dma_wait3A_387, %dma_wait3A_388, %dma_wait3A_389] : memref<6x128x64xf32, #tpu.memory_space<vmem>> -> memref<1x128x64xf32, #tpu.memory_space<vmem>>
        %dma_wait3A_391 = tpu.memref_squeeze %dma_wait3A_390 : memref<1x128x64xf32, #tpu.memory_space<vmem>> -> memref<128x64xf32, #tpu.memory_space<vmem>>
        %dma_wait3A_392 = arith.constant 0 : i32
        %dma_wait3A_393 = tpu.memref_slice %arg6[%sub3A_386, %dma_wait3A_392] : memref<79x128xi32, #tpu.memory_space<vmem>> -> memref<1x128xi32, #tpu.memory_space<vmem>>
        %dma_wait3A_394 = tpu.memref_squeeze %dma_wait3A_393 : memref<1x128xi32, #tpu.memory_space<vmem>> -> memref<128xi32, #tpu.memory_space<vmem>>
        %dma_wait3A_395 = arith.constant 0 : i32
        %dma_wait3A_396 = arith.constant 0 : i32
        %dma_wait3A_397 = tpu.memref_slice %arg9[%dma_wait3A_395, %dma_wait3A_396] : memref<10240x64xf32, #tpu.memory_space<vmem_shared>> -> memref<10240x64xf32, #tpu.memory_space<vmem_shared>>
        tpu.wait_indirect_dma semaphore(%arg19 : memref<!tpu.dma_semaphore, #tpu.memory_space<semaphore_mem>>) src(%dma_wait3A_391 : memref<128x64xf32, #tpu.memory_space<vmem>>) dst(%dma_wait3A_397 : memref<10240x64xf32, #tpu.memory_space<vmem_shared>>)
      } else {
      }
      %ge3A_331 = arith.constant 1 : i32
      %ge3A_332 = arith.cmpi sge, %add3A_303, %ge3A_331 : i32
      %sub3A_333 = arith.constant 1 : i32
      %sub3A_334 = arith.subi %add3A_303, %sub3A_333 : i32
      %add3A_335 = arith.constant 6 : i32
      %add3A_336 = arith.addi %sub3A_334, %add3A_335 : i32
      %lt3A_337 = arith.cmpi slt, %add3A_336, %select_n3A : i32
      %and3A_338 = arith.andi %ge3A_332, %lt3A_337 : i1
      %convert_element_type3A_339 = arith.extui %and3A_338 : i1 to i32
      %cond3A_340 = arith.constant 0 : i32
      %cond3A_341 = arith.cmpi ne, %convert_element_type3A_339, %cond3A_340 : i32
      scf.if %cond3A_341 {
        %sub3A_385 = arith.constant 1 : i32
        %sub3A_386 = arith.subi %add3A_303, %sub3A_385 : i32
        %add3A_387 = arith.constant 6 : i32
        %add3A_388 = arith.addi %sub3A_386, %add3A_387 : i32
        %dma_start3A_389 = arith.constant 3 : i32
        %dma_start3A_390 = arith.constant 0 : i32
        %dma_start3A_391 = arith.constant 0 : i32
        %dma_start3A_392 = tpu.memref_slice %arg7[%dma_start3A_389, %dma_start3A_390, %dma_start3A_391] : memref<6x128x64xf32, #tpu.memory_space<vmem>> -> memref<1x128x64xf32, #tpu.memory_space<vmem>>
        %dma_start3A_393 = tpu.memref_squeeze %dma_start3A_392 : memref<1x128x64xf32, #tpu.memory_space<vmem>> -> memref<128x64xf32, #tpu.memory_space<vmem>>
        %dma_start3A_394 = arith.constant 0 : i32
        %dma_start3A_395 = tpu.memref_slice %arg5[%add3A_388, %dma_start3A_394] : memref<79x128xi32, #tpu.memory_space<vmem>> -> memref<1x128xi32, #tpu.memory_space<vmem>>
        %dma_start3A_396 = tpu.memref_squeeze %dma_start3A_395 : memref<1x128xi32, #tpu.memory_space<vmem>> -> memref<128xi32, #tpu.memory_space<vmem>>
        %dma_start3A_397 = arith.constant 0 : i32
        %dma_start3A_398 = arith.constant 0 : i32
        %dma_start3A_399 = tpu.memref_slice %arg3[%dma_start3A_397, %dma_start3A_398] : memref<10240x64xf32, #tpu.memory_space<hbm>> -> memref<10240x64xf32, #tpu.memory_space<hbm>>
        tpu.enqueue_indirect_dma source(%dma_start3A_399 : memref<10240x64xf32, #tpu.memory_space<hbm>>) target(%dma_start3A_393 : memref<128x64xf32, #tpu.memory_space<vmem>>) offsets(%dma_start3A_396 : memref<128xi32, #tpu.memory_space<vmem>>) semaphore(%arg13 : memref<!tpu.dma_semaphore, #tpu.memory_space<semaphore_mem>>)
      } else {
      }
      %mul3A_342 = arith.constant 6 : i32
      %mul3A_343 = arith.muli %scan3A_133, %mul3A_342 : i32
      %add3A_344 = arith.constant 5 : i32
      %add3A_345 = arith.addi %mul3A_343, %add3A_344 : i32
      %dma_wait3A_346 = arith.constant 5 : i32
      %dma_wait3A_347 = arith.constant 0 : i32
      %dma_wait3A_348 = arith.constant 0 : i32
      %dma_wait3A_349 = tpu.memref_slice %arg7[%dma_wait3A_346, %dma_wait3A_347, %dma_wait3A_348] : memref<6x128x64xf32, #tpu.memory_space<vmem>> -> memref<1x128x64xf32, #tpu.memory_space<vmem>>
      %dma_wait3A_350 = tpu.memref_squeeze %dma_wait3A_349 : memref<1x128x64xf32, #tpu.memory_space<vmem>> -> memref<128x64xf32, #tpu.memory_space<vmem>>
      %dma_wait3A_351 = arith.constant 0 : i32
      %dma_wait3A_352 = tpu.memref_slice %arg5[%add3A_345, %dma_wait3A_351] : memref<79x128xi32, #tpu.memory_space<vmem>> -> memref<1x128xi32, #tpu.memory_space<vmem>>
      %dma_wait3A_353 = tpu.memref_squeeze %dma_wait3A_352 : memref<1x128xi32, #tpu.memory_space<vmem>> -> memref<128xi32, #tpu.memory_space<vmem>>
      %dma_wait3A_354 = arith.constant 0 : i32
      %dma_wait3A_355 = arith.constant 0 : i32
      %dma_wait3A_356 = tpu.memref_slice %arg3[%dma_wait3A_354, %dma_wait3A_355] : memref<10240x64xf32, #tpu.memory_space<hbm>> -> memref<10240x64xf32, #tpu.memory_space<hbm>>
      tpu.wait_indirect_dma semaphore(%arg15 : memref<!tpu.dma_semaphore, #tpu.memory_space<semaphore_mem>>) src(%dma_wait3A_356 : memref<10240x64xf32, #tpu.memory_space<hbm>>) dst(%dma_wait3A_350 : memref<128x64xf32, #tpu.memory_space<vmem>>)
      %dma_start3A_357 = arith.constant 5 : i32
      %dma_start3A_358 = arith.constant 0 : i32
      %dma_start3A_359 = arith.constant 0 : i32
      %dma_start3A_360 = tpu.memref_slice %arg7[%dma_start3A_357, %dma_start3A_358, %dma_start3A_359] : memref<6x128x64xf32, #tpu.memory_space<vmem>> -> memref<1x128x64xf32, #tpu.memory_space<vmem>>
      %dma_start3A_361 = tpu.memref_squeeze %dma_start3A_360 : memref<1x128x64xf32, #tpu.memory_space<vmem>> -> memref<128x64xf32, #tpu.memory_space<vmem>>
      %dma_start3A_362 = arith.constant 0 : i32
      %dma_start3A_363 = tpu.memref_slice %arg6[%add3A_345, %dma_start3A_362] : memref<79x128xi32, #tpu.memory_space<vmem>> -> memref<1x128xi32, #tpu.memory_space<vmem>>
      %dma_start3A_364 = tpu.memref_squeeze %dma_start3A_363 : memref<1x128xi32, #tpu.memory_space<vmem>> -> memref<128xi32, #tpu.memory_space<vmem>>
      %dma_start3A_365 = arith.constant 0 : i32
      %dma_start3A_366 = arith.constant 0 : i32
      %dma_start3A_367 = tpu.memref_slice %arg9[%dma_start3A_365, %dma_start3A_366] : memref<10240x64xf32, #tpu.memory_space<vmem_shared>> -> memref<10240x64xf32, #tpu.memory_space<vmem_shared>>
      tpu.enqueue_indirect_dma source(%dma_start3A_361 : memref<128x64xf32, #tpu.memory_space<vmem>>) target(%dma_start3A_367 : memref<10240x64xf32, #tpu.memory_space<vmem_shared>>) offsets(%dma_start3A_364 : memref<128xi32, #tpu.memory_space<vmem>>) semaphore(%arg21 : memref<!tpu.dma_semaphore, #tpu.memory_space<semaphore_mem>>) {add = true}
      %ge3A_368 = arith.constant 1 : i32
      %ge3A_369 = arith.cmpi sge, %add3A_345, %ge3A_368 : i32
      %convert_element_type3A_370 = arith.extui %ge3A_369 : i1 to i32
      %cond3A_371 = arith.constant 0 : i32
      %cond3A_372 = arith.cmpi ne, %convert_element_type3A_370, %cond3A_371 : i32
      scf.if %cond3A_372 {
        %sub3A_385 = arith.constant 1 : i32
        %sub3A_386 = arith.subi %add3A_345, %sub3A_385 : i32
        %dma_wait3A_387 = arith.constant 4 : i32
        %dma_wait3A_388 = arith.constant 0 : i32
        %dma_wait3A_389 = arith.constant 0 : i32
        %dma_wait3A_390 = tpu.memref_slice %arg7[%dma_wait3A_387, %dma_wait3A_388, %dma_wait3A_389] : memref<6x128x64xf32, #tpu.memory_space<vmem>> -> memref<1x128x64xf32, #tpu.memory_space<vmem>>
        %dma_wait3A_391 = tpu.memref_squeeze %dma_wait3A_390 : memref<1x128x64xf32, #tpu.memory_space<vmem>> -> memref<128x64xf32, #tpu.memory_space<vmem>>
        %dma_wait3A_392 = arith.constant 0 : i32
        %dma_wait3A_393 = tpu.memref_slice %arg6[%sub3A_386, %dma_wait3A_392] : memref<79x128xi32, #tpu.memory_space<vmem>> -> memref<1x128xi32, #tpu.memory_space<vmem>>
        %dma_wait3A_394 = tpu.memref_squeeze %dma_wait3A_393 : memref<1x128xi32, #tpu.memory_space<vmem>> -> memref<128xi32, #tpu.memory_space<vmem>>
        %dma_wait3A_395 = arith.constant 0 : i32
        %dma_wait3A_396 = arith.constant 0 : i32
        %dma_wait3A_397 = tpu.memref_slice %arg9[%dma_wait3A_395, %dma_wait3A_396] : memref<10240x64xf32, #tpu.memory_space<vmem_shared>> -> memref<10240x64xf32, #tpu.memory_space<vmem_shared>>
        tpu.wait_indirect_dma semaphore(%arg20 : memref<!tpu.dma_semaphore, #tpu.memory_space<semaphore_mem>>) src(%dma_wait3A_391 : memref<128x64xf32, #tpu.memory_space<vmem>>) dst(%dma_wait3A_397 : memref<10240x64xf32, #tpu.memory_space<vmem_shared>>)
      } else {
      }
      %ge3A_373 = arith.constant 1 : i32
      %ge3A_374 = arith.cmpi sge, %add3A_345, %ge3A_373 : i32
      %sub3A_375 = arith.constant 1 : i32
      %sub3A_376 = arith.subi %add3A_345, %sub3A_375 : i32
      %add3A_377 = arith.constant 6 : i32
      %add3A_378 = arith.addi %sub3A_376, %add3A_377 : i32
      %lt3A_379 = arith.cmpi slt, %add3A_378, %select_n3A : i32
      %and3A_380 = arith.andi %ge3A_374, %lt3A_379 : i1
      %convert_element_type3A_381 = arith.extui %and3A_380 : i1 to i32
      %cond3A_382 = arith.constant 0 : i32
      %cond3A_383 = arith.cmpi ne, %convert_element_type3A_381, %cond3A_382 : i32
      scf.if %cond3A_383 {
        %sub3A_385 = arith.constant 1 : i32
        %sub3A_386 = arith.subi %add3A_345, %sub3A_385 : i32
        %add3A_387 = arith.constant 6 : i32
        %add3A_388 = arith.addi %sub3A_386, %add3A_387 : i32
        %dma_start3A_389 = arith.constant 4 : i32
        %dma_start3A_390 = arith.constant 0 : i32
        %dma_start3A_391 = arith.constant 0 : i32
        %dma_start3A_392 = tpu.memref_slice %arg7[%dma_start3A_389, %dma_start3A_390, %dma_start3A_391] : memref<6x128x64xf32, #tpu.memory_space<vmem>> -> memref<1x128x64xf32, #tpu.memory_space<vmem>>
        %dma_start3A_393 = tpu.memref_squeeze %dma_start3A_392 : memref<1x128x64xf32, #tpu.memory_space<vmem>> -> memref<128x64xf32, #tpu.memory_space<vmem>>
        %dma_start3A_394 = arith.constant 0 : i32
        %dma_start3A_395 = tpu.memref_slice %arg5[%add3A_388, %dma_start3A_394] : memref<79x128xi32, #tpu.memory_space<vmem>> -> memref<1x128xi32, #tpu.memory_space<vmem>>
        %dma_start3A_396 = tpu.memref_squeeze %dma_start3A_395 : memref<1x128xi32, #tpu.memory_space<vmem>> -> memref<128xi32, #tpu.memory_space<vmem>>
        %dma_start3A_397 = arith.constant 0 : i32
        %dma_start3A_398 = arith.constant 0 : i32
        %dma_start3A_399 = tpu.memref_slice %arg3[%dma_start3A_397, %dma_start3A_398] : memref<10240x64xf32, #tpu.memory_space<hbm>> -> memref<10240x64xf32, #tpu.memory_space<hbm>>
        tpu.enqueue_indirect_dma source(%dma_start3A_399 : memref<10240x64xf32, #tpu.memory_space<hbm>>) target(%dma_start3A_393 : memref<128x64xf32, #tpu.memory_space<vmem>>) offsets(%dma_start3A_396 : memref<128xi32, #tpu.memory_space<vmem>>) semaphore(%arg14 : memref<!tpu.dma_semaphore, #tpu.memory_space<semaphore_mem>>)
      } else {
      }
      %scan3A_384 = arith.constant 0 : i32
      scf.yield %scan3A_384 : i32
    }
    %scan3A_113 = arith.constant 13 : i32
    %convert_element_type3A_114 = arith.extui %lt3A_5 : i1 to i32
    %cond3A_115 = arith.constant 0 : i32
    %cond3A_116 = arith.cmpi ne, %convert_element_type3A_114, %cond3A_115 : i32
    scf.if %cond3A_116 {
      %dma_wait3A_133 = arith.constant 78 : i32
      %dma_wait3A_134 = arith.constant 0 : i32
      %dma_wait3A_135 = arith.constant 0 : i32
      %dma_wait3A_136 = arith.constant 0 : i32
      %dma_wait3A_137 = tpu.memref_slice %arg7[%dma_wait3A_134, %dma_wait3A_135, %dma_wait3A_136] : memref<6x128x64xf32, #tpu.memory_space<vmem>> -> memref<1x128x64xf32, #tpu.memory_space<vmem>>
      %dma_wait3A_138 = tpu.memref_squeeze %dma_wait3A_137 : memref<1x128x64xf32, #tpu.memory_space<vmem>> -> memref<128x64xf32, #tpu.memory_space<vmem>>
      %dma_wait3A_139 = arith.constant 0 : i32
      %dma_wait3A_140 = tpu.memref_slice %arg5[%dma_wait3A_133, %dma_wait3A_139] : memref<79x128xi32, #tpu.memory_space<vmem>> -> memref<1x128xi32, #tpu.memory_space<vmem>>
      %dma_wait3A_141 = tpu.memref_squeeze %dma_wait3A_140 : memref<1x128xi32, #tpu.memory_space<vmem>> -> memref<128xi32, #tpu.memory_space<vmem>>
      %dma_wait3A_142 = arith.constant 0 : i32
      %dma_wait3A_143 = arith.constant 0 : i32
      %dma_wait3A_144 = tpu.memref_slice %arg3[%dma_wait3A_142, %dma_wait3A_143] : memref<10240x64xf32, #tpu.memory_space<hbm>> -> memref<10240x64xf32, #tpu.memory_space<hbm>>
      tpu.wait_indirect_dma semaphore(%arg10 : memref<!tpu.dma_semaphore, #tpu.memory_space<semaphore_mem>>) src(%dma_wait3A_144 : memref<10240x64xf32, #tpu.memory_space<hbm>>) dst(%dma_wait3A_138 : memref<128x64xf32, #tpu.memory_space<vmem>>)
      %dma_start3A_145 = arith.constant 0 : i32
      %dma_start3A_146 = arith.constant 78 : i32
      %dma_start3A_147 = arith.constant 0 : i32
      %dma_start3A_148 = arith.constant 0 : i32
      %dma_start3A_149 = tpu.memref_slice %arg7[%dma_start3A_145, %dma_start3A_147, %dma_start3A_148] : memref<6x128x64xf32, #tpu.memory_space<vmem>> -> memref<1x128x64xf32, #tpu.memory_space<vmem>>
      %dma_start3A_150 = tpu.memref_squeeze %dma_start3A_149 : memref<1x128x64xf32, #tpu.memory_space<vmem>> -> memref<128x64xf32, #tpu.memory_space<vmem>>
      %dma_start3A_151 = arith.constant 0 : i32
      %dma_start3A_152 = tpu.memref_slice %arg6[%dma_start3A_146, %dma_start3A_151] : memref<79x128xi32, #tpu.memory_space<vmem>> -> memref<1x128xi32, #tpu.memory_space<vmem>>
      %dma_start3A_153 = tpu.memref_squeeze %dma_start3A_152 : memref<1x128xi32, #tpu.memory_space<vmem>> -> memref<128xi32, #tpu.memory_space<vmem>>
      %dma_start3A_154 = arith.constant 0 : i32
      %dma_start3A_155 = arith.constant 0 : i32
      %dma_start3A_156 = tpu.memref_slice %arg9[%dma_start3A_154, %dma_start3A_155] : memref<10240x64xf32, #tpu.memory_space<vmem_shared>> -> memref<10240x64xf32, #tpu.memory_space<vmem_shared>>
      tpu.enqueue_indirect_dma source(%dma_start3A_150 : memref<128x64xf32, #tpu.memory_space<vmem>>) target(%dma_start3A_156 : memref<10240x64xf32, #tpu.memory_space<vmem_shared>>) offsets(%dma_start3A_153 : memref<128xi32, #tpu.memory_space<vmem>>) semaphore(%arg16 : memref<!tpu.dma_semaphore, #tpu.memory_space<semaphore_mem>>) {add = true}
      %dma_wait3A_157 = arith.constant 0 : i32
      %dma_wait3A_158 = arith.constant 78 : i32
      %dma_wait3A_159 = arith.constant 0 : i32
      %dma_wait3A_160 = arith.constant 0 : i32
      %dma_wait3A_161 = tpu.memref_slice %arg7[%dma_wait3A_157, %dma_wait3A_159, %dma_wait3A_160] : memref<6x128x64xf32, #tpu.memory_space<vmem>> -> memref<1x128x64xf32, #tpu.memory_space<vmem>>
      %dma_wait3A_162 = tpu.memref_squeeze %dma_wait3A_161 : memref<1x128x64xf32, #tpu.memory_space<vmem>> -> memref<128x64xf32, #tpu.memory_space<vmem>>
      %dma_wait3A_163 = arith.constant 0 : i32
      %dma_wait3A_164 = tpu.memref_slice %arg6[%dma_wait3A_158, %dma_wait3A_163] : memref<79x128xi32, #tpu.memory_space<vmem>> -> memref<1x128xi32, #tpu.memory_space<vmem>>
      %dma_wait3A_165 = tpu.memref_squeeze %dma_wait3A_164 : memref<1x128xi32, #tpu.memory_space<vmem>> -> memref<128xi32, #tpu.memory_space<vmem>>
      %dma_wait3A_166 = arith.constant 0 : i32
      %dma_wait3A_167 = arith.constant 0 : i32
      %dma_wait3A_168 = tpu.memref_slice %arg9[%dma_wait3A_166, %dma_wait3A_167] : memref<10240x64xf32, #tpu.memory_space<vmem_shared>> -> memref<10240x64xf32, #tpu.memory_space<vmem_shared>>
      tpu.wait_indirect_dma semaphore(%arg16 : memref<!tpu.dma_semaphore, #tpu.memory_space<semaphore_mem>>) src(%dma_wait3A_162 : memref<128x64xf32, #tpu.memory_space<vmem>>) dst(%dma_wait3A_168 : memref<10240x64xf32, #tpu.memory_space<vmem_shared>>)
    } else {
    }
    %dma_wait3A = arith.constant 5 : i32
    %dma_wait3A_117 = arith.constant 77 : i32
    %dma_wait3A_118 = arith.constant 0 : i32
    %dma_wait3A_119 = arith.constant 0 : i32
    %dma_wait3A_120 = tpu.memref_slice %arg7[%dma_wait3A, %dma_wait3A_118, %dma_wait3A_119] : memref<6x128x64xf32, #tpu.memory_space<vmem>> -> memref<1x128x64xf32, #tpu.memory_space<vmem>>
    %dma_wait3A_121 = tpu.memref_squeeze %dma_wait3A_120 : memref<1x128x64xf32, #tpu.memory_space<vmem>> -> memref<128x64xf32, #tpu.memory_space<vmem>>
    %dma_wait3A_122 = arith.constant 0 : i32
    %dma_wait3A_123 = tpu.memref_slice %arg6[%dma_wait3A_117, %dma_wait3A_122] : memref<79x128xi32, #tpu.memory_space<vmem>> -> memref<1x128xi32, #tpu.memory_space<vmem>>
    %dma_wait3A_124 = tpu.memref_squeeze %dma_wait3A_123 : memref<1x128xi32, #tpu.memory_space<vmem>> -> memref<128xi32, #tpu.memory_space<vmem>>
    %dma_wait3A_125 = arith.constant 0 : i32
    %dma_wait3A_126 = arith.constant 0 : i32
    %dma_wait3A_127 = tpu.memref_slice %arg9[%dma_wait3A_125, %dma_wait3A_126] : memref<10240x64xf32, #tpu.memory_space<vmem_shared>> -> memref<10240x64xf32, #tpu.memory_space<vmem_shared>>
    tpu.wait_indirect_dma semaphore(%arg21 : memref<!tpu.dma_semaphore, #tpu.memory_space<semaphore_mem>>) src(%dma_wait3A_121 : memref<128x64xf32, #tpu.memory_space<vmem>>) dst(%dma_wait3A_127 : memref<10240x64xf32, #tpu.memory_space<vmem_shared>>)
    %barrier3A_128 = arith.constant 0 : index
    tpu.barrier barrier_id(%barrier3A_128)
    %mul3A_129 = arith.constant 640 : i32
    %mul3A_130 = arith.muli %arg1, %mul3A_129 : i32
    %mul3A_131 = arith.constant 640 : i32
    %mul3A_132 = arith.muli %arg1, %mul3A_131 : i32
    "tpu.region"() ({
      %run_scoped3A_133 = tpu.sem_alloc : memref<!tpu.dma_semaphore, #tpu.memory_space<semaphore_mem>>
      %dma_start3A_134 = arith.constant 0 : i32
      %dma_start3A_135 = tpu.memref_slice %arg4[%arg0, %mul3A_132, %dma_start3A_134] : memref<2x10240x64xf32, #tpu.memory_space<hbm>> -> memref<1x640x64xf32, #tpu.memory_space<hbm>>
      %dma_start3A_136 = tpu.memref_squeeze %dma_start3A_135 : memref<1x640x64xf32, #tpu.memory_space<hbm>> -> memref<640x64xf32, #tpu.memory_space<hbm>>
      %dma_start3A_137 = arith.constant 0 : i32
      %dma_start3A_138 = tpu.memref_slice %arg9[%mul3A_130, %dma_start3A_137] : memref<10240x64xf32, #tpu.memory_space<vmem_shared>> -> memref<640x64xf32, #tpu.memory_space<vmem_shared>>
      tpu.enqueue_dma source(%dma_start3A_138 : memref<640x64xf32, #tpu.memory_space<vmem_shared>>) target(%dma_start3A_136 : memref<640x64xf32, #tpu.memory_space<hbm>>) target_semaphore(%run_scoped3A_133 : memref<!tpu.dma_semaphore, #tpu.memory_space<semaphore_mem>>)
      %dma_wait3A_139 = arith.constant 0 : i32
      %dma_wait3A_140 = tpu.memref_slice %arg4[%arg0, %mul3A_132, %dma_wait3A_139] : memref<2x10240x64xf32, #tpu.memory_space<hbm>> -> memref<1x640x64xf32, #tpu.memory_space<hbm>>
      %dma_wait3A_141 = tpu.memref_squeeze %dma_wait3A_140 : memref<1x640x64xf32, #tpu.memory_space<hbm>> -> memref<640x64xf32, #tpu.memory_space<hbm>>
      %dma_wait3A_142 = arith.constant 0 : i32
      %dma_wait3A_143 = tpu.memref_slice %arg9[%mul3A_130, %dma_wait3A_142] : memref<10240x64xf32, #tpu.memory_space<vmem_shared>> -> memref<640x64xf32, #tpu.memory_space<vmem_shared>>
      tpu.wait_dma2 semaphore(%run_scoped3A_133 : memref<!tpu.dma_semaphore, #tpu.memory_space<semaphore_mem>>) src(%dma_wait3A_143 : memref<640x64xf32, #tpu.memory_space<vmem_shared>>) dst(%dma_wait3A_141 : memref<640x64xf32, #tpu.memory_space<hbm>>)
      tpu.yield
    }) : () -> ()
    return
  }
}

#map = affine_map<(d0, d1) -> (0, 0, 0)>
#map1 = affine_map<(d0, d1) -> (0, 0)>
module attributes {stable_mosaic.version = 14 : i64} {
  func.func @agg_kernel(%arg0: i32, %arg1: i32, %arg2: memref<2x2500x128xi32, #tpu.memory_space<hbm>>, %arg3: memref<10240x64xf32, #tpu.memory_space<hbm>>, %arg4: memref<2x10240x64xf32, #tpu.memory_space<hbm>>, %arg5: memref<79x128xi32, #tpu.memory_space<vmem>>, %arg6: memref<79x128xi32, #tpu.memory_space<vmem>>, %arg7: memref<6x128x64xf32, #tpu.memory_space<vmem>>, %arg8: memref<128x64xf32, #tpu.memory_space<vmem>>, %arg9: memref<10240x64xf32, #tpu.memory_space<vmem_shared>>, %arg10: memref<!tpu.dma_semaphore, #tpu.memory_space<semaphore_mem>>, %arg11: memref<!tpu.dma_semaphore, #tpu.memory_space<semaphore_mem>>, %arg12: memref<!tpu.dma_semaphore, #tpu.memory_space<semaphore_mem>>, %arg13: memref<!tpu.dma_semaphore, #tpu.memory_space<semaphore_mem>>, %arg14: memref<!tpu.dma_semaphore, #tpu.memory_space<semaphore_mem>>, %arg15: memref<!tpu.dma_semaphore, #tpu.memory_space<semaphore_mem>>, %arg16: memref<!tpu.dma_semaphore, #tpu.memory_space<semaphore_mem>>, %arg17: memref<!tpu.dma_semaphore, #tpu.memory_space<semaphore_mem>>, %arg18: memref<!tpu.dma_semaphore, #tpu.memory_space<semaphore_mem>>, %arg19: memref<!tpu.dma_semaphore, #tpu.memory_space<semaphore_mem>>, %arg20: memref<!tpu.dma_semaphore, #tpu.memory_space<semaphore_mem>>, %arg21: memref<!tpu.dma_semaphore, #tpu.memory_space<semaphore_mem>>) attributes {dimension_semantics = [#tpu.dimension_semantics<core_parallel>, #tpu.dimension_semantics<subcore_parallel>], iteration_bounds = array<i64: 2, 16>, scalar_prefetch = 0 : i64, scratch_operands = 17 : i64, tpu.core_type = #tpu.core_type<sc_vector_subcore>, window_params = [{transform_indices = #map}, {transform_indices = #map1}, {transform_indices = #map}]} {
    %mul3A = arith.constant 2 : i32
    %mul3A_0 = arith.muli %arg1, %mul3A : i32
    %add3A = arith.addi %mul3A_0, %arg0 : i32
    %mul3A_1 = arith.constant 78 : i32
    %mul3A_2 = arith.muli %add3A, %mul3A_1 : i32
    %min3A = arith.constant 4 : i32
    %min3A_3 = arith.minsi %add3A, %min3A : i32
    %add3A_4 = arith.addi %mul3A_2, %min3A_3 : i32
    %lt3A = arith.constant 4 : i32
    %lt3A_5 = arith.cmpi slt, %add3A, %lt3A : i32
    %jit3A = arith.constant 79 : i32
    %jit3A_6 = arith.constant 78 : i32
    %select_n3A = arith.select %lt3A_5, %jit3A, %jit3A_6 : i32
    %broadcast_in_dim3A = arith.constant 0.000000e+00 : f32
    %broadcast_in_dim3A_7 = vector.broadcast %broadcast_in_dim3A : f32 to vector<16xf32>
    %scan3A = arith.constant 0 : i32
    %scan3A_8 = arith.constant 0 : i32
    %scan3A_9 = arith.constant 128 : i32
    %scan3A_10 = arith.addi %scan3A_8, %scan3A_9 : i32
    %scan3A_11 = arith.constant 1 : i32
    %scan3A_12 = scf.for %scan3A_133 = %scan3A_8 to %scan3A_10 step %scan3A_11 iter_args(%scan3A_134 = %scan3A) -> (i32)  : i32 {
      %swap3A = arith.index_cast %scan3A_133 : i32 to index
      %swap3A_135 = arith.constant 0 : index
      %swap3A_136 = tpu.vector_load %arg8[%swap3A, %swap3A_135] {strides = array<i32>} : memref<128x64xf32, #tpu.memory_space<vmem>>, vector<1x16xf32>,
      %swap3A_137 = vector.shape_cast %swap3A_136 : vector<1x16xf32> to vector<16xf32>
      %swap3A_138 = vector.shape_cast %broadcast_in_dim3A_7 : vector<16xf32> to vector<1x16xf32>
      tpu.vector_store %arg8[%swap3A, %swap3A_135], %swap3A_138 {strides = array<i32>} : memref<128x64xf32, #tpu.memory_space<vmem>>, vector<1x16xf32>,
      %swap3A_139 = arith.index_cast %scan3A_133 : i32 to index
      %swap3A_140 = arith.constant 16 : index
      %swap3A_141 = tpu.vector_load %arg8[%swap3A_139, %swap3A_140] {strides = array<i32>} : memref<128x64xf32, #tpu.memory_space<vmem>>, vector<1x16xf32>,
      %swap3A_142 = vector.shape_cast %swap3A_141 : vector<1x16xf32> to vector<16xf32>
      %swap3A_143 = vector.shape_cast %broadcast_in_dim3A_7 : vector<16xf32> to vector<1x16xf32>
      tpu.vector_store %arg8[%swap3A_139, %swap3A_140], %swap3A_143 {strides = array<i32>} : memref<128x64xf32, #tpu.memory_space<vmem>>, vector<1x16xf32>,
      %swap3A_144 = arith.index_cast %scan3A_133 : i32 to index
      %swap3A_145 = arith.constant 32 : index
      %swap3A_146 = tpu.vector_load %arg8[%swap3A_144, %swap3A_145] {strides = array<i32>} : memref<128x64xf32, #tpu.memory_space<vmem>>, vector<1x16xf32>,
      %swap3A_147 = vector.shape_cast %swap3A_146 : vector<1x16xf32> to vector<16xf32>
      %swap3A_148 = vector.shape_cast %broadcast_in_dim3A_7 : vector<16xf32> to vector<1x16xf32>
      tpu.vector_store %arg8[%swap3A_144, %swap3A_145], %swap3A_148 {strides = array<i32>} : memref<128x64xf32, #tpu.memory_space<vmem>>, vector<1x16xf32>,
      %swap3A_149 = arith.index_cast %scan3A_133 : i32 to index
      %swap3A_150 = arith.constant 48 : index
      %swap3A_151 = tpu.vector_load %arg8[%swap3A_149, %swap3A_150] {strides = array<i32>} : memref<128x64xf32, #tpu.memory_space<vmem>>, vector<1x16xf32>,
      %swap3A_152 = vector.shape_cast %swap3A_151 : vector<1x16xf32> to vector<16xf32>
      %swap3A_153 = vector.shape_cast %broadcast_in_dim3A_7 : vector<16xf32> to vector<1x16xf32>
      tpu.vector_store %arg8[%swap3A_149, %swap3A_150], %swap3A_153 {strides = array<i32>} : memref<128x64xf32, #tpu.memory_space<vmem>>, vector<1x16xf32>,
      %scan3A_154 = arith.constant 0 : i32
      scf.yield %scan3A_154 : i32
    }
    %scan3A_13 = arith.constant 128 : i32
    %mul3A_14 = arith.constant 640 : i32
    %mul3A_15 = arith.muli %arg1, %mul3A_14 : i32
    %add3A_16 = arith.constant 0 : i32
    %add3A_17 = arith.addi %mul3A_15, %add3A_16 : i32
    "tpu.region"() ({
      %run_scoped3A_133 = tpu.sem_alloc : memref<!tpu.dma_semaphore, #tpu.memory_space<semaphore_mem>>
      %dma_start3A_134 = arith.constant 0 : i32
      %dma_start3A_135 = tpu.memref_slice %arg9[%add3A_17, %dma_start3A_134] : memref<10240x64xf32, #tpu.memory_space<vmem_shared>> -> memref<128x64xf32, #tpu.memory_space<vmem_shared>>
      %dma_start3A_136 = arith.constant 0 : i32
      %dma_start3A_137 = tpu.memref_slice %arg9[%add3A_17, %dma_start3A_136] : memref<10240x64xf32, #tpu.memory_space<vmem_shared>> -> memref<128x64xf32, #tpu.memory_space<vmem_shared>>
      tpu.enqueue_dma source(%arg8 : memref<128x64xf32, #tpu.memory_space<vmem>>) target(%dma_start3A_137 : memref<128x64xf32, #tpu.memory_space<vmem_shared>>) target_semaphore(%run_scoped3A_133 : memref<!tpu.dma_semaphore, #tpu.memory_space<semaphore_mem>>)
      %dma_wait3A_138 = arith.constant 0 : i32
      %dma_wait3A_139 = tpu.memref_slice %arg9[%add3A_17, %dma_wait3A_138] : memref<10240x64xf32, #tpu.memory_space<vmem_shared>> -> memref<128x64xf32, #tpu.memory_space<vmem_shared>>
      %dma_wait3A_140 = arith.constant 0 : i32
      %dma_wait3A_141 = tpu.memref_slice %arg9[%add3A_17, %dma_wait3A_140] : memref<10240x64xf32, #tpu.memory_space<vmem_shared>> -> memref<128x64xf32, #tpu.memory_space<vmem_shared>>
      tpu.wait_dma2 semaphore(%run_scoped3A_133 : memref<!tpu.dma_semaphore, #tpu.memory_space<semaphore_mem>>) src(%arg8 : memref<128x64xf32, #tpu.memory_space<vmem>>) dst(%dma_wait3A_141 : memref<128x64xf32, #tpu.memory_space<vmem_shared>>)
      tpu.yield
    }) : () -> ()
    %mul3A_18 = arith.constant 640 : i32
    %mul3A_19 = arith.muli %arg1, %mul3A_18 : i32
    %add3A_20 = arith.constant 128 : i32
    %add3A_21 = arith.addi %mul3A_19, %add3A_20 : i32
    "tpu.region"() ({
      %run_scoped3A_133 = tpu.sem_alloc : memref<!tpu.dma_semaphore, #tpu.memory_space<semaphore_mem>>
      %dma_start3A_134 = arith.constant 0 : i32
      %dma_start3A_135 = tpu.memref_slice %arg9[%add3A_21, %dma_start3A_134] : memref<10240x64xf32, #tpu.memory_space<vmem_shared>> -> memref<128x64xf32, #tpu.memory_space<vmem_shared>>
      %dma_start3A_136 = arith.constant 0 : i32
      %dma_start3A_137 = tpu.memref_slice %arg9[%add3A_21, %dma_start3A_136] : memref<10240x64xf32, #tpu.memory_space<vmem_shared>> -> memref<128x64xf32, #tpu.memory_space<vmem_shared>>
      tpu.enqueue_dma source(%arg8 : memref<128x64xf32, #tpu.memory_space<vmem>>) target(%dma_start3A_137 : memref<128x64xf32, #tpu.memory_space<vmem_shared>>) target_semaphore(%run_scoped3A_133 : memref<!tpu.dma_semaphore, #tpu.memory_space<semaphore_mem>>)
      %dma_wait3A_138 = arith.constant 0 : i32
      %dma_wait3A_139 = tpu.memref_slice %arg9[%add3A_21, %dma_wait3A_138] : memref<10240x64xf32, #tpu.memory_space<vmem_shared>> -> memref<128x64xf32, #tpu.memory_space<vmem_shared>>
      %dma_wait3A_140 = arith.constant 0 : i32
      %dma_wait3A_141 = tpu.memref_slice %arg9[%add3A_21, %dma_wait3A_140] : memref<10240x64xf32, #tpu.memory_space<vmem_shared>> -> memref<128x64xf32, #tpu.memory_space<vmem_shared>>
      tpu.wait_dma2 semaphore(%run_scoped3A_133 : memref<!tpu.dma_semaphore, #tpu.memory_space<semaphore_mem>>) src(%arg8 : memref<128x64xf32, #tpu.memory_space<vmem>>) dst(%dma_wait3A_141 : memref<128x64xf32, #tpu.memory_space<vmem_shared>>)
      tpu.yield
    }) : () -> ()
    %mul3A_22 = arith.constant 640 : i32
    %mul3A_23 = arith.muli %arg1, %mul3A_22 : i32
    %add3A_24 = arith.constant 256 : i32
    %add3A_25 = arith.addi %mul3A_23, %add3A_24 : i32
    "tpu.region"() ({
      %run_scoped3A_133 = tpu.sem_alloc : memref<!tpu.dma_semaphore, #tpu.memory_space<semaphore_mem>>
      %dma_start3A_134 = arith.constant 0 : i32
      %dma_start3A_135 = tpu.memref_slice %arg9[%add3A_25, %dma_start3A_134] : memref<10240x64xf32, #tpu.memory_space<vmem_shared>> -> memref<128x64xf32, #tpu.memory_space<vmem_shared>>
      %dma_start3A_136 = arith.constant 0 : i32
      %dma_start3A_137 = tpu.memref_slice %arg9[%add3A_25, %dma_start3A_136] : memref<10240x64xf32, #tpu.memory_space<vmem_shared>> -> memref<128x64xf32, #tpu.memory_space<vmem_shared>>
      tpu.enqueue_dma source(%arg8 : memref<128x64xf32, #tpu.memory_space<vmem>>) target(%dma_start3A_137 : memref<128x64xf32, #tpu.memory_space<vmem_shared>>) target_semaphore(%run_scoped3A_133 : memref<!tpu.dma_semaphore, #tpu.memory_space<semaphore_mem>>)
      %dma_wait3A_138 = arith.constant 0 : i32
      %dma_wait3A_139 = tpu.memref_slice %arg9[%add3A_25, %dma_wait3A_138] : memref<10240x64xf32, #tpu.memory_space<vmem_shared>> -> memref<128x64xf32, #tpu.memory_space<vmem_shared>>
      %dma_wait3A_140 = arith.constant 0 : i32
      %dma_wait3A_141 = tpu.memref_slice %arg9[%add3A_25, %dma_wait3A_140] : memref<10240x64xf32, #tpu.memory_space<vmem_shared>> -> memref<128x64xf32, #tpu.memory_space<vmem_shared>>
      tpu.wait_dma2 semaphore(%run_scoped3A_133 : memref<!tpu.dma_semaphore, #tpu.memory_space<semaphore_mem>>) src(%arg8 : memref<128x64xf32, #tpu.memory_space<vmem>>) dst(%dma_wait3A_141 : memref<128x64xf32, #tpu.memory_space<vmem_shared>>)
      tpu.yield
    }) : () -> ()
    %mul3A_26 = arith.constant 640 : i32
    %mul3A_27 = arith.muli %arg1, %mul3A_26 : i32
    %add3A_28 = arith.constant 384 : i32
    %add3A_29 = arith.addi %mul3A_27, %add3A_28 : i32
    "tpu.region"() ({
      %run_scoped3A_133 = tpu.sem_alloc : memref<!tpu.dma_semaphore, #tpu.memory_space<semaphore_mem>>
      %dma_start3A_134 = arith.constant 0 : i32
      %dma_start3A_135 = tpu.memref_slice %arg9[%add3A_29, %dma_start3A_134] : memref<10240x64xf32, #tpu.memory_space<vmem_shared>> -> memref<128x64xf32, #tpu.memory_space<vmem_shared>>
      %dma_start3A_136 = arith.constant 0 : i32
      %dma_start3A_137 = tpu.memref_slice %arg9[%add3A_29, %dma_start3A_136] : memref<10240x64xf32, #tpu.memory_space<vmem_shared>> -> memref<128x64xf32, #tpu.memory_space<vmem_shared>>
      tpu.enqueue_dma source(%arg8 : memref<128x64xf32, #tpu.memory_space<vmem>>) target(%dma_start3A_137 : memref<128x64xf32, #tpu.memory_space<vmem_shared>>) target_semaphore(%run_scoped3A_133 : memref<!tpu.dma_semaphore, #tpu.memory_space<semaphore_mem>>)
      %dma_wait3A_138 = arith.constant 0 : i32
      %dma_wait3A_139 = tpu.memref_slice %arg9[%add3A_29, %dma_wait3A_138] : memref<10240x64xf32, #tpu.memory_space<vmem_shared>> -> memref<128x64xf32, #tpu.memory_space<vmem_shared>>
      %dma_wait3A_140 = arith.constant 0 : i32
      %dma_wait3A_141 = tpu.memref_slice %arg9[%add3A_29, %dma_wait3A_140] : memref<10240x64xf32, #tpu.memory_space<vmem_shared>> -> memref<128x64xf32, #tpu.memory_space<vmem_shared>>
      tpu.wait_dma2 semaphore(%run_scoped3A_133 : memref<!tpu.dma_semaphore, #tpu.memory_space<semaphore_mem>>) src(%arg8 : memref<128x64xf32, #tpu.memory_space<vmem>>) dst(%dma_wait3A_141 : memref<128x64xf32, #tpu.memory_space<vmem_shared>>)
      tpu.yield
    }) : () -> ()
    %mul3A_30 = arith.constant 640 : i32
    %mul3A_31 = arith.muli %arg1, %mul3A_30 : i32
    %add3A_32 = arith.constant 512 : i32
    %add3A_33 = arith.addi %mul3A_31, %add3A_32 : i32
    "tpu.region"() ({
      %run_scoped3A_133 = tpu.sem_alloc : memref<!tpu.dma_semaphore, #tpu.memory_space<semaphore_mem>>
      %dma_start3A_134 = arith.constant 0 : i32
      %dma_start3A_135 = tpu.memref_slice %arg9[%add3A_33, %dma_start3A_134] : memref<10240x64xf32, #tpu.memory_space<vmem_shared>> -> memref<128x64xf32, #tpu.memory_space<vmem_shared>>
      %dma_start3A_136 = arith.constant 0 : i32
      %dma_start3A_137 = tpu.memref_slice %arg9[%add3A_33, %dma_start3A_136] : memref<10240x64xf32, #tpu.memory_space<vmem_shared>> -> memref<128x64xf32, #tpu.memory_space<vmem_shared>>
      tpu.enqueue_dma source(%arg8 : memref<128x64xf32, #tpu.memory_space<vmem>>) target(%dma_start3A_137 : memref<128x64xf32, #tpu.memory_space<vmem_shared>>) target_semaphore(%run_scoped3A_133 : memref<!tpu.dma_semaphore, #tpu.memory_space<semaphore_mem>>)
      %dma_wait3A_138 = arith.constant 0 : i32
      %dma_wait3A_139 = tpu.memref_slice %arg9[%add3A_33, %dma_wait3A_138] : memref<10240x64xf32, #tpu.memory_space<vmem_shared>> -> memref<128x64xf32, #tpu.memory_space<vmem_shared>>
      %dma_wait3A_140 = arith.constant 0 : i32
      %dma_wait3A_141 = tpu.memref_slice %arg9[%add3A_33, %dma_wait3A_140] : memref<10240x64xf32, #tpu.memory_space<vmem_shared>> -> memref<128x64xf32, #tpu.memory_space<vmem_shared>>
      tpu.wait_dma2 semaphore(%run_scoped3A_133 : memref<!tpu.dma_semaphore, #tpu.memory_space<semaphore_mem>>) src(%arg8 : memref<128x64xf32, #tpu.memory_space<vmem>>) dst(%dma_wait3A_141 : memref<128x64xf32, #tpu.memory_space<vmem_shared>>)
      tpu.yield
    }) : () -> ()
    %barrier3A = arith.constant 0 : index
    tpu.barrier barrier_id(%barrier3A)
    %run_scoped3A = arith.constant 0 : i32
    "tpu.region"() ({
      %run_scoped3A_133 = tpu.sem_alloc : memref<!tpu.dma_semaphore, #tpu.memory_space<semaphore_mem>>
      %dma_start3A_134 = arith.constant 0 : i32
      %dma_start3A_135 = arith.constant 0 : i32
      %dma_start3A_136 = tpu.memref_slice %arg5[%dma_start3A_134, %dma_start3A_135] : memref<79x128xi32, #tpu.memory_space<vmem>> -> memref<78x128xi32, #tpu.memory_space<vmem>>
      %dma_start3A_137 = arith.constant 0 : i32
      %dma_start3A_138 = tpu.memref_slice %arg2[%run_scoped3A, %add3A_4, %dma_start3A_137] : memref<2x2500x128xi32, #tpu.memory_space<hbm>> -> memref<1x78x128xi32, #tpu.memory_space<hbm>>
      %dma_start3A_139 = tpu.memref_squeeze %dma_start3A_138 : memref<1x78x128xi32, #tpu.memory_space<hbm>> -> memref<78x128xi32, #tpu.memory_space<hbm>>
      %dma_start3A_140 = arith.constant 0 : i32
      %dma_start3A_141 = arith.constant 0 : i32
      %dma_start3A_142 = tpu.memref_slice %arg5[%dma_start3A_140, %dma_start3A_141] : memref<79x128xi32, #tpu.memory_space<vmem>> -> memref<78x128xi32, #tpu.memory_space<vmem>>
      %dma_start3A_143 = arith.constant 0 : i32
      %dma_start3A_144 = tpu.memref_slice %arg2[%run_scoped3A, %add3A_4, %dma_start3A_143] : memref<2x2500x128xi32, #tpu.memory_space<hbm>> -> memref<1x78x128xi32, #tpu.memory_space<hbm>>
      %dma_start3A_145 = tpu.memref_squeeze %dma_start3A_144 : memref<1x78x128xi32, #tpu.memory_space<hbm>> -> memref<78x128xi32, #tpu.memory_space<hbm>>
      tpu.enqueue_dma source(%dma_start3A_145 : memref<78x128xi32, #tpu.memory_space<hbm>>) target(%dma_start3A_142 : memref<78x128xi32, #tpu.memory_space<vmem>>) target_semaphore(%run_scoped3A_133 : memref<!tpu.dma_semaphore, #tpu.memory_space<semaphore_mem>>)
      %dma_wait3A_146 = arith.constant 0 : i32
      %dma_wait3A_147 = arith.constant 0 : i32
      %dma_wait3A_148 = tpu.memref_slice %arg5[%dma_wait3A_146, %dma_wait3A_147] : memref<79x128xi32, #tpu.memory_space<vmem>> -> memref<78x128xi32, #tpu.memory_space<vmem>>
      %dma_wait3A_149 = arith.constant 0 : i32
      %dma_wait3A_150 = tpu.memref_slice %arg2[%run_scoped3A, %add3A_4, %dma_wait3A_149] : memref<2x2500x128xi32, #tpu.memory_space<hbm>> -> memref<1x78x128xi32, #tpu.memory_space<hbm>>
      %dma_wait3A_151 = tpu.memref_squeeze %dma_wait3A_150 : memref<1x78x128xi32, #tpu.memory_space<hbm>> -> memref<78x128xi32, #tpu.memory_space<hbm>>
      %dma_wait3A_152 = arith.constant 0 : i32
      %dma_wait3A_153 = arith.constant 0 : i32
      %dma_wait3A_154 = tpu.memref_slice %arg5[%dma_wait3A_152, %dma_wait3A_153] : memref<79x128xi32, #tpu.memory_space<vmem>> -> memref<78x128xi32, #tpu.memory_space<vmem>>
      %dma_wait3A_155 = arith.constant 0 : i32
      %dma_wait3A_156 = tpu.memref_slice %arg2[%run_scoped3A, %add3A_4, %dma_wait3A_155] : memref<2x2500x128xi32, #tpu.memory_space<hbm>> -> memref<1x78x128xi32, #tpu.memory_space<hbm>>
      %dma_wait3A_157 = tpu.memref_squeeze %dma_wait3A_156 : memref<1x78x128xi32, #tpu.memory_space<hbm>> -> memref<78x128xi32, #tpu.memory_space<hbm>>
      tpu.wait_dma2 semaphore(%run_scoped3A_133 : memref<!tpu.dma_semaphore, #tpu.memory_space<semaphore_mem>>) src(%dma_wait3A_157 : memref<78x128xi32, #tpu.memory_space<hbm>>) dst(%dma_wait3A_154 : memref<78x128xi32, #tpu.memory_space<vmem>>)
      tpu.yield
    }) : () -> ()
    %run_scoped3A_34 = arith.constant 1 : i32
    "tpu.region"() ({
      %run_scoped3A_133 = tpu.sem_alloc : memref<!tpu.dma_semaphore, #tpu.memory_space<semaphore_mem>>
      %dma_start3A_134 = arith.constant 0 : i32
      %dma_start3A_135 = arith.constant 0 : i32
      %dma_start3A_136 = tpu.memref_slice %arg6[%dma_start3A_134, %dma_start3A_135] : memref<79x128xi32, #tpu.memory_space<vmem>> -> memref<78x128xi32, #tpu.memory_space<vmem>>
      %dma_start3A_137 = arith.constant 0 : i32
      %dma_start3A_138 = tpu.memref_slice %arg2[%run_scoped3A_34, %add3A_4, %dma_start3A_137] : memref<2x2500x128xi32, #tpu.memory_space<hbm>> -> memref<1x78x128xi32, #tpu.memory_space<hbm>>
      %dma_start3A_139 = tpu.memref_squeeze %dma_start3A_138 : memref<1x78x128xi32, #tpu.memory_space<hbm>> -> memref<78x128xi32, #tpu.memory_space<hbm>>
      %dma_start3A_140 = arith.constant 0 : i32
      %dma_start3A_141 = arith.constant 0 : i32
      %dma_start3A_142 = tpu.memref_slice %arg6[%dma_start3A_140, %dma_start3A_141] : memref<79x128xi32, #tpu.memory_space<vmem>> -> memref<78x128xi32, #tpu.memory_space<vmem>>
      %dma_start3A_143 = arith.constant 0 : i32
      %dma_start3A_144 = tpu.memref_slice %arg2[%run_scoped3A_34, %add3A_4, %dma_start3A_143] : memref<2x2500x128xi32, #tpu.memory_space<hbm>> -> memref<1x78x128xi32, #tpu.memory_space<hbm>>
      %dma_start3A_145 = tpu.memref_squeeze %dma_start3A_144 : memref<1x78x128xi32, #tpu.memory_space<hbm>> -> memref<78x128xi32, #tpu.memory_space<hbm>>
      tpu.enqueue_dma source(%dma_start3A_145 : memref<78x128xi32, #tpu.memory_space<hbm>>) target(%dma_start3A_142 : memref<78x128xi32, #tpu.memory_space<vmem>>) target_semaphore(%run_scoped3A_133 : memref<!tpu.dma_semaphore, #tpu.memory_space<semaphore_mem>>)
      %dma_wait3A_146 = arith.constant 0 : i32
      %dma_wait3A_147 = arith.constant 0 : i32
      %dma_wait3A_148 = tpu.memref_slice %arg6[%dma_wait3A_146, %dma_wait3A_147] : memref<79x128xi32, #tpu.memory_space<vmem>> -> memref<78x128xi32, #tpu.memory_space<vmem>>
      %dma_wait3A_149 = arith.constant 0 : i32
      %dma_wait3A_150 = tpu.memref_slice %arg2[%run_scoped3A_34, %add3A_4, %dma_wait3A_149] : memref<2x2500x128xi32, #tpu.memory_space<hbm>> -> memref<1x78x128xi32, #tpu.memory_space<hbm>>
      %dma_wait3A_151 = tpu.memref_squeeze %dma_wait3A_150 : memref<1x78x128xi32, #tpu.memory_space<hbm>> -> memref<78x128xi32, #tpu.memory_space<hbm>>
      %dma_wait3A_152 = arith.constant 0 : i32
      %dma_wait3A_153 = arith.constant 0 : i32
      %dma_wait3A_154 = tpu.memref_slice %arg6[%dma_wait3A_152, %dma_wait3A_153] : memref<79x128xi32, #tpu.memory_space<vmem>> -> memref<78x128xi32, #tpu.memory_space<vmem>>
      %dma_wait3A_155 = arith.constant 0 : i32
      %dma_wait3A_156 = tpu.memref_slice %arg2[%run_scoped3A_34, %add3A_4, %dma_wait3A_155] : memref<2x2500x128xi32, #tpu.memory_space<hbm>> -> memref<1x78x128xi32, #tpu.memory_space<hbm>>
      %dma_wait3A_157 = tpu.memref_squeeze %dma_wait3A_156 : memref<1x78x128xi32, #tpu.memory_space<hbm>> -> memref<78x128xi32, #tpu.memory_space<hbm>>
      tpu.wait_dma2 semaphore(%run_scoped3A_133 : memref<!tpu.dma_semaphore, #tpu.memory_space<semaphore_mem>>) src(%dma_wait3A_157 : memref<78x128xi32, #tpu.memory_space<hbm>>) dst(%dma_wait3A_154 : memref<78x128xi32, #tpu.memory_space<vmem>>)
      tpu.yield
    }) : () -> ()
    %convert_element_type3A = arith.extui %lt3A_5 : i1 to i32
    %cond3A = arith.constant 0 : i32
    %cond3A_35 = arith.cmpi ne, %convert_element_type3A, %cond3A : i32
    scf.if %cond3A_35 {
      %add3A_133 = arith.constant 78 : i32
      %add3A_134 = arith.addi %add3A_4, %add3A_133 : i32
      %run_scoped3A_135 = arith.constant 0 : i32
      "tpu.region"() ({
        %run_scoped3A_139 = tpu.sem_alloc : memref<!tpu.dma_semaphore, #tpu.memory_space<semaphore_mem>>
        %dma_start3A_140 = arith.constant 78 : i32
        %dma_start3A_141 = arith.constant 0 : i32
        %dma_start3A_142 = tpu.memref_slice %arg5[%dma_start3A_140, %dma_start3A_141] : memref<79x128xi32, #tpu.memory_space<vmem>> -> memref<1x128xi32, #tpu.memory_space<vmem>>
        %dma_start3A_143 = arith.constant 0 : i32
        %dma_start3A_144 = tpu.memref_slice %arg2[%run_scoped3A_135, %add3A_134, %dma_start3A_143] : memref<2x2500x128xi32, #tpu.memory_space<hbm>> -> memref<1x1x128xi32, #tpu.memory_space<hbm>>
        %dma_start3A_145 = tpu.memref_squeeze %dma_start3A_144 : memref<1x1x128xi32, #tpu.memory_space<hbm>> -> memref<1x128xi32, #tpu.memory_space<hbm>>
        %dma_start3A_146 = arith.constant 78 : i32
        %dma_start3A_147 = arith.constant 0 : i32
        %dma_start3A_148 = tpu.memref_slice %arg5[%dma_start3A_146, %dma_start3A_147] : memref<79x128xi32, #tpu.memory_space<vmem>> -> memref<1x128xi32, #tpu.memory_space<vmem>>
        %dma_start3A_149 = arith.constant 0 : i32
        %dma_start3A_150 = tpu.memref_slice %arg2[%run_scoped3A_135, %add3A_134, %dma_start3A_149] : memref<2x2500x128xi32, #tpu.memory_space<hbm>> -> memref<1x1x128xi32, #tpu.memory_space<hbm>>
        %dma_start3A_151 = tpu.memref_squeeze %dma_start3A_150 : memref<1x1x128xi32, #tpu.memory_space<hbm>> -> memref<1x128xi32, #tpu.memory_space<hbm>>
        tpu.enqueue_dma source(%dma_start3A_151 : memref<1x128xi32, #tpu.memory_space<hbm>>) target(%dma_start3A_148 : memref<1x128xi32, #tpu.memory_space<vmem>>) target_semaphore(%run_scoped3A_139 : memref<!tpu.dma_semaphore, #tpu.memory_space<semaphore_mem>>)
        %dma_wait3A_152 = arith.constant 78 : i32
        %dma_wait3A_153 = arith.constant 0 : i32
        %dma_wait3A_154 = tpu.memref_slice %arg5[%dma_wait3A_152, %dma_wait3A_153] : memref<79x128xi32, #tpu.memory_space<vmem>> -> memref<1x128xi32, #tpu.memory_space<vmem>>
        %dma_wait3A_155 = arith.constant 0 : i32
        %dma_wait3A_156 = tpu.memref_slice %arg2[%run_scoped3A_135, %add3A_134, %dma_wait3A_155] : memref<2x2500x128xi32, #tpu.memory_space<hbm>> -> memref<1x1x128xi32, #tpu.memory_space<hbm>>
        %dma_wait3A_157 = tpu.memref_squeeze %dma_wait3A_156 : memref<1x1x128xi32, #tpu.memory_space<hbm>> -> memref<1x128xi32, #tpu.memory_space<hbm>>
        %dma_wait3A_158 = arith.constant 78 : i32
        %dma_wait3A_159 = arith.constant 0 : i32
        %dma_wait3A_160 = tpu.memref_slice %arg5[%dma_wait3A_158, %dma_wait3A_159] : memref<79x128xi32, #tpu.memory_space<vmem>> -> memref<1x128xi32, #tpu.memory_space<vmem>>
        %dma_wait3A_161 = arith.constant 0 : i32
        %dma_wait3A_162 = tpu.memref_slice %arg2[%run_scoped3A_135, %add3A_134, %dma_wait3A_161] : memref<2x2500x128xi32, #tpu.memory_space<hbm>> -> memref<1x1x128xi32, #tpu.memory_space<hbm>>
        %dma_wait3A_163 = tpu.memref_squeeze %dma_wait3A_162 : memref<1x1x128xi32, #tpu.memory_space<hbm>> -> memref<1x128xi32, #tpu.memory_space<hbm>>
        tpu.wait_dma2 semaphore(%run_scoped3A_139 : memref<!tpu.dma_semaphore, #tpu.memory_space<semaphore_mem>>) src(%dma_wait3A_163 : memref<1x128xi32, #tpu.memory_space<hbm>>) dst(%dma_wait3A_160 : memref<1x128xi32, #tpu.memory_space<vmem>>)
        tpu.yield
      }) : () -> ()
      %add3A_136 = arith.constant 78 : i32
      %add3A_137 = arith.addi %add3A_4, %add3A_136 : i32
      %run_scoped3A_138 = arith.constant 1 : i32
      "tpu.region"() ({
        %run_scoped3A_139 = tpu.sem_alloc : memref<!tpu.dma_semaphore, #tpu.memory_space<semaphore_mem>>
        %dma_start3A_140 = arith.constant 78 : i32
        %dma_start3A_141 = arith.constant 0 : i32
        %dma_start3A_142 = tpu.memref_slice %arg6[%dma_start3A_140, %dma_start3A_141] : memref<79x128xi32, #tpu.memory_space<vmem>> -> memref<1x128xi32, #tpu.memory_space<vmem>>
        %dma_start3A_143 = arith.constant 0 : i32
        %dma_start3A_144 = tpu.memref_slice %arg2[%run_scoped3A_138, %add3A_137, %dma_start3A_143] : memref<2x2500x128xi32, #tpu.memory_space<hbm>> -> memref<1x1x128xi32, #tpu.memory_space<hbm>>
        %dma_start3A_145 = tpu.memref_squeeze %dma_start3A_144 : memref<1x1x128xi32, #tpu.memory_space<hbm>> -> memref<1x128xi32, #tpu.memory_space<hbm>>
        %dma_start3A_146 = arith.constant 78 : i32
        %dma_start3A_147 = arith.constant 0 : i32
        %dma_start3A_148 = tpu.memref_slice %arg6[%dma_start3A_146, %dma_start3A_147] : memref<79x128xi32, #tpu.memory_space<vmem>> -> memref<1x128xi32, #tpu.memory_space<vmem>>
        %dma_start3A_149 = arith.constant 0 : i32
        %dma_start3A_150 = tpu.memref_slice %arg2[%run_scoped3A_138, %add3A_137, %dma_start3A_149] : memref<2x2500x128xi32, #tpu.memory_space<hbm>> -> memref<1x1x128xi32, #tpu.memory_space<hbm>>
        %dma_start3A_151 = tpu.memref_squeeze %dma_start3A_150 : memref<1x1x128xi32, #tpu.memory_space<hbm>> -> memref<1x128xi32, #tpu.memory_space<hbm>>
        tpu.enqueue_dma source(%dma_start3A_151 : memref<1x128xi32, #tpu.memory_space<hbm>>) target(%dma_start3A_148 : memref<1x128xi32, #tpu.memory_space<vmem>>) target_semaphore(%run_scoped3A_139 : memref<!tpu.dma_semaphore, #tpu.memory_space<semaphore_mem>>)
        %dma_wait3A_152 = arith.constant 78 : i32
        %dma_wait3A_153 = arith.constant 0 : i32
        %dma_wait3A_154 = tpu.memref_slice %arg6[%dma_wait3A_152, %dma_wait3A_153] : memref<79x128xi32, #tpu.memory_space<vmem>> -> memref<1x128xi32, #tpu.memory_space<vmem>>
        %dma_wait3A_155 = arith.constant 0 : i32
        %dma_wait3A_156 = tpu.memref_slice %arg2[%run_scoped3A_138, %add3A_137, %dma_wait3A_155] : memref<2x2500x128xi32, #tpu.memory_space<hbm>> -> memref<1x1x128xi32, #tpu.memory_space<hbm>>
        %dma_wait3A_157 = tpu.memref_squeeze %dma_wait3A_156 : memref<1x1x128xi32, #tpu.memory_space<hbm>> -> memref<1x128xi32, #tpu.memory_space<hbm>>
        %dma_wait3A_158 = arith.constant 78 : i32
        %dma_wait3A_159 = arith.constant 0 : i32
        %dma_wait3A_160 = tpu.memref_slice %arg6[%dma_wait3A_158, %dma_wait3A_159] : memref<79x128xi32, #tpu.memory_space<vmem>> -> memref<1x128xi32, #tpu.memory_space<vmem>>
        %dma_wait3A_161 = arith.constant 0 : i32
        %dma_wait3A_162 = tpu.memref_slice %arg2[%run_scoped3A_138, %add3A_137, %dma_wait3A_161] : memref<2x2500x128xi32, #tpu.memory_space<hbm>> -> memref<1x1x128xi32, #tpu.memory_space<hbm>>
        %dma_wait3A_163 = tpu.memref_squeeze %dma_wait3A_162 : memref<1x1x128xi32, #tpu.memory_space<hbm>> -> memref<1x128xi32, #tpu.memory_space<hbm>>
        tpu.wait_dma2 semaphore(%run_scoped3A_139 : memref<!tpu.dma_semaphore, #tpu.memory_space<semaphore_mem>>) src(%dma_wait3A_163 : memref<1x128xi32, #tpu.memory_space<hbm>>) dst(%dma_wait3A_160 : memref<1x128xi32, #tpu.memory_space<vmem>>)
        tpu.yield
      }) : () -> ()
    } else {
    }
    %dma_start3A = arith.constant 0 : i32
    %dma_start3A_36 = arith.constant 0 : i32
    %dma_start3A_37 = arith.constant 0 : i32
    %dma_start3A_38 = arith.constant 0 : i32
    %dma_start3A_39 = tpu.memref_slice %arg7[%dma_start3A_36, %dma_start3A_37, %dma_start3A_38] : memref<6x128x64xf32, #tpu.memory_space<vmem>> -> memref<1x128x64xf32, #tpu.memory_space<vmem>>
    %dma_start3A_40 = tpu.memref_squeeze %dma_start3A_39 : memref<1x128x64xf32, #tpu.memory_space<vmem>> -> memref<128x64xf32, #tpu.memory_space<vmem>>
    %dma_start3A_41 = arith.constant 0 : i32
    %dma_start3A_42 = tpu.memref_slice %arg5[%dma_start3A, %dma_start3A_41] : memref<79x128xi32, #tpu.memory_space<vmem>> -> memref<1x128xi32, #tpu.memory_space<vmem>>
    %dma_start3A_43 = tpu.memref_squeeze %dma_start3A_42 : memref<1x128xi32, #tpu.memory_space<vmem>> -> memref<128xi32, #tpu.memory_space<vmem>>
    %dma_start3A_44 = arith.constant 0 : i32
    %dma_start3A_45 = arith.constant 0 : i32
    %dma_start3A_46 = tpu.memref_slice %arg3[%dma_start3A_44, %dma_start3A_45] : memref<10240x64xf32, #tpu.memory_space<hbm>> -> memref<10240x64xf32, #tpu.memory_space<hbm>>
    tpu.enqueue_indirect_dma source(%dma_start3A_46 : memref<10240x64xf32, #tpu.memory_space<hbm>>) target(%dma_start3A_40 : memref<128x64xf32, #tpu.memory_space<vmem>>) offsets(%dma_start3A_43 : memref<128xi32, #tpu.memory_space<vmem>>) semaphore(%arg10 : memref<!tpu.dma_semaphore, #tpu.memory_space<semaphore_mem>>)
    %dma_start3A_47 = arith.constant 1 : i32
    %dma_start3A_48 = arith.constant 1 : i32
    %dma_start3A_49 = arith.constant 0 : i32
    %dma_start3A_50 = arith.constant 0 : i32
    %dma_start3A_51 = tpu.memref_slice %arg7[%dma_start3A_48, %dma_start3A_49, %dma_start3A_50] : memref<6x128x64xf32, #tpu.memory_space<vmem>> -> memref<1x128x64xf32, #tpu.memory_space<vmem>>
    %dma_start3A_52 = tpu.memref_squeeze %dma_start3A_51 : memref<1x128x64xf32, #tpu.memory_space<vmem>> -> memref<128x64xf32, #tpu.memory_space<vmem>>
    %dma_start3A_53 = arith.constant 0 : i32
    %dma_start3A_54 = tpu.memref_slice %arg5[%dma_start3A_47, %dma_start3A_53] : memref<79x128xi32, #tpu.memory_space<vmem>> -> memref<1x128xi32, #tpu.memory_space<vmem>>
    %dma_start3A_55 = tpu.memref_squeeze %dma_start3A_54 : memref<1x128xi32, #tpu.memory_space<vmem>> -> memref<128xi32, #tpu.memory_space<vmem>>
    %dma_start3A_56 = arith.constant 0 : i32
    %dma_start3A_57 = arith.constant 0 : i32
    %dma_start3A_58 = tpu.memref_slice %arg3[%dma_start3A_56, %dma_start3A_57] : memref<10240x64xf32, #tpu.memory_space<hbm>> -> memref<10240x64xf32, #tpu.memory_space<hbm>>
    tpu.enqueue_indirect_dma source(%dma_start3A_58 : memref<10240x64xf32, #tpu.memory_space<hbm>>) target(%dma_start3A_52 : memref<128x64xf32, #tpu.memory_space<vmem>>) offsets(%dma_start3A_55 : memref<128xi32, #tpu.memory_space<vmem>>) semaphore(%arg11 : memref<!tpu.dma_semaphore, #tpu.memory_space<semaphore_mem>>)
    %dma_start3A_59 = arith.constant 2 : i32
    %dma_start3A_60 = arith.constant 2 : i32
    %dma_start3A_61 = arith.constant 0 : i32
    %dma_start3A_62 = arith.constant 0 : i32
    %dma_start3A_63 = tpu.memref_slice %arg7[%dma_start3A_60, %dma_start3A_61, %dma_start3A_62] : memref<6x128x64xf32, #tpu.memory_space<vmem>> -> memref<1x128x64xf32, #tpu.memory_space<vmem>>
    %dma_start3A_64 = tpu.memref_squeeze %dma_start3A_63 : memref<1x128x64xf32, #tpu.memory_space<vmem>> -> memref<128x64xf32, #tpu.memory_space<vmem>>
    %dma_start3A_65 = arith.constant 0 : i32
    %dma_start3A_66 = tpu.memref_slice %arg5[%dma_start3A_59, %dma_start3A_65] : memref<79x128xi32, #tpu.memory_space<vmem>> -> memref<1x128xi32, #tpu.memory_space<vmem>>
    %dma_start3A_67 = tpu.memref_squeeze %dma_start3A_66 : memref<1x128xi32, #tpu.memory_space<vmem>> -> memref<128xi32, #tpu.memory_space<vmem>>
    %dma_start3A_68 = arith.constant 0 : i32
    %dma_start3A_69 = arith.constant 0 : i32
    %dma_start3A_70 = tpu.memref_slice %arg3[%dma_start3A_68, %dma_start3A_69] : memref<10240x64xf32, #tpu.memory_space<hbm>> -> memref<10240x64xf32, #tpu.memory_space<hbm>>
    tpu.enqueue_indirect_dma source(%dma_start3A_70 : memref<10240x64xf32, #tpu.memory_space<hbm>>) target(%dma_start3A_64 : memref<128x64xf32, #tpu.memory_space<vmem>>) offsets(%dma_start3A_67 : memref<128xi32, #tpu.memory_space<vmem>>) semaphore(%arg12 : memref<!tpu.dma_semaphore, #tpu.memory_space<semaphore_mem>>)
    %dma_start3A_71 = arith.constant 3 : i32
    %dma_start3A_72 = arith.constant 3 : i32
    %dma_start3A_73 = arith.constant 0 : i32
    %dma_start3A_74 = arith.constant 0 : i32
    %dma_start3A_75 = tpu.memref_slice %arg7[%dma_start3A_72, %dma_start3A_73, %dma_start3A_74] : memref<6x128x64xf32, #tpu.memory_space<vmem>> -> memref<1x128x64xf32, #tpu.memory_space<vmem>>
    %dma_start3A_76 = tpu.memref_squeeze %dma_start3A_75 : memref<1x128x64xf32, #tpu.memory_space<vmem>> -> memref<128x64xf32, #tpu.memory_space<vmem>>
    %dma_start3A_77 = arith.constant 0 : i32
    %dma_start3A_78 = tpu.memref_slice %arg5[%dma_start3A_71, %dma_start3A_77] : memref<79x128xi32, #tpu.memory_space<vmem>> -> memref<1x128xi32, #tpu.memory_space<vmem>>
    %dma_start3A_79 = tpu.memref_squeeze %dma_start3A_78 : memref<1x128xi32, #tpu.memory_space<vmem>> -> memref<128xi32, #tpu.memory_space<vmem>>
    %dma_start3A_80 = arith.constant 0 : i32
    %dma_start3A_81 = arith.constant 0 : i32
    %dma_start3A_82 = tpu.memref_slice %arg3[%dma_start3A_80, %dma_start3A_81] : memref<10240x64xf32, #tpu.memory_space<hbm>> -> memref<10240x64xf32, #tpu.memory_space<hbm>>
    tpu.enqueue_indirect_dma source(%dma_start3A_82 : memref<10240x64xf32, #tpu.memory_space<hbm>>) target(%dma_start3A_76 : memref<128x64xf32, #tpu.memory_space<vmem>>) offsets(%dma_start3A_79 : memref<128xi32, #tpu.memory_space<vmem>>) semaphore(%arg13 : memref<!tpu.dma_semaphore, #tpu.memory_space<semaphore_mem>>)
    %dma_start3A_83 = arith.constant 4 : i32
    %dma_start3A_84 = arith.constant 4 : i32
    %dma_start3A_85 = arith.constant 0 : i32
    %dma_start3A_86 = arith.constant 0 : i32
    %dma_start3A_87 = tpu.memref_slice %arg7[%dma_start3A_84, %dma_start3A_85, %dma_start3A_86] : memref<6x128x64xf32, #tpu.memory_space<vmem>> -> memref<1x128x64xf32, #tpu.memory_space<vmem>>
    %dma_start3A_88 = tpu.memref_squeeze %dma_start3A_87 : memref<1x128x64xf32, #tpu.memory_space<vmem>> -> memref<128x64xf32, #tpu.memory_space<vmem>>
    %dma_start3A_89 = arith.constant 0 : i32
    %dma_start3A_90 = tpu.memref_slice %arg5[%dma_start3A_83, %dma_start3A_89] : memref<79x128xi32, #tpu.memory_space<vmem>> -> memref<1x128xi32, #tpu.memory_space<vmem>>
    %dma_start3A_91 = tpu.memref_squeeze %dma_start3A_90 : memref<1x128xi32, #tpu.memory_space<vmem>> -> memref<128xi32, #tpu.memory_space<vmem>>
    %dma_start3A_92 = arith.constant 0 : i32
    %dma_start3A_93 = arith.constant 0 : i32
    %dma_start3A_94 = tpu.memref_slice %arg3[%dma_start3A_92, %dma_start3A_93] : memref<10240x64xf32, #tpu.memory_space<hbm>> -> memref<10240x64xf32, #tpu.memory_space<hbm>>
    tpu.enqueue_indirect_dma source(%dma_start3A_94 : memref<10240x64xf32, #tpu.memory_space<hbm>>) target(%dma_start3A_88 : memref<128x64xf32, #tpu.memory_space<vmem>>) offsets(%dma_start3A_91 : memref<128xi32, #tpu.memory_space<vmem>>) semaphore(%arg14 : memref<!tpu.dma_semaphore, #tpu.memory_space<semaphore_mem>>)
    %dma_start3A_95 = arith.constant 5 : i32
    %dma_start3A_96 = arith.constant 5 : i32
    %dma_start3A_97 = arith.constant 0 : i32
    %dma_start3A_98 = arith.constant 0 : i32
    %dma_start3A_99 = tpu.memref_slice %arg7[%dma_start3A_96, %dma_start3A_97, %dma_start3A_98] : memref<6x128x64xf32, #tpu.memory_space<vmem>> -> memref<1x128x64xf32, #tpu.memory_space<vmem>>
    %dma_start3A_100 = tpu.memref_squeeze %dma_start3A_99 : memref<1x128x64xf32, #tpu.memory_space<vmem>> -> memref<128x64xf32, #tpu.memory_space<vmem>>
    %dma_start3A_101 = arith.constant 0 : i32
    %dma_start3A_102 = tpu.memref_slice %arg5[%dma_start3A_95, %dma_start3A_101] : memref<79x128xi32, #tpu.memory_space<vmem>> -> memref<1x128xi32, #tpu.memory_space<vmem>>
    %dma_start3A_103 = tpu.memref_squeeze %dma_start3A_102 : memref<1x128xi32, #tpu.memory_space<vmem>> -> memref<128xi32, #tpu.memory_space<vmem>>
    %dma_start3A_104 = arith.constant 0 : i32
    %dma_start3A_105 = arith.constant 0 : i32
    %dma_start3A_106 = tpu.memref_slice %arg3[%dma_start3A_104, %dma_start3A_105] : memref<10240x64xf32, #tpu.memory_space<hbm>> -> memref<10240x64xf32, #tpu.memory_space<hbm>>
    tpu.enqueue_indirect_dma source(%dma_start3A_106 : memref<10240x64xf32, #tpu.memory_space<hbm>>) target(%dma_start3A_100 : memref<128x64xf32, #tpu.memory_space<vmem>>) offsets(%dma_start3A_103 : memref<128xi32, #tpu.memory_space<vmem>>) semaphore(%arg15 : memref<!tpu.dma_semaphore, #tpu.memory_space<semaphore_mem>>)
    %scan3A_107 = arith.constant 0 : i32
    %scan3A_108 = arith.constant 0 : i32
    %scan3A_109 = arith.constant 13 : i32
    %scan3A_110 = arith.addi %scan3A_108, %scan3A_109 : i32
    %scan3A_111 = arith.constant 1 : i32
    %scan3A_112 = scf.for %scan3A_133 = %scan3A_108 to %scan3A_110 step %scan3A_111 iter_args(%scan3A_134 = %scan3A_107) -> (i32)  : i32 {
      %mul3A_135 = arith.constant 6 : i32
      %mul3A_136 = arith.muli %scan3A_133, %mul3A_135 : i32
      %add3A_137 = arith.constant 0 : i32
      %add3A_138 = arith.addi %mul3A_136, %add3A_137 : i32
      %dma_wait3A_139 = arith.constant 0 : i32
      %dma_wait3A_140 = arith.constant 0 : i32
      %dma_wait3A_141 = arith.constant 0 : i32
      %dma_wait3A_142 = tpu.memref_slice %arg7[%dma_wait3A_139, %dma_wait3A_140, %dma_wait3A_141] : memref<6x128x64xf32, #tpu.memory_space<vmem>> -> memref<1x128x64xf32, #tpu.memory_space<vmem>>
      %dma_wait3A_143 = tpu.memref_squeeze %dma_wait3A_142 : memref<1x128x64xf32, #tpu.memory_space<vmem>> -> memref<128x64xf32, #tpu.memory_space<vmem>>
      %dma_wait3A_144 = arith.constant 0 : i32
      %dma_wait3A_145 = tpu.memref_slice %arg5[%add3A_138, %dma_wait3A_144] : memref<79x128xi32, #tpu.memory_space<vmem>> -> memref<1x128xi32, #tpu.memory_space<vmem>>
      %dma_wait3A_146 = tpu.memref_squeeze %dma_wait3A_145 : memref<1x128xi32, #tpu.memory_space<vmem>> -> memref<128xi32, #tpu.memory_space<vmem>>
      %dma_wait3A_147 = arith.constant 0 : i32
      %dma_wait3A_148 = arith.constant 0 : i32
      %dma_wait3A_149 = tpu.memref_slice %arg3[%dma_wait3A_147, %dma_wait3A_148] : memref<10240x64xf32, #tpu.memory_space<hbm>> -> memref<10240x64xf32, #tpu.memory_space<hbm>>
      tpu.wait_indirect_dma semaphore(%arg10 : memref<!tpu.dma_semaphore, #tpu.memory_space<semaphore_mem>>) src(%dma_wait3A_149 : memref<10240x64xf32, #tpu.memory_space<hbm>>) dst(%dma_wait3A_143 : memref<128x64xf32, #tpu.memory_space<vmem>>)
      %dma_start3A_150 = arith.constant 0 : i32
      %dma_start3A_151 = arith.constant 0 : i32
      %dma_start3A_152 = arith.constant 0 : i32
      %dma_start3A_153 = tpu.memref_slice %arg7[%dma_start3A_150, %dma_start3A_151, %dma_start3A_152] : memref<6x128x64xf32, #tpu.memory_space<vmem>> -> memref<1x128x64xf32, #tpu.memory_space<vmem>>
      %dma_start3A_154 = tpu.memref_squeeze %dma_start3A_153 : memref<1x128x64xf32, #tpu.memory_space<vmem>> -> memref<128x64xf32, #tpu.memory_space<vmem>>
      %dma_start3A_155 = arith.constant 0 : i32
      %dma_start3A_156 = tpu.memref_slice %arg6[%add3A_138, %dma_start3A_155] : memref<79x128xi32, #tpu.memory_space<vmem>> -> memref<1x128xi32, #tpu.memory_space<vmem>>
      %dma_start3A_157 = tpu.memref_squeeze %dma_start3A_156 : memref<1x128xi32, #tpu.memory_space<vmem>> -> memref<128xi32, #tpu.memory_space<vmem>>
      %dma_start3A_158 = arith.constant 0 : i32
      %dma_start3A_159 = arith.constant 0 : i32
      %dma_start3A_160 = tpu.memref_slice %arg9[%dma_start3A_158, %dma_start3A_159] : memref<10240x64xf32, #tpu.memory_space<vmem_shared>> -> memref<10240x64xf32, #tpu.memory_space<vmem_shared>>
      tpu.enqueue_indirect_dma source(%dma_start3A_154 : memref<128x64xf32, #tpu.memory_space<vmem>>) target(%dma_start3A_160 : memref<10240x64xf32, #tpu.memory_space<vmem_shared>>) offsets(%dma_start3A_157 : memref<128xi32, #tpu.memory_space<vmem>>) semaphore(%arg16 : memref<!tpu.dma_semaphore, #tpu.memory_space<semaphore_mem>>) {add = true}
      %ge3A = arith.constant 1 : i32
      %ge3A_161 = arith.cmpi sge, %add3A_138, %ge3A : i32
      %convert_element_type3A_162 = arith.extui %ge3A_161 : i1 to i32
      %cond3A_163 = arith.constant 0 : i32
      %cond3A_164 = arith.cmpi ne, %convert_element_type3A_162, %cond3A_163 : i32
      scf.if %cond3A_164 {
        %sub3A_385 = arith.constant 1 : i32
        %sub3A_386 = arith.subi %add3A_138, %sub3A_385 : i32
        %dma_wait3A_387 = arith.constant 5 : i32
        %dma_wait3A_388 = arith.constant 0 : i32
        %dma_wait3A_389 = arith.constant 0 : i32
        %dma_wait3A_390 = tpu.memref_slice %arg7[%dma_wait3A_387, %dma_wait3A_388, %dma_wait3A_389] : memref<6x128x64xf32, #tpu.memory_space<vmem>> -> memref<1x128x64xf32, #tpu.memory_space<vmem>>
        %dma_wait3A_391 = tpu.memref_squeeze %dma_wait3A_390 : memref<1x128x64xf32, #tpu.memory_space<vmem>> -> memref<128x64xf32, #tpu.memory_space<vmem>>
        %dma_wait3A_392 = arith.constant 0 : i32
        %dma_wait3A_393 = tpu.memref_slice %arg6[%sub3A_386, %dma_wait3A_392] : memref<79x128xi32, #tpu.memory_space<vmem>> -> memref<1x128xi32, #tpu.memory_space<vmem>>
        %dma_wait3A_394 = tpu.memref_squeeze %dma_wait3A_393 : memref<1x128xi32, #tpu.memory_space<vmem>> -> memref<128xi32, #tpu.memory_space<vmem>>
        %dma_wait3A_395 = arith.constant 0 : i32
        %dma_wait3A_396 = arith.constant 0 : i32
        %dma_wait3A_397 = tpu.memref_slice %arg9[%dma_wait3A_395, %dma_wait3A_396] : memref<10240x64xf32, #tpu.memory_space<vmem_shared>> -> memref<10240x64xf32, #tpu.memory_space<vmem_shared>>
        tpu.wait_indirect_dma semaphore(%arg21 : memref<!tpu.dma_semaphore, #tpu.memory_space<semaphore_mem>>) src(%dma_wait3A_391 : memref<128x64xf32, #tpu.memory_space<vmem>>) dst(%dma_wait3A_397 : memref<10240x64xf32, #tpu.memory_space<vmem_shared>>)
      } else {
      }
      %ge3A_165 = arith.constant 1 : i32
      %ge3A_166 = arith.cmpi sge, %add3A_138, %ge3A_165 : i32
      %sub3A = arith.constant 1 : i32
      %sub3A_167 = arith.subi %add3A_138, %sub3A : i32
      %add3A_168 = arith.constant 6 : i32
      %add3A_169 = arith.addi %sub3A_167, %add3A_168 : i32
      %lt3A_170 = arith.cmpi slt, %add3A_169, %select_n3A : i32
      %and3A = arith.andi %ge3A_166, %lt3A_170 : i1
      %convert_element_type3A_171 = arith.extui %and3A : i1 to i32
      %cond3A_172 = arith.constant 0 : i32
      %cond3A_173 = arith.cmpi ne, %convert_element_type3A_171, %cond3A_172 : i32
      scf.if %cond3A_173 {
        %sub3A_385 = arith.constant 1 : i32
        %sub3A_386 = arith.subi %add3A_138, %sub3A_385 : i32
        %add3A_387 = arith.constant 6 : i32
        %add3A_388 = arith.addi %sub3A_386, %add3A_387 : i32
        %dma_start3A_389 = arith.constant 5 : i32
        %dma_start3A_390 = arith.constant 0 : i32
        %dma_start3A_391 = arith.constant 0 : i32
        %dma_start3A_392 = tpu.memref_slice %arg7[%dma_start3A_389, %dma_start3A_390, %dma_start3A_391] : memref<6x128x64xf32, #tpu.memory_space<vmem>> -> memref<1x128x64xf32, #tpu.memory_space<vmem>>
        %dma_start3A_393 = tpu.memref_squeeze %dma_start3A_392 : memref<1x128x64xf32, #tpu.memory_space<vmem>> -> memref<128x64xf32, #tpu.memory_space<vmem>>
        %dma_start3A_394 = arith.constant 0 : i32
        %dma_start3A_395 = tpu.memref_slice %arg5[%add3A_388, %dma_start3A_394] : memref<79x128xi32, #tpu.memory_space<vmem>> -> memref<1x128xi32, #tpu.memory_space<vmem>>
        %dma_start3A_396 = tpu.memref_squeeze %dma_start3A_395 : memref<1x128xi32, #tpu.memory_space<vmem>> -> memref<128xi32, #tpu.memory_space<vmem>>
        %dma_start3A_397 = arith.constant 0 : i32
        %dma_start3A_398 = arith.constant 0 : i32
        %dma_start3A_399 = tpu.memref_slice %arg3[%dma_start3A_397, %dma_start3A_398] : memref<10240x64xf32, #tpu.memory_space<hbm>> -> memref<10240x64xf32, #tpu.memory_space<hbm>>
        tpu.enqueue_indirect_dma source(%dma_start3A_399 : memref<10240x64xf32, #tpu.memory_space<hbm>>) target(%dma_start3A_393 : memref<128x64xf32, #tpu.memory_space<vmem>>) offsets(%dma_start3A_396 : memref<128xi32, #tpu.memory_space<vmem>>) semaphore(%arg15 : memref<!tpu.dma_semaphore, #tpu.memory_space<semaphore_mem>>)
      } else {
      }
      %mul3A_174 = arith.constant 6 : i32
      %mul3A_175 = arith.muli %scan3A_133, %mul3A_174 : i32
      %add3A_176 = arith.constant 1 : i32
      %add3A_177 = arith.addi %mul3A_175, %add3A_176 : i32
      %dma_wait3A_178 = arith.constant 1 : i32
      %dma_wait3A_179 = arith.constant 0 : i32
      %dma_wait3A_180 = arith.constant 0 : i32
      %dma_wait3A_181 = tpu.memref_slice %arg7[%dma_wait3A_178, %dma_wait3A_179, %dma_wait3A_180] : memref<6x128x64xf32, #tpu.memory_space<vmem>> -> memref<1x128x64xf32, #tpu.memory_space<vmem>>
      %dma_wait3A_182 = tpu.memref_squeeze %dma_wait3A_181 : memref<1x128x64xf32, #tpu.memory_space<vmem>> -> memref<128x64xf32, #tpu.memory_space<vmem>>
      %dma_wait3A_183 = arith.constant 0 : i32
      %dma_wait3A_184 = tpu.memref_slice %arg5[%add3A_177, %dma_wait3A_183] : memref<79x128xi32, #tpu.memory_space<vmem>> -> memref<1x128xi32, #tpu.memory_space<vmem>>
      %dma_wait3A_185 = tpu.memref_squeeze %dma_wait3A_184 : memref<1x128xi32, #tpu.memory_space<vmem>> -> memref<128xi32, #tpu.memory_space<vmem>>
      %dma_wait3A_186 = arith.constant 0 : i32
      %dma_wait3A_187 = arith.constant 0 : i32
      %dma_wait3A_188 = tpu.memref_slice %arg3[%dma_wait3A_186, %dma_wait3A_187] : memref<10240x64xf32, #tpu.memory_space<hbm>> -> memref<10240x64xf32, #tpu.memory_space<hbm>>
      tpu.wait_indirect_dma semaphore(%arg11 : memref<!tpu.dma_semaphore, #tpu.memory_space<semaphore_mem>>) src(%dma_wait3A_188 : memref<10240x64xf32, #tpu.memory_space<hbm>>) dst(%dma_wait3A_182 : memref<128x64xf32, #tpu.memory_space<vmem>>)
      %dma_start3A_189 = arith.constant 1 : i32
      %dma_start3A_190 = arith.constant 0 : i32
      %dma_start3A_191 = arith.constant 0 : i32
      %dma_start3A_192 = tpu.memref_slice %arg7[%dma_start3A_189, %dma_start3A_190, %dma_start3A_191] : memref<6x128x64xf32, #tpu.memory_space<vmem>> -> memref<1x128x64xf32, #tpu.memory_space<vmem>>
      %dma_start3A_193 = tpu.memref_squeeze %dma_start3A_192 : memref<1x128x64xf32, #tpu.memory_space<vmem>> -> memref<128x64xf32, #tpu.memory_space<vmem>>
      %dma_start3A_194 = arith.constant 0 : i32
      %dma_start3A_195 = tpu.memref_slice %arg6[%add3A_177, %dma_start3A_194] : memref<79x128xi32, #tpu.memory_space<vmem>> -> memref<1x128xi32, #tpu.memory_space<vmem>>
      %dma_start3A_196 = tpu.memref_squeeze %dma_start3A_195 : memref<1x128xi32, #tpu.memory_space<vmem>> -> memref<128xi32, #tpu.memory_space<vmem>>
      %dma_start3A_197 = arith.constant 0 : i32
      %dma_start3A_198 = arith.constant 0 : i32
      %dma_start3A_199 = tpu.memref_slice %arg9[%dma_start3A_197, %dma_start3A_198] : memref<10240x64xf32, #tpu.memory_space<vmem_shared>> -> memref<10240x64xf32, #tpu.memory_space<vmem_shared>>
      tpu.enqueue_indirect_dma source(%dma_start3A_193 : memref<128x64xf32, #tpu.memory_space<vmem>>) target(%dma_start3A_199 : memref<10240x64xf32, #tpu.memory_space<vmem_shared>>) offsets(%dma_start3A_196 : memref<128xi32, #tpu.memory_space<vmem>>) semaphore(%arg17 : memref<!tpu.dma_semaphore, #tpu.memory_space<semaphore_mem>>) {add = true}
      %ge3A_200 = arith.constant 1 : i32
      %ge3A_201 = arith.cmpi sge, %add3A_177, %ge3A_200 : i32
      %convert_element_type3A_202 = arith.extui %ge3A_201 : i1 to i32
      %cond3A_203 = arith.constant 0 : i32
      %cond3A_204 = arith.cmpi ne, %convert_element_type3A_202, %cond3A_203 : i32
      scf.if %cond3A_204 {
        %sub3A_385 = arith.constant 1 : i32
        %sub3A_386 = arith.subi %add3A_177, %sub3A_385 : i32
        %dma_wait3A_387 = arith.constant 0 : i32
        %dma_wait3A_388 = arith.constant 0 : i32
        %dma_wait3A_389 = arith.constant 0 : i32
        %dma_wait3A_390 = tpu.memref_slice %arg7[%dma_wait3A_387, %dma_wait3A_388, %dma_wait3A_389] : memref<6x128x64xf32, #tpu.memory_space<vmem>> -> memref<1x128x64xf32, #tpu.memory_space<vmem>>
        %dma_wait3A_391 = tpu.memref_squeeze %dma_wait3A_390 : memref<1x128x64xf32, #tpu.memory_space<vmem>> -> memref<128x64xf32, #tpu.memory_space<vmem>>
        %dma_wait3A_392 = arith.constant 0 : i32
        %dma_wait3A_393 = tpu.memref_slice %arg6[%sub3A_386, %dma_wait3A_392] : memref<79x128xi32, #tpu.memory_space<vmem>> -> memref<1x128xi32, #tpu.memory_space<vmem>>
        %dma_wait3A_394 = tpu.memref_squeeze %dma_wait3A_393 : memref<1x128xi32, #tpu.memory_space<vmem>> -> memref<128xi32, #tpu.memory_space<vmem>>
        %dma_wait3A_395 = arith.constant 0 : i32
        %dma_wait3A_396 = arith.constant 0 : i32
        %dma_wait3A_397 = tpu.memref_slice %arg9[%dma_wait3A_395, %dma_wait3A_396] : memref<10240x64xf32, #tpu.memory_space<vmem_shared>> -> memref<10240x64xf32, #tpu.memory_space<vmem_shared>>
        tpu.wait_indirect_dma semaphore(%arg16 : memref<!tpu.dma_semaphore, #tpu.memory_space<semaphore_mem>>) src(%dma_wait3A_391 : memref<128x64xf32, #tpu.memory_space<vmem>>) dst(%dma_wait3A_397 : memref<10240x64xf32, #tpu.memory_space<vmem_shared>>)
      } else {
      }
      %ge3A_205 = arith.constant 1 : i32
      %ge3A_206 = arith.cmpi sge, %add3A_177, %ge3A_205 : i32
      %sub3A_207 = arith.constant 1 : i32
      %sub3A_208 = arith.subi %add3A_177, %sub3A_207 : i32
      %add3A_209 = arith.constant 6 : i32
      %add3A_210 = arith.addi %sub3A_208, %add3A_209 : i32
      %lt3A_211 = arith.cmpi slt, %add3A_210, %select_n3A : i32
      %and3A_212 = arith.andi %ge3A_206, %lt3A_211 : i1
      %convert_element_type3A_213 = arith.extui %and3A_212 : i1 to i32
      %cond3A_214 = arith.constant 0 : i32
      %cond3A_215 = arith.cmpi ne, %convert_element_type3A_213, %cond3A_214 : i32
      scf.if %cond3A_215 {
        %sub3A_385 = arith.constant 1 : i32
        %sub3A_386 = arith.subi %add3A_177, %sub3A_385 : i32
        %add3A_387 = arith.constant 6 : i32
        %add3A_388 = arith.addi %sub3A_386, %add3A_387 : i32
        %dma_start3A_389 = arith.constant 0 : i32
        %dma_start3A_390 = arith.constant 0 : i32
        %dma_start3A_391 = arith.constant 0 : i32
        %dma_start3A_392 = tpu.memref_slice %arg7[%dma_start3A_389, %dma_start3A_390, %dma_start3A_391] : memref<6x128x64xf32, #tpu.memory_space<vmem>> -> memref<1x128x64xf32, #tpu.memory_space<vmem>>
        %dma_start3A_393 = tpu.memref_squeeze %dma_start3A_392 : memref<1x128x64xf32, #tpu.memory_space<vmem>> -> memref<128x64xf32, #tpu.memory_space<vmem>>
        %dma_start3A_394 = arith.constant 0 : i32
        %dma_start3A_395 = tpu.memref_slice %arg5[%add3A_388, %dma_start3A_394] : memref<79x128xi32, #tpu.memory_space<vmem>> -> memref<1x128xi32, #tpu.memory_space<vmem>>
        %dma_start3A_396 = tpu.memref_squeeze %dma_start3A_395 : memref<1x128xi32, #tpu.memory_space<vmem>> -> memref<128xi32, #tpu.memory_space<vmem>>
        %dma_start3A_397 = arith.constant 0 : i32
        %dma_start3A_398 = arith.constant 0 : i32
        %dma_start3A_399 = tpu.memref_slice %arg3[%dma_start3A_397, %dma_start3A_398] : memref<10240x64xf32, #tpu.memory_space<hbm>> -> memref<10240x64xf32, #tpu.memory_space<hbm>>
        tpu.enqueue_indirect_dma source(%dma_start3A_399 : memref<10240x64xf32, #tpu.memory_space<hbm>>) target(%dma_start3A_393 : memref<128x64xf32, #tpu.memory_space<vmem>>) offsets(%dma_start3A_396 : memref<128xi32, #tpu.memory_space<vmem>>) semaphore(%arg10 : memref<!tpu.dma_semaphore, #tpu.memory_space<semaphore_mem>>)
      } else {
      }
      %mul3A_216 = arith.constant 6 : i32
      %mul3A_217 = arith.muli %scan3A_133, %mul3A_216 : i32
      %add3A_218 = arith.constant 2 : i32
      %add3A_219 = arith.addi %mul3A_217, %add3A_218 : i32
      %dma_wait3A_220 = arith.constant 2 : i32
      %dma_wait3A_221 = arith.constant 0 : i32
      %dma_wait3A_222 = arith.constant 0 : i32
      %dma_wait3A_223 = tpu.memref_slice %arg7[%dma_wait3A_220, %dma_wait3A_221, %dma_wait3A_222] : memref<6x128x64xf32, #tpu.memory_space<vmem>> -> memref<1x128x64xf32, #tpu.memory_space<vmem>>
      %dma_wait3A_224 = tpu.memref_squeeze %dma_wait3A_223 : memref<1x128x64xf32, #tpu.memory_space<vmem>> -> memref<128x64xf32, #tpu.memory_space<vmem>>
      %dma_wait3A_225 = arith.constant 0 : i32
      %dma_wait3A_226 = tpu.memref_slice %arg5[%add3A_219, %dma_wait3A_225] : memref<79x128xi32, #tpu.memory_space<vmem>> -> memref<1x128xi32, #tpu.memory_space<vmem>>
      %dma_wait3A_227 = tpu.memref_squeeze %dma_wait3A_226 : memref<1x128xi32, #tpu.memory_space<vmem>> -> memref<128xi32, #tpu.memory_space<vmem>>
      %dma_wait3A_228 = arith.constant 0 : i32
      %dma_wait3A_229 = arith.constant 0 : i32
      %dma_wait3A_230 = tpu.memref_slice %arg3[%dma_wait3A_228, %dma_wait3A_229] : memref<10240x64xf32, #tpu.memory_space<hbm>> -> memref<10240x64xf32, #tpu.memory_space<hbm>>
      tpu.wait_indirect_dma semaphore(%arg12 : memref<!tpu.dma_semaphore, #tpu.memory_space<semaphore_mem>>) src(%dma_wait3A_230 : memref<10240x64xf32, #tpu.memory_space<hbm>>) dst(%dma_wait3A_224 : memref<128x64xf32, #tpu.memory_space<vmem>>)
      %dma_start3A_231 = arith.constant 2 : i32
      %dma_start3A_232 = arith.constant 0 : i32
      %dma_start3A_233 = arith.constant 0 : i32
      %dma_start3A_234 = tpu.memref_slice %arg7[%dma_start3A_231, %dma_start3A_232, %dma_start3A_233] : memref<6x128x64xf32, #tpu.memory_space<vmem>> -> memref<1x128x64xf32, #tpu.memory_space<vmem>>
      %dma_start3A_235 = tpu.memref_squeeze %dma_start3A_234 : memref<1x128x64xf32, #tpu.memory_space<vmem>> -> memref<128x64xf32, #tpu.memory_space<vmem>>
      %dma_start3A_236 = arith.constant 0 : i32
      %dma_start3A_237 = tpu.memref_slice %arg6[%add3A_219, %dma_start3A_236] : memref<79x128xi32, #tpu.memory_space<vmem>> -> memref<1x128xi32, #tpu.memory_space<vmem>>
      %dma_start3A_238 = tpu.memref_squeeze %dma_start3A_237 : memref<1x128xi32, #tpu.memory_space<vmem>> -> memref<128xi32, #tpu.memory_space<vmem>>
      %dma_start3A_239 = arith.constant 0 : i32
      %dma_start3A_240 = arith.constant 0 : i32
      %dma_start3A_241 = tpu.memref_slice %arg9[%dma_start3A_239, %dma_start3A_240] : memref<10240x64xf32, #tpu.memory_space<vmem_shared>> -> memref<10240x64xf32, #tpu.memory_space<vmem_shared>>
      tpu.enqueue_indirect_dma source(%dma_start3A_235 : memref<128x64xf32, #tpu.memory_space<vmem>>) target(%dma_start3A_241 : memref<10240x64xf32, #tpu.memory_space<vmem_shared>>) offsets(%dma_start3A_238 : memref<128xi32, #tpu.memory_space<vmem>>) semaphore(%arg18 : memref<!tpu.dma_semaphore, #tpu.memory_space<semaphore_mem>>) {add = true}
      %ge3A_242 = arith.constant 1 : i32
      %ge3A_243 = arith.cmpi sge, %add3A_219, %ge3A_242 : i32
      %convert_element_type3A_244 = arith.extui %ge3A_243 : i1 to i32
      %cond3A_245 = arith.constant 0 : i32
      %cond3A_246 = arith.cmpi ne, %convert_element_type3A_244, %cond3A_245 : i32
      scf.if %cond3A_246 {
        %sub3A_385 = arith.constant 1 : i32
        %sub3A_386 = arith.subi %add3A_219, %sub3A_385 : i32
        %dma_wait3A_387 = arith.constant 1 : i32
        %dma_wait3A_388 = arith.constant 0 : i32
        %dma_wait3A_389 = arith.constant 0 : i32
        %dma_wait3A_390 = tpu.memref_slice %arg7[%dma_wait3A_387, %dma_wait3A_388, %dma_wait3A_389] : memref<6x128x64xf32, #tpu.memory_space<vmem>> -> memref<1x128x64xf32, #tpu.memory_space<vmem>>
        %dma_wait3A_391 = tpu.memref_squeeze %dma_wait3A_390 : memref<1x128x64xf32, #tpu.memory_space<vmem>> -> memref<128x64xf32, #tpu.memory_space<vmem>>
        %dma_wait3A_392 = arith.constant 0 : i32
        %dma_wait3A_393 = tpu.memref_slice %arg6[%sub3A_386, %dma_wait3A_392] : memref<79x128xi32, #tpu.memory_space<vmem>> -> memref<1x128xi32, #tpu.memory_space<vmem>>
        %dma_wait3A_394 = tpu.memref_squeeze %dma_wait3A_393 : memref<1x128xi32, #tpu.memory_space<vmem>> -> memref<128xi32, #tpu.memory_space<vmem>>
        %dma_wait3A_395 = arith.constant 0 : i32
        %dma_wait3A_396 = arith.constant 0 : i32
        %dma_wait3A_397 = tpu.memref_slice %arg9[%dma_wait3A_395, %dma_wait3A_396] : memref<10240x64xf32, #tpu.memory_space<vmem_shared>> -> memref<10240x64xf32, #tpu.memory_space<vmem_shared>>
        tpu.wait_indirect_dma semaphore(%arg17 : memref<!tpu.dma_semaphore, #tpu.memory_space<semaphore_mem>>) src(%dma_wait3A_391 : memref<128x64xf32, #tpu.memory_space<vmem>>) dst(%dma_wait3A_397 : memref<10240x64xf32, #tpu.memory_space<vmem_shared>>)
      } else {
      }
      %ge3A_247 = arith.constant 1 : i32
      %ge3A_248 = arith.cmpi sge, %add3A_219, %ge3A_247 : i32
      %sub3A_249 = arith.constant 1 : i32
      %sub3A_250 = arith.subi %add3A_219, %sub3A_249 : i32
      %add3A_251 = arith.constant 6 : i32
      %add3A_252 = arith.addi %sub3A_250, %add3A_251 : i32
      %lt3A_253 = arith.cmpi slt, %add3A_252, %select_n3A : i32
      %and3A_254 = arith.andi %ge3A_248, %lt3A_253 : i1
      %convert_element_type3A_255 = arith.extui %and3A_254 : i1 to i32
      %cond3A_256 = arith.constant 0 : i32
      %cond3A_257 = arith.cmpi ne, %convert_element_type3A_255, %cond3A_256 : i32
      scf.if %cond3A_257 {
        %sub3A_385 = arith.constant 1 : i32
        %sub3A_386 = arith.subi %add3A_219, %sub3A_385 : i32
        %add3A_387 = arith.constant 6 : i32
        %add3A_388 = arith.addi %sub3A_386, %add3A_387 : i32
        %dma_start3A_389 = arith.constant 1 : i32
        %dma_start3A_390 = arith.constant 0 : i32
        %dma_start3A_391 = arith.constant 0 : i32
        %dma_start3A_392 = tpu.memref_slice %arg7[%dma_start3A_389, %dma_start3A_390, %dma_start3A_391] : memref<6x128x64xf32, #tpu.memory_space<vmem>> -> memref<1x128x64xf32, #tpu.memory_space<vmem>>
        %dma_start3A_393 = tpu.memref_squeeze %dma_start3A_392 : memref<1x128x64xf32, #tpu.memory_space<vmem>> -> memref<128x64xf32, #tpu.memory_space<vmem>>
        %dma_start3A_394 = arith.constant 0 : i32
        %dma_start3A_395 = tpu.memref_slice %arg5[%add3A_388, %dma_start3A_394] : memref<79x128xi32, #tpu.memory_space<vmem>> -> memref<1x128xi32, #tpu.memory_space<vmem>>
        %dma_start3A_396 = tpu.memref_squeeze %dma_start3A_395 : memref<1x128xi32, #tpu.memory_space<vmem>> -> memref<128xi32, #tpu.memory_space<vmem>>
        %dma_start3A_397 = arith.constant 0 : i32
        %dma_start3A_398 = arith.constant 0 : i32
        %dma_start3A_399 = tpu.memref_slice %arg3[%dma_start3A_397, %dma_start3A_398] : memref<10240x64xf32, #tpu.memory_space<hbm>> -> memref<10240x64xf32, #tpu.memory_space<hbm>>
        tpu.enqueue_indirect_dma source(%dma_start3A_399 : memref<10240x64xf32, #tpu.memory_space<hbm>>) target(%dma_start3A_393 : memref<128x64xf32, #tpu.memory_space<vmem>>) offsets(%dma_start3A_396 : memref<128xi32, #tpu.memory_space<vmem>>) semaphore(%arg11 : memref<!tpu.dma_semaphore, #tpu.memory_space<semaphore_mem>>)
      } else {
      }
      %mul3A_258 = arith.constant 6 : i32
      %mul3A_259 = arith.muli %scan3A_133, %mul3A_258 : i32
      %add3A_260 = arith.constant 3 : i32
      %add3A_261 = arith.addi %mul3A_259, %add3A_260 : i32
      %dma_wait3A_262 = arith.constant 3 : i32
      %dma_wait3A_263 = arith.constant 0 : i32
      %dma_wait3A_264 = arith.constant 0 : i32
      %dma_wait3A_265 = tpu.memref_slice %arg7[%dma_wait3A_262, %dma_wait3A_263, %dma_wait3A_264] : memref<6x128x64xf32, #tpu.memory_space<vmem>> -> memref<1x128x64xf32, #tpu.memory_space<vmem>>
      %dma_wait3A_266 = tpu.memref_squeeze %dma_wait3A_265 : memref<1x128x64xf32, #tpu.memory_space<vmem>> -> memref<128x64xf32, #tpu.memory_space<vmem>>
      %dma_wait3A_267 = arith.constant 0 : i32
      %dma_wait3A_268 = tpu.memref_slice %arg5[%add3A_261, %dma_wait3A_267] : memref<79x128xi32, #tpu.memory_space<vmem>> -> memref<1x128xi32, #tpu.memory_space<vmem>>
      %dma_wait3A_269 = tpu.memref_squeeze %dma_wait3A_268 : memref<1x128xi32, #tpu.memory_space<vmem>> -> memref<128xi32, #tpu.memory_space<vmem>>
      %dma_wait3A_270 = arith.constant 0 : i32
      %dma_wait3A_271 = arith.constant 0 : i32
      %dma_wait3A_272 = tpu.memref_slice %arg3[%dma_wait3A_270, %dma_wait3A_271] : memref<10240x64xf32, #tpu.memory_space<hbm>> -> memref<10240x64xf32, #tpu.memory_space<hbm>>
      tpu.wait_indirect_dma semaphore(%arg13 : memref<!tpu.dma_semaphore, #tpu.memory_space<semaphore_mem>>) src(%dma_wait3A_272 : memref<10240x64xf32, #tpu.memory_space<hbm>>) dst(%dma_wait3A_266 : memref<128x64xf32, #tpu.memory_space<vmem>>)
      %dma_start3A_273 = arith.constant 3 : i32
      %dma_start3A_274 = arith.constant 0 : i32
      %dma_start3A_275 = arith.constant 0 : i32
      %dma_start3A_276 = tpu.memref_slice %arg7[%dma_start3A_273, %dma_start3A_274, %dma_start3A_275] : memref<6x128x64xf32, #tpu.memory_space<vmem>> -> memref<1x128x64xf32, #tpu.memory_space<vmem>>
      %dma_start3A_277 = tpu.memref_squeeze %dma_start3A_276 : memref<1x128x64xf32, #tpu.memory_space<vmem>> -> memref<128x64xf32, #tpu.memory_space<vmem>>
      %dma_start3A_278 = arith.constant 0 : i32
      %dma_start3A_279 = tpu.memref_slice %arg6[%add3A_261, %dma_start3A_278] : memref<79x128xi32, #tpu.memory_space<vmem>> -> memref<1x128xi32, #tpu.memory_space<vmem>>
      %dma_start3A_280 = tpu.memref_squeeze %dma_start3A_279 : memref<1x128xi32, #tpu.memory_space<vmem>> -> memref<128xi32, #tpu.memory_space<vmem>>
      %dma_start3A_281 = arith.constant 0 : i32
      %dma_start3A_282 = arith.constant 0 : i32
      %dma_start3A_283 = tpu.memref_slice %arg9[%dma_start3A_281, %dma_start3A_282] : memref<10240x64xf32, #tpu.memory_space<vmem_shared>> -> memref<10240x64xf32, #tpu.memory_space<vmem_shared>>
      tpu.enqueue_indirect_dma source(%dma_start3A_277 : memref<128x64xf32, #tpu.memory_space<vmem>>) target(%dma_start3A_283 : memref<10240x64xf32, #tpu.memory_space<vmem_shared>>) offsets(%dma_start3A_280 : memref<128xi32, #tpu.memory_space<vmem>>) semaphore(%arg19 : memref<!tpu.dma_semaphore, #tpu.memory_space<semaphore_mem>>) {add = true}
      %ge3A_284 = arith.constant 1 : i32
      %ge3A_285 = arith.cmpi sge, %add3A_261, %ge3A_284 : i32
      %convert_element_type3A_286 = arith.extui %ge3A_285 : i1 to i32
      %cond3A_287 = arith.constant 0 : i32
      %cond3A_288 = arith.cmpi ne, %convert_element_type3A_286, %cond3A_287 : i32
      scf.if %cond3A_288 {
        %sub3A_385 = arith.constant 1 : i32
        %sub3A_386 = arith.subi %add3A_261, %sub3A_385 : i32
        %dma_wait3A_387 = arith.constant 2 : i32
        %dma_wait3A_388 = arith.constant 0 : i32
        %dma_wait3A_389 = arith.constant 0 : i32
        %dma_wait3A_390 = tpu.memref_slice %arg7[%dma_wait3A_387, %dma_wait3A_388, %dma_wait3A_389] : memref<6x128x64xf32, #tpu.memory_space<vmem>> -> memref<1x128x64xf32, #tpu.memory_space<vmem>>
        %dma_wait3A_391 = tpu.memref_squeeze %dma_wait3A_390 : memref<1x128x64xf32, #tpu.memory_space<vmem>> -> memref<128x64xf32, #tpu.memory_space<vmem>>
        %dma_wait3A_392 = arith.constant 0 : i32
        %dma_wait3A_393 = tpu.memref_slice %arg6[%sub3A_386, %dma_wait3A_392] : memref<79x128xi32, #tpu.memory_space<vmem>> -> memref<1x128xi32, #tpu.memory_space<vmem>>
        %dma_wait3A_394 = tpu.memref_squeeze %dma_wait3A_393 : memref<1x128xi32, #tpu.memory_space<vmem>> -> memref<128xi32, #tpu.memory_space<vmem>>
        %dma_wait3A_395 = arith.constant 0 : i32
        %dma_wait3A_396 = arith.constant 0 : i32
        %dma_wait3A_397 = tpu.memref_slice %arg9[%dma_wait3A_395, %dma_wait3A_396] : memref<10240x64xf32, #tpu.memory_space<vmem_shared>> -> memref<10240x64xf32, #tpu.memory_space<vmem_shared>>
        tpu.wait_indirect_dma semaphore(%arg18 : memref<!tpu.dma_semaphore, #tpu.memory_space<semaphore_mem>>) src(%dma_wait3A_391 : memref<128x64xf32, #tpu.memory_space<vmem>>) dst(%dma_wait3A_397 : memref<10240x64xf32, #tpu.memory_space<vmem_shared>>)
      } else {
      }
      %ge3A_289 = arith.constant 1 : i32
      %ge3A_290 = arith.cmpi sge, %add3A_261, %ge3A_289 : i32
      %sub3A_291 = arith.constant 1 : i32
      %sub3A_292 = arith.subi %add3A_261, %sub3A_291 : i32
      %add3A_293 = arith.constant 6 : i32
      %add3A_294 = arith.addi %sub3A_292, %add3A_293 : i32
      %lt3A_295 = arith.cmpi slt, %add3A_294, %select_n3A : i32
      %and3A_296 = arith.andi %ge3A_290, %lt3A_295 : i1
      %convert_element_type3A_297 = arith.extui %and3A_296 : i1 to i32
      %cond3A_298 = arith.constant 0 : i32
      %cond3A_299 = arith.cmpi ne, %convert_element_type3A_297, %cond3A_298 : i32
      scf.if %cond3A_299 {
        %sub3A_385 = arith.constant 1 : i32
        %sub3A_386 = arith.subi %add3A_261, %sub3A_385 : i32
        %add3A_387 = arith.constant 6 : i32
        %add3A_388 = arith.addi %sub3A_386, %add3A_387 : i32
        %dma_start3A_389 = arith.constant 2 : i32
        %dma_start3A_390 = arith.constant 0 : i32
        %dma_start3A_391 = arith.constant 0 : i32
        %dma_start3A_392 = tpu.memref_slice %arg7[%dma_start3A_389, %dma_start3A_390, %dma_start3A_391] : memref<6x128x64xf32, #tpu.memory_space<vmem>> -> memref<1x128x64xf32, #tpu.memory_space<vmem>>
        %dma_start3A_393 = tpu.memref_squeeze %dma_start3A_392 : memref<1x128x64xf32, #tpu.memory_space<vmem>> -> memref<128x64xf32, #tpu.memory_space<vmem>>
        %dma_start3A_394 = arith.constant 0 : i32
        %dma_start3A_395 = tpu.memref_slice %arg5[%add3A_388, %dma_start3A_394] : memref<79x128xi32, #tpu.memory_space<vmem>> -> memref<1x128xi32, #tpu.memory_space<vmem>>
        %dma_start3A_396 = tpu.memref_squeeze %dma_start3A_395 : memref<1x128xi32, #tpu.memory_space<vmem>> -> memref<128xi32, #tpu.memory_space<vmem>>
        %dma_start3A_397 = arith.constant 0 : i32
        %dma_start3A_398 = arith.constant 0 : i32
        %dma_start3A_399 = tpu.memref_slice %arg3[%dma_start3A_397, %dma_start3A_398] : memref<10240x64xf32, #tpu.memory_space<hbm>> -> memref<10240x64xf32, #tpu.memory_space<hbm>>
        tpu.enqueue_indirect_dma source(%dma_start3A_399 : memref<10240x64xf32, #tpu.memory_space<hbm>>) target(%dma_start3A_393 : memref<128x64xf32, #tpu.memory_space<vmem>>) offsets(%dma_start3A_396 : memref<128xi32, #tpu.memory_space<vmem>>) semaphore(%arg12 : memref<!tpu.dma_semaphore, #tpu.memory_space<semaphore_mem>>)
      } else {
      }
      %mul3A_300 = arith.constant 6 : i32
      %mul3A_301 = arith.muli %scan3A_133, %mul3A_300 : i32
      %add3A_302 = arith.constant 4 : i32
      %add3A_303 = arith.addi %mul3A_301, %add3A_302 : i32
      %dma_wait3A_304 = arith.constant 4 : i32
      %dma_wait3A_305 = arith.constant 0 : i32
      %dma_wait3A_306 = arith.constant 0 : i32
      %dma_wait3A_307 = tpu.memref_slice %arg7[%dma_wait3A_304, %dma_wait3A_305, %dma_wait3A_306] : memref<6x128x64xf32, #tpu.memory_space<vmem>> -> memref<1x128x64xf32, #tpu.memory_space<vmem>>
      %dma_wait3A_308 = tpu.memref_squeeze %dma_wait3A_307 : memref<1x128x64xf32, #tpu.memory_space<vmem>> -> memref<128x64xf32, #tpu.memory_space<vmem>>
      %dma_wait3A_309 = arith.constant 0 : i32
      %dma_wait3A_310 = tpu.memref_slice %arg5[%add3A_303, %dma_wait3A_309] : memref<79x128xi32, #tpu.memory_space<vmem>> -> memref<1x128xi32, #tpu.memory_space<vmem>>
      %dma_wait3A_311 = tpu.memref_squeeze %dma_wait3A_310 : memref<1x128xi32, #tpu.memory_space<vmem>> -> memref<128xi32, #tpu.memory_space<vmem>>
      %dma_wait3A_312 = arith.constant 0 : i32
      %dma_wait3A_313 = arith.constant 0 : i32
      %dma_wait3A_314 = tpu.memref_slice %arg3[%dma_wait3A_312, %dma_wait3A_313] : memref<10240x64xf32, #tpu.memory_space<hbm>> -> memref<10240x64xf32, #tpu.memory_space<hbm>>
      tpu.wait_indirect_dma semaphore(%arg14 : memref<!tpu.dma_semaphore, #tpu.memory_space<semaphore_mem>>) src(%dma_wait3A_314 : memref<10240x64xf32, #tpu.memory_space<hbm>>) dst(%dma_wait3A_308 : memref<128x64xf32, #tpu.memory_space<vmem>>)
      %dma_start3A_315 = arith.constant 4 : i32
      %dma_start3A_316 = arith.constant 0 : i32
      %dma_start3A_317 = arith.constant 0 : i32
      %dma_start3A_318 = tpu.memref_slice %arg7[%dma_start3A_315, %dma_start3A_316, %dma_start3A_317] : memref<6x128x64xf32, #tpu.memory_space<vmem>> -> memref<1x128x64xf32, #tpu.memory_space<vmem>>
      %dma_start3A_319 = tpu.memref_squeeze %dma_start3A_318 : memref<1x128x64xf32, #tpu.memory_space<vmem>> -> memref<128x64xf32, #tpu.memory_space<vmem>>
      %dma_start3A_320 = arith.constant 0 : i32
      %dma_start3A_321 = tpu.memref_slice %arg6[%add3A_303, %dma_start3A_320] : memref<79x128xi32, #tpu.memory_space<vmem>> -> memref<1x128xi32, #tpu.memory_space<vmem>>
      %dma_start3A_322 = tpu.memref_squeeze %dma_start3A_321 : memref<1x128xi32, #tpu.memory_space<vmem>> -> memref<128xi32, #tpu.memory_space<vmem>>
      %dma_start3A_323 = arith.constant 0 : i32
      %dma_start3A_324 = arith.constant 0 : i32
      %dma_start3A_325 = tpu.memref_slice %arg9[%dma_start3A_323, %dma_start3A_324] : memref<10240x64xf32, #tpu.memory_space<vmem_shared>> -> memref<10240x64xf32, #tpu.memory_space<vmem_shared>>
      tpu.enqueue_indirect_dma source(%dma_start3A_319 : memref<128x64xf32, #tpu.memory_space<vmem>>) target(%dma_start3A_325 : memref<10240x64xf32, #tpu.memory_space<vmem_shared>>) offsets(%dma_start3A_322 : memref<128xi32, #tpu.memory_space<vmem>>) semaphore(%arg20 : memref<!tpu.dma_semaphore, #tpu.memory_space<semaphore_mem>>) {add = true}
      %ge3A_326 = arith.constant 1 : i32
      %ge3A_327 = arith.cmpi sge, %add3A_303, %ge3A_326 : i32
      %convert_element_type3A_328 = arith.extui %ge3A_327 : i1 to i32
      %cond3A_329 = arith.constant 0 : i32
      %cond3A_330 = arith.cmpi ne, %convert_element_type3A_328, %cond3A_329 : i32
      scf.if %cond3A_330 {
        %sub3A_385 = arith.constant 1 : i32
        %sub3A_386 = arith.subi %add3A_303, %sub3A_385 : i32
        %dma_wait3A_387 = arith.constant 3 : i32
        %dma_wait3A_388 = arith.constant 0 : i32
        %dma_wait3A_389 = arith.constant 0 : i32
        %dma_wait3A_390 = tpu.memref_slice %arg7[%dma_wait3A_387, %dma_wait3A_388, %dma_wait3A_389] : memref<6x128x64xf32, #tpu.memory_space<vmem>> -> memref<1x128x64xf32, #tpu.memory_space<vmem>>
        %dma_wait3A_391 = tpu.memref_squeeze %dma_wait3A_390 : memref<1x128x64xf32, #tpu.memory_space<vmem>> -> memref<128x64xf32, #tpu.memory_space<vmem>>
        %dma_wait3A_392 = arith.constant 0 : i32
        %dma_wait3A_393 = tpu.memref_slice %arg6[%sub3A_386, %dma_wait3A_392] : memref<79x128xi32, #tpu.memory_space<vmem>> -> memref<1x128xi32, #tpu.memory_space<vmem>>
        %dma_wait3A_394 = tpu.memref_squeeze %dma_wait3A_393 : memref<1x128xi32, #tpu.memory_space<vmem>> -> memref<128xi32, #tpu.memory_space<vmem>>
        %dma_wait3A_395 = arith.constant 0 : i32
        %dma_wait3A_396 = arith.constant 0 : i32
        %dma_wait3A_397 = tpu.memref_slice %arg9[%dma_wait3A_395, %dma_wait3A_396] : memref<10240x64xf32, #tpu.memory_space<vmem_shared>> -> memref<10240x64xf32, #tpu.memory_space<vmem_shared>>
        tpu.wait_indirect_dma semaphore(%arg19 : memref<!tpu.dma_semaphore, #tpu.memory_space<semaphore_mem>>) src(%dma_wait3A_391 : memref<128x64xf32, #tpu.memory_space<vmem>>) dst(%dma_wait3A_397 : memref<10240x64xf32, #tpu.memory_space<vmem_shared>>)
      } else {
      }
      %ge3A_331 = arith.constant 1 : i32
      %ge3A_332 = arith.cmpi sge, %add3A_303, %ge3A_331 : i32
      %sub3A_333 = arith.constant 1 : i32
      %sub3A_334 = arith.subi %add3A_303, %sub3A_333 : i32
      %add3A_335 = arith.constant 6 : i32
      %add3A_336 = arith.addi %sub3A_334, %add3A_335 : i32
      %lt3A_337 = arith.cmpi slt, %add3A_336, %select_n3A : i32
      %and3A_338 = arith.andi %ge3A_332, %lt3A_337 : i1
      %convert_element_type3A_339 = arith.extui %and3A_338 : i1 to i32
      %cond3A_340 = arith.constant 0 : i32
      %cond3A_341 = arith.cmpi ne, %convert_element_type3A_339, %cond3A_340 : i32
      scf.if %cond3A_341 {
        %sub3A_385 = arith.constant 1 : i32
        %sub3A_386 = arith.subi %add3A_303, %sub3A_385 : i32
        %add3A_387 = arith.constant 6 : i32
        %add3A_388 = arith.addi %sub3A_386, %add3A_387 : i32
        %dma_start3A_389 = arith.constant 3 : i32
        %dma_start3A_390 = arith.constant 0 : i32
        %dma_start3A_391 = arith.constant 0 : i32
        %dma_start3A_392 = tpu.memref_slice %arg7[%dma_start3A_389, %dma_start3A_390, %dma_start3A_391] : memref<6x128x64xf32, #tpu.memory_space<vmem>> -> memref<1x128x64xf32, #tpu.memory_space<vmem>>
        %dma_start3A_393 = tpu.memref_squeeze %dma_start3A_392 : memref<1x128x64xf32, #tpu.memory_space<vmem>> -> memref<128x64xf32, #tpu.memory_space<vmem>>
        %dma_start3A_394 = arith.constant 0 : i32
        %dma_start3A_395 = tpu.memref_slice %arg5[%add3A_388, %dma_start3A_394] : memref<79x128xi32, #tpu.memory_space<vmem>> -> memref<1x128xi32, #tpu.memory_space<vmem>>
        %dma_start3A_396 = tpu.memref_squeeze %dma_start3A_395 : memref<1x128xi32, #tpu.memory_space<vmem>> -> memref<128xi32, #tpu.memory_space<vmem>>
        %dma_start3A_397 = arith.constant 0 : i32
        %dma_start3A_398 = arith.constant 0 : i32
        %dma_start3A_399 = tpu.memref_slice %arg3[%dma_start3A_397, %dma_start3A_398] : memref<10240x64xf32, #tpu.memory_space<hbm>> -> memref<10240x64xf32, #tpu.memory_space<hbm>>
        tpu.enqueue_indirect_dma source(%dma_start3A_399 : memref<10240x64xf32, #tpu.memory_space<hbm>>) target(%dma_start3A_393 : memref<128x64xf32, #tpu.memory_space<vmem>>) offsets(%dma_start3A_396 : memref<128xi32, #tpu.memory_space<vmem>>) semaphore(%arg13 : memref<!tpu.dma_semaphore, #tpu.memory_space<semaphore_mem>>)
      } else {
      }
      %mul3A_342 = arith.constant 6 : i32
      %mul3A_343 = arith.muli %scan3A_133, %mul3A_342 : i32
      %add3A_344 = arith.constant 5 : i32
      %add3A_345 = arith.addi %mul3A_343, %add3A_344 : i32
      %dma_wait3A_346 = arith.constant 5 : i32
      %dma_wait3A_347 = arith.constant 0 : i32
      %dma_wait3A_348 = arith.constant 0 : i32
      %dma_wait3A_349 = tpu.memref_slice %arg7[%dma_wait3A_346, %dma_wait3A_347, %dma_wait3A_348] : memref<6x128x64xf32, #tpu.memory_space<vmem>> -> memref<1x128x64xf32, #tpu.memory_space<vmem>>
      %dma_wait3A_350 = tpu.memref_squeeze %dma_wait3A_349 : memref<1x128x64xf32, #tpu.memory_space<vmem>> -> memref<128x64xf32, #tpu.memory_space<vmem>>
      %dma_wait3A_351 = arith.constant 0 : i32
      %dma_wait3A_352 = tpu.memref_slice %arg5[%add3A_345, %dma_wait3A_351] : memref<79x128xi32, #tpu.memory_space<vmem>> -> memref<1x128xi32, #tpu.memory_space<vmem>>
      %dma_wait3A_353 = tpu.memref_squeeze %dma_wait3A_352 : memref<1x128xi32, #tpu.memory_space<vmem>> -> memref<128xi32, #tpu.memory_space<vmem>>
      %dma_wait3A_354 = arith.constant 0 : i32
      %dma_wait3A_355 = arith.constant 0 : i32
      %dma_wait3A_356 = tpu.memref_slice %arg3[%dma_wait3A_354, %dma_wait3A_355] : memref<10240x64xf32, #tpu.memory_space<hbm>> -> memref<10240x64xf32, #tpu.memory_space<hbm>>
      tpu.wait_indirect_dma semaphore(%arg15 : memref<!tpu.dma_semaphore, #tpu.memory_space<semaphore_mem>>) src(%dma_wait3A_356 : memref<10240x64xf32, #tpu.memory_space<hbm>>) dst(%dma_wait3A_350 : memref<128x64xf32, #tpu.memory_space<vmem>>)
      %dma_start3A_357 = arith.constant 5 : i32
      %dma_start3A_358 = arith.constant 0 : i32
      %dma_start3A_359 = arith.constant 0 : i32
      %dma_start3A_360 = tpu.memref_slice %arg7[%dma_start3A_357, %dma_start3A_358, %dma_start3A_359] : memref<6x128x64xf32, #tpu.memory_space<vmem>> -> memref<1x128x64xf32, #tpu.memory_space<vmem>>
      %dma_start3A_361 = tpu.memref_squeeze %dma_start3A_360 : memref<1x128x64xf32, #tpu.memory_space<vmem>> -> memref<128x64xf32, #tpu.memory_space<vmem>>
      %dma_start3A_362 = arith.constant 0 : i32
      %dma_start3A_363 = tpu.memref_slice %arg6[%add3A_345, %dma_start3A_362] : memref<79x128xi32, #tpu.memory_space<vmem>> -> memref<1x128xi32, #tpu.memory_space<vmem>>
      %dma_start3A_364 = tpu.memref_squeeze %dma_start3A_363 : memref<1x128xi32, #tpu.memory_space<vmem>> -> memref<128xi32, #tpu.memory_space<vmem>>
      %dma_start3A_365 = arith.constant 0 : i32
      %dma_start3A_366 = arith.constant 0 : i32
      %dma_start3A_367 = tpu.memref_slice %arg9[%dma_start3A_365, %dma_start3A_366] : memref<10240x64xf32, #tpu.memory_space<vmem_shared>> -> memref<10240x64xf32, #tpu.memory_space<vmem_shared>>
      tpu.enqueue_indirect_dma source(%dma_start3A_361 : memref<128x64xf32, #tpu.memory_space<vmem>>) target(%dma_start3A_367 : memref<10240x64xf32, #tpu.memory_space<vmem_shared>>) offsets(%dma_start3A_364 : memref<128xi32, #tpu.memory_space<vmem>>) semaphore(%arg21 : memref<!tpu.dma_semaphore, #tpu.memory_space<semaphore_mem>>) {add = true}
      %ge3A_368 = arith.constant 1 : i32
      %ge3A_369 = arith.cmpi sge, %add3A_345, %ge3A_368 : i32
      %convert_element_type3A_370 = arith.extui %ge3A_369 : i1 to i32
      %cond3A_371 = arith.constant 0 : i32
      %cond3A_372 = arith.cmpi ne, %convert_element_type3A_370, %cond3A_371 : i32
      scf.if %cond3A_372 {
        %sub3A_385 = arith.constant 1 : i32
        %sub3A_386 = arith.subi %add3A_345, %sub3A_385 : i32
        %dma_wait3A_387 = arith.constant 4 : i32
        %dma_wait3A_388 = arith.constant 0 : i32
        %dma_wait3A_389 = arith.constant 0 : i32
        %dma_wait3A_390 = tpu.memref_slice %arg7[%dma_wait3A_387, %dma_wait3A_388, %dma_wait3A_389] : memref<6x128x64xf32, #tpu.memory_space<vmem>> -> memref<1x128x64xf32, #tpu.memory_space<vmem>>
        %dma_wait3A_391 = tpu.memref_squeeze %dma_wait3A_390 : memref<1x128x64xf32, #tpu.memory_space<vmem>> -> memref<128x64xf32, #tpu.memory_space<vmem>>
        %dma_wait3A_392 = arith.constant 0 : i32
        %dma_wait3A_393 = tpu.memref_slice %arg6[%sub3A_386, %dma_wait3A_392] : memref<79x128xi32, #tpu.memory_space<vmem>> -> memref<1x128xi32, #tpu.memory_space<vmem>>
        %dma_wait3A_394 = tpu.memref_squeeze %dma_wait3A_393 : memref<1x128xi32, #tpu.memory_space<vmem>> -> memref<128xi32, #tpu.memory_space<vmem>>
        %dma_wait3A_395 = arith.constant 0 : i32
        %dma_wait3A_396 = arith.constant 0 : i32
        %dma_wait3A_397 = tpu.memref_slice %arg9[%dma_wait3A_395, %dma_wait3A_396] : memref<10240x64xf32, #tpu.memory_space<vmem_shared>> -> memref<10240x64xf32, #tpu.memory_space<vmem_shared>>
        tpu.wait_indirect_dma semaphore(%arg20 : memref<!tpu.dma_semaphore, #tpu.memory_space<semaphore_mem>>) src(%dma_wait3A_391 : memref<128x64xf32, #tpu.memory_space<vmem>>) dst(%dma_wait3A_397 : memref<10240x64xf32, #tpu.memory_space<vmem_shared>>)
      } else {
      }
      %ge3A_373 = arith.constant 1 : i32
      %ge3A_374 = arith.cmpi sge, %add3A_345, %ge3A_373 : i32
      %sub3A_375 = arith.constant 1 : i32
      %sub3A_376 = arith.subi %add3A_345, %sub3A_375 : i32
      %add3A_377 = arith.constant 6 : i32
      %add3A_378 = arith.addi %sub3A_376, %add3A_377 : i32
      %lt3A_379 = arith.cmpi slt, %add3A_378, %select_n3A : i32
      %and3A_380 = arith.andi %ge3A_374, %lt3A_379 : i1
      %convert_element_type3A_381 = arith.extui %and3A_380 : i1 to i32
      %cond3A_382 = arith.constant 0 : i32
      %cond3A_383 = arith.cmpi ne, %convert_element_type3A_381, %cond3A_382 : i32
      scf.if %cond3A_383 {
        %sub3A_385 = arith.constant 1 : i32
        %sub3A_386 = arith.subi %add3A_345, %sub3A_385 : i32
        %add3A_387 = arith.constant 6 : i32
        %add3A_388 = arith.addi %sub3A_386, %add3A_387 : i32
        %dma_start3A_389 = arith.constant 4 : i32
        %dma_start3A_390 = arith.constant 0 : i32
        %dma_start3A_391 = arith.constant 0 : i32
        %dma_start3A_392 = tpu.memref_slice %arg7[%dma_start3A_389, %dma_start3A_390, %dma_start3A_391] : memref<6x128x64xf32, #tpu.memory_space<vmem>> -> memref<1x128x64xf32, #tpu.memory_space<vmem>>
        %dma_start3A_393 = tpu.memref_squeeze %dma_start3A_392 : memref<1x128x64xf32, #tpu.memory_space<vmem>> -> memref<128x64xf32, #tpu.memory_space<vmem>>
        %dma_start3A_394 = arith.constant 0 : i32
        %dma_start3A_395 = tpu.memref_slice %arg5[%add3A_388, %dma_start3A_394] : memref<79x128xi32, #tpu.memory_space<vmem>> -> memref<1x128xi32, #tpu.memory_space<vmem>>
        %dma_start3A_396 = tpu.memref_squeeze %dma_start3A_395 : memref<1x128xi32, #tpu.memory_space<vmem>> -> memref<128xi32, #tpu.memory_space<vmem>>
        %dma_start3A_397 = arith.constant 0 : i32
        %dma_start3A_398 = arith.constant 0 : i32
        %dma_start3A_399 = tpu.memref_slice %arg3[%dma_start3A_397, %dma_start3A_398] : memref<10240x64xf32, #tpu.memory_space<hbm>> -> memref<10240x64xf32, #tpu.memory_space<hbm>>
        tpu.enqueue_indirect_dma source(%dma_start3A_399 : memref<10240x64xf32, #tpu.memory_space<hbm>>) target(%dma_start3A_393 : memref<128x64xf32, #tpu.memory_space<vmem>>) offsets(%dma_start3A_396 : memref<128xi32, #tpu.memory_space<vmem>>) semaphore(%arg14 : memref<!tpu.dma_semaphore, #tpu.memory_space<semaphore_mem>>)
      } else {
      }
      %scan3A_384 = arith.constant 0 : i32
      scf.yield %scan3A_384 : i32
    }
    %scan3A_113 = arith.constant 13 : i32
    %convert_element_type3A_114 = arith.extui %lt3A_5 : i1 to i32
    %cond3A_115 = arith.constant 0 : i32
    %cond3A_116 = arith.cmpi ne, %convert_element_type3A_114, %cond3A_115 : i32
    scf.if %cond3A_116 {
      %dma_wait3A_133 = arith.constant 78 : i32
      %dma_wait3A_134 = arith.constant 0 : i32
      %dma_wait3A_135 = arith.constant 0 : i32
      %dma_wait3A_136 = arith.constant 0 : i32
      %dma_wait3A_137 = tpu.memref_slice %arg7[%dma_wait3A_134, %dma_wait3A_135, %dma_wait3A_136] : memref<6x128x64xf32, #tpu.memory_space<vmem>> -> memref<1x128x64xf32, #tpu.memory_space<vmem>>
      %dma_wait3A_138 = tpu.memref_squeeze %dma_wait3A_137 : memref<1x128x64xf32, #tpu.memory_space<vmem>> -> memref<128x64xf32, #tpu.memory_space<vmem>>
      %dma_wait3A_139 = arith.constant 0 : i32
      %dma_wait3A_140 = tpu.memref_slice %arg5[%dma_wait3A_133, %dma_wait3A_139] : memref<79x128xi32, #tpu.memory_space<vmem>> -> memref<1x128xi32, #tpu.memory_space<vmem>>
      %dma_wait3A_141 = tpu.memref_squeeze %dma_wait3A_140 : memref<1x128xi32, #tpu.memory_space<vmem>> -> memref<128xi32, #tpu.memory_space<vmem>>
      %dma_wait3A_142 = arith.constant 0 : i32
      %dma_wait3A_143 = arith.constant 0 : i32
      %dma_wait3A_144 = tpu.memref_slice %arg3[%dma_wait3A_142, %dma_wait3A_143] : memref<10240x64xf32, #tpu.memory_space<hbm>> -> memref<10240x64xf32, #tpu.memory_space<hbm>>
      tpu.wait_indirect_dma semaphore(%arg10 : memref<!tpu.dma_semaphore, #tpu.memory_space<semaphore_mem>>) src(%dma_wait3A_144 : memref<10240x64xf32, #tpu.memory_space<hbm>>) dst(%dma_wait3A_138 : memref<128x64xf32, #tpu.memory_space<vmem>>)
      %dma_start3A_145 = arith.constant 0 : i32
      %dma_start3A_146 = arith.constant 78 : i32
      %dma_start3A_147 = arith.constant 0 : i32
      %dma_start3A_148 = arith.constant 0 : i32
      %dma_start3A_149 = tpu.memref_slice %arg7[%dma_start3A_145, %dma_start3A_147, %dma_start3A_148] : memref<6x128x64xf32, #tpu.memory_space<vmem>> -> memref<1x128x64xf32, #tpu.memory_space<vmem>>
      %dma_start3A_150 = tpu.memref_squeeze %dma_start3A_149 : memref<1x128x64xf32, #tpu.memory_space<vmem>> -> memref<128x64xf32, #tpu.memory_space<vmem>>
      %dma_start3A_151 = arith.constant 0 : i32
      %dma_start3A_152 = tpu.memref_slice %arg6[%dma_start3A_146, %dma_start3A_151] : memref<79x128xi32, #tpu.memory_space<vmem>> -> memref<1x128xi32, #tpu.memory_space<vmem>>
      %dma_start3A_153 = tpu.memref_squeeze %dma_start3A_152 : memref<1x128xi32, #tpu.memory_space<vmem>> -> memref<128xi32, #tpu.memory_space<vmem>>
      %dma_start3A_154 = arith.constant 0 : i32
      %dma_start3A_155 = arith.constant 0 : i32
      %dma_start3A_156 = tpu.memref_slice %arg9[%dma_start3A_154, %dma_start3A_155] : memref<10240x64xf32, #tpu.memory_space<vmem_shared>> -> memref<10240x64xf32, #tpu.memory_space<vmem_shared>>
      tpu.enqueue_indirect_dma source(%dma_start3A_150 : memref<128x64xf32, #tpu.memory_space<vmem>>) target(%dma_start3A_156 : memref<10240x64xf32, #tpu.memory_space<vmem_shared>>) offsets(%dma_start3A_153 : memref<128xi32, #tpu.memory_space<vmem>>) semaphore(%arg16 : memref<!tpu.dma_semaphore, #tpu.memory_space<semaphore_mem>>) {add = true}
      %dma_wait3A_157 = arith.constant 0 : i32
      %dma_wait3A_158 = arith.constant 78 : i32
      %dma_wait3A_159 = arith.constant 0 : i32
      %dma_wait3A_160 = arith.constant 0 : i32
      %dma_wait3A_161 = tpu.memref_slice %arg7[%dma_wait3A_157, %dma_wait3A_159, %dma_wait3A_160] : memref<6x128x64xf32, #tpu.memory_space<vmem>> -> memref<1x128x64xf32, #tpu.memory_space<vmem>>
      %dma_wait3A_162 = tpu.memref_squeeze %dma_wait3A_161 : memref<1x128x64xf32, #tpu.memory_space<vmem>> -> memref<128x64xf32, #tpu.memory_space<vmem>>
      %dma_wait3A_163 = arith.constant 0 : i32
      %dma_wait3A_164 = tpu.memref_slice %arg6[%dma_wait3A_158, %dma_wait3A_163] : memref<79x128xi32, #tpu.memory_space<vmem>> -> memref<1x128xi32, #tpu.memory_space<vmem>>
      %dma_wait3A_165 = tpu.memref_squeeze %dma_wait3A_164 : memref<1x128xi32, #tpu.memory_space<vmem>> -> memref<128xi32, #tpu.memory_space<vmem>>
      %dma_wait3A_166 = arith.constant 0 : i32
      %dma_wait3A_167 = arith.constant 0 : i32
      %dma_wait3A_168 = tpu.memref_slice %arg9[%dma_wait3A_166, %dma_wait3A_167] : memref<10240x64xf32, #tpu.memory_space<vmem_shared>> -> memref<10240x64xf32, #tpu.memory_space<vmem_shared>>
      tpu.wait_indirect_dma semaphore(%arg16 : memref<!tpu.dma_semaphore, #tpu.memory_space<semaphore_mem>>) src(%dma_wait3A_162 : memref<128x64xf32, #tpu.memory_space<vmem>>) dst(%dma_wait3A_168 : memref<10240x64xf32, #tpu.memory_space<vmem_shared>>)
    } else {
    }
    %dma_wait3A = arith.constant 5 : i32
    %dma_wait3A_117 = arith.constant 77 : i32
    %dma_wait3A_118 = arith.constant 0 : i32
    %dma_wait3A_119 = arith.constant 0 : i32
    %dma_wait3A_120 = tpu.memref_slice %arg7[%dma_wait3A, %dma_wait3A_118, %dma_wait3A_119] : memref<6x128x64xf32, #tpu.memory_space<vmem>> -> memref<1x128x64xf32, #tpu.memory_space<vmem>>
    %dma_wait3A_121 = tpu.memref_squeeze %dma_wait3A_120 : memref<1x128x64xf32, #tpu.memory_space<vmem>> -> memref<128x64xf32, #tpu.memory_space<vmem>>
    %dma_wait3A_122 = arith.constant 0 : i32
    %dma_wait3A_123 = tpu.memref_slice %arg6[%dma_wait3A_117, %dma_wait3A_122] : memref<79x128xi32, #tpu.memory_space<vmem>> -> memref<1x128xi32, #tpu.memory_space<vmem>>
    %dma_wait3A_124 = tpu.memref_squeeze %dma_wait3A_123 : memref<1x128xi32, #tpu.memory_space<vmem>> -> memref<128xi32, #tpu.memory_space<vmem>>
    %dma_wait3A_125 = arith.constant 0 : i32
    %dma_wait3A_126 = arith.constant 0 : i32
    %dma_wait3A_127 = tpu.memref_slice %arg9[%dma_wait3A_125, %dma_wait3A_126] : memref<10240x64xf32, #tpu.memory_space<vmem_shared>> -> memref<10240x64xf32, #tpu.memory_space<vmem_shared>>
    tpu.wait_indirect_dma semaphore(%arg21 : memref<!tpu.dma_semaphore, #tpu.memory_space<semaphore_mem>>) src(%dma_wait3A_121 : memref<128x64xf32, #tpu.memory_space<vmem>>) dst(%dma_wait3A_127 : memref<10240x64xf32, #tpu.memory_space<vmem_shared>>)
    %barrier3A_128 = arith.constant 0 : index
    tpu.barrier barrier_id(%barrier3A_128)
    %mul3A_129 = arith.constant 640 : i32
    %mul3A_130 = arith.muli %arg1, %mul3A_129 : i32
    %mul3A_131 = arith.constant 640 : i32
    %mul3A_132 = arith.muli %arg1, %mul3A_131 : i32
    "tpu.region"() ({
      %run_scoped3A_133 = tpu.sem_alloc : memref<!tpu.dma_semaphore, #tpu.memory_space<semaphore_mem>>
      %dma_start3A_134 = arith.constant 0 : i32
      %dma_start3A_135 = tpu.memref_slice %arg4[%arg0, %mul3A_132, %dma_start3A_134] : memref<2x10240x64xf32, #tpu.memory_space<hbm>> -> memref<1x640x64xf32, #tpu.memory_space<hbm>>
      %dma_start3A_136 = tpu.memref_squeeze %dma_start3A_135 : memref<1x640x64xf32, #tpu.memory_space<hbm>> -> memref<640x64xf32, #tpu.memory_space<hbm>>
      %dma_start3A_137 = arith.constant 0 : i32
      %dma_start3A_138 = tpu.memref_slice %arg9[%mul3A_130, %dma_start3A_137] : memref<10240x64xf32, #tpu.memory_space<vmem_shared>> -> memref<640x64xf32, #tpu.memory_space<vmem_shared>>
      tpu.enqueue_dma source(%dma_start3A_138 : memref<640x64xf32, #tpu.memory_space<vmem_shared>>) target(%dma_start3A_136 : memref<640x64xf32, #tpu.memory_space<hbm>>) target_semaphore(%run_scoped3A_133 : memref<!tpu.dma_semaphore, #tpu.memory_space<semaphore_mem>>)
      %dma_wait3A_139 = arith.constant 0 : i32
      %dma_wait3A_140 = tpu.memref_slice %arg4[%arg0, %mul3A_132, %dma_wait3A_139] : memref<2x10240x64xf32, #tpu.memory_space<hbm>> -> memref<1x640x64xf32, #tpu.memory_space<hbm>>
      %dma_wait3A_141 = tpu.memref_squeeze %dma_wait3A_140 : memref<1x640x64xf32, #tpu.memory_space<hbm>> -> memref<640x64xf32, #tpu.memory_space<hbm>>
      %dma_wait3A_142 = arith.constant 0 : i32
      %dma_wait3A_143 = tpu.memref_slice %arg9[%mul3A_130, %dma_wait3A_142] : memref<10240x64xf32, #tpu.memory_space<vmem_shared>> -> memref<640x64xf32, #tpu.memory_space<vmem_shared>>
      tpu.wait_dma2 semaphore(%run_scoped3A_133 : memref<!tpu.dma_semaphore, #tpu.memory_space<semaphore_mem>>) src(%dma_wait3A_143 : memref<640x64xf32, #tpu.memory_space<vmem_shared>>) dst(%dma_wait3A_141 : memref<640x64xf32, #tpu.memory_space<hbm>>)
      tpu.yield
    }) : () -> ()
    return
  }
}

#map = affine_map<(d0, d1) -> (0, 0, 0)>
module attributes {stable_mosaic.version = 14 : i64} {
  func.func @deg_kernel(%arg0: i32, %arg1: i32, %arg2: memref<2x2500x128xi32, #tpu.memory_space<hbm>>, %arg3: memref<2x10240x16xf32, #tpu.memory_space<hbm>>, %arg4: memref<79x128xi32, #tpu.memory_space<vmem>>, %arg5: memref<128x16xf32, #tpu.memory_space<vmem>>, %arg6: memref<640x16xf32, #tpu.memory_space<vmem>>, %arg7: memref<10240x16xf32, #tpu.memory_space<vmem_shared>>, %arg8: memref<!tpu.dma_semaphore, #tpu.memory_space<semaphore_mem>>) attributes {dimension_semantics = [#tpu.dimension_semantics<core_parallel>, #tpu.dimension_semantics<subcore_parallel>], iteration_bounds = array<i64: 2, 16>, scalar_prefetch = 0 : i64, scratch_operands = 5 : i64, tpu.core_type = #tpu.core_type<sc_vector_subcore>, window_params = [{transform_indices = #map}, {transform_indices = #map}]} {
    %mul3A = arith.constant 2 : i32
    %mul3A_0 = arith.muli %arg1, %mul3A : i32
    %add3A = arith.addi %mul3A_0, %arg0 : i32
    %mul3A_1 = arith.constant 78 : i32
    %mul3A_2 = arith.muli %add3A, %mul3A_1 : i32
    %min3A = arith.constant 4 : i32
    %min3A_3 = arith.minsi %add3A, %min3A : i32
    %add3A_4 = arith.addi %mul3A_2, %min3A_3 : i32
    %lt3A = arith.constant 4 : i32
    %lt3A_5 = arith.cmpi slt, %add3A, %lt3A : i32
    %iota3A = tpu.iota {dimensions = array<i32: 0>} : vector<16xi32>
    %eq3A = arith.constant 0 : i32
    %eq3A_6 = vector.broadcast %eq3A : i32 to vector<16xi32>
    %eq3A_7 = arith.cmpi eq, %iota3A, %eq3A_6 : vector<16xi32>
    %jit3A = arith.constant 1.000000e+00 : f32
    %jit3A_8 = arith.constant 0.000000e+00 : f32
    %broadcast_in_dim3A = vector.broadcast %jit3A : f32 to vector<16xf32>
    %broadcast_in_dim3A_9 = vector.broadcast %jit3A_8 : f32 to vector<16xf32>
    %select_n3A = arith.select %eq3A_7, %broadcast_in_dim3A, %broadcast_in_dim3A_9 : vector<16xi1>, vector<16xf32>
    %broadcast_in_dim3A_10 = arith.constant 0.000000e+00 : f32
    %broadcast_in_dim3A_11 = vector.broadcast %broadcast_in_dim3A_10 : f32 to vector<16xf32>
    %scan3A = arith.constant 0 : i32
    %scan3A_12 = arith.constant 0 : i32
    %scan3A_13 = arith.constant 128 : i32
    %scan3A_14 = arith.addi %scan3A_12, %scan3A_13 : i32
    %scan3A_15 = arith.constant 1 : i32
    %scan3A_16 = scf.for %scan3A_47 = %scan3A_12 to %scan3A_14 step %scan3A_15 iter_args(%scan3A_48 = %scan3A) -> (i32)  : i32 {
      %swap3A = arith.index_cast %scan3A_47 : i32 to index
      %swap3A_49 = arith.constant 0 : index
      %swap3A_50 = tpu.vector_load %arg5[%swap3A, %swap3A_49] {strides = array<i32>} : memref<128x16xf32, #tpu.memory_space<vmem>>, vector<1x16xf32>,
      %swap3A_51 = vector.shape_cast %swap3A_50 : vector<1x16xf32> to vector<16xf32>
      %swap3A_52 = vector.shape_cast %select_n3A : vector<16xf32> to vector<1x16xf32>
      tpu.vector_store %arg5[%swap3A, %swap3A_49], %swap3A_52 {strides = array<i32>} : memref<128x16xf32, #tpu.memory_space<vmem>>, vector<1x16xf32>,
      %scan3A_53 = arith.constant 0 : i32
      scf.yield %scan3A_53 : i32
    }
    %scan3A_17 = arith.constant 128 : i32
    %scan3A_18 = arith.constant 0 : i32
    %scan3A_19 = arith.constant 0 : i32
    %scan3A_20 = arith.constant 640 : i32
    %scan3A_21 = arith.addi %scan3A_19, %scan3A_20 : i32
    %scan3A_22 = arith.constant 1 : i32
    %scan3A_23 = scf.for %scan3A_47 = %scan3A_19 to %scan3A_21 step %scan3A_22 iter_args(%scan3A_48 = %scan3A_18) -> (i32)  : i32 {
      %swap3A = arith.index_cast %scan3A_47 : i32 to index
      %swap3A_49 = arith.constant 0 : index
      %swap3A_50 = tpu.vector_load %arg6[%swap3A, %swap3A_49] {strides = array<i32>} : memref<640x16xf32, #tpu.memory_space<vmem>>, vector<1x16xf32>,
      %swap3A_51 = vector.shape_cast %swap3A_50 : vector<1x16xf32> to vector<16xf32>
      %swap3A_52 = vector.shape_cast %broadcast_in_dim3A_11 : vector<16xf32> to vector<1x16xf32>
      tpu.vector_store %arg6[%swap3A, %swap3A_49], %swap3A_52 {strides = array<i32>} : memref<640x16xf32, #tpu.memory_space<vmem>>, vector<1x16xf32>,
      %scan3A_53 = arith.constant 0 : i32
      scf.yield %scan3A_53 : i32
    }
    %scan3A_24 = arith.constant 640 : i32
    %mul3A_25 = arith.constant 640 : i32
    %mul3A_26 = arith.muli %arg1, %mul3A_25 : i32
    "tpu.region"() ({
      %run_scoped3A_47 = tpu.sem_alloc : memref<!tpu.dma_semaphore, #tpu.memory_space<semaphore_mem>>
      %dma_start3A = arith.constant 0 : i32
      %dma_start3A_48 = tpu.memref_slice %arg7[%mul3A_26, %dma_start3A] : memref<10240x16xf32, #tpu.memory_space<vmem_shared>> -> memref<640x16xf32, #tpu.memory_space<vmem_shared>>
      %dma_start3A_49 = arith.constant 0 : i32
      %dma_start3A_50 = tpu.memref_slice %arg7[%mul3A_26, %dma_start3A_49] : memref<10240x16xf32, #tpu.memory_space<vmem_shared>> -> memref<640x16xf32, #tpu.memory_space<vmem_shared>>
      tpu.enqueue_dma source(%arg6 : memref<640x16xf32, #tpu.memory_space<vmem>>) target(%dma_start3A_50 : memref<640x16xf32, #tpu.memory_space<vmem_shared>>) target_semaphore(%run_scoped3A_47 : memref<!tpu.dma_semaphore, #tpu.memory_space<semaphore_mem>>)
      %dma_wait3A = arith.constant 0 : i32
      %dma_wait3A_51 = tpu.memref_slice %arg7[%mul3A_26, %dma_wait3A] : memref<10240x16xf32, #tpu.memory_space<vmem_shared>> -> memref<640x16xf32, #tpu.memory_space<vmem_shared>>
      %dma_wait3A_52 = arith.constant 0 : i32
      %dma_wait3A_53 = tpu.memref_slice %arg7[%mul3A_26, %dma_wait3A_52] : memref<10240x16xf32, #tpu.memory_space<vmem_shared>> -> memref<640x16xf32, #tpu.memory_space<vmem_shared>>
      tpu.wait_dma2 semaphore(%run_scoped3A_47 : memref<!tpu.dma_semaphore, #tpu.memory_space<semaphore_mem>>) src(%arg6 : memref<640x16xf32, #tpu.memory_space<vmem>>) dst(%dma_wait3A_53 : memref<640x16xf32, #tpu.memory_space<vmem_shared>>)
      tpu.yield
    }) : () -> ()
    %barrier3A = arith.constant 0 : index
    tpu.barrier barrier_id(%barrier3A)
    %run_scoped3A = arith.constant 1 : i32
    "tpu.region"() ({
      %run_scoped3A_47 = tpu.sem_alloc : memref<!tpu.dma_semaphore, #tpu.memory_space<semaphore_mem>>
      %dma_start3A = arith.constant 0 : i32
      %dma_start3A_48 = arith.constant 0 : i32
      %dma_start3A_49 = tpu.memref_slice %arg4[%dma_start3A, %dma_start3A_48] : memref<79x128xi32, #tpu.memory_space<vmem>> -> memref<78x128xi32, #tpu.memory_space<vmem>>
      %dma_start3A_50 = arith.constant 0 : i32
      %dma_start3A_51 = tpu.memref_slice %arg2[%run_scoped3A, %add3A_4, %dma_start3A_50] : memref<2x2500x128xi32, #tpu.memory_space<hbm>> -> memref<1x78x128xi32, #tpu.memory_space<hbm>>
      %dma_start3A_52 = tpu.memref_squeeze %dma_start3A_51 : memref<1x78x128xi32, #tpu.memory_space<hbm>> -> memref<78x128xi32, #tpu.memory_space<hbm>>
      %dma_start3A_53 = arith.constant 0 : i32
      %dma_start3A_54 = arith.constant 0 : i32
      %dma_start3A_55 = tpu.memref_slice %arg4[%dma_start3A_53, %dma_start3A_54] : memref<79x128xi32, #tpu.memory_space<vmem>> -> memref<78x128xi32, #tpu.memory_space<vmem>>
      %dma_start3A_56 = arith.constant 0 : i32
      %dma_start3A_57 = tpu.memref_slice %arg2[%run_scoped3A, %add3A_4, %dma_start3A_56] : memref<2x2500x128xi32, #tpu.memory_space<hbm>> -> memref<1x78x128xi32, #tpu.memory_space<hbm>>
      %dma_start3A_58 = tpu.memref_squeeze %dma_start3A_57 : memref<1x78x128xi32, #tpu.memory_space<hbm>> -> memref<78x128xi32, #tpu.memory_space<hbm>>
      tpu.enqueue_dma source(%dma_start3A_58 : memref<78x128xi32, #tpu.memory_space<hbm>>) target(%dma_start3A_55 : memref<78x128xi32, #tpu.memory_space<vmem>>) target_semaphore(%run_scoped3A_47 : memref<!tpu.dma_semaphore, #tpu.memory_space<semaphore_mem>>)
      %dma_wait3A = arith.constant 0 : i32
      %dma_wait3A_59 = arith.constant 0 : i32
      %dma_wait3A_60 = tpu.memref_slice %arg4[%dma_wait3A, %dma_wait3A_59] : memref<79x128xi32, #tpu.memory_space<vmem>> -> memref<78x128xi32, #tpu.memory_space<vmem>>
      %dma_wait3A_61 = arith.constant 0 : i32
      %dma_wait3A_62 = tpu.memref_slice %arg2[%run_scoped3A, %add3A_4, %dma_wait3A_61] : memref<2x2500x128xi32, #tpu.memory_space<hbm>> -> memref<1x78x128xi32, #tpu.memory_space<hbm>>
      %dma_wait3A_63 = tpu.memref_squeeze %dma_wait3A_62 : memref<1x78x128xi32, #tpu.memory_space<hbm>> -> memref<78x128xi32, #tpu.memory_space<hbm>>
      %dma_wait3A_64 = arith.constant 0 : i32
      %dma_wait3A_65 = arith.constant 0 : i32
      %dma_wait3A_66 = tpu.memref_slice %arg4[%dma_wait3A_64, %dma_wait3A_65] : memref<79x128xi32, #tpu.memory_space<vmem>> -> memref<78x128xi32, #tpu.memory_space<vmem>>
      %dma_wait3A_67 = arith.constant 0 : i32
      %dma_wait3A_68 = tpu.memref_slice %arg2[%run_scoped3A, %add3A_4, %dma_wait3A_67] : memref<2x2500x128xi32, #tpu.memory_space<hbm>> -> memref<1x78x128xi32, #tpu.memory_space<hbm>>
      %dma_wait3A_69 = tpu.memref_squeeze %dma_wait3A_68 : memref<1x78x128xi32, #tpu.memory_space<hbm>> -> memref<78x128xi32, #tpu.memory_space<hbm>>
      tpu.wait_dma2 semaphore(%run_scoped3A_47 : memref<!tpu.dma_semaphore, #tpu.memory_space<semaphore_mem>>) src(%dma_wait3A_69 : memref<78x128xi32, #tpu.memory_space<hbm>>) dst(%dma_wait3A_66 : memref<78x128xi32, #tpu.memory_space<vmem>>)
      tpu.yield
    }) : () -> ()
    %convert_element_type3A = arith.extui %lt3A_5 : i1 to i32
    %cond3A = arith.constant 0 : i32
    %cond3A_27 = arith.cmpi ne, %convert_element_type3A, %cond3A : i32
    scf.if %cond3A_27 {
      %add3A_47 = arith.constant 78 : i32
      %add3A_48 = arith.addi %add3A_4, %add3A_47 : i32
      %run_scoped3A_49 = arith.constant 1 : i32
      "tpu.region"() ({
        %run_scoped3A_50 = tpu.sem_alloc : memref<!tpu.dma_semaphore, #tpu.memory_space<semaphore_mem>>
        %dma_start3A = arith.constant 78 : i32
        %dma_start3A_51 = arith.constant 0 : i32
        %dma_start3A_52 = tpu.memref_slice %arg4[%dma_start3A, %dma_start3A_51] : memref<79x128xi32, #tpu.memory_space<vmem>> -> memref<1x128xi32, #tpu.memory_space<vmem>>
        %dma_start3A_53 = arith.constant 0 : i32
        %dma_start3A_54 = tpu.memref_slice %arg2[%run_scoped3A_49, %add3A_48, %dma_start3A_53] : memref<2x2500x128xi32, #tpu.memory_space<hbm>> -> memref<1x1x128xi32, #tpu.memory_space<hbm>>
        %dma_start3A_55 = tpu.memref_squeeze %dma_start3A_54 : memref<1x1x128xi32, #tpu.memory_space<hbm>> -> memref<1x128xi32, #tpu.memory_space<hbm>>
        %dma_start3A_56 = arith.constant 78 : i32
        %dma_start3A_57 = arith.constant 0 : i32
        %dma_start3A_58 = tpu.memref_slice %arg4[%dma_start3A_56, %dma_start3A_57] : memref<79x128xi32, #tpu.memory_space<vmem>> -> memref<1x128xi32, #tpu.memory_space<vmem>>
        %dma_start3A_59 = arith.constant 0 : i32
        %dma_start3A_60 = tpu.memref_slice %arg2[%run_scoped3A_49, %add3A_48, %dma_start3A_59] : memref<2x2500x128xi32, #tpu.memory_space<hbm>> -> memref<1x1x128xi32, #tpu.memory_space<hbm>>
        %dma_start3A_61 = tpu.memref_squeeze %dma_start3A_60 : memref<1x1x128xi32, #tpu.memory_space<hbm>> -> memref<1x128xi32, #tpu.memory_space<hbm>>
        tpu.enqueue_dma source(%dma_start3A_61 : memref<1x128xi32, #tpu.memory_space<hbm>>) target(%dma_start3A_58 : memref<1x128xi32, #tpu.memory_space<vmem>>) target_semaphore(%run_scoped3A_50 : memref<!tpu.dma_semaphore, #tpu.memory_space<semaphore_mem>>)
        %dma_wait3A = arith.constant 78 : i32
        %dma_wait3A_62 = arith.constant 0 : i32
        %dma_wait3A_63 = tpu.memref_slice %arg4[%dma_wait3A, %dma_wait3A_62] : memref<79x128xi32, #tpu.memory_space<vmem>> -> memref<1x128xi32, #tpu.memory_space<vmem>>
        %dma_wait3A_64 = arith.constant 0 : i32
        %dma_wait3A_65 = tpu.memref_slice %arg2[%run_scoped3A_49, %add3A_48, %dma_wait3A_64] : memref<2x2500x128xi32, #tpu.memory_space<hbm>> -> memref<1x1x128xi32, #tpu.memory_space<hbm>>
        %dma_wait3A_66 = tpu.memref_squeeze %dma_wait3A_65 : memref<1x1x128xi32, #tpu.memory_space<hbm>> -> memref<1x128xi32, #tpu.memory_space<hbm>>
        %dma_wait3A_67 = arith.constant 78 : i32
        %dma_wait3A_68 = arith.constant 0 : i32
        %dma_wait3A_69 = tpu.memref_slice %arg4[%dma_wait3A_67, %dma_wait3A_68] : memref<79x128xi32, #tpu.memory_space<vmem>> -> memref<1x128xi32, #tpu.memory_space<vmem>>
        %dma_wait3A_70 = arith.constant 0 : i32
        %dma_wait3A_71 = tpu.memref_slice %arg2[%run_scoped3A_49, %add3A_48, %dma_wait3A_70] : memref<2x2500x128xi32, #tpu.memory_space<hbm>> -> memref<1x1x128xi32, #tpu.memory_space<hbm>>
        %dma_wait3A_72 = tpu.memref_squeeze %dma_wait3A_71 : memref<1x1x128xi32, #tpu.memory_space<hbm>> -> memref<1x128xi32, #tpu.memory_space<hbm>>
        tpu.wait_dma2 semaphore(%run_scoped3A_50 : memref<!tpu.dma_semaphore, #tpu.memory_space<semaphore_mem>>) src(%dma_wait3A_72 : memref<1x128xi32, #tpu.memory_space<hbm>>) dst(%dma_wait3A_69 : memref<1x128xi32, #tpu.memory_space<vmem>>)
        tpu.yield
      }) : () -> ()
    } else {
    }
    %jit3A_28 = arith.constant 79 : i32
    %jit3A_29 = arith.constant 78 : i32
    %select_n3A_30 = arith.select %lt3A_5, %jit3A_28, %jit3A_29 : i32
    %while3A = arith.constant 0 : i32
    %while3A_31 = arith.constant 0 : i32
    %while3A_32 = arith.subi %select_n3A_30, %while3A : i32
    %while3A_33 = arith.addi %while3A, %while3A_32 : i32
    %while3A_34 = arith.constant 1 : i32
    %while3A_35 = arith.divsi %while3A_32, %while3A_34 : i32
    %while3A_36 = arith.muli %while3A_35, %while3A_34 : i32
    %while3A_37 = arith.addi %while3A, %while3A_36 : i32
    %while3A_38 = arith.constant 1 : i32
    %while3A_39 = scf.for %while3A_47 = %while3A to %while3A_37 step %while3A_38 iter_args(%while3A_48 = %while3A_31) -> (i32)  : i32 {
      "tpu.region"() ({
        %run_scoped3A_50 = tpu.sem_alloc : memref<!tpu.dma_semaphore, #tpu.memory_space<semaphore_mem>>
        %dma_start3A = arith.constant 0 : i32
        %dma_start3A_51 = tpu.memref_slice %arg4[%while3A_47, %dma_start3A] : memref<79x128xi32, #tpu.memory_space<vmem>> -> memref<1x128xi32, #tpu.memory_space<vmem>>
        %dma_start3A_52 = tpu.memref_squeeze %dma_start3A_51 : memref<1x128xi32, #tpu.memory_space<vmem>> -> memref<128xi32, #tpu.memory_space<vmem>>
        %dma_start3A_53 = arith.constant 0 : i32
        %dma_start3A_54 = arith.constant 0 : i32
        %dma_start3A_55 = tpu.memref_slice %arg7[%dma_start3A_53, %dma_start3A_54] : memref<10240x16xf32, #tpu.memory_space<vmem_shared>> -> memref<10240x16xf32, #tpu.memory_space<vmem_shared>>
        tpu.enqueue_indirect_dma source(%arg5 : memref<128x16xf32, #tpu.memory_space<vmem>>) target(%dma_start3A_55 : memref<10240x16xf32, #tpu.memory_space<vmem_shared>>) offsets(%dma_start3A_52 : memref<128xi32, #tpu.memory_space<vmem>>) semaphore(%run_scoped3A_50 : memref<!tpu.dma_semaphore, #tpu.memory_space<semaphore_mem>>) {add = true}
        %dma_wait3A = arith.constant 0 : i32
        %dma_wait3A_56 = tpu.memref_slice %arg4[%while3A_47, %dma_wait3A] : memref<79x128xi32, #tpu.memory_space<vmem>> -> memref<1x128xi32, #tpu.memory_space<vmem>>
        %dma_wait3A_57 = tpu.memref_squeeze %dma_wait3A_56 : memref<1x128xi32, #tpu.memory_space<vmem>> -> memref<128xi32, #tpu.memory_space<vmem>>
        %dma_wait3A_58 = arith.constant 0 : i32
        %dma_wait3A_59 = arith.constant 0 : i32
        %dma_wait3A_60 = tpu.memref_slice %arg7[%dma_wait3A_58, %dma_wait3A_59] : memref<10240x16xf32, #tpu.memory_space<vmem_shared>> -> memref<10240x16xf32, #tpu.memory_space<vmem_shared>>
        tpu.wait_indirect_dma semaphore(%run_scoped3A_50 : memref<!tpu.dma_semaphore, #tpu.memory_space<semaphore_mem>>) src(%arg5 : memref<128x16xf32, #tpu.memory_space<vmem>>) dst(%dma_wait3A_60 : memref<10240x16xf32, #tpu.memory_space<vmem_shared>>)
        tpu.yield
      }) : () -> ()
      %while3A_49 = arith.constant 0 : i32
      scf.yield %while3A_49 : i32
    }
    %while3A_40 = arith.constant 1 : i32
    %while3A_41 = scf.for %while3A_47 = %while3A_37 to %while3A_33 step %while3A_40 iter_args(%while3A_48 = %while3A_39) -> (i32)  : i32 {
      "tpu.region"() ({
        %run_scoped3A_50 = tpu.sem_alloc : memref<!tpu.dma_semaphore, #tpu.memory_space<semaphore_mem>>
        %dma_start3A = arith.constant 0 : i32
        %dma_start3A_51 = tpu.memref_slice %arg4[%while3A_47, %dma_start3A] : memref<79x128xi32, #tpu.memory_space<vmem>> -> memref<1x128xi32, #tpu.memory_space<vmem>>
        %dma_start3A_52 = tpu.memref_squeeze %dma_start3A_51 : memref<1x128xi32, #tpu.memory_space<vmem>> -> memref<128xi32, #tpu.memory_space<vmem>>
        %dma_start3A_53 = arith.constant 0 : i32
        %dma_start3A_54 = arith.constant 0 : i32
        %dma_start3A_55 = tpu.memref_slice %arg7[%dma_start3A_53, %dma_start3A_54] : memref<10240x16xf32, #tpu.memory_space<vmem_shared>> -> memref<10240x16xf32, #tpu.memory_space<vmem_shared>>
        tpu.enqueue_indirect_dma source(%arg5 : memref<128x16xf32, #tpu.memory_space<vmem>>) target(%dma_start3A_55 : memref<10240x16xf32, #tpu.memory_space<vmem_shared>>) offsets(%dma_start3A_52 : memref<128xi32, #tpu.memory_space<vmem>>) semaphore(%run_scoped3A_50 : memref<!tpu.dma_semaphore, #tpu.memory_space<semaphore_mem>>) {add = true}
        %dma_wait3A = arith.constant 0 : i32
        %dma_wait3A_56 = tpu.memref_slice %arg4[%while3A_47, %dma_wait3A] : memref<79x128xi32, #tpu.memory_space<vmem>> -> memref<1x128xi32, #tpu.memory_space<vmem>>
        %dma_wait3A_57 = tpu.memref_squeeze %dma_wait3A_56 : memref<1x128xi32, #tpu.memory_space<vmem>> -> memref<128xi32, #tpu.memory_space<vmem>>
        %dma_wait3A_58 = arith.constant 0 : i32
        %dma_wait3A_59 = arith.constant 0 : i32
        %dma_wait3A_60 = tpu.memref_slice %arg7[%dma_wait3A_58, %dma_wait3A_59] : memref<10240x16xf32, #tpu.memory_space<vmem_shared>> -> memref<10240x16xf32, #tpu.memory_space<vmem_shared>>
        tpu.wait_indirect_dma semaphore(%run_scoped3A_50 : memref<!tpu.dma_semaphore, #tpu.memory_space<semaphore_mem>>) src(%arg5 : memref<128x16xf32, #tpu.memory_space<vmem>>) dst(%dma_wait3A_60 : memref<10240x16xf32, #tpu.memory_space<vmem_shared>>)
        tpu.yield
      }) : () -> ()
      %while3A_49 = arith.constant 0 : i32
      scf.yield %while3A_49 : i32
    }
    %barrier3A_42 = arith.constant 0 : index
    tpu.barrier barrier_id(%barrier3A_42)
    %mul3A_43 = arith.constant 640 : i32
    %mul3A_44 = arith.muli %arg1, %mul3A_43 : i32
    %mul3A_45 = arith.constant 640 : i32
    %mul3A_46 = arith.muli %arg1, %mul3A_45 : i32
    "tpu.region"() ({
      %run_scoped3A_47 = tpu.sem_alloc : memref<!tpu.dma_semaphore, #tpu.memory_space<semaphore_mem>>
      %dma_start3A = arith.constant 0 : i32
      %dma_start3A_48 = tpu.memref_slice %arg3[%arg0, %mul3A_46, %dma_start3A] : memref<2x10240x16xf32, #tpu.memory_space<hbm>> -> memref<1x640x16xf32, #tpu.memory_space<hbm>>
      %dma_start3A_49 = tpu.memref_squeeze %dma_start3A_48 : memref<1x640x16xf32, #tpu.memory_space<hbm>> -> memref<640x16xf32, #tpu.memory_space<hbm>>
      %dma_start3A_50 = arith.constant 0 : i32
      %dma_start3A_51 = tpu.memref_slice %arg7[%mul3A_44, %dma_start3A_50] : memref<10240x16xf32, #tpu.memory_space<vmem_shared>> -> memref<640x16xf32, #tpu.memory_space<vmem_shared>>
      tpu.enqueue_dma source(%dma_start3A_51 : memref<640x16xf32, #tpu.memory_space<vmem_shared>>) target(%dma_start3A_49 : memref<640x16xf32, #tpu.memory_space<hbm>>) target_semaphore(%run_scoped3A_47 : memref<!tpu.dma_semaphore, #tpu.memory_space<semaphore_mem>>)
      %dma_wait3A = arith.constant 0 : i32
      %dma_wait3A_52 = tpu.memref_slice %arg3[%arg0, %mul3A_46, %dma_wait3A] : memref<2x10240x16xf32, #tpu.memory_space<hbm>> -> memref<1x640x16xf32, #tpu.memory_space<hbm>>
      %dma_wait3A_53 = tpu.memref_squeeze %dma_wait3A_52 : memref<1x640x16xf32, #tpu.memory_space<hbm>> -> memref<640x16xf32, #tpu.memory_space<hbm>>
      %dma_wait3A_54 = arith.constant 0 : i32
      %dma_wait3A_55 = tpu.memref_slice %arg7[%mul3A_44, %dma_wait3A_54] : memref<10240x16xf32, #tpu.memory_space<vmem_shared>> -> memref<640x16xf32, #tpu.memory_space<vmem_shared>>
      tpu.wait_dma2 semaphore(%run_scoped3A_47 : memref<!tpu.dma_semaphore, #tpu.memory_space<semaphore_mem>>) src(%dma_wait3A_55 : memref<640x16xf32, #tpu.memory_space<vmem_shared>>) dst(%dma_wait3A_53 : memref<640x16xf32, #tpu.memory_space<hbm>>)
      tpu.yield
    }) : () -> ()
    return
  }
}

#map = affine_map<(d0, d1) -> (0, 0, 0)>
#map1 = affine_map<(d0, d1) -> (0, 0)>
module attributes {stable_mosaic.version = 14 : i64} {
  func.func @agg_kernel(%arg0: i32, %arg1: i32, %arg2: memref<2x2500x128xi32, #tpu.memory_space<hbm>>, %arg3: memref<10240x64xf32, #tpu.memory_space<hbm>>, %arg4: memref<2x10240x64xf32, #tpu.memory_space<hbm>>, %arg5: memref<79x128xi32, #tpu.memory_space<vmem>>, %arg6: memref<79x128xi32, #tpu.memory_space<vmem>>, %arg7: memref<6x128x64xf32, #tpu.memory_space<vmem>>, %arg8: memref<128x64xf32, #tpu.memory_space<vmem>>, %arg9: memref<10240x64xf32, #tpu.memory_space<vmem_shared>>, %arg10: memref<!tpu.dma_semaphore, #tpu.memory_space<semaphore_mem>>, %arg11: memref<!tpu.dma_semaphore, #tpu.memory_space<semaphore_mem>>, %arg12: memref<!tpu.dma_semaphore, #tpu.memory_space<semaphore_mem>>, %arg13: memref<!tpu.dma_semaphore, #tpu.memory_space<semaphore_mem>>, %arg14: memref<!tpu.dma_semaphore, #tpu.memory_space<semaphore_mem>>, %arg15: memref<!tpu.dma_semaphore, #tpu.memory_space<semaphore_mem>>, %arg16: memref<!tpu.dma_semaphore, #tpu.memory_space<semaphore_mem>>, %arg17: memref<!tpu.dma_semaphore, #tpu.memory_space<semaphore_mem>>, %arg18: memref<!tpu.dma_semaphore, #tpu.memory_space<semaphore_mem>>, %arg19: memref<!tpu.dma_semaphore, #tpu.memory_space<semaphore_mem>>, %arg20: memref<!tpu.dma_semaphore, #tpu.memory_space<semaphore_mem>>, %arg21: memref<!tpu.dma_semaphore, #tpu.memory_space<semaphore_mem>>) attributes {dimension_semantics = [#tpu.dimension_semantics<core_parallel>, #tpu.dimension_semantics<subcore_parallel>], iteration_bounds = array<i64: 2, 16>, scalar_prefetch = 0 : i64, scratch_operands = 17 : i64, tpu.core_type = #tpu.core_type<sc_vector_subcore>, window_params = [{transform_indices = #map}, {transform_indices = #map1}, {transform_indices = #map}]} {
    %mul3A = arith.constant 2 : i32
    %mul3A_0 = arith.muli %arg1, %mul3A : i32
    %add3A = arith.addi %mul3A_0, %arg0 : i32
    %mul3A_1 = arith.constant 78 : i32
    %mul3A_2 = arith.muli %add3A, %mul3A_1 : i32
    %min3A = arith.constant 4 : i32
    %min3A_3 = arith.minsi %add3A, %min3A : i32
    %add3A_4 = arith.addi %mul3A_2, %min3A_3 : i32
    %lt3A = arith.constant 4 : i32
    %lt3A_5 = arith.cmpi slt, %add3A, %lt3A : i32
    %jit3A = arith.constant 79 : i32
    %jit3A_6 = arith.constant 78 : i32
    %select_n3A = arith.select %lt3A_5, %jit3A, %jit3A_6 : i32
    %broadcast_in_dim3A = arith.constant 0.000000e+00 : f32
    %broadcast_in_dim3A_7 = vector.broadcast %broadcast_in_dim3A : f32 to vector<16xf32>
    %scan3A = arith.constant 0 : i32
    %scan3A_8 = arith.constant 0 : i32
    %scan3A_9 = arith.constant 128 : i32
    %scan3A_10 = arith.addi %scan3A_8, %scan3A_9 : i32
    %scan3A_11 = arith.constant 1 : i32
    %scan3A_12 = scf.for %scan3A_133 = %scan3A_8 to %scan3A_10 step %scan3A_11 iter_args(%scan3A_134 = %scan3A) -> (i32)  : i32 {
      %swap3A = arith.index_cast %scan3A_133 : i32 to index
      %swap3A_135 = arith.constant 0 : index
      %swap3A_136 = tpu.vector_load %arg8[%swap3A, %swap3A_135] {strides = array<i32>} : memref<128x64xf32, #tpu.memory_space<vmem>>, vector<1x16xf32>,
      %swap3A_137 = vector.shape_cast %swap3A_136 : vector<1x16xf32> to vector<16xf32>
      %swap3A_138 = vector.shape_cast %broadcast_in_dim3A_7 : vector<16xf32> to vector<1x16xf32>
      tpu.vector_store %arg8[%swap3A, %swap3A_135], %swap3A_138 {strides = array<i32>} : memref<128x64xf32, #tpu.memory_space<vmem>>, vector<1x16xf32>,
      %swap3A_139 = arith.index_cast %scan3A_133 : i32 to index
      %swap3A_140 = arith.constant 16 : index
      %swap3A_141 = tpu.vector_load %arg8[%swap3A_139, %swap3A_140] {strides = array<i32>} : memref<128x64xf32, #tpu.memory_space<vmem>>, vector<1x16xf32>,
      %swap3A_142 = vector.shape_cast %swap3A_141 : vector<1x16xf32> to vector<16xf32>
      %swap3A_143 = vector.shape_cast %broadcast_in_dim3A_7 : vector<16xf32> to vector<1x16xf32>
      tpu.vector_store %arg8[%swap3A_139, %swap3A_140], %swap3A_143 {strides = array<i32>} : memref<128x64xf32, #tpu.memory_space<vmem>>, vector<1x16xf32>,
      %swap3A_144 = arith.index_cast %scan3A_133 : i32 to index
      %swap3A_145 = arith.constant 32 : index
      %swap3A_146 = tpu.vector_load %arg8[%swap3A_144, %swap3A_145] {strides = array<i32>} : memref<128x64xf32, #tpu.memory_space<vmem>>, vector<1x16xf32>,
      %swap3A_147 = vector.shape_cast %swap3A_146 : vector<1x16xf32> to vector<16xf32>
      %swap3A_148 = vector.shape_cast %broadcast_in_dim3A_7 : vector<16xf32> to vector<1x16xf32>
      tpu.vector_store %arg8[%swap3A_144, %swap3A_145], %swap3A_148 {strides = array<i32>} : memref<128x64xf32, #tpu.memory_space<vmem>>, vector<1x16xf32>,
      %swap3A_149 = arith.index_cast %scan3A_133 : i32 to index
      %swap3A_150 = arith.constant 48 : index
      %swap3A_151 = tpu.vector_load %arg8[%swap3A_149, %swap3A_150] {strides = array<i32>} : memref<128x64xf32, #tpu.memory_space<vmem>>, vector<1x16xf32>,
      %swap3A_152 = vector.shape_cast %swap3A_151 : vector<1x16xf32> to vector<16xf32>
      %swap3A_153 = vector.shape_cast %broadcast_in_dim3A_7 : vector<16xf32> to vector<1x16xf32>
      tpu.vector_store %arg8[%swap3A_149, %swap3A_150], %swap3A_153 {strides = array<i32>} : memref<128x64xf32, #tpu.memory_space<vmem>>, vector<1x16xf32>,
      %scan3A_154 = arith.constant 0 : i32
      scf.yield %scan3A_154 : i32
    }
    %scan3A_13 = arith.constant 128 : i32
    %mul3A_14 = arith.constant 640 : i32
    %mul3A_15 = arith.muli %arg1, %mul3A_14 : i32
    %add3A_16 = arith.constant 0 : i32
    %add3A_17 = arith.addi %mul3A_15, %add3A_16 : i32
    "tpu.region"() ({
      %run_scoped3A_133 = tpu.sem_alloc : memref<!tpu.dma_semaphore, #tpu.memory_space<semaphore_mem>>
      %dma_start3A_134 = arith.constant 0 : i32
      %dma_start3A_135 = tpu.memref_slice %arg9[%add3A_17, %dma_start3A_134] : memref<10240x64xf32, #tpu.memory_space<vmem_shared>> -> memref<128x64xf32, #tpu.memory_space<vmem_shared>>
      %dma_start3A_136 = arith.constant 0 : i32
      %dma_start3A_137 = tpu.memref_slice %arg9[%add3A_17, %dma_start3A_136] : memref<10240x64xf32, #tpu.memory_space<vmem_shared>> -> memref<128x64xf32, #tpu.memory_space<vmem_shared>>
      tpu.enqueue_dma source(%arg8 : memref<128x64xf32, #tpu.memory_space<vmem>>) target(%dma_start3A_137 : memref<128x64xf32, #tpu.memory_space<vmem_shared>>) target_semaphore(%run_scoped3A_133 : memref<!tpu.dma_semaphore, #tpu.memory_space<semaphore_mem>>)
      %dma_wait3A_138 = arith.constant 0 : i32
      %dma_wait3A_139 = tpu.memref_slice %arg9[%add3A_17, %dma_wait3A_138] : memref<10240x64xf32, #tpu.memory_space<vmem_shared>> -> memref<128x64xf32, #tpu.memory_space<vmem_shared>>
      %dma_wait3A_140 = arith.constant 0 : i32
      %dma_wait3A_141 = tpu.memref_slice %arg9[%add3A_17, %dma_wait3A_140] : memref<10240x64xf32, #tpu.memory_space<vmem_shared>> -> memref<128x64xf32, #tpu.memory_space<vmem_shared>>
      tpu.wait_dma2 semaphore(%run_scoped3A_133 : memref<!tpu.dma_semaphore, #tpu.memory_space<semaphore_mem>>) src(%arg8 : memref<128x64xf32, #tpu.memory_space<vmem>>) dst(%dma_wait3A_141 : memref<128x64xf32, #tpu.memory_space<vmem_shared>>)
      tpu.yield
    }) : () -> ()
    %mul3A_18 = arith.constant 640 : i32
    %mul3A_19 = arith.muli %arg1, %mul3A_18 : i32
    %add3A_20 = arith.constant 128 : i32
    %add3A_21 = arith.addi %mul3A_19, %add3A_20 : i32
    "tpu.region"() ({
      %run_scoped3A_133 = tpu.sem_alloc : memref<!tpu.dma_semaphore, #tpu.memory_space<semaphore_mem>>
      %dma_start3A_134 = arith.constant 0 : i32
      %dma_start3A_135 = tpu.memref_slice %arg9[%add3A_21, %dma_start3A_134] : memref<10240x64xf32, #tpu.memory_space<vmem_shared>> -> memref<128x64xf32, #tpu.memory_space<vmem_shared>>
      %dma_start3A_136 = arith.constant 0 : i32
      %dma_start3A_137 = tpu.memref_slice %arg9[%add3A_21, %dma_start3A_136] : memref<10240x64xf32, #tpu.memory_space<vmem_shared>> -> memref<128x64xf32, #tpu.memory_space<vmem_shared>>
      tpu.enqueue_dma source(%arg8 : memref<128x64xf32, #tpu.memory_space<vmem>>) target(%dma_start3A_137 : memref<128x64xf32, #tpu.memory_space<vmem_shared>>) target_semaphore(%run_scoped3A_133 : memref<!tpu.dma_semaphore, #tpu.memory_space<semaphore_mem>>)
      %dma_wait3A_138 = arith.constant 0 : i32
      %dma_wait3A_139 = tpu.memref_slice %arg9[%add3A_21, %dma_wait3A_138] : memref<10240x64xf32, #tpu.memory_space<vmem_shared>> -> memref<128x64xf32, #tpu.memory_space<vmem_shared>>
      %dma_wait3A_140 = arith.constant 0 : i32
      %dma_wait3A_141 = tpu.memref_slice %arg9[%add3A_21, %dma_wait3A_140] : memref<10240x64xf32, #tpu.memory_space<vmem_shared>> -> memref<128x64xf32, #tpu.memory_space<vmem_shared>>
      tpu.wait_dma2 semaphore(%run_scoped3A_133 : memref<!tpu.dma_semaphore, #tpu.memory_space<semaphore_mem>>) src(%arg8 : memref<128x64xf32, #tpu.memory_space<vmem>>) dst(%dma_wait3A_141 : memref<128x64xf32, #tpu.memory_space<vmem_shared>>)
      tpu.yield
    }) : () -> ()
    %mul3A_22 = arith.constant 640 : i32
    %mul3A_23 = arith.muli %arg1, %mul3A_22 : i32
    %add3A_24 = arith.constant 256 : i32
    %add3A_25 = arith.addi %mul3A_23, %add3A_24 : i32
    "tpu.region"() ({
      %run_scoped3A_133 = tpu.sem_alloc : memref<!tpu.dma_semaphore, #tpu.memory_space<semaphore_mem>>
      %dma_start3A_134 = arith.constant 0 : i32
      %dma_start3A_135 = tpu.memref_slice %arg9[%add3A_25, %dma_start3A_134] : memref<10240x64xf32, #tpu.memory_space<vmem_shared>> -> memref<128x64xf32, #tpu.memory_space<vmem_shared>>
      %dma_start3A_136 = arith.constant 0 : i32
      %dma_start3A_137 = tpu.memref_slice %arg9[%add3A_25, %dma_start3A_136] : memref<10240x64xf32, #tpu.memory_space<vmem_shared>> -> memref<128x64xf32, #tpu.memory_space<vmem_shared>>
      tpu.enqueue_dma source(%arg8 : memref<128x64xf32, #tpu.memory_space<vmem>>) target(%dma_start3A_137 : memref<128x64xf32, #tpu.memory_space<vmem_shared>>) target_semaphore(%run_scoped3A_133 : memref<!tpu.dma_semaphore, #tpu.memory_space<semaphore_mem>>)
      %dma_wait3A_138 = arith.constant 0 : i32
      %dma_wait3A_139 = tpu.memref_slice %arg9[%add3A_25, %dma_wait3A_138] : memref<10240x64xf32, #tpu.memory_space<vmem_shared>> -> memref<128x64xf32, #tpu.memory_space<vmem_shared>>
      %dma_wait3A_140 = arith.constant 0 : i32
      %dma_wait3A_141 = tpu.memref_slice %arg9[%add3A_25, %dma_wait3A_140] : memref<10240x64xf32, #tpu.memory_space<vmem_shared>> -> memref<128x64xf32, #tpu.memory_space<vmem_shared>>
      tpu.wait_dma2 semaphore(%run_scoped3A_133 : memref<!tpu.dma_semaphore, #tpu.memory_space<semaphore_mem>>) src(%arg8 : memref<128x64xf32, #tpu.memory_space<vmem>>) dst(%dma_wait3A_141 : memref<128x64xf32, #tpu.memory_space<vmem_shared>>)
      tpu.yield
    }) : () -> ()
    %mul3A_26 = arith.constant 640 : i32
    %mul3A_27 = arith.muli %arg1, %mul3A_26 : i32
    %add3A_28 = arith.constant 384 : i32
    %add3A_29 = arith.addi %mul3A_27, %add3A_28 : i32
    "tpu.region"() ({
      %run_scoped3A_133 = tpu.sem_alloc : memref<!tpu.dma_semaphore, #tpu.memory_space<semaphore_mem>>
      %dma_start3A_134 = arith.constant 0 : i32
      %dma_start3A_135 = tpu.memref_slice %arg9[%add3A_29, %dma_start3A_134] : memref<10240x64xf32, #tpu.memory_space<vmem_shared>> -> memref<128x64xf32, #tpu.memory_space<vmem_shared>>
      %dma_start3A_136 = arith.constant 0 : i32
      %dma_start3A_137 = tpu.memref_slice %arg9[%add3A_29, %dma_start3A_136] : memref<10240x64xf32, #tpu.memory_space<vmem_shared>> -> memref<128x64xf32, #tpu.memory_space<vmem_shared>>
      tpu.enqueue_dma source(%arg8 : memref<128x64xf32, #tpu.memory_space<vmem>>) target(%dma_start3A_137 : memref<128x64xf32, #tpu.memory_space<vmem_shared>>) target_semaphore(%run_scoped3A_133 : memref<!tpu.dma_semaphore, #tpu.memory_space<semaphore_mem>>)
      %dma_wait3A_138 = arith.constant 0 : i32
      %dma_wait3A_139 = tpu.memref_slice %arg9[%add3A_29, %dma_wait3A_138] : memref<10240x64xf32, #tpu.memory_space<vmem_shared>> -> memref<128x64xf32, #tpu.memory_space<vmem_shared>>
      %dma_wait3A_140 = arith.constant 0 : i32
      %dma_wait3A_141 = tpu.memref_slice %arg9[%add3A_29, %dma_wait3A_140] : memref<10240x64xf32, #tpu.memory_space<vmem_shared>> -> memref<128x64xf32, #tpu.memory_space<vmem_shared>>
      tpu.wait_dma2 semaphore(%run_scoped3A_133 : memref<!tpu.dma_semaphore, #tpu.memory_space<semaphore_mem>>) src(%arg8 : memref<128x64xf32, #tpu.memory_space<vmem>>) dst(%dma_wait3A_141 : memref<128x64xf32, #tpu.memory_space<vmem_shared>>)
      tpu.yield
    }) : () -> ()
    %mul3A_30 = arith.constant 640 : i32
    %mul3A_31 = arith.muli %arg1, %mul3A_30 : i32
    %add3A_32 = arith.constant 512 : i32
    %add3A_33 = arith.addi %mul3A_31, %add3A_32 : i32
    "tpu.region"() ({
      %run_scoped3A_133 = tpu.sem_alloc : memref<!tpu.dma_semaphore, #tpu.memory_space<semaphore_mem>>
      %dma_start3A_134 = arith.constant 0 : i32
      %dma_start3A_135 = tpu.memref_slice %arg9[%add3A_33, %dma_start3A_134] : memref<10240x64xf32, #tpu.memory_space<vmem_shared>> -> memref<128x64xf32, #tpu.memory_space<vmem_shared>>
      %dma_start3A_136 = arith.constant 0 : i32
      %dma_start3A_137 = tpu.memref_slice %arg9[%add3A_33, %dma_start3A_136] : memref<10240x64xf32, #tpu.memory_space<vmem_shared>> -> memref<128x64xf32, #tpu.memory_space<vmem_shared>>
      tpu.enqueue_dma source(%arg8 : memref<128x64xf32, #tpu.memory_space<vmem>>) target(%dma_start3A_137 : memref<128x64xf32, #tpu.memory_space<vmem_shared>>) target_semaphore(%run_scoped3A_133 : memref<!tpu.dma_semaphore, #tpu.memory_space<semaphore_mem>>)
      %dma_wait3A_138 = arith.constant 0 : i32
      %dma_wait3A_139 = tpu.memref_slice %arg9[%add3A_33, %dma_wait3A_138] : memref<10240x64xf32, #tpu.memory_space<vmem_shared>> -> memref<128x64xf32, #tpu.memory_space<vmem_shared>>
      %dma_wait3A_140 = arith.constant 0 : i32
      %dma_wait3A_141 = tpu.memref_slice %arg9[%add3A_33, %dma_wait3A_140] : memref<10240x64xf32, #tpu.memory_space<vmem_shared>> -> memref<128x64xf32, #tpu.memory_space<vmem_shared>>
      tpu.wait_dma2 semaphore(%run_scoped3A_133 : memref<!tpu.dma_semaphore, #tpu.memory_space<semaphore_mem>>) src(%arg8 : memref<128x64xf32, #tpu.memory_space<vmem>>) dst(%dma_wait3A_141 : memref<128x64xf32, #tpu.memory_space<vmem_shared>>)
      tpu.yield
    }) : () -> ()
    %barrier3A = arith.constant 0 : index
    tpu.barrier barrier_id(%barrier3A)
    %run_scoped3A = arith.constant 0 : i32
    "tpu.region"() ({
      %run_scoped3A_133 = tpu.sem_alloc : memref<!tpu.dma_semaphore, #tpu.memory_space<semaphore_mem>>
      %dma_start3A_134 = arith.constant 0 : i32
      %dma_start3A_135 = arith.constant 0 : i32
      %dma_start3A_136 = tpu.memref_slice %arg5[%dma_start3A_134, %dma_start3A_135] : memref<79x128xi32, #tpu.memory_space<vmem>> -> memref<78x128xi32, #tpu.memory_space<vmem>>
      %dma_start3A_137 = arith.constant 0 : i32
      %dma_start3A_138 = tpu.memref_slice %arg2[%run_scoped3A, %add3A_4, %dma_start3A_137] : memref<2x2500x128xi32, #tpu.memory_space<hbm>> -> memref<1x78x128xi32, #tpu.memory_space<hbm>>
      %dma_start3A_139 = tpu.memref_squeeze %dma_start3A_138 : memref<1x78x128xi32, #tpu.memory_space<hbm>> -> memref<78x128xi32, #tpu.memory_space<hbm>>
      %dma_start3A_140 = arith.constant 0 : i32
      %dma_start3A_141 = arith.constant 0 : i32
      %dma_start3A_142 = tpu.memref_slice %arg5[%dma_start3A_140, %dma_start3A_141] : memref<79x128xi32, #tpu.memory_space<vmem>> -> memref<78x128xi32, #tpu.memory_space<vmem>>
      %dma_start3A_143 = arith.constant 0 : i32
      %dma_start3A_144 = tpu.memref_slice %arg2[%run_scoped3A, %add3A_4, %dma_start3A_143] : memref<2x2500x128xi32, #tpu.memory_space<hbm>> -> memref<1x78x128xi32, #tpu.memory_space<hbm>>
      %dma_start3A_145 = tpu.memref_squeeze %dma_start3A_144 : memref<1x78x128xi32, #tpu.memory_space<hbm>> -> memref<78x128xi32, #tpu.memory_space<hbm>>
      tpu.enqueue_dma source(%dma_start3A_145 : memref<78x128xi32, #tpu.memory_space<hbm>>) target(%dma_start3A_142 : memref<78x128xi32, #tpu.memory_space<vmem>>) target_semaphore(%run_scoped3A_133 : memref<!tpu.dma_semaphore, #tpu.memory_space<semaphore_mem>>)
      %dma_wait3A_146 = arith.constant 0 : i32
      %dma_wait3A_147 = arith.constant 0 : i32
      %dma_wait3A_148 = tpu.memref_slice %arg5[%dma_wait3A_146, %dma_wait3A_147] : memref<79x128xi32, #tpu.memory_space<vmem>> -> memref<78x128xi32, #tpu.memory_space<vmem>>
      %dma_wait3A_149 = arith.constant 0 : i32
      %dma_wait3A_150 = tpu.memref_slice %arg2[%run_scoped3A, %add3A_4, %dma_wait3A_149] : memref<2x2500x128xi32, #tpu.memory_space<hbm>> -> memref<1x78x128xi32, #tpu.memory_space<hbm>>
      %dma_wait3A_151 = tpu.memref_squeeze %dma_wait3A_150 : memref<1x78x128xi32, #tpu.memory_space<hbm>> -> memref<78x128xi32, #tpu.memory_space<hbm>>
      %dma_wait3A_152 = arith.constant 0 : i32
      %dma_wait3A_153 = arith.constant 0 : i32
      %dma_wait3A_154 = tpu.memref_slice %arg5[%dma_wait3A_152, %dma_wait3A_153] : memref<79x128xi32, #tpu.memory_space<vmem>> -> memref<78x128xi32, #tpu.memory_space<vmem>>
      %dma_wait3A_155 = arith.constant 0 : i32
      %dma_wait3A_156 = tpu.memref_slice %arg2[%run_scoped3A, %add3A_4, %dma_wait3A_155] : memref<2x2500x128xi32, #tpu.memory_space<hbm>> -> memref<1x78x128xi32, #tpu.memory_space<hbm>>
      %dma_wait3A_157 = tpu.memref_squeeze %dma_wait3A_156 : memref<1x78x128xi32, #tpu.memory_space<hbm>> -> memref<78x128xi32, #tpu.memory_space<hbm>>
      tpu.wait_dma2 semaphore(%run_scoped3A_133 : memref<!tpu.dma_semaphore, #tpu.memory_space<semaphore_mem>>) src(%dma_wait3A_157 : memref<78x128xi32, #tpu.memory_space<hbm>>) dst(%dma_wait3A_154 : memref<78x128xi32, #tpu.memory_space<vmem>>)
      tpu.yield
    }) : () -> ()
    %run_scoped3A_34 = arith.constant 1 : i32
    "tpu.region"() ({
      %run_scoped3A_133 = tpu.sem_alloc : memref<!tpu.dma_semaphore, #tpu.memory_space<semaphore_mem>>
      %dma_start3A_134 = arith.constant 0 : i32
      %dma_start3A_135 = arith.constant 0 : i32
      %dma_start3A_136 = tpu.memref_slice %arg6[%dma_start3A_134, %dma_start3A_135] : memref<79x128xi32, #tpu.memory_space<vmem>> -> memref<78x128xi32, #tpu.memory_space<vmem>>
      %dma_start3A_137 = arith.constant 0 : i32
      %dma_start3A_138 = tpu.memref_slice %arg2[%run_scoped3A_34, %add3A_4, %dma_start3A_137] : memref<2x2500x128xi32, #tpu.memory_space<hbm>> -> memref<1x78x128xi32, #tpu.memory_space<hbm>>
      %dma_start3A_139 = tpu.memref_squeeze %dma_start3A_138 : memref<1x78x128xi32, #tpu.memory_space<hbm>> -> memref<78x128xi32, #tpu.memory_space<hbm>>
      %dma_start3A_140 = arith.constant 0 : i32
      %dma_start3A_141 = arith.constant 0 : i32
      %dma_start3A_142 = tpu.memref_slice %arg6[%dma_start3A_140, %dma_start3A_141] : memref<79x128xi32, #tpu.memory_space<vmem>> -> memref<78x128xi32, #tpu.memory_space<vmem>>
      %dma_start3A_143 = arith.constant 0 : i32
      %dma_start3A_144 = tpu.memref_slice %arg2[%run_scoped3A_34, %add3A_4, %dma_start3A_143] : memref<2x2500x128xi32, #tpu.memory_space<hbm>> -> memref<1x78x128xi32, #tpu.memory_space<hbm>>
      %dma_start3A_145 = tpu.memref_squeeze %dma_start3A_144 : memref<1x78x128xi32, #tpu.memory_space<hbm>> -> memref<78x128xi32, #tpu.memory_space<hbm>>
      tpu.enqueue_dma source(%dma_start3A_145 : memref<78x128xi32, #tpu.memory_space<hbm>>) target(%dma_start3A_142 : memref<78x128xi32, #tpu.memory_space<vmem>>) target_semaphore(%run_scoped3A_133 : memref<!tpu.dma_semaphore, #tpu.memory_space<semaphore_mem>>)
      %dma_wait3A_146 = arith.constant 0 : i32
      %dma_wait3A_147 = arith.constant 0 : i32
      %dma_wait3A_148 = tpu.memref_slice %arg6[%dma_wait3A_146, %dma_wait3A_147] : memref<79x128xi32, #tpu.memory_space<vmem>> -> memref<78x128xi32, #tpu.memory_space<vmem>>
      %dma_wait3A_149 = arith.constant 0 : i32
      %dma_wait3A_150 = tpu.memref_slice %arg2[%run_scoped3A_34, %add3A_4, %dma_wait3A_149] : memref<2x2500x128xi32, #tpu.memory_space<hbm>> -> memref<1x78x128xi32, #tpu.memory_space<hbm>>
      %dma_wait3A_151 = tpu.memref_squeeze %dma_wait3A_150 : memref<1x78x128xi32, #tpu.memory_space<hbm>> -> memref<78x128xi32, #tpu.memory_space<hbm>>
      %dma_wait3A_152 = arith.constant 0 : i32
      %dma_wait3A_153 = arith.constant 0 : i32
      %dma_wait3A_154 = tpu.memref_slice %arg6[%dma_wait3A_152, %dma_wait3A_153] : memref<79x128xi32, #tpu.memory_space<vmem>> -> memref<78x128xi32, #tpu.memory_space<vmem>>
      %dma_wait3A_155 = arith.constant 0 : i32
      %dma_wait3A_156 = tpu.memref_slice %arg2[%run_scoped3A_34, %add3A_4, %dma_wait3A_155] : memref<2x2500x128xi32, #tpu.memory_space<hbm>> -> memref<1x78x128xi32, #tpu.memory_space<hbm>>
      %dma_wait3A_157 = tpu.memref_squeeze %dma_wait3A_156 : memref<1x78x128xi32, #tpu.memory_space<hbm>> -> memref<78x128xi32, #tpu.memory_space<hbm>>
      tpu.wait_dma2 semaphore(%run_scoped3A_133 : memref<!tpu.dma_semaphore, #tpu.memory_space<semaphore_mem>>) src(%dma_wait3A_157 : memref<78x128xi32, #tpu.memory_space<hbm>>) dst(%dma_wait3A_154 : memref<78x128xi32, #tpu.memory_space<vmem>>)
      tpu.yield
    }) : () -> ()
    %convert_element_type3A = arith.extui %lt3A_5 : i1 to i32
    %cond3A = arith.constant 0 : i32
    %cond3A_35 = arith.cmpi ne, %convert_element_type3A, %cond3A : i32
    scf.if %cond3A_35 {
      %add3A_133 = arith.constant 78 : i32
      %add3A_134 = arith.addi %add3A_4, %add3A_133 : i32
      %run_scoped3A_135 = arith.constant 0 : i32
      "tpu.region"() ({
        %run_scoped3A_139 = tpu.sem_alloc : memref<!tpu.dma_semaphore, #tpu.memory_space<semaphore_mem>>
        %dma_start3A_140 = arith.constant 78 : i32
        %dma_start3A_141 = arith.constant 0 : i32
        %dma_start3A_142 = tpu.memref_slice %arg5[%dma_start3A_140, %dma_start3A_141] : memref<79x128xi32, #tpu.memory_space<vmem>> -> memref<1x128xi32, #tpu.memory_space<vmem>>
        %dma_start3A_143 = arith.constant 0 : i32
        %dma_start3A_144 = tpu.memref_slice %arg2[%run_scoped3A_135, %add3A_134, %dma_start3A_143] : memref<2x2500x128xi32, #tpu.memory_space<hbm>> -> memref<1x1x128xi32, #tpu.memory_space<hbm>>
        %dma_start3A_145 = tpu.memref_squeeze %dma_start3A_144 : memref<1x1x128xi32, #tpu.memory_space<hbm>> -> memref<1x128xi32, #tpu.memory_space<hbm>>
        %dma_start3A_146 = arith.constant 78 : i32
        %dma_start3A_147 = arith.constant 0 : i32
        %dma_start3A_148 = tpu.memref_slice %arg5[%dma_start3A_146, %dma_start3A_147] : memref<79x128xi32, #tpu.memory_space<vmem>> -> memref<1x128xi32, #tpu.memory_space<vmem>>
        %dma_start3A_149 = arith.constant 0 : i32
        %dma_start3A_150 = tpu.memref_slice %arg2[%run_scoped3A_135, %add3A_134, %dma_start3A_149] : memref<2x2500x128xi32, #tpu.memory_space<hbm>> -> memref<1x1x128xi32, #tpu.memory_space<hbm>>
        %dma_start3A_151 = tpu.memref_squeeze %dma_start3A_150 : memref<1x1x128xi32, #tpu.memory_space<hbm>> -> memref<1x128xi32, #tpu.memory_space<hbm>>
        tpu.enqueue_dma source(%dma_start3A_151 : memref<1x128xi32, #tpu.memory_space<hbm>>) target(%dma_start3A_148 : memref<1x128xi32, #tpu.memory_space<vmem>>) target_semaphore(%run_scoped3A_139 : memref<!tpu.dma_semaphore, #tpu.memory_space<semaphore_mem>>)
        %dma_wait3A_152 = arith.constant 78 : i32
        %dma_wait3A_153 = arith.constant 0 : i32
        %dma_wait3A_154 = tpu.memref_slice %arg5[%dma_wait3A_152, %dma_wait3A_153] : memref<79x128xi32, #tpu.memory_space<vmem>> -> memref<1x128xi32, #tpu.memory_space<vmem>>
        %dma_wait3A_155 = arith.constant 0 : i32
        %dma_wait3A_156 = tpu.memref_slice %arg2[%run_scoped3A_135, %add3A_134, %dma_wait3A_155] : memref<2x2500x128xi32, #tpu.memory_space<hbm>> -> memref<1x1x128xi32, #tpu.memory_space<hbm>>
        %dma_wait3A_157 = tpu.memref_squeeze %dma_wait3A_156 : memref<1x1x128xi32, #tpu.memory_space<hbm>> -> memref<1x128xi32, #tpu.memory_space<hbm>>
        %dma_wait3A_158 = arith.constant 78 : i32
        %dma_wait3A_159 = arith.constant 0 : i32
        %dma_wait3A_160 = tpu.memref_slice %arg5[%dma_wait3A_158, %dma_wait3A_159] : memref<79x128xi32, #tpu.memory_space<vmem>> -> memref<1x128xi32, #tpu.memory_space<vmem>>
        %dma_wait3A_161 = arith.constant 0 : i32
        %dma_wait3A_162 = tpu.memref_slice %arg2[%run_scoped3A_135, %add3A_134, %dma_wait3A_161] : memref<2x2500x128xi32, #tpu.memory_space<hbm>> -> memref<1x1x128xi32, #tpu.memory_space<hbm>>
        %dma_wait3A_163 = tpu.memref_squeeze %dma_wait3A_162 : memref<1x1x128xi32, #tpu.memory_space<hbm>> -> memref<1x128xi32, #tpu.memory_space<hbm>>
        tpu.wait_dma2 semaphore(%run_scoped3A_139 : memref<!tpu.dma_semaphore, #tpu.memory_space<semaphore_mem>>) src(%dma_wait3A_163 : memref<1x128xi32, #tpu.memory_space<hbm>>) dst(%dma_wait3A_160 : memref<1x128xi32, #tpu.memory_space<vmem>>)
        tpu.yield
      }) : () -> ()
      %add3A_136 = arith.constant 78 : i32
      %add3A_137 = arith.addi %add3A_4, %add3A_136 : i32
      %run_scoped3A_138 = arith.constant 1 : i32
      "tpu.region"() ({
        %run_scoped3A_139 = tpu.sem_alloc : memref<!tpu.dma_semaphore, #tpu.memory_space<semaphore_mem>>
        %dma_start3A_140 = arith.constant 78 : i32
        %dma_start3A_141 = arith.constant 0 : i32
        %dma_start3A_142 = tpu.memref_slice %arg6[%dma_start3A_140, %dma_start3A_141] : memref<79x128xi32, #tpu.memory_space<vmem>> -> memref<1x128xi32, #tpu.memory_space<vmem>>
        %dma_start3A_143 = arith.constant 0 : i32
        %dma_start3A_144 = tpu.memref_slice %arg2[%run_scoped3A_138, %add3A_137, %dma_start3A_143] : memref<2x2500x128xi32, #tpu.memory_space<hbm>> -> memref<1x1x128xi32, #tpu.memory_space<hbm>>
        %dma_start3A_145 = tpu.memref_squeeze %dma_start3A_144 : memref<1x1x128xi32, #tpu.memory_space<hbm>> -> memref<1x128xi32, #tpu.memory_space<hbm>>
        %dma_start3A_146 = arith.constant 78 : i32
        %dma_start3A_147 = arith.constant 0 : i32
        %dma_start3A_148 = tpu.memref_slice %arg6[%dma_start3A_146, %dma_start3A_147] : memref<79x128xi32, #tpu.memory_space<vmem>> -> memref<1x128xi32, #tpu.memory_space<vmem>>
        %dma_start3A_149 = arith.constant 0 : i32
        %dma_start3A_150 = tpu.memref_slice %arg2[%run_scoped3A_138, %add3A_137, %dma_start3A_149] : memref<2x2500x128xi32, #tpu.memory_space<hbm>> -> memref<1x1x128xi32, #tpu.memory_space<hbm>>
        %dma_start3A_151 = tpu.memref_squeeze %dma_start3A_150 : memref<1x1x128xi32, #tpu.memory_space<hbm>> -> memref<1x128xi32, #tpu.memory_space<hbm>>
        tpu.enqueue_dma source(%dma_start3A_151 : memref<1x128xi32, #tpu.memory_space<hbm>>) target(%dma_start3A_148 : memref<1x128xi32, #tpu.memory_space<vmem>>) target_semaphore(%run_scoped3A_139 : memref<!tpu.dma_semaphore, #tpu.memory_space<semaphore_mem>>)
        %dma_wait3A_152 = arith.constant 78 : i32
        %dma_wait3A_153 = arith.constant 0 : i32
        %dma_wait3A_154 = tpu.memref_slice %arg6[%dma_wait3A_152, %dma_wait3A_153] : memref<79x128xi32, #tpu.memory_space<vmem>> -> memref<1x128xi32, #tpu.memory_space<vmem>>
        %dma_wait3A_155 = arith.constant 0 : i32
        %dma_wait3A_156 = tpu.memref_slice %arg2[%run_scoped3A_138, %add3A_137, %dma_wait3A_155] : memref<2x2500x128xi32, #tpu.memory_space<hbm>> -> memref<1x1x128xi32, #tpu.memory_space<hbm>>
        %dma_wait3A_157 = tpu.memref_squeeze %dma_wait3A_156 : memref<1x1x128xi32, #tpu.memory_space<hbm>> -> memref<1x128xi32, #tpu.memory_space<hbm>>
        %dma_wait3A_158 = arith.constant 78 : i32
        %dma_wait3A_159 = arith.constant 0 : i32
        %dma_wait3A_160 = tpu.memref_slice %arg6[%dma_wait3A_158, %dma_wait3A_159] : memref<79x128xi32, #tpu.memory_space<vmem>> -> memref<1x128xi32, #tpu.memory_space<vmem>>
        %dma_wait3A_161 = arith.constant 0 : i32
        %dma_wait3A_162 = tpu.memref_slice %arg2[%run_scoped3A_138, %add3A_137, %dma_wait3A_161] : memref<2x2500x128xi32, #tpu.memory_space<hbm>> -> memref<1x1x128xi32, #tpu.memory_space<hbm>>
        %dma_wait3A_163 = tpu.memref_squeeze %dma_wait3A_162 : memref<1x1x128xi32, #tpu.memory_space<hbm>> -> memref<1x128xi32, #tpu.memory_space<hbm>>
        tpu.wait_dma2 semaphore(%run_scoped3A_139 : memref<!tpu.dma_semaphore, #tpu.memory_space<semaphore_mem>>) src(%dma_wait3A_163 : memref<1x128xi32, #tpu.memory_space<hbm>>) dst(%dma_wait3A_160 : memref<1x128xi32, #tpu.memory_space<vmem>>)
        tpu.yield
      }) : () -> ()
    } else {
    }
    %dma_start3A = arith.constant 0 : i32
    %dma_start3A_36 = arith.constant 0 : i32
    %dma_start3A_37 = arith.constant 0 : i32
    %dma_start3A_38 = arith.constant 0 : i32
    %dma_start3A_39 = tpu.memref_slice %arg7[%dma_start3A_36, %dma_start3A_37, %dma_start3A_38] : memref<6x128x64xf32, #tpu.memory_space<vmem>> -> memref<1x128x64xf32, #tpu.memory_space<vmem>>
    %dma_start3A_40 = tpu.memref_squeeze %dma_start3A_39 : memref<1x128x64xf32, #tpu.memory_space<vmem>> -> memref<128x64xf32, #tpu.memory_space<vmem>>
    %dma_start3A_41 = arith.constant 0 : i32
    %dma_start3A_42 = tpu.memref_slice %arg5[%dma_start3A, %dma_start3A_41] : memref<79x128xi32, #tpu.memory_space<vmem>> -> memref<1x128xi32, #tpu.memory_space<vmem>>
    %dma_start3A_43 = tpu.memref_squeeze %dma_start3A_42 : memref<1x128xi32, #tpu.memory_space<vmem>> -> memref<128xi32, #tpu.memory_space<vmem>>
    %dma_start3A_44 = arith.constant 0 : i32
    %dma_start3A_45 = arith.constant 0 : i32
    %dma_start3A_46 = tpu.memref_slice %arg3[%dma_start3A_44, %dma_start3A_45] : memref<10240x64xf32, #tpu.memory_space<hbm>> -> memref<10240x64xf32, #tpu.memory_space<hbm>>
    tpu.enqueue_indirect_dma source(%dma_start3A_46 : memref<10240x64xf32, #tpu.memory_space<hbm>>) target(%dma_start3A_40 : memref<128x64xf32, #tpu.memory_space<vmem>>) offsets(%dma_start3A_43 : memref<128xi32, #tpu.memory_space<vmem>>) semaphore(%arg10 : memref<!tpu.dma_semaphore, #tpu.memory_space<semaphore_mem>>)
    %dma_start3A_47 = arith.constant 1 : i32
    %dma_start3A_48 = arith.constant 1 : i32
    %dma_start3A_49 = arith.constant 0 : i32
    %dma_start3A_50 = arith.constant 0 : i32
    %dma_start3A_51 = tpu.memref_slice %arg7[%dma_start3A_48, %dma_start3A_49, %dma_start3A_50] : memref<6x128x64xf32, #tpu.memory_space<vmem>> -> memref<1x128x64xf32, #tpu.memory_space<vmem>>
    %dma_start3A_52 = tpu.memref_squeeze %dma_start3A_51 : memref<1x128x64xf32, #tpu.memory_space<vmem>> -> memref<128x64xf32, #tpu.memory_space<vmem>>
    %dma_start3A_53 = arith.constant 0 : i32
    %dma_start3A_54 = tpu.memref_slice %arg5[%dma_start3A_47, %dma_start3A_53] : memref<79x128xi32, #tpu.memory_space<vmem>> -> memref<1x128xi32, #tpu.memory_space<vmem>>
    %dma_start3A_55 = tpu.memref_squeeze %dma_start3A_54 : memref<1x128xi32, #tpu.memory_space<vmem>> -> memref<128xi32, #tpu.memory_space<vmem>>
    %dma_start3A_56 = arith.constant 0 : i32
    %dma_start3A_57 = arith.constant 0 : i32
    %dma_start3A_58 = tpu.memref_slice %arg3[%dma_start3A_56, %dma_start3A_57] : memref<10240x64xf32, #tpu.memory_space<hbm>> -> memref<10240x64xf32, #tpu.memory_space<hbm>>
    tpu.enqueue_indirect_dma source(%dma_start3A_58 : memref<10240x64xf32, #tpu.memory_space<hbm>>) target(%dma_start3A_52 : memref<128x64xf32, #tpu.memory_space<vmem>>) offsets(%dma_start3A_55 : memref<128xi32, #tpu.memory_space<vmem>>) semaphore(%arg11 : memref<!tpu.dma_semaphore, #tpu.memory_space<semaphore_mem>>)
    %dma_start3A_59 = arith.constant 2 : i32
    %dma_start3A_60 = arith.constant 2 : i32
    %dma_start3A_61 = arith.constant 0 : i32
    %dma_start3A_62 = arith.constant 0 : i32
    %dma_start3A_63 = tpu.memref_slice %arg7[%dma_start3A_60, %dma_start3A_61, %dma_start3A_62] : memref<6x128x64xf32, #tpu.memory_space<vmem>> -> memref<1x128x64xf32, #tpu.memory_space<vmem>>
    %dma_start3A_64 = tpu.memref_squeeze %dma_start3A_63 : memref<1x128x64xf32, #tpu.memory_space<vmem>> -> memref<128x64xf32, #tpu.memory_space<vmem>>
    %dma_start3A_65 = arith.constant 0 : i32
    %dma_start3A_66 = tpu.memref_slice %arg5[%dma_start3A_59, %dma_start3A_65] : memref<79x128xi32, #tpu.memory_space<vmem>> -> memref<1x128xi32, #tpu.memory_space<vmem>>
    %dma_start3A_67 = tpu.memref_squeeze %dma_start3A_66 : memref<1x128xi32, #tpu.memory_space<vmem>> -> memref<128xi32, #tpu.memory_space<vmem>>
    %dma_start3A_68 = arith.constant 0 : i32
    %dma_start3A_69 = arith.constant 0 : i32
    %dma_start3A_70 = tpu.memref_slice %arg3[%dma_start3A_68, %dma_start3A_69] : memref<10240x64xf32, #tpu.memory_space<hbm>> -> memref<10240x64xf32, #tpu.memory_space<hbm>>
    tpu.enqueue_indirect_dma source(%dma_start3A_70 : memref<10240x64xf32, #tpu.memory_space<hbm>>) target(%dma_start3A_64 : memref<128x64xf32, #tpu.memory_space<vmem>>) offsets(%dma_start3A_67 : memref<128xi32, #tpu.memory_space<vmem>>) semaphore(%arg12 : memref<!tpu.dma_semaphore, #tpu.memory_space<semaphore_mem>>)
    %dma_start3A_71 = arith.constant 3 : i32
    %dma_start3A_72 = arith.constant 3 : i32
    %dma_start3A_73 = arith.constant 0 : i32
    %dma_start3A_74 = arith.constant 0 : i32
    %dma_start3A_75 = tpu.memref_slice %arg7[%dma_start3A_72, %dma_start3A_73, %dma_start3A_74] : memref<6x128x64xf32, #tpu.memory_space<vmem>> -> memref<1x128x64xf32, #tpu.memory_space<vmem>>
    %dma_start3A_76 = tpu.memref_squeeze %dma_start3A_75 : memref<1x128x64xf32, #tpu.memory_space<vmem>> -> memref<128x64xf32, #tpu.memory_space<vmem>>
    %dma_start3A_77 = arith.constant 0 : i32
    %dma_start3A_78 = tpu.memref_slice %arg5[%dma_start3A_71, %dma_start3A_77] : memref<79x128xi32, #tpu.memory_space<vmem>> -> memref<1x128xi32, #tpu.memory_space<vmem>>
    %dma_start3A_79 = tpu.memref_squeeze %dma_start3A_78 : memref<1x128xi32, #tpu.memory_space<vmem>> -> memref<128xi32, #tpu.memory_space<vmem>>
    %dma_start3A_80 = arith.constant 0 : i32
    %dma_start3A_81 = arith.constant 0 : i32
    %dma_start3A_82 = tpu.memref_slice %arg3[%dma_start3A_80, %dma_start3A_81] : memref<10240x64xf32, #tpu.memory_space<hbm>> -> memref<10240x64xf32, #tpu.memory_space<hbm>>
    tpu.enqueue_indirect_dma source(%dma_start3A_82 : memref<10240x64xf32, #tpu.memory_space<hbm>>) target(%dma_start3A_76 : memref<128x64xf32, #tpu.memory_space<vmem>>) offsets(%dma_start3A_79 : memref<128xi32, #tpu.memory_space<vmem>>) semaphore(%arg13 : memref<!tpu.dma_semaphore, #tpu.memory_space<semaphore_mem>>)
    %dma_start3A_83 = arith.constant 4 : i32
    %dma_start3A_84 = arith.constant 4 : i32
    %dma_start3A_85 = arith.constant 0 : i32
    %dma_start3A_86 = arith.constant 0 : i32
    %dma_start3A_87 = tpu.memref_slice %arg7[%dma_start3A_84, %dma_start3A_85, %dma_start3A_86] : memref<6x128x64xf32, #tpu.memory_space<vmem>> -> memref<1x128x64xf32, #tpu.memory_space<vmem>>
    %dma_start3A_88 = tpu.memref_squeeze %dma_start3A_87 : memref<1x128x64xf32, #tpu.memory_space<vmem>> -> memref<128x64xf32, #tpu.memory_space<vmem>>
    %dma_start3A_89 = arith.constant 0 : i32
    %dma_start3A_90 = tpu.memref_slice %arg5[%dma_start3A_83, %dma_start3A_89] : memref<79x128xi32, #tpu.memory_space<vmem>> -> memref<1x128xi32, #tpu.memory_space<vmem>>
    %dma_start3A_91 = tpu.memref_squeeze %dma_start3A_90 : memref<1x128xi32, #tpu.memory_space<vmem>> -> memref<128xi32, #tpu.memory_space<vmem>>
    %dma_start3A_92 = arith.constant 0 : i32
    %dma_start3A_93 = arith.constant 0 : i32
    %dma_start3A_94 = tpu.memref_slice %arg3[%dma_start3A_92, %dma_start3A_93] : memref<10240x64xf32, #tpu.memory_space<hbm>> -> memref<10240x64xf32, #tpu.memory_space<hbm>>
    tpu.enqueue_indirect_dma source(%dma_start3A_94 : memref<10240x64xf32, #tpu.memory_space<hbm>>) target(%dma_start3A_88 : memref<128x64xf32, #tpu.memory_space<vmem>>) offsets(%dma_start3A_91 : memref<128xi32, #tpu.memory_space<vmem>>) semaphore(%arg14 : memref<!tpu.dma_semaphore, #tpu.memory_space<semaphore_mem>>)
    %dma_start3A_95 = arith.constant 5 : i32
    %dma_start3A_96 = arith.constant 5 : i32
    %dma_start3A_97 = arith.constant 0 : i32
    %dma_start3A_98 = arith.constant 0 : i32
    %dma_start3A_99 = tpu.memref_slice %arg7[%dma_start3A_96, %dma_start3A_97, %dma_start3A_98] : memref<6x128x64xf32, #tpu.memory_space<vmem>> -> memref<1x128x64xf32, #tpu.memory_space<vmem>>
    %dma_start3A_100 = tpu.memref_squeeze %dma_start3A_99 : memref<1x128x64xf32, #tpu.memory_space<vmem>> -> memref<128x64xf32, #tpu.memory_space<vmem>>
    %dma_start3A_101 = arith.constant 0 : i32
    %dma_start3A_102 = tpu.memref_slice %arg5[%dma_start3A_95, %dma_start3A_101] : memref<79x128xi32, #tpu.memory_space<vmem>> -> memref<1x128xi32, #tpu.memory_space<vmem>>
    %dma_start3A_103 = tpu.memref_squeeze %dma_start3A_102 : memref<1x128xi32, #tpu.memory_space<vmem>> -> memref<128xi32, #tpu.memory_space<vmem>>
    %dma_start3A_104 = arith.constant 0 : i32
    %dma_start3A_105 = arith.constant 0 : i32
    %dma_start3A_106 = tpu.memref_slice %arg3[%dma_start3A_104, %dma_start3A_105] : memref<10240x64xf32, #tpu.memory_space<hbm>> -> memref<10240x64xf32, #tpu.memory_space<hbm>>
    tpu.enqueue_indirect_dma source(%dma_start3A_106 : memref<10240x64xf32, #tpu.memory_space<hbm>>) target(%dma_start3A_100 : memref<128x64xf32, #tpu.memory_space<vmem>>) offsets(%dma_start3A_103 : memref<128xi32, #tpu.memory_space<vmem>>) semaphore(%arg15 : memref<!tpu.dma_semaphore, #tpu.memory_space<semaphore_mem>>)
    %scan3A_107 = arith.constant 0 : i32
    %scan3A_108 = arith.constant 0 : i32
    %scan3A_109 = arith.constant 13 : i32
    %scan3A_110 = arith.addi %scan3A_108, %scan3A_109 : i32
    %scan3A_111 = arith.constant 1 : i32
    %scan3A_112 = scf.for %scan3A_133 = %scan3A_108 to %scan3A_110 step %scan3A_111 iter_args(%scan3A_134 = %scan3A_107) -> (i32)  : i32 {
      %mul3A_135 = arith.constant 6 : i32
      %mul3A_136 = arith.muli %scan3A_133, %mul3A_135 : i32
      %add3A_137 = arith.constant 0 : i32
      %add3A_138 = arith.addi %mul3A_136, %add3A_137 : i32
      %dma_wait3A_139 = arith.constant 0 : i32
      %dma_wait3A_140 = arith.constant 0 : i32
      %dma_wait3A_141 = arith.constant 0 : i32
      %dma_wait3A_142 = tpu.memref_slice %arg7[%dma_wait3A_139, %dma_wait3A_140, %dma_wait3A_141] : memref<6x128x64xf32, #tpu.memory_space<vmem>> -> memref<1x128x64xf32, #tpu.memory_space<vmem>>
      %dma_wait3A_143 = tpu.memref_squeeze %dma_wait3A_142 : memref<1x128x64xf32, #tpu.memory_space<vmem>> -> memref<128x64xf32, #tpu.memory_space<vmem>>
      %dma_wait3A_144 = arith.constant 0 : i32
      %dma_wait3A_145 = tpu.memref_slice %arg5[%add3A_138, %dma_wait3A_144] : memref<79x128xi32, #tpu.memory_space<vmem>> -> memref<1x128xi32, #tpu.memory_space<vmem>>
      %dma_wait3A_146 = tpu.memref_squeeze %dma_wait3A_145 : memref<1x128xi32, #tpu.memory_space<vmem>> -> memref<128xi32, #tpu.memory_space<vmem>>
      %dma_wait3A_147 = arith.constant 0 : i32
      %dma_wait3A_148 = arith.constant 0 : i32
      %dma_wait3A_149 = tpu.memref_slice %arg3[%dma_wait3A_147, %dma_wait3A_148] : memref<10240x64xf32, #tpu.memory_space<hbm>> -> memref<10240x64xf32, #tpu.memory_space<hbm>>
      tpu.wait_indirect_dma semaphore(%arg10 : memref<!tpu.dma_semaphore, #tpu.memory_space<semaphore_mem>>) src(%dma_wait3A_149 : memref<10240x64xf32, #tpu.memory_space<hbm>>) dst(%dma_wait3A_143 : memref<128x64xf32, #tpu.memory_space<vmem>>)
      %dma_start3A_150 = arith.constant 0 : i32
      %dma_start3A_151 = arith.constant 0 : i32
      %dma_start3A_152 = arith.constant 0 : i32
      %dma_start3A_153 = tpu.memref_slice %arg7[%dma_start3A_150, %dma_start3A_151, %dma_start3A_152] : memref<6x128x64xf32, #tpu.memory_space<vmem>> -> memref<1x128x64xf32, #tpu.memory_space<vmem>>
      %dma_start3A_154 = tpu.memref_squeeze %dma_start3A_153 : memref<1x128x64xf32, #tpu.memory_space<vmem>> -> memref<128x64xf32, #tpu.memory_space<vmem>>
      %dma_start3A_155 = arith.constant 0 : i32
      %dma_start3A_156 = tpu.memref_slice %arg6[%add3A_138, %dma_start3A_155] : memref<79x128xi32, #tpu.memory_space<vmem>> -> memref<1x128xi32, #tpu.memory_space<vmem>>
      %dma_start3A_157 = tpu.memref_squeeze %dma_start3A_156 : memref<1x128xi32, #tpu.memory_space<vmem>> -> memref<128xi32, #tpu.memory_space<vmem>>
      %dma_start3A_158 = arith.constant 0 : i32
      %dma_start3A_159 = arith.constant 0 : i32
      %dma_start3A_160 = tpu.memref_slice %arg9[%dma_start3A_158, %dma_start3A_159] : memref<10240x64xf32, #tpu.memory_space<vmem_shared>> -> memref<10240x64xf32, #tpu.memory_space<vmem_shared>>
      tpu.enqueue_indirect_dma source(%dma_start3A_154 : memref<128x64xf32, #tpu.memory_space<vmem>>) target(%dma_start3A_160 : memref<10240x64xf32, #tpu.memory_space<vmem_shared>>) offsets(%dma_start3A_157 : memref<128xi32, #tpu.memory_space<vmem>>) semaphore(%arg16 : memref<!tpu.dma_semaphore, #tpu.memory_space<semaphore_mem>>) {add = true}
      %ge3A = arith.constant 1 : i32
      %ge3A_161 = arith.cmpi sge, %add3A_138, %ge3A : i32
      %convert_element_type3A_162 = arith.extui %ge3A_161 : i1 to i32
      %cond3A_163 = arith.constant 0 : i32
      %cond3A_164 = arith.cmpi ne, %convert_element_type3A_162, %cond3A_163 : i32
      scf.if %cond3A_164 {
        %sub3A_385 = arith.constant 1 : i32
        %sub3A_386 = arith.subi %add3A_138, %sub3A_385 : i32
        %dma_wait3A_387 = arith.constant 5 : i32
        %dma_wait3A_388 = arith.constant 0 : i32
        %dma_wait3A_389 = arith.constant 0 : i32
        %dma_wait3A_390 = tpu.memref_slice %arg7[%dma_wait3A_387, %dma_wait3A_388, %dma_wait3A_389] : memref<6x128x64xf32, #tpu.memory_space<vmem>> -> memref<1x128x64xf32, #tpu.memory_space<vmem>>
        %dma_wait3A_391 = tpu.memref_squeeze %dma_wait3A_390 : memref<1x128x64xf32, #tpu.memory_space<vmem>> -> memref<128x64xf32, #tpu.memory_space<vmem>>
        %dma_wait3A_392 = arith.constant 0 : i32
        %dma_wait3A_393 = tpu.memref_slice %arg6[%sub3A_386, %dma_wait3A_392] : memref<79x128xi32, #tpu.memory_space<vmem>> -> memref<1x128xi32, #tpu.memory_space<vmem>>
        %dma_wait3A_394 = tpu.memref_squeeze %dma_wait3A_393 : memref<1x128xi32, #tpu.memory_space<vmem>> -> memref<128xi32, #tpu.memory_space<vmem>>
        %dma_wait3A_395 = arith.constant 0 : i32
        %dma_wait3A_396 = arith.constant 0 : i32
        %dma_wait3A_397 = tpu.memref_slice %arg9[%dma_wait3A_395, %dma_wait3A_396] : memref<10240x64xf32, #tpu.memory_space<vmem_shared>> -> memref<10240x64xf32, #tpu.memory_space<vmem_shared>>
        tpu.wait_indirect_dma semaphore(%arg21 : memref<!tpu.dma_semaphore, #tpu.memory_space<semaphore_mem>>) src(%dma_wait3A_391 : memref<128x64xf32, #tpu.memory_space<vmem>>) dst(%dma_wait3A_397 : memref<10240x64xf32, #tpu.memory_space<vmem_shared>>)
      } else {
      }
      %ge3A_165 = arith.constant 1 : i32
      %ge3A_166 = arith.cmpi sge, %add3A_138, %ge3A_165 : i32
      %sub3A = arith.constant 1 : i32
      %sub3A_167 = arith.subi %add3A_138, %sub3A : i32
      %add3A_168 = arith.constant 6 : i32
      %add3A_169 = arith.addi %sub3A_167, %add3A_168 : i32
      %lt3A_170 = arith.cmpi slt, %add3A_169, %select_n3A : i32
      %and3A = arith.andi %ge3A_166, %lt3A_170 : i1
      %convert_element_type3A_171 = arith.extui %and3A : i1 to i32
      %cond3A_172 = arith.constant 0 : i32
      %cond3A_173 = arith.cmpi ne, %convert_element_type3A_171, %cond3A_172 : i32
      scf.if %cond3A_173 {
        %sub3A_385 = arith.constant 1 : i32
        %sub3A_386 = arith.subi %add3A_138, %sub3A_385 : i32
        %add3A_387 = arith.constant 6 : i32
        %add3A_388 = arith.addi %sub3A_386, %add3A_387 : i32
        %dma_start3A_389 = arith.constant 5 : i32
        %dma_start3A_390 = arith.constant 0 : i32
        %dma_start3A_391 = arith.constant 0 : i32
        %dma_start3A_392 = tpu.memref_slice %arg7[%dma_start3A_389, %dma_start3A_390, %dma_start3A_391] : memref<6x128x64xf32, #tpu.memory_space<vmem>> -> memref<1x128x64xf32, #tpu.memory_space<vmem>>
        %dma_start3A_393 = tpu.memref_squeeze %dma_start3A_392 : memref<1x128x64xf32, #tpu.memory_space<vmem>> -> memref<128x64xf32, #tpu.memory_space<vmem>>
        %dma_start3A_394 = arith.constant 0 : i32
        %dma_start3A_395 = tpu.memref_slice %arg5[%add3A_388, %dma_start3A_394] : memref<79x128xi32, #tpu.memory_space<vmem>> -> memref<1x128xi32, #tpu.memory_space<vmem>>
        %dma_start3A_396 = tpu.memref_squeeze %dma_start3A_395 : memref<1x128xi32, #tpu.memory_space<vmem>> -> memref<128xi32, #tpu.memory_space<vmem>>
        %dma_start3A_397 = arith.constant 0 : i32
        %dma_start3A_398 = arith.constant 0 : i32
        %dma_start3A_399 = tpu.memref_slice %arg3[%dma_start3A_397, %dma_start3A_398] : memref<10240x64xf32, #tpu.memory_space<hbm>> -> memref<10240x64xf32, #tpu.memory_space<hbm>>
        tpu.enqueue_indirect_dma source(%dma_start3A_399 : memref<10240x64xf32, #tpu.memory_space<hbm>>) target(%dma_start3A_393 : memref<128x64xf32, #tpu.memory_space<vmem>>) offsets(%dma_start3A_396 : memref<128xi32, #tpu.memory_space<vmem>>) semaphore(%arg15 : memref<!tpu.dma_semaphore, #tpu.memory_space<semaphore_mem>>)
      } else {
      }
      %mul3A_174 = arith.constant 6 : i32
      %mul3A_175 = arith.muli %scan3A_133, %mul3A_174 : i32
      %add3A_176 = arith.constant 1 : i32
      %add3A_177 = arith.addi %mul3A_175, %add3A_176 : i32
      %dma_wait3A_178 = arith.constant 1 : i32
      %dma_wait3A_179 = arith.constant 0 : i32
      %dma_wait3A_180 = arith.constant 0 : i32
      %dma_wait3A_181 = tpu.memref_slice %arg7[%dma_wait3A_178, %dma_wait3A_179, %dma_wait3A_180] : memref<6x128x64xf32, #tpu.memory_space<vmem>> -> memref<1x128x64xf32, #tpu.memory_space<vmem>>
      %dma_wait3A_182 = tpu.memref_squeeze %dma_wait3A_181 : memref<1x128x64xf32, #tpu.memory_space<vmem>> -> memref<128x64xf32, #tpu.memory_space<vmem>>
      %dma_wait3A_183 = arith.constant 0 : i32
      %dma_wait3A_184 = tpu.memref_slice %arg5[%add3A_177, %dma_wait3A_183] : memref<79x128xi32, #tpu.memory_space<vmem>> -> memref<1x128xi32, #tpu.memory_space<vmem>>
      %dma_wait3A_185 = tpu.memref_squeeze %dma_wait3A_184 : memref<1x128xi32, #tpu.memory_space<vmem>> -> memref<128xi32, #tpu.memory_space<vmem>>
      %dma_wait3A_186 = arith.constant 0 : i32
      %dma_wait3A_187 = arith.constant 0 : i32
      %dma_wait3A_188 = tpu.memref_slice %arg3[%dma_wait3A_186, %dma_wait3A_187] : memref<10240x64xf32, #tpu.memory_space<hbm>> -> memref<10240x64xf32, #tpu.memory_space<hbm>>
      tpu.wait_indirect_dma semaphore(%arg11 : memref<!tpu.dma_semaphore, #tpu.memory_space<semaphore_mem>>) src(%dma_wait3A_188 : memref<10240x64xf32, #tpu.memory_space<hbm>>) dst(%dma_wait3A_182 : memref<128x64xf32, #tpu.memory_space<vmem>>)
      %dma_start3A_189 = arith.constant 1 : i32
      %dma_start3A_190 = arith.constant 0 : i32
      %dma_start3A_191 = arith.constant 0 : i32
      %dma_start3A_192 = tpu.memref_slice %arg7[%dma_start3A_189, %dma_start3A_190, %dma_start3A_191] : memref<6x128x64xf32, #tpu.memory_space<vmem>> -> memref<1x128x64xf32, #tpu.memory_space<vmem>>
      %dma_start3A_193 = tpu.memref_squeeze %dma_start3A_192 : memref<1x128x64xf32, #tpu.memory_space<vmem>> -> memref<128x64xf32, #tpu.memory_space<vmem>>
      %dma_start3A_194 = arith.constant 0 : i32
      %dma_start3A_195 = tpu.memref_slice %arg6[%add3A_177, %dma_start3A_194] : memref<79x128xi32, #tpu.memory_space<vmem>> -> memref<1x128xi32, #tpu.memory_space<vmem>>
      %dma_start3A_196 = tpu.memref_squeeze %dma_start3A_195 : memref<1x128xi32, #tpu.memory_space<vmem>> -> memref<128xi32, #tpu.memory_space<vmem>>
      %dma_start3A_197 = arith.constant 0 : i32
      %dma_start3A_198 = arith.constant 0 : i32
      %dma_start3A_199 = tpu.memref_slice %arg9[%dma_start3A_197, %dma_start3A_198] : memref<10240x64xf32, #tpu.memory_space<vmem_shared>> -> memref<10240x64xf32, #tpu.memory_space<vmem_shared>>
      tpu.enqueue_indirect_dma source(%dma_start3A_193 : memref<128x64xf32, #tpu.memory_space<vmem>>) target(%dma_start3A_199 : memref<10240x64xf32, #tpu.memory_space<vmem_shared>>) offsets(%dma_start3A_196 : memref<128xi32, #tpu.memory_space<vmem>>) semaphore(%arg17 : memref<!tpu.dma_semaphore, #tpu.memory_space<semaphore_mem>>) {add = true}
      %ge3A_200 = arith.constant 1 : i32
      %ge3A_201 = arith.cmpi sge, %add3A_177, %ge3A_200 : i32
      %convert_element_type3A_202 = arith.extui %ge3A_201 : i1 to i32
      %cond3A_203 = arith.constant 0 : i32
      %cond3A_204 = arith.cmpi ne, %convert_element_type3A_202, %cond3A_203 : i32
      scf.if %cond3A_204 {
        %sub3A_385 = arith.constant 1 : i32
        %sub3A_386 = arith.subi %add3A_177, %sub3A_385 : i32
        %dma_wait3A_387 = arith.constant 0 : i32
        %dma_wait3A_388 = arith.constant 0 : i32
        %dma_wait3A_389 = arith.constant 0 : i32
        %dma_wait3A_390 = tpu.memref_slice %arg7[%dma_wait3A_387, %dma_wait3A_388, %dma_wait3A_389] : memref<6x128x64xf32, #tpu.memory_space<vmem>> -> memref<1x128x64xf32, #tpu.memory_space<vmem>>
        %dma_wait3A_391 = tpu.memref_squeeze %dma_wait3A_390 : memref<1x128x64xf32, #tpu.memory_space<vmem>> -> memref<128x64xf32, #tpu.memory_space<vmem>>
        %dma_wait3A_392 = arith.constant 0 : i32
        %dma_wait3A_393 = tpu.memref_slice %arg6[%sub3A_386, %dma_wait3A_392] : memref<79x128xi32, #tpu.memory_space<vmem>> -> memref<1x128xi32, #tpu.memory_space<vmem>>
        %dma_wait3A_394 = tpu.memref_squeeze %dma_wait3A_393 : memref<1x128xi32, #tpu.memory_space<vmem>> -> memref<128xi32, #tpu.memory_space<vmem>>
        %dma_wait3A_395 = arith.constant 0 : i32
        %dma_wait3A_396 = arith.constant 0 : i32
        %dma_wait3A_397 = tpu.memref_slice %arg9[%dma_wait3A_395, %dma_wait3A_396] : memref<10240x64xf32, #tpu.memory_space<vmem_shared>> -> memref<10240x64xf32, #tpu.memory_space<vmem_shared>>
        tpu.wait_indirect_dma semaphore(%arg16 : memref<!tpu.dma_semaphore, #tpu.memory_space<semaphore_mem>>) src(%dma_wait3A_391 : memref<128x64xf32, #tpu.memory_space<vmem>>) dst(%dma_wait3A_397 : memref<10240x64xf32, #tpu.memory_space<vmem_shared>>)
      } else {
      }
      %ge3A_205 = arith.constant 1 : i32
      %ge3A_206 = arith.cmpi sge, %add3A_177, %ge3A_205 : i32
      %sub3A_207 = arith.constant 1 : i32
      %sub3A_208 = arith.subi %add3A_177, %sub3A_207 : i32
      %add3A_209 = arith.constant 6 : i32
      %add3A_210 = arith.addi %sub3A_208, %add3A_209 : i32
      %lt3A_211 = arith.cmpi slt, %add3A_210, %select_n3A : i32
      %and3A_212 = arith.andi %ge3A_206, %lt3A_211 : i1
      %convert_element_type3A_213 = arith.extui %and3A_212 : i1 to i32
      %cond3A_214 = arith.constant 0 : i32
      %cond3A_215 = arith.cmpi ne, %convert_element_type3A_213, %cond3A_214 : i32
      scf.if %cond3A_215 {
        %sub3A_385 = arith.constant 1 : i32
        %sub3A_386 = arith.subi %add3A_177, %sub3A_385 : i32
        %add3A_387 = arith.constant 6 : i32
        %add3A_388 = arith.addi %sub3A_386, %add3A_387 : i32
        %dma_start3A_389 = arith.constant 0 : i32
        %dma_start3A_390 = arith.constant 0 : i32
        %dma_start3A_391 = arith.constant 0 : i32
        %dma_start3A_392 = tpu.memref_slice %arg7[%dma_start3A_389, %dma_start3A_390, %dma_start3A_391] : memref<6x128x64xf32, #tpu.memory_space<vmem>> -> memref<1x128x64xf32, #tpu.memory_space<vmem>>
        %dma_start3A_393 = tpu.memref_squeeze %dma_start3A_392 : memref<1x128x64xf32, #tpu.memory_space<vmem>> -> memref<128x64xf32, #tpu.memory_space<vmem>>
        %dma_start3A_394 = arith.constant 0 : i32
        %dma_start3A_395 = tpu.memref_slice %arg5[%add3A_388, %dma_start3A_394] : memref<79x128xi32, #tpu.memory_space<vmem>> -> memref<1x128xi32, #tpu.memory_space<vmem>>
        %dma_start3A_396 = tpu.memref_squeeze %dma_start3A_395 : memref<1x128xi32, #tpu.memory_space<vmem>> -> memref<128xi32, #tpu.memory_space<vmem>>
        %dma_start3A_397 = arith.constant 0 : i32
        %dma_start3A_398 = arith.constant 0 : i32
        %dma_start3A_399 = tpu.memref_slice %arg3[%dma_start3A_397, %dma_start3A_398] : memref<10240x64xf32, #tpu.memory_space<hbm>> -> memref<10240x64xf32, #tpu.memory_space<hbm>>
        tpu.enqueue_indirect_dma source(%dma_start3A_399 : memref<10240x64xf32, #tpu.memory_space<hbm>>) target(%dma_start3A_393 : memref<128x64xf32, #tpu.memory_space<vmem>>) offsets(%dma_start3A_396 : memref<128xi32, #tpu.memory_space<vmem>>) semaphore(%arg10 : memref<!tpu.dma_semaphore, #tpu.memory_space<semaphore_mem>>)
      } else {
      }
      %mul3A_216 = arith.constant 6 : i32
      %mul3A_217 = arith.muli %scan3A_133, %mul3A_216 : i32
      %add3A_218 = arith.constant 2 : i32
      %add3A_219 = arith.addi %mul3A_217, %add3A_218 : i32
      %dma_wait3A_220 = arith.constant 2 : i32
      %dma_wait3A_221 = arith.constant 0 : i32
      %dma_wait3A_222 = arith.constant 0 : i32
      %dma_wait3A_223 = tpu.memref_slice %arg7[%dma_wait3A_220, %dma_wait3A_221, %dma_wait3A_222] : memref<6x128x64xf32, #tpu.memory_space<vmem>> -> memref<1x128x64xf32, #tpu.memory_space<vmem>>
      %dma_wait3A_224 = tpu.memref_squeeze %dma_wait3A_223 : memref<1x128x64xf32, #tpu.memory_space<vmem>> -> memref<128x64xf32, #tpu.memory_space<vmem>>
      %dma_wait3A_225 = arith.constant 0 : i32
      %dma_wait3A_226 = tpu.memref_slice %arg5[%add3A_219, %dma_wait3A_225] : memref<79x128xi32, #tpu.memory_space<vmem>> -> memref<1x128xi32, #tpu.memory_space<vmem>>
      %dma_wait3A_227 = tpu.memref_squeeze %dma_wait3A_226 : memref<1x128xi32, #tpu.memory_space<vmem>> -> memref<128xi32, #tpu.memory_space<vmem>>
      %dma_wait3A_228 = arith.constant 0 : i32
      %dma_wait3A_229 = arith.constant 0 : i32
      %dma_wait3A_230 = tpu.memref_slice %arg3[%dma_wait3A_228, %dma_wait3A_229] : memref<10240x64xf32, #tpu.memory_space<hbm>> -> memref<10240x64xf32, #tpu.memory_space<hbm>>
      tpu.wait_indirect_dma semaphore(%arg12 : memref<!tpu.dma_semaphore, #tpu.memory_space<semaphore_mem>>) src(%dma_wait3A_230 : memref<10240x64xf32, #tpu.memory_space<hbm>>) dst(%dma_wait3A_224 : memref<128x64xf32, #tpu.memory_space<vmem>>)
      %dma_start3A_231 = arith.constant 2 : i32
      %dma_start3A_232 = arith.constant 0 : i32
      %dma_start3A_233 = arith.constant 0 : i32
      %dma_start3A_234 = tpu.memref_slice %arg7[%dma_start3A_231, %dma_start3A_232, %dma_start3A_233] : memref<6x128x64xf32, #tpu.memory_space<vmem>> -> memref<1x128x64xf32, #tpu.memory_space<vmem>>
      %dma_start3A_235 = tpu.memref_squeeze %dma_start3A_234 : memref<1x128x64xf32, #tpu.memory_space<vmem>> -> memref<128x64xf32, #tpu.memory_space<vmem>>
      %dma_start3A_236 = arith.constant 0 : i32
      %dma_start3A_237 = tpu.memref_slice %arg6[%add3A_219, %dma_start3A_236] : memref<79x128xi32, #tpu.memory_space<vmem>> -> memref<1x128xi32, #tpu.memory_space<vmem>>
      %dma_start3A_238 = tpu.memref_squeeze %dma_start3A_237 : memref<1x128xi32, #tpu.memory_space<vmem>> -> memref<128xi32, #tpu.memory_space<vmem>>
      %dma_start3A_239 = arith.constant 0 : i32
      %dma_start3A_240 = arith.constant 0 : i32
      %dma_start3A_241 = tpu.memref_slice %arg9[%dma_start3A_239, %dma_start3A_240] : memref<10240x64xf32, #tpu.memory_space<vmem_shared>> -> memref<10240x64xf32, #tpu.memory_space<vmem_shared>>
      tpu.enqueue_indirect_dma source(%dma_start3A_235 : memref<128x64xf32, #tpu.memory_space<vmem>>) target(%dma_start3A_241 : memref<10240x64xf32, #tpu.memory_space<vmem_shared>>) offsets(%dma_start3A_238 : memref<128xi32, #tpu.memory_space<vmem>>) semaphore(%arg18 : memref<!tpu.dma_semaphore, #tpu.memory_space<semaphore_mem>>) {add = true}
      %ge3A_242 = arith.constant 1 : i32
      %ge3A_243 = arith.cmpi sge, %add3A_219, %ge3A_242 : i32
      %convert_element_type3A_244 = arith.extui %ge3A_243 : i1 to i32
      %cond3A_245 = arith.constant 0 : i32
      %cond3A_246 = arith.cmpi ne, %convert_element_type3A_244, %cond3A_245 : i32
      scf.if %cond3A_246 {
        %sub3A_385 = arith.constant 1 : i32
        %sub3A_386 = arith.subi %add3A_219, %sub3A_385 : i32
        %dma_wait3A_387 = arith.constant 1 : i32
        %dma_wait3A_388 = arith.constant 0 : i32
        %dma_wait3A_389 = arith.constant 0 : i32
        %dma_wait3A_390 = tpu.memref_slice %arg7[%dma_wait3A_387, %dma_wait3A_388, %dma_wait3A_389] : memref<6x128x64xf32, #tpu.memory_space<vmem>> -> memref<1x128x64xf32, #tpu.memory_space<vmem>>
        %dma_wait3A_391 = tpu.memref_squeeze %dma_wait3A_390 : memref<1x128x64xf32, #tpu.memory_space<vmem>> -> memref<128x64xf32, #tpu.memory_space<vmem>>
        %dma_wait3A_392 = arith.constant 0 : i32
        %dma_wait3A_393 = tpu.memref_slice %arg6[%sub3A_386, %dma_wait3A_392] : memref<79x128xi32, #tpu.memory_space<vmem>> -> memref<1x128xi32, #tpu.memory_space<vmem>>
        %dma_wait3A_394 = tpu.memref_squeeze %dma_wait3A_393 : memref<1x128xi32, #tpu.memory_space<vmem>> -> memref<128xi32, #tpu.memory_space<vmem>>
        %dma_wait3A_395 = arith.constant 0 : i32
        %dma_wait3A_396 = arith.constant 0 : i32
        %dma_wait3A_397 = tpu.memref_slice %arg9[%dma_wait3A_395, %dma_wait3A_396] : memref<10240x64xf32, #tpu.memory_space<vmem_shared>> -> memref<10240x64xf32, #tpu.memory_space<vmem_shared>>
        tpu.wait_indirect_dma semaphore(%arg17 : memref<!tpu.dma_semaphore, #tpu.memory_space<semaphore_mem>>) src(%dma_wait3A_391 : memref<128x64xf32, #tpu.memory_space<vmem>>) dst(%dma_wait3A_397 : memref<10240x64xf32, #tpu.memory_space<vmem_shared>>)
      } else {
      }
      %ge3A_247 = arith.constant 1 : i32
      %ge3A_248 = arith.cmpi sge, %add3A_219, %ge3A_247 : i32
      %sub3A_249 = arith.constant 1 : i32
      %sub3A_250 = arith.subi %add3A_219, %sub3A_249 : i32
      %add3A_251 = arith.constant 6 : i32
      %add3A_252 = arith.addi %sub3A_250, %add3A_251 : i32
      %lt3A_253 = arith.cmpi slt, %add3A_252, %select_n3A : i32
      %and3A_254 = arith.andi %ge3A_248, %lt3A_253 : i1
      %convert_element_type3A_255 = arith.extui %and3A_254 : i1 to i32
      %cond3A_256 = arith.constant 0 : i32
      %cond3A_257 = arith.cmpi ne, %convert_element_type3A_255, %cond3A_256 : i32
      scf.if %cond3A_257 {
        %sub3A_385 = arith.constant 1 : i32
        %sub3A_386 = arith.subi %add3A_219, %sub3A_385 : i32
        %add3A_387 = arith.constant 6 : i32
        %add3A_388 = arith.addi %sub3A_386, %add3A_387 : i32
        %dma_start3A_389 = arith.constant 1 : i32
        %dma_start3A_390 = arith.constant 0 : i32
        %dma_start3A_391 = arith.constant 0 : i32
        %dma_start3A_392 = tpu.memref_slice %arg7[%dma_start3A_389, %dma_start3A_390, %dma_start3A_391] : memref<6x128x64xf32, #tpu.memory_space<vmem>> -> memref<1x128x64xf32, #tpu.memory_space<vmem>>
        %dma_start3A_393 = tpu.memref_squeeze %dma_start3A_392 : memref<1x128x64xf32, #tpu.memory_space<vmem>> -> memref<128x64xf32, #tpu.memory_space<vmem>>
        %dma_start3A_394 = arith.constant 0 : i32
        %dma_start3A_395 = tpu.memref_slice %arg5[%add3A_388, %dma_start3A_394] : memref<79x128xi32, #tpu.memory_space<vmem>> -> memref<1x128xi32, #tpu.memory_space<vmem>>
        %dma_start3A_396 = tpu.memref_squeeze %dma_start3A_395 : memref<1x128xi32, #tpu.memory_space<vmem>> -> memref<128xi32, #tpu.memory_space<vmem>>
        %dma_start3A_397 = arith.constant 0 : i32
        %dma_start3A_398 = arith.constant 0 : i32
        %dma_start3A_399 = tpu.memref_slice %arg3[%dma_start3A_397, %dma_start3A_398] : memref<10240x64xf32, #tpu.memory_space<hbm>> -> memref<10240x64xf32, #tpu.memory_space<hbm>>
        tpu.enqueue_indirect_dma source(%dma_start3A_399 : memref<10240x64xf32, #tpu.memory_space<hbm>>) target(%dma_start3A_393 : memref<128x64xf32, #tpu.memory_space<vmem>>) offsets(%dma_start3A_396 : memref<128xi32, #tpu.memory_space<vmem>>) semaphore(%arg11 : memref<!tpu.dma_semaphore, #tpu.memory_space<semaphore_mem>>)
      } else {
      }
      %mul3A_258 = arith.constant 6 : i32
      %mul3A_259 = arith.muli %scan3A_133, %mul3A_258 : i32
      %add3A_260 = arith.constant 3 : i32
      %add3A_261 = arith.addi %mul3A_259, %add3A_260 : i32
      %dma_wait3A_262 = arith.constant 3 : i32
      %dma_wait3A_263 = arith.constant 0 : i32
      %dma_wait3A_264 = arith.constant 0 : i32
      %dma_wait3A_265 = tpu.memref_slice %arg7[%dma_wait3A_262, %dma_wait3A_263, %dma_wait3A_264] : memref<6x128x64xf32, #tpu.memory_space<vmem>> -> memref<1x128x64xf32, #tpu.memory_space<vmem>>
      %dma_wait3A_266 = tpu.memref_squeeze %dma_wait3A_265 : memref<1x128x64xf32, #tpu.memory_space<vmem>> -> memref<128x64xf32, #tpu.memory_space<vmem>>
      %dma_wait3A_267 = arith.constant 0 : i32
      %dma_wait3A_268 = tpu.memref_slice %arg5[%add3A_261, %dma_wait3A_267] : memref<79x128xi32, #tpu.memory_space<vmem>> -> memref<1x128xi32, #tpu.memory_space<vmem>>
      %dma_wait3A_269 = tpu.memref_squeeze %dma_wait3A_268 : memref<1x128xi32, #tpu.memory_space<vmem>> -> memref<128xi32, #tpu.memory_space<vmem>>
      %dma_wait3A_270 = arith.constant 0 : i32
      %dma_wait3A_271 = arith.constant 0 : i32
      %dma_wait3A_272 = tpu.memref_slice %arg3[%dma_wait3A_270, %dma_wait3A_271] : memref<10240x64xf32, #tpu.memory_space<hbm>> -> memref<10240x64xf32, #tpu.memory_space<hbm>>
      tpu.wait_indirect_dma semaphore(%arg13 : memref<!tpu.dma_semaphore, #tpu.memory_space<semaphore_mem>>) src(%dma_wait3A_272 : memref<10240x64xf32, #tpu.memory_space<hbm>>) dst(%dma_wait3A_266 : memref<128x64xf32, #tpu.memory_space<vmem>>)
      %dma_start3A_273 = arith.constant 3 : i32
      %dma_start3A_274 = arith.constant 0 : i32
      %dma_start3A_275 = arith.constant 0 : i32
      %dma_start3A_276 = tpu.memref_slice %arg7[%dma_start3A_273, %dma_start3A_274, %dma_start3A_275] : memref<6x128x64xf32, #tpu.memory_space<vmem>> -> memref<1x128x64xf32, #tpu.memory_space<vmem>>
      %dma_start3A_277 = tpu.memref_squeeze %dma_start3A_276 : memref<1x128x64xf32, #tpu.memory_space<vmem>> -> memref<128x64xf32, #tpu.memory_space<vmem>>
      %dma_start3A_278 = arith.constant 0 : i32
      %dma_start3A_279 = tpu.memref_slice %arg6[%add3A_261, %dma_start3A_278] : memref<79x128xi32, #tpu.memory_space<vmem>> -> memref<1x128xi32, #tpu.memory_space<vmem>>
      %dma_start3A_280 = tpu.memref_squeeze %dma_start3A_279 : memref<1x128xi32, #tpu.memory_space<vmem>> -> memref<128xi32, #tpu.memory_space<vmem>>
      %dma_start3A_281 = arith.constant 0 : i32
      %dma_start3A_282 = arith.constant 0 : i32
      %dma_start3A_283 = tpu.memref_slice %arg9[%dma_start3A_281, %dma_start3A_282] : memref<10240x64xf32, #tpu.memory_space<vmem_shared>> -> memref<10240x64xf32, #tpu.memory_space<vmem_shared>>
      tpu.enqueue_indirect_dma source(%dma_start3A_277 : memref<128x64xf32, #tpu.memory_space<vmem>>) target(%dma_start3A_283 : memref<10240x64xf32, #tpu.memory_space<vmem_shared>>) offsets(%dma_start3A_280 : memref<128xi32, #tpu.memory_space<vmem>>) semaphore(%arg19 : memref<!tpu.dma_semaphore, #tpu.memory_space<semaphore_mem>>) {add = true}
      %ge3A_284 = arith.constant 1 : i32
      %ge3A_285 = arith.cmpi sge, %add3A_261, %ge3A_284 : i32
      %convert_element_type3A_286 = arith.extui %ge3A_285 : i1 to i32
      %cond3A_287 = arith.constant 0 : i32
      %cond3A_288 = arith.cmpi ne, %convert_element_type3A_286, %cond3A_287 : i32
      scf.if %cond3A_288 {
        %sub3A_385 = arith.constant 1 : i32
        %sub3A_386 = arith.subi %add3A_261, %sub3A_385 : i32
        %dma_wait3A_387 = arith.constant 2 : i32
        %dma_wait3A_388 = arith.constant 0 : i32
        %dma_wait3A_389 = arith.constant 0 : i32
        %dma_wait3A_390 = tpu.memref_slice %arg7[%dma_wait3A_387, %dma_wait3A_388, %dma_wait3A_389] : memref<6x128x64xf32, #tpu.memory_space<vmem>> -> memref<1x128x64xf32, #tpu.memory_space<vmem>>
        %dma_wait3A_391 = tpu.memref_squeeze %dma_wait3A_390 : memref<1x128x64xf32, #tpu.memory_space<vmem>> -> memref<128x64xf32, #tpu.memory_space<vmem>>
        %dma_wait3A_392 = arith.constant 0 : i32
        %dma_wait3A_393 = tpu.memref_slice %arg6[%sub3A_386, %dma_wait3A_392] : memref<79x128xi32, #tpu.memory_space<vmem>> -> memref<1x128xi32, #tpu.memory_space<vmem>>
        %dma_wait3A_394 = tpu.memref_squeeze %dma_wait3A_393 : memref<1x128xi32, #tpu.memory_space<vmem>> -> memref<128xi32, #tpu.memory_space<vmem>>
        %dma_wait3A_395 = arith.constant 0 : i32
        %dma_wait3A_396 = arith.constant 0 : i32
        %dma_wait3A_397 = tpu.memref_slice %arg9[%dma_wait3A_395, %dma_wait3A_396] : memref<10240x64xf32, #tpu.memory_space<vmem_shared>> -> memref<10240x64xf32, #tpu.memory_space<vmem_shared>>
        tpu.wait_indirect_dma semaphore(%arg18 : memref<!tpu.dma_semaphore, #tpu.memory_space<semaphore_mem>>) src(%dma_wait3A_391 : memref<128x64xf32, #tpu.memory_space<vmem>>) dst(%dma_wait3A_397 : memref<10240x64xf32, #tpu.memory_space<vmem_shared>>)
      } else {
      }
      %ge3A_289 = arith.constant 1 : i32
      %ge3A_290 = arith.cmpi sge, %add3A_261, %ge3A_289 : i32
      %sub3A_291 = arith.constant 1 : i32
      %sub3A_292 = arith.subi %add3A_261, %sub3A_291 : i32
      %add3A_293 = arith.constant 6 : i32
      %add3A_294 = arith.addi %sub3A_292, %add3A_293 : i32
      %lt3A_295 = arith.cmpi slt, %add3A_294, %select_n3A : i32
      %and3A_296 = arith.andi %ge3A_290, %lt3A_295 : i1
      %convert_element_type3A_297 = arith.extui %and3A_296 : i1 to i32
      %cond3A_298 = arith.constant 0 : i32
      %cond3A_299 = arith.cmpi ne, %convert_element_type3A_297, %cond3A_298 : i32
      scf.if %cond3A_299 {
        %sub3A_385 = arith.constant 1 : i32
        %sub3A_386 = arith.subi %add3A_261, %sub3A_385 : i32
        %add3A_387 = arith.constant 6 : i32
        %add3A_388 = arith.addi %sub3A_386, %add3A_387 : i32
        %dma_start3A_389 = arith.constant 2 : i32
        %dma_start3A_390 = arith.constant 0 : i32
        %dma_start3A_391 = arith.constant 0 : i32
        %dma_start3A_392 = tpu.memref_slice %arg7[%dma_start3A_389, %dma_start3A_390, %dma_start3A_391] : memref<6x128x64xf32, #tpu.memory_space<vmem>> -> memref<1x128x64xf32, #tpu.memory_space<vmem>>
        %dma_start3A_393 = tpu.memref_squeeze %dma_start3A_392 : memref<1x128x64xf32, #tpu.memory_space<vmem>> -> memref<128x64xf32, #tpu.memory_space<vmem>>
        %dma_start3A_394 = arith.constant 0 : i32
        %dma_start3A_395 = tpu.memref_slice %arg5[%add3A_388, %dma_start3A_394] : memref<79x128xi32, #tpu.memory_space<vmem>> -> memref<1x128xi32, #tpu.memory_space<vmem>>
        %dma_start3A_396 = tpu.memref_squeeze %dma_start3A_395 : memref<1x128xi32, #tpu.memory_space<vmem>> -> memref<128xi32, #tpu.memory_space<vmem>>
        %dma_start3A_397 = arith.constant 0 : i32
        %dma_start3A_398 = arith.constant 0 : i32
        %dma_start3A_399 = tpu.memref_slice %arg3[%dma_start3A_397, %dma_start3A_398] : memref<10240x64xf32, #tpu.memory_space<hbm>> -> memref<10240x64xf32, #tpu.memory_space<hbm>>
        tpu.enqueue_indirect_dma source(%dma_start3A_399 : memref<10240x64xf32, #tpu.memory_space<hbm>>) target(%dma_start3A_393 : memref<128x64xf32, #tpu.memory_space<vmem>>) offsets(%dma_start3A_396 : memref<128xi32, #tpu.memory_space<vmem>>) semaphore(%arg12 : memref<!tpu.dma_semaphore, #tpu.memory_space<semaphore_mem>>)
      } else {
      }
      %mul3A_300 = arith.constant 6 : i32
      %mul3A_301 = arith.muli %scan3A_133, %mul3A_300 : i32
      %add3A_302 = arith.constant 4 : i32
      %add3A_303 = arith.addi %mul3A_301, %add3A_302 : i32
      %dma_wait3A_304 = arith.constant 4 : i32
      %dma_wait3A_305 = arith.constant 0 : i32
      %dma_wait3A_306 = arith.constant 0 : i32
      %dma_wait3A_307 = tpu.memref_slice %arg7[%dma_wait3A_304, %dma_wait3A_305, %dma_wait3A_306] : memref<6x128x64xf32, #tpu.memory_space<vmem>> -> memref<1x128x64xf32, #tpu.memory_space<vmem>>
      %dma_wait3A_308 = tpu.memref_squeeze %dma_wait3A_307 : memref<1x128x64xf32, #tpu.memory_space<vmem>> -> memref<128x64xf32, #tpu.memory_space<vmem>>
      %dma_wait3A_309 = arith.constant 0 : i32
      %dma_wait3A_310 = tpu.memref_slice %arg5[%add3A_303, %dma_wait3A_309] : memref<79x128xi32, #tpu.memory_space<vmem>> -> memref<1x128xi32, #tpu.memory_space<vmem>>
      %dma_wait3A_311 = tpu.memref_squeeze %dma_wait3A_310 : memref<1x128xi32, #tpu.memory_space<vmem>> -> memref<128xi32, #tpu.memory_space<vmem>>
      %dma_wait3A_312 = arith.constant 0 : i32
      %dma_wait3A_313 = arith.constant 0 : i32
      %dma_wait3A_314 = tpu.memref_slice %arg3[%dma_wait3A_312, %dma_wait3A_313] : memref<10240x64xf32, #tpu.memory_space<hbm>> -> memref<10240x64xf32, #tpu.memory_space<hbm>>
      tpu.wait_indirect_dma semaphore(%arg14 : memref<!tpu.dma_semaphore, #tpu.memory_space<semaphore_mem>>) src(%dma_wait3A_314 : memref<10240x64xf32, #tpu.memory_space<hbm>>) dst(%dma_wait3A_308 : memref<128x64xf32, #tpu.memory_space<vmem>>)
      %dma_start3A_315 = arith.constant 4 : i32
      %dma_start3A_316 = arith.constant 0 : i32
      %dma_start3A_317 = arith.constant 0 : i32
      %dma_start3A_318 = tpu.memref_slice %arg7[%dma_start3A_315, %dma_start3A_316, %dma_start3A_317] : memref<6x128x64xf32, #tpu.memory_space<vmem>> -> memref<1x128x64xf32, #tpu.memory_space<vmem>>
      %dma_start3A_319 = tpu.memref_squeeze %dma_start3A_318 : memref<1x128x64xf32, #tpu.memory_space<vmem>> -> memref<128x64xf32, #tpu.memory_space<vmem>>
      %dma_start3A_320 = arith.constant 0 : i32
      %dma_start3A_321 = tpu.memref_slice %arg6[%add3A_303, %dma_start3A_320] : memref<79x128xi32, #tpu.memory_space<vmem>> -> memref<1x128xi32, #tpu.memory_space<vmem>>
      %dma_start3A_322 = tpu.memref_squeeze %dma_start3A_321 : memref<1x128xi32, #tpu.memory_space<vmem>> -> memref<128xi32, #tpu.memory_space<vmem>>
      %dma_start3A_323 = arith.constant 0 : i32
      %dma_start3A_324 = arith.constant 0 : i32
      %dma_start3A_325 = tpu.memref_slice %arg9[%dma_start3A_323, %dma_start3A_324] : memref<10240x64xf32, #tpu.memory_space<vmem_shared>> -> memref<10240x64xf32, #tpu.memory_space<vmem_shared>>
      tpu.enqueue_indirect_dma source(%dma_start3A_319 : memref<128x64xf32, #tpu.memory_space<vmem>>) target(%dma_start3A_325 : memref<10240x64xf32, #tpu.memory_space<vmem_shared>>) offsets(%dma_start3A_322 : memref<128xi32, #tpu.memory_space<vmem>>) semaphore(%arg20 : memref<!tpu.dma_semaphore, #tpu.memory_space<semaphore_mem>>) {add = true}
      %ge3A_326 = arith.constant 1 : i32
      %ge3A_327 = arith.cmpi sge, %add3A_303, %ge3A_326 : i32
      %convert_element_type3A_328 = arith.extui %ge3A_327 : i1 to i32
      %cond3A_329 = arith.constant 0 : i32
      %cond3A_330 = arith.cmpi ne, %convert_element_type3A_328, %cond3A_329 : i32
      scf.if %cond3A_330 {
        %sub3A_385 = arith.constant 1 : i32
        %sub3A_386 = arith.subi %add3A_303, %sub3A_385 : i32
        %dma_wait3A_387 = arith.constant 3 : i32
        %dma_wait3A_388 = arith.constant 0 : i32
        %dma_wait3A_389 = arith.constant 0 : i32
        %dma_wait3A_390 = tpu.memref_slice %arg7[%dma_wait3A_387, %dma_wait3A_388, %dma_wait3A_389] : memref<6x128x64xf32, #tpu.memory_space<vmem>> -> memref<1x128x64xf32, #tpu.memory_space<vmem>>
        %dma_wait3A_391 = tpu.memref_squeeze %dma_wait3A_390 : memref<1x128x64xf32, #tpu.memory_space<vmem>> -> memref<128x64xf32, #tpu.memory_space<vmem>>
        %dma_wait3A_392 = arith.constant 0 : i32
        %dma_wait3A_393 = tpu.memref_slice %arg6[%sub3A_386, %dma_wait3A_392] : memref<79x128xi32, #tpu.memory_space<vmem>> -> memref<1x128xi32, #tpu.memory_space<vmem>>
        %dma_wait3A_394 = tpu.memref_squeeze %dma_wait3A_393 : memref<1x128xi32, #tpu.memory_space<vmem>> -> memref<128xi32, #tpu.memory_space<vmem>>
        %dma_wait3A_395 = arith.constant 0 : i32
        %dma_wait3A_396 = arith.constant 0 : i32
        %dma_wait3A_397 = tpu.memref_slice %arg9[%dma_wait3A_395, %dma_wait3A_396] : memref<10240x64xf32, #tpu.memory_space<vmem_shared>> -> memref<10240x64xf32, #tpu.memory_space<vmem_shared>>
        tpu.wait_indirect_dma semaphore(%arg19 : memref<!tpu.dma_semaphore, #tpu.memory_space<semaphore_mem>>) src(%dma_wait3A_391 : memref<128x64xf32, #tpu.memory_space<vmem>>) dst(%dma_wait3A_397 : memref<10240x64xf32, #tpu.memory_space<vmem_shared>>)
      } else {
      }
      %ge3A_331 = arith.constant 1 : i32
      %ge3A_332 = arith.cmpi sge, %add3A_303, %ge3A_331 : i32
      %sub3A_333 = arith.constant 1 : i32
      %sub3A_334 = arith.subi %add3A_303, %sub3A_333 : i32
      %add3A_335 = arith.constant 6 : i32
      %add3A_336 = arith.addi %sub3A_334, %add3A_335 : i32
      %lt3A_337 = arith.cmpi slt, %add3A_336, %select_n3A : i32
      %and3A_338 = arith.andi %ge3A_332, %lt3A_337 : i1
      %convert_element_type3A_339 = arith.extui %and3A_338 : i1 to i32
      %cond3A_340 = arith.constant 0 : i32
      %cond3A_341 = arith.cmpi ne, %convert_element_type3A_339, %cond3A_340 : i32
      scf.if %cond3A_341 {
        %sub3A_385 = arith.constant 1 : i32
        %sub3A_386 = arith.subi %add3A_303, %sub3A_385 : i32
        %add3A_387 = arith.constant 6 : i32
        %add3A_388 = arith.addi %sub3A_386, %add3A_387 : i32
        %dma_start3A_389 = arith.constant 3 : i32
        %dma_start3A_390 = arith.constant 0 : i32
        %dma_start3A_391 = arith.constant 0 : i32
        %dma_start3A_392 = tpu.memref_slice %arg7[%dma_start3A_389, %dma_start3A_390, %dma_start3A_391] : memref<6x128x64xf32, #tpu.memory_space<vmem>> -> memref<1x128x64xf32, #tpu.memory_space<vmem>>
        %dma_start3A_393 = tpu.memref_squeeze %dma_start3A_392 : memref<1x128x64xf32, #tpu.memory_space<vmem>> -> memref<128x64xf32, #tpu.memory_space<vmem>>
        %dma_start3A_394 = arith.constant 0 : i32
        %dma_start3A_395 = tpu.memref_slice %arg5[%add3A_388, %dma_start3A_394] : memref<79x128xi32, #tpu.memory_space<vmem>> -> memref<1x128xi32, #tpu.memory_space<vmem>>
        %dma_start3A_396 = tpu.memref_squeeze %dma_start3A_395 : memref<1x128xi32, #tpu.memory_space<vmem>> -> memref<128xi32, #tpu.memory_space<vmem>>
        %dma_start3A_397 = arith.constant 0 : i32
        %dma_start3A_398 = arith.constant 0 : i32
        %dma_start3A_399 = tpu.memref_slice %arg3[%dma_start3A_397, %dma_start3A_398] : memref<10240x64xf32, #tpu.memory_space<hbm>> -> memref<10240x64xf32, #tpu.memory_space<hbm>>
        tpu.enqueue_indirect_dma source(%dma_start3A_399 : memref<10240x64xf32, #tpu.memory_space<hbm>>) target(%dma_start3A_393 : memref<128x64xf32, #tpu.memory_space<vmem>>) offsets(%dma_start3A_396 : memref<128xi32, #tpu.memory_space<vmem>>) semaphore(%arg13 : memref<!tpu.dma_semaphore, #tpu.memory_space<semaphore_mem>>)
      } else {
      }
      %mul3A_342 = arith.constant 6 : i32
      %mul3A_343 = arith.muli %scan3A_133, %mul3A_342 : i32
      %add3A_344 = arith.constant 5 : i32
      %add3A_345 = arith.addi %mul3A_343, %add3A_344 : i32
      %dma_wait3A_346 = arith.constant 5 : i32
      %dma_wait3A_347 = arith.constant 0 : i32
      %dma_wait3A_348 = arith.constant 0 : i32
      %dma_wait3A_349 = tpu.memref_slice %arg7[%dma_wait3A_346, %dma_wait3A_347, %dma_wait3A_348] : memref<6x128x64xf32, #tpu.memory_space<vmem>> -> memref<1x128x64xf32, #tpu.memory_space<vmem>>
      %dma_wait3A_350 = tpu.memref_squeeze %dma_wait3A_349 : memref<1x128x64xf32, #tpu.memory_space<vmem>> -> memref<128x64xf32, #tpu.memory_space<vmem>>
      %dma_wait3A_351 = arith.constant 0 : i32
      %dma_wait3A_352 = tpu.memref_slice %arg5[%add3A_345, %dma_wait3A_351] : memref<79x128xi32, #tpu.memory_space<vmem>> -> memref<1x128xi32, #tpu.memory_space<vmem>>
      %dma_wait3A_353 = tpu.memref_squeeze %dma_wait3A_352 : memref<1x128xi32, #tpu.memory_space<vmem>> -> memref<128xi32, #tpu.memory_space<vmem>>
      %dma_wait3A_354 = arith.constant 0 : i32
      %dma_wait3A_355 = arith.constant 0 : i32
      %dma_wait3A_356 = tpu.memref_slice %arg3[%dma_wait3A_354, %dma_wait3A_355] : memref<10240x64xf32, #tpu.memory_space<hbm>> -> memref<10240x64xf32, #tpu.memory_space<hbm>>
      tpu.wait_indirect_dma semaphore(%arg15 : memref<!tpu.dma_semaphore, #tpu.memory_space<semaphore_mem>>) src(%dma_wait3A_356 : memref<10240x64xf32, #tpu.memory_space<hbm>>) dst(%dma_wait3A_350 : memref<128x64xf32, #tpu.memory_space<vmem>>)
      %dma_start3A_357 = arith.constant 5 : i32
      %dma_start3A_358 = arith.constant 0 : i32
      %dma_start3A_359 = arith.constant 0 : i32
      %dma_start3A_360 = tpu.memref_slice %arg7[%dma_start3A_357, %dma_start3A_358, %dma_start3A_359] : memref<6x128x64xf32, #tpu.memory_space<vmem>> -> memref<1x128x64xf32, #tpu.memory_space<vmem>>
      %dma_start3A_361 = tpu.memref_squeeze %dma_start3A_360 : memref<1x128x64xf32, #tpu.memory_space<vmem>> -> memref<128x64xf32, #tpu.memory_space<vmem>>
      %dma_start3A_362 = arith.constant 0 : i32
      %dma_start3A_363 = tpu.memref_slice %arg6[%add3A_345, %dma_start3A_362] : memref<79x128xi32, #tpu.memory_space<vmem>> -> memref<1x128xi32, #tpu.memory_space<vmem>>
      %dma_start3A_364 = tpu.memref_squeeze %dma_start3A_363 : memref<1x128xi32, #tpu.memory_space<vmem>> -> memref<128xi32, #tpu.memory_space<vmem>>
      %dma_start3A_365 = arith.constant 0 : i32
      %dma_start3A_366 = arith.constant 0 : i32
      %dma_start3A_367 = tpu.memref_slice %arg9[%dma_start3A_365, %dma_start3A_366] : memref<10240x64xf32, #tpu.memory_space<vmem_shared>> -> memref<10240x64xf32, #tpu.memory_space<vmem_shared>>
      tpu.enqueue_indirect_dma source(%dma_start3A_361 : memref<128x64xf32, #tpu.memory_space<vmem>>) target(%dma_start3A_367 : memref<10240x64xf32, #tpu.memory_space<vmem_shared>>) offsets(%dma_start3A_364 : memref<128xi32, #tpu.memory_space<vmem>>) semaphore(%arg21 : memref<!tpu.dma_semaphore, #tpu.memory_space<semaphore_mem>>) {add = true}
      %ge3A_368 = arith.constant 1 : i32
      %ge3A_369 = arith.cmpi sge, %add3A_345, %ge3A_368 : i32
      %convert_element_type3A_370 = arith.extui %ge3A_369 : i1 to i32
      %cond3A_371 = arith.constant 0 : i32
      %cond3A_372 = arith.cmpi ne, %convert_element_type3A_370, %cond3A_371 : i32
      scf.if %cond3A_372 {
        %sub3A_385 = arith.constant 1 : i32
        %sub3A_386 = arith.subi %add3A_345, %sub3A_385 : i32
        %dma_wait3A_387 = arith.constant 4 : i32
        %dma_wait3A_388 = arith.constant 0 : i32
        %dma_wait3A_389 = arith.constant 0 : i32
        %dma_wait3A_390 = tpu.memref_slice %arg7[%dma_wait3A_387, %dma_wait3A_388, %dma_wait3A_389] : memref<6x128x64xf32, #tpu.memory_space<vmem>> -> memref<1x128x64xf32, #tpu.memory_space<vmem>>
        %dma_wait3A_391 = tpu.memref_squeeze %dma_wait3A_390 : memref<1x128x64xf32, #tpu.memory_space<vmem>> -> memref<128x64xf32, #tpu.memory_space<vmem>>
        %dma_wait3A_392 = arith.constant 0 : i32
        %dma_wait3A_393 = tpu.memref_slice %arg6[%sub3A_386, %dma_wait3A_392] : memref<79x128xi32, #tpu.memory_space<vmem>> -> memref<1x128xi32, #tpu.memory_space<vmem>>
        %dma_wait3A_394 = tpu.memref_squeeze %dma_wait3A_393 : memref<1x128xi32, #tpu.memory_space<vmem>> -> memref<128xi32, #tpu.memory_space<vmem>>
        %dma_wait3A_395 = arith.constant 0 : i32
        %dma_wait3A_396 = arith.constant 0 : i32
        %dma_wait3A_397 = tpu.memref_slice %arg9[%dma_wait3A_395, %dma_wait3A_396] : memref<10240x64xf32, #tpu.memory_space<vmem_shared>> -> memref<10240x64xf32, #tpu.memory_space<vmem_shared>>
        tpu.wait_indirect_dma semaphore(%arg20 : memref<!tpu.dma_semaphore, #tpu.memory_space<semaphore_mem>>) src(%dma_wait3A_391 : memref<128x64xf32, #tpu.memory_space<vmem>>) dst(%dma_wait3A_397 : memref<10240x64xf32, #tpu.memory_space<vmem_shared>>)
      } else {
      }
      %ge3A_373 = arith.constant 1 : i32
      %ge3A_374 = arith.cmpi sge, %add3A_345, %ge3A_373 : i32
      %sub3A_375 = arith.constant 1 : i32
      %sub3A_376 = arith.subi %add3A_345, %sub3A_375 : i32
      %add3A_377 = arith.constant 6 : i32
      %add3A_378 = arith.addi %sub3A_376, %add3A_377 : i32
      %lt3A_379 = arith.cmpi slt, %add3A_378, %select_n3A : i32
      %and3A_380 = arith.andi %ge3A_374, %lt3A_379 : i1
      %convert_element_type3A_381 = arith.extui %and3A_380 : i1 to i32
      %cond3A_382 = arith.constant 0 : i32
      %cond3A_383 = arith.cmpi ne, %convert_element_type3A_381, %cond3A_382 : i32
      scf.if %cond3A_383 {
        %sub3A_385 = arith.constant 1 : i32
        %sub3A_386 = arith.subi %add3A_345, %sub3A_385 : i32
        %add3A_387 = arith.constant 6 : i32
        %add3A_388 = arith.addi %sub3A_386, %add3A_387 : i32
        %dma_start3A_389 = arith.constant 4 : i32
        %dma_start3A_390 = arith.constant 0 : i32
        %dma_start3A_391 = arith.constant 0 : i32
        %dma_start3A_392 = tpu.memref_slice %arg7[%dma_start3A_389, %dma_start3A_390, %dma_start3A_391] : memref<6x128x64xf32, #tpu.memory_space<vmem>> -> memref<1x128x64xf32, #tpu.memory_space<vmem>>
        %dma_start3A_393 = tpu.memref_squeeze %dma_start3A_392 : memref<1x128x64xf32, #tpu.memory_space<vmem>> -> memref<128x64xf32, #tpu.memory_space<vmem>>
        %dma_start3A_394 = arith.constant 0 : i32
        %dma_start3A_395 = tpu.memref_slice %arg5[%add3A_388, %dma_start3A_394] : memref<79x128xi32, #tpu.memory_space<vmem>> -> memref<1x128xi32, #tpu.memory_space<vmem>>
        %dma_start3A_396 = tpu.memref_squeeze %dma_start3A_395 : memref<1x128xi32, #tpu.memory_space<vmem>> -> memref<128xi32, #tpu.memory_space<vmem>>
        %dma_start3A_397 = arith.constant 0 : i32
        %dma_start3A_398 = arith.constant 0 : i32
        %dma_start3A_399 = tpu.memref_slice %arg3[%dma_start3A_397, %dma_start3A_398] : memref<10240x64xf32, #tpu.memory_space<hbm>> -> memref<10240x64xf32, #tpu.memory_space<hbm>>
        tpu.enqueue_indirect_dma source(%dma_start3A_399 : memref<10240x64xf32, #tpu.memory_space<hbm>>) target(%dma_start3A_393 : memref<128x64xf32, #tpu.memory_space<vmem>>) offsets(%dma_start3A_396 : memref<128xi32, #tpu.memory_space<vmem>>) semaphore(%arg14 : memref<!tpu.dma_semaphore, #tpu.memory_space<semaphore_mem>>)
      } else {
      }
      %scan3A_384 = arith.constant 0 : i32
      scf.yield %scan3A_384 : i32
    }
    %scan3A_113 = arith.constant 13 : i32
    %convert_element_type3A_114 = arith.extui %lt3A_5 : i1 to i32
    %cond3A_115 = arith.constant 0 : i32
    %cond3A_116 = arith.cmpi ne, %convert_element_type3A_114, %cond3A_115 : i32
    scf.if %cond3A_116 {
      %dma_wait3A_133 = arith.constant 78 : i32
      %dma_wait3A_134 = arith.constant 0 : i32
      %dma_wait3A_135 = arith.constant 0 : i32
      %dma_wait3A_136 = arith.constant 0 : i32
      %dma_wait3A_137 = tpu.memref_slice %arg7[%dma_wait3A_134, %dma_wait3A_135, %dma_wait3A_136] : memref<6x128x64xf32, #tpu.memory_space<vmem>> -> memref<1x128x64xf32, #tpu.memory_space<vmem>>
      %dma_wait3A_138 = tpu.memref_squeeze %dma_wait3A_137 : memref<1x128x64xf32, #tpu.memory_space<vmem>> -> memref<128x64xf32, #tpu.memory_space<vmem>>
      %dma_wait3A_139 = arith.constant 0 : i32
      %dma_wait3A_140 = tpu.memref_slice %arg5[%dma_wait3A_133, %dma_wait3A_139] : memref<79x128xi32, #tpu.memory_space<vmem>> -> memref<1x128xi32, #tpu.memory_space<vmem>>
      %dma_wait3A_141 = tpu.memref_squeeze %dma_wait3A_140 : memref<1x128xi32, #tpu.memory_space<vmem>> -> memref<128xi32, #tpu.memory_space<vmem>>
      %dma_wait3A_142 = arith.constant 0 : i32
      %dma_wait3A_143 = arith.constant 0 : i32
      %dma_wait3A_144 = tpu.memref_slice %arg3[%dma_wait3A_142, %dma_wait3A_143] : memref<10240x64xf32, #tpu.memory_space<hbm>> -> memref<10240x64xf32, #tpu.memory_space<hbm>>
      tpu.wait_indirect_dma semaphore(%arg10 : memref<!tpu.dma_semaphore, #tpu.memory_space<semaphore_mem>>) src(%dma_wait3A_144 : memref<10240x64xf32, #tpu.memory_space<hbm>>) dst(%dma_wait3A_138 : memref<128x64xf32, #tpu.memory_space<vmem>>)
      %dma_start3A_145 = arith.constant 0 : i32
      %dma_start3A_146 = arith.constant 78 : i32
      %dma_start3A_147 = arith.constant 0 : i32
      %dma_start3A_148 = arith.constant 0 : i32
      %dma_start3A_149 = tpu.memref_slice %arg7[%dma_start3A_145, %dma_start3A_147, %dma_start3A_148] : memref<6x128x64xf32, #tpu.memory_space<vmem>> -> memref<1x128x64xf32, #tpu.memory_space<vmem>>
      %dma_start3A_150 = tpu.memref_squeeze %dma_start3A_149 : memref<1x128x64xf32, #tpu.memory_space<vmem>> -> memref<128x64xf32, #tpu.memory_space<vmem>>
      %dma_start3A_151 = arith.constant 0 : i32
      %dma_start3A_152 = tpu.memref_slice %arg6[%dma_start3A_146, %dma_start3A_151] : memref<79x128xi32, #tpu.memory_space<vmem>> -> memref<1x128xi32, #tpu.memory_space<vmem>>
      %dma_start3A_153 = tpu.memref_squeeze %dma_start3A_152 : memref<1x128xi32, #tpu.memory_space<vmem>> -> memref<128xi32, #tpu.memory_space<vmem>>
      %dma_start3A_154 = arith.constant 0 : i32
      %dma_start3A_155 = arith.constant 0 : i32
      %dma_start3A_156 = tpu.memref_slice %arg9[%dma_start3A_154, %dma_start3A_155] : memref<10240x64xf32, #tpu.memory_space<vmem_shared>> -> memref<10240x64xf32, #tpu.memory_space<vmem_shared>>
      tpu.enqueue_indirect_dma source(%dma_start3A_150 : memref<128x64xf32, #tpu.memory_space<vmem>>) target(%dma_start3A_156 : memref<10240x64xf32, #tpu.memory_space<vmem_shared>>) offsets(%dma_start3A_153 : memref<128xi32, #tpu.memory_space<vmem>>) semaphore(%arg16 : memref<!tpu.dma_semaphore, #tpu.memory_space<semaphore_mem>>) {add = true}
      %dma_wait3A_157 = arith.constant 0 : i32
      %dma_wait3A_158 = arith.constant 78 : i32
      %dma_wait3A_159 = arith.constant 0 : i32
      %dma_wait3A_160 = arith.constant 0 : i32
      %dma_wait3A_161 = tpu.memref_slice %arg7[%dma_wait3A_157, %dma_wait3A_159, %dma_wait3A_160] : memref<6x128x64xf32, #tpu.memory_space<vmem>> -> memref<1x128x64xf32, #tpu.memory_space<vmem>>
      %dma_wait3A_162 = tpu.memref_squeeze %dma_wait3A_161 : memref<1x128x64xf32, #tpu.memory_space<vmem>> -> memref<128x64xf32, #tpu.memory_space<vmem>>
      %dma_wait3A_163 = arith.constant 0 : i32
      %dma_wait3A_164 = tpu.memref_slice %arg6[%dma_wait3A_158, %dma_wait3A_163] : memref<79x128xi32, #tpu.memory_space<vmem>> -> memref<1x128xi32, #tpu.memory_space<vmem>>
      %dma_wait3A_165 = tpu.memref_squeeze %dma_wait3A_164 : memref<1x128xi32, #tpu.memory_space<vmem>> -> memref<128xi32, #tpu.memory_space<vmem>>
      %dma_wait3A_166 = arith.constant 0 : i32
      %dma_wait3A_167 = arith.constant 0 : i32
      %dma_wait3A_168 = tpu.memref_slice %arg9[%dma_wait3A_166, %dma_wait3A_167] : memref<10240x64xf32, #tpu.memory_space<vmem_shared>> -> memref<10240x64xf32, #tpu.memory_space<vmem_shared>>
      tpu.wait_indirect_dma semaphore(%arg16 : memref<!tpu.dma_semaphore, #tpu.memory_space<semaphore_mem>>) src(%dma_wait3A_162 : memref<128x64xf32, #tpu.memory_space<vmem>>) dst(%dma_wait3A_168 : memref<10240x64xf32, #tpu.memory_space<vmem_shared>>)
    } else {
    }
    %dma_wait3A = arith.constant 5 : i32
    %dma_wait3A_117 = arith.constant 77 : i32
    %dma_wait3A_118 = arith.constant 0 : i32
    %dma_wait3A_119 = arith.constant 0 : i32
    %dma_wait3A_120 = tpu.memref_slice %arg7[%dma_wait3A, %dma_wait3A_118, %dma_wait3A_119] : memref<6x128x64xf32, #tpu.memory_space<vmem>> -> memref<1x128x64xf32, #tpu.memory_space<vmem>>
    %dma_wait3A_121 = tpu.memref_squeeze %dma_wait3A_120 : memref<1x128x64xf32, #tpu.memory_space<vmem>> -> memref<128x64xf32, #tpu.memory_space<vmem>>
    %dma_wait3A_122 = arith.constant 0 : i32
    %dma_wait3A_123 = tpu.memref_slice %arg6[%dma_wait3A_117, %dma_wait3A_122] : memref<79x128xi32, #tpu.memory_space<vmem>> -> memref<1x128xi32, #tpu.memory_space<vmem>>
    %dma_wait3A_124 = tpu.memref_squeeze %dma_wait3A_123 : memref<1x128xi32, #tpu.memory_space<vmem>> -> memref<128xi32, #tpu.memory_space<vmem>>
    %dma_wait3A_125 = arith.constant 0 : i32
    %dma_wait3A_126 = arith.constant 0 : i32
    %dma_wait3A_127 = tpu.memref_slice %arg9[%dma_wait3A_125, %dma_wait3A_126] : memref<10240x64xf32, #tpu.memory_space<vmem_shared>> -> memref<10240x64xf32, #tpu.memory_space<vmem_shared>>
    tpu.wait_indirect_dma semaphore(%arg21 : memref<!tpu.dma_semaphore, #tpu.memory_space<semaphore_mem>>) src(%dma_wait3A_121 : memref<128x64xf32, #tpu.memory_space<vmem>>) dst(%dma_wait3A_127 : memref<10240x64xf32, #tpu.memory_space<vmem_shared>>)
    %barrier3A_128 = arith.constant 0 : index
    tpu.barrier barrier_id(%barrier3A_128)
    %mul3A_129 = arith.constant 640 : i32
    %mul3A_130 = arith.muli %arg1, %mul3A_129 : i32
    %mul3A_131 = arith.constant 640 : i32
    %mul3A_132 = arith.muli %arg1, %mul3A_131 : i32
    "tpu.region"() ({
      %run_scoped3A_133 = tpu.sem_alloc : memref<!tpu.dma_semaphore, #tpu.memory_space<semaphore_mem>>
      %dma_start3A_134 = arith.constant 0 : i32
      %dma_start3A_135 = tpu.memref_slice %arg4[%arg0, %mul3A_132, %dma_start3A_134] : memref<2x10240x64xf32, #tpu.memory_space<hbm>> -> memref<1x640x64xf32, #tpu.memory_space<hbm>>
      %dma_start3A_136 = tpu.memref_squeeze %dma_start3A_135 : memref<1x640x64xf32, #tpu.memory_space<hbm>> -> memref<640x64xf32, #tpu.memory_space<hbm>>
      %dma_start3A_137 = arith.constant 0 : i32
      %dma_start3A_138 = tpu.memref_slice %arg9[%mul3A_130, %dma_start3A_137] : memref<10240x64xf32, #tpu.memory_space<vmem_shared>> -> memref<640x64xf32, #tpu.memory_space<vmem_shared>>
      tpu.enqueue_dma source(%dma_start3A_138 : memref<640x64xf32, #tpu.memory_space<vmem_shared>>) target(%dma_start3A_136 : memref<640x64xf32, #tpu.memory_space<hbm>>) target_semaphore(%run_scoped3A_133 : memref<!tpu.dma_semaphore, #tpu.memory_space<semaphore_mem>>)
      %dma_wait3A_139 = arith.constant 0 : i32
      %dma_wait3A_140 = tpu.memref_slice %arg4[%arg0, %mul3A_132, %dma_wait3A_139] : memref<2x10240x64xf32, #tpu.memory_space<hbm>> -> memref<1x640x64xf32, #tpu.memory_space<hbm>>
      %dma_wait3A_141 = tpu.memref_squeeze %dma_wait3A_140 : memref<1x640x64xf32, #tpu.memory_space<hbm>> -> memref<640x64xf32, #tpu.memory_space<hbm>>
      %dma_wait3A_142 = arith.constant 0 : i32
      %dma_wait3A_143 = tpu.memref_slice %arg9[%mul3A_130, %dma_wait3A_142] : memref<10240x64xf32, #tpu.memory_space<vmem_shared>> -> memref<640x64xf32, #tpu.memory_space<vmem_shared>>
      tpu.wait_dma2 semaphore(%run_scoped3A_133 : memref<!tpu.dma_semaphore, #tpu.memory_space<semaphore_mem>>) src(%dma_wait3A_143 : memref<640x64xf32, #tpu.memory_space<vmem_shared>>) dst(%dma_wait3A_141 : memref<640x64xf32, #tpu.memory_space<hbm>>)
      tpu.yield
    }) : () -> ()
    return
  }
}

module attributes {stable_mosaic.version = 14 : i64} {
  func.func @_xw1_body(%arg0: memref<5000x256xf32, #tpu.memory_space<vmem>>, %arg1: memref<256x128xf32, #tpu.memory_space<vmem>>, %arg2: memref<5000x128xf32, #tpu.memory_space<vmem>>) attributes {dimension_semantics = [], scalar_prefetch = 0 : i64, scratch_operands = 0 : i64, tpu.core_type = #tpu.core_type<tc>} {
    %get3A = arith.constant 0 : index
    %get3A_0 = arith.constant 0 : index
    %get3A_1 = vector.load %arg0[%get3A, %get3A_0] : memref<5000x256xf32, #tpu.memory_space<vmem>>, vector<5000x256xf32>
    %get3A_2 = arith.constant 0 : index
    %get3A_3 = arith.constant 0 : index
    %get3A_4 = vector.load %arg1[%get3A_2, %get3A_3] : memref<256x128xf32, #tpu.memory_space<vmem>>, vector<256x128xf32>
    %dot_general3A = arith.constant dense<0.000000e+00> : vector<5000x128xf32>
    %dot_general3A_5 = tpu.matmul %get3A_1, %get3A_4, %dot_general3A {dimension_numbers = #tpu.dot_dimension_numbers<[1], [0], [0], [1], [0, 0, 1, 1], [], []>, transpose_lhs_hint = false} : vector<5000x256xf32>, vector<256x128xf32>, vector<5000x128xf32> -> vector<5000x128xf32>
    %swap3A = arith.constant 0 : index
    %swap3A_6 = arith.constant 0 : index
    %swap3A_7 = vector.load %arg2[%swap3A, %swap3A_6] : memref<5000x128xf32, #tpu.memory_space<vmem>>, vector<5000x128xf32>
    tpu.vector_store %arg2[%swap3A, %swap3A_6], %dot_general3A_5 {strides = array<i32>} : memref<5000x128xf32, #tpu.memory_space<vmem>>, vector<5000x128xf32>,
    return
  }
}

module attributes {stable_mosaic.version = 14 : i64} {
  func.func @_scale1_body(%arg0: memref<5000x128xf32, #tpu.memory_space<vmem>>, %arg1: memref<2x1280x128xf32, #tpu.memory_space<vmem>>, %arg2: memref<5120x128xf32, #tpu.memory_space<vmem>>, %arg3: memref<5120x128xf32, #tpu.memory_space<vmem>>) attributes {dimension_semantics = [], scalar_prefetch = 0 : i64, scratch_operands = 0 : i64, tpu.core_type = #tpu.core_type<tc>} {
    %get3A = arith.constant 0 : index
    %get3A_0 = arith.constant 0 : index
    %get3A_1 = arith.constant 0 : index
    %get3A_2 = vector.load %arg1[%get3A, %get3A_0, %get3A_1] : memref<2x1280x128xf32, #tpu.memory_space<vmem>>, vector<1x1280x128xf32>
    %get3A_3 = vector.shape_cast %get3A_2 : vector<1x1280x128xf32> to vector<1280x128xf32>
    %get3A_4 = arith.constant 1 : index
    %get3A_5 = arith.constant 0 : index
    %get3A_6 = arith.constant 0 : index
    %get3A_7 = vector.load %arg1[%get3A_4, %get3A_5, %get3A_6] : memref<2x1280x128xf32, #tpu.memory_space<vmem>>, vector<1x1280x128xf32>
    %get3A_8 = vector.shape_cast %get3A_7 : vector<1x1280x128xf32> to vector<1280x128xf32>
    %add3A = arith.addf %get3A_3, %get3A_8 : vector<1280x128xf32>
    %gt3A = arith.constant 0.000000e+00 : f32
    %gt3A_9 = vector.broadcast %gt3A : f32 to vector<1280x128xf32>
    %gt3A_10 = arith.cmpf ogt, %add3A, %gt3A_9 : vector<1280x128xf32>
    %max3A = arith.constant 1.000000e-30 : f32
    %max3A_11 = vector.broadcast %max3A : f32 to vector<1280x128xf32>
    %max3A_12 = arith.maximumf %add3A, %max3A_11 : vector<1280x128xf32>
    %rsqrt3A = math.rsqrt %max3A_12 : vector<1280x128xf32>
    %jit3A = arith.constant 0.000000e+00 : f32
    %broadcast_in_dim3A = vector.broadcast %jit3A : f32 to vector<1280x128xf32>
    %select_n3A = arith.select %gt3A_10, %rsqrt3A, %broadcast_in_dim3A : vector<1280x128xi1>, vector<1280x128xf32>
    %broadcast_in_dim3A_13 = vector.shape_cast %select_n3A : vector<1280x128xf32> to vector<1280x1x128xf32>
    %broadcast_in_dim3A_14 = vector.shape_cast %broadcast_in_dim3A_13 : vector<1280x1x128xf32> to vector<1280x1x128xf32>
    %broadcast_in_dim3A_15 = vector.broadcast %broadcast_in_dim3A_14 : vector<1280x1x128xf32> to vector<1280x4x128xf32>
    %reshape3A = vector.shape_cast %broadcast_in_dim3A_15 : vector<1280x4x128xf32> to vector<5120x128xf32>
    %iota3A = tpu.iota {dimensions = array<i32: 1>} : vector<5120x128xi32>
    %iota3A_16 = tpu.iota {dimensions = array<i32: 0>} : vector<5120x128xi32>
    %jit3A_17 = arith.constant 4 : i32
    %eq3A = arith.constant 0 : i32
    %eq3A_18 = arith.cmpi eq, %jit3A_17, %eq3A : i32
    %jit3A_19 = arith.constant 1 : i32
    %select_n3A_20 = arith.select %eq3A_18, %jit3A_19, %jit3A_17 : i32
    %rem3A = vector.broadcast %select_n3A_20 : i32 to vector<5120x128xi32>
    %rem3A_21 = arith.remsi %iota3A_16, %rem3A : vector<5120x128xi32>
    %ne3A = arith.constant 0 : i32
    %ne3A_22 = vector.broadcast %ne3A : i32 to vector<5120x128xi32>
    %ne3A_23 = arith.cmpi ne, %rem3A_21, %ne3A_22 : vector<5120x128xi32>
    %lt3A = arith.constant 0 : i32
    %lt3A_24 = vector.broadcast %lt3A : i32 to vector<5120x128xi32>
    %lt3A_25 = arith.cmpi slt, %rem3A_21, %lt3A_24 : vector<5120x128xi32>
    %lt3A_26 = arith.constant 0 : i32
    %lt3A_27 = arith.cmpi slt, %select_n3A_20, %lt3A_26 : i32
    %ne3A_28 = vector.broadcast %lt3A_27 : i1 to vector<5120x128xi1>
    %ne3A_29 = vector.broadcast %ne3A_28 : vector<5120x128xi1> to vector<5120x128xi1>
    %ne3A_30 = arith.xori %lt3A_25, %ne3A_29 : vector<5120x128xi1>
    %and3A = arith.andi %ne3A_30, %ne3A_23 : vector<5120x128xi1>
    %add3A_31 = vector.broadcast %select_n3A_20 : i32 to vector<5120x128xi32>
    %add3A_32 = arith.addi %rem3A_21, %add3A_31 : vector<5120x128xi32>
    %select_n3A_33 = arith.select %and3A, %add3A_32, %rem3A_21 : vector<5120x128xi1>, vector<5120x128xi32>
    %mul3A = arith.constant 32 : i32
    %mul3A_34 = vector.broadcast %mul3A : i32 to vector<5120x128xi32>
    %mul3A_35 = arith.muli %mul3A_34, %select_n3A_33 : vector<5120x128xi32>
    %eq3A_36 = arith.cmpi eq, %iota3A, %mul3A_35 : vector<5120x128xi32>
    %jit3A_37 = arith.constant 0.000000e+00 : f32
    %broadcast_in_dim3A_38 = vector.broadcast %jit3A_37 : f32 to vector<5120x128xf32>
    %select_n3A_39 = arith.select %eq3A_36, %reshape3A, %broadcast_in_dim3A_38 : vector<5120x128xi1>, vector<5120x128xf32>
    %reduce_sum3A = arith.constant dense<0.000000e+00> : vector<5120xf32>
    %reduce_sum3A_40 = vector.multi_reduction <add>, %select_n3A_39, %reduce_sum3A [1] : vector<5120x128xf32> to vector<5120xf32>
    %broadcast_in_dim3A_41 = vector.shape_cast %reduce_sum3A_40 : vector<5120xf32> to vector<5120x1xf32>
    %mul3A_42 = arith.constant 32 : i32
    %mul3A_43 = vector.broadcast %mul3A_42 : i32 to vector<5120x128xi32>
    %mul3A_44 = arith.muli %mul3A_43, %select_n3A_33 : vector<5120x128xi32>
    %add3A_45 = arith.constant 16 : i32
    %add3A_46 = vector.broadcast %add3A_45 : i32 to vector<5120x128xi32>
    %add3A_47 = arith.addi %mul3A_44, %add3A_46 : vector<5120x128xi32>
    %eq3A_48 = arith.cmpi eq, %iota3A, %add3A_47 : vector<5120x128xi32>
    %jit3A_49 = arith.constant 0.000000e+00 : f32
    %broadcast_in_dim3A_50 = vector.broadcast %jit3A_49 : f32 to vector<5120x128xf32>
    %select_n3A_51 = arith.select %eq3A_48, %reshape3A, %broadcast_in_dim3A_50 : vector<5120x128xi1>, vector<5120x128xf32>
    %reduce_sum3A_52 = arith.constant dense<0.000000e+00> : vector<5120xf32>
    %reduce_sum3A_53 = vector.multi_reduction <add>, %select_n3A_51, %reduce_sum3A_52 [1] : vector<5120x128xf32> to vector<5120xf32>
    %broadcast_in_dim3A_54 = vector.shape_cast %reduce_sum3A_53 : vector<5120xf32> to vector<5120x1xf32>
    %broadcast_in_dim3A_55 = vector.shape_cast %broadcast_in_dim3A_41 : vector<5120x1xf32> to vector<5120x1xf32>
    %broadcast_in_dim3A_56 = vector.broadcast %broadcast_in_dim3A_55 : vector<5120x1xf32> to vector<5120x64xf32>
    %broadcast_in_dim3A_57 = vector.shape_cast %broadcast_in_dim3A_54 : vector<5120x1xf32> to vector<5120x1xf32>
    %broadcast_in_dim3A_58 = vector.broadcast %broadcast_in_dim3A_57 : vector<5120x1xf32> to vector<5120x64xf32>
    %concatenate3A = tpu.concatenate %broadcast_in_dim3A_56, %broadcast_in_dim3A_58 in 1 : vector<5120x64xf32>, vector<5120x64xf32> -> vector<5120x128xf32>
    %swap3A = arith.constant 0 : index
    %swap3A_59 = arith.constant 0 : index
    %swap3A_60 = vector.load %arg3[%swap3A, %swap3A_59] : memref<5120x128xf32, #tpu.memory_space<vmem>>, vector<5120x128xf32>
    tpu.vector_store %arg3[%swap3A, %swap3A_59], %concatenate3A {strides = array<i32>} : memref<5120x128xf32, #tpu.memory_space<vmem>>, vector<5120x128xf32>,
    %slice3A = vector.extract_strided_slice %concatenate3A {offsets = [0, 0], sizes = [5000, 128], strides = [1, 1]} : vector<5120x128xf32> to vector<5000x128xf32>
    %get3A_61 = arith.constant 0 : index
    %get3A_62 = arith.constant 0 : index
    %get3A_63 = vector.load %arg0[%get3A_61, %get3A_62] : memref<5000x128xf32, #tpu.memory_space<vmem>>, vector<5000x128xf32>
    %mul3A_64 = arith.mulf %slice3A, %get3A_63 : vector<5000x128xf32>
    %broadcast_in_dim3A_65 = arith.constant 0.000000e+00 : f32
    %broadcast_in_dim3A_66 = vector.broadcast %broadcast_in_dim3A_65 : f32 to vector<120x128xf32>
    %concatenate3A_67 = tpu.concatenate %mul3A_64, %broadcast_in_dim3A_66 in 0 : vector<5000x128xf32>, vector<120x128xf32> -> vector<5120x128xf32>
    %swap3A_68 = arith.constant 0 : index
    %swap3A_69 = arith.constant 0 : index
    %swap3A_70 = vector.load %arg2[%swap3A_68, %swap3A_69] : memref<5120x128xf32, #tpu.memory_space<vmem>>, vector<5120x128xf32>
    tpu.vector_store %arg2[%swap3A_68, %swap3A_69], %concatenate3A_67 {strides = array<i32>} : memref<5120x128xf32, #tpu.memory_space<vmem>>, vector<5120x128xf32>,
    return
  }
}

module attributes {stable_mosaic.version = 14 : i64} {
  func.func @_mid_body(%arg0: memref<2x5120x128xf32, #tpu.memory_space<vmem>>, %arg1: memref<5120x128xf32, #tpu.memory_space<vmem>>, %arg2: memref<1x128xf32, #tpu.memory_space<vmem>>, %arg3: memref<128x128xf32, #tpu.memory_space<vmem>>, %arg4: memref<5120x128xf32, #tpu.memory_space<vmem>>, %arg5: memref<5120x128xf32, #tpu.memory_space<vmem>>) attributes {dimension_semantics = [], scalar_prefetch = 0 : i64, scratch_operands = 0 : i64, tpu.core_type = #tpu.core_type<tc>} {
    %get3A = arith.constant 0 : index
    %get3A_0 = arith.constant 0 : index
    %get3A_1 = arith.constant 0 : index
    %get3A_2 = vector.load %arg0[%get3A, %get3A_0, %get3A_1] : memref<2x5120x128xf32, #tpu.memory_space<vmem>>, vector<1x5120x128xf32>
    %get3A_3 = vector.shape_cast %get3A_2 : vector<1x5120x128xf32> to vector<5120x128xf32>
    %get3A_4 = arith.constant 1 : index
    %get3A_5 = arith.constant 0 : index
    %get3A_6 = arith.constant 0 : index
    %get3A_7 = vector.load %arg0[%get3A_4, %get3A_5, %get3A_6] : memref<2x5120x128xf32, #tpu.memory_space<vmem>>, vector<1x5120x128xf32>
    %get3A_8 = vector.shape_cast %get3A_7 : vector<1x5120x128xf32> to vector<5120x128xf32>
    %add3A = arith.addf %get3A_3, %get3A_8 : vector<5120x128xf32>
    %get3A_9 = arith.constant 0 : index
    %get3A_10 = arith.constant 0 : index
    %get3A_11 = vector.load %arg1[%get3A_9, %get3A_10] : memref<5120x128xf32, #tpu.memory_space<vmem>>, vector<5120x128xf32>
    %mul3A = arith.mulf %get3A_11, %add3A : vector<5120x128xf32>
    %get3A_12 = arith.constant 0 : index
    %get3A_13 = arith.constant 0 : index
    %get3A_14 = vector.load %arg2[%get3A_12, %get3A_13] : memref<1x128xf32, #tpu.memory_space<vmem>>, vector<1x128xf32>
    %add3A_15 = vector.broadcast %get3A_14 : vector<1x128xf32> to vector<5120x128xf32>
    %add3A_16 = arith.addf %mul3A, %add3A_15 : vector<5120x128xf32>
    %max3A = arith.constant 0.000000e+00 : f32
    %max3A_17 = vector.broadcast %max3A : f32 to vector<5120x128xf32>
    %max3A_18 = arith.maximumf %add3A_16, %max3A_17 : vector<5120x128xf32>
    %swap3A = arith.constant 0 : index
    %swap3A_19 = arith.constant 0 : index
    %swap3A_20 = vector.load %arg4[%swap3A, %swap3A_19] : memref<5120x128xf32, #tpu.memory_space<vmem>>, vector<5120x128xf32>
    tpu.vector_store %arg4[%swap3A, %swap3A_19], %max3A_18 {strides = array<i32>} : memref<5120x128xf32, #tpu.memory_space<vmem>>, vector<5120x128xf32>,
    %get3A_21 = arith.constant 0 : index
    %get3A_22 = arith.constant 0 : index
    %get3A_23 = vector.load %arg3[%get3A_21, %get3A_22] : memref<128x128xf32, #tpu.memory_space<vmem>>, vector<128x128xf32>
    %dot_general3A = arith.constant dense<0.000000e+00> : vector<5120x128xf32>
    %dot_general3A_24 = tpu.matmul %max3A_18, %get3A_23, %dot_general3A {dimension_numbers = #tpu.dot_dimension_numbers<[1], [0], [0], [1], [0, 0, 1, 1], [], []>, transpose_lhs_hint = false} : vector<5120x128xf32>, vector<128x128xf32>, vector<5120x128xf32> -> vector<5120x128xf32>
    %mul3A_25 = arith.mulf %get3A_11, %dot_general3A_24 : vector<5120x128xf32>
    %swap3A_26 = arith.constant 0 : index
    %swap3A_27 = arith.constant 0 : index
    %swap3A_28 = vector.load %arg5[%swap3A_26, %swap3A_27] : memref<5120x128xf32, #tpu.memory_space<vmem>>, vector<5120x128xf32>
    tpu.vector_store %arg5[%swap3A_26, %swap3A_27], %mul3A_25 {strides = array<i32>} : memref<5120x128xf32, #tpu.memory_space<vmem>>, vector<5120x128xf32>,
    return
  }
}

module attributes {stable_mosaic.version = 14 : i64} {
  func.func @_final_body(%arg0: memref<2x5120x128xf32, #tpu.memory_space<vmem>>, %arg1: memref<5120x128xf32, #tpu.memory_space<vmem>>, %arg2: memref<1x128xf32, #tpu.memory_space<vmem>>, %arg3: memref<5120x128xf32, #tpu.memory_space<vmem>>, %arg4: memref<5120x128xf32, #tpu.memory_space<vmem>>, %arg5: memref<5120x128xf32, #tpu.memory_space<vmem>>, %arg6: memref<192x10xf32, #tpu.memory_space<vmem>>, %arg7: memref<1x10xf32, #tpu.memory_space<vmem>>, %arg8: memref<64x10xf32, #tpu.memory_space<vmem>>) attributes {dimension_semantics = [], scalar_prefetch = 0 : i64, scratch_operands = 0 : i64, tpu.core_type = #tpu.core_type<tc>} {
    %get3A = arith.constant 0 : index
    %get3A_0 = arith.constant 0 : index
    %get3A_1 = arith.constant 0 : index
    %get3A_2 = vector.load %arg0[%get3A, %get3A_0, %get3A_1] : memref<2x5120x128xf32, #tpu.memory_space<vmem>>, vector<1x5120x128xf32>
    %get3A_3 = vector.shape_cast %get3A_2 : vector<1x5120x128xf32> to vector<5120x128xf32>
    %get3A_4 = arith.constant 1 : index
    %get3A_5 = arith.constant 0 : index
    %get3A_6 = arith.constant 0 : index
    %get3A_7 = vector.load %arg0[%get3A_4, %get3A_5, %get3A_6] : memref<2x5120x128xf32, #tpu.memory_space<vmem>>, vector<1x5120x128xf32>
    %get3A_8 = vector.shape_cast %get3A_7 : vector<1x5120x128xf32> to vector<5120x128xf32>
    %add3A = arith.addf %get3A_3, %get3A_8 : vector<5120x128xf32>
    %get3A_9 = arith.constant 0 : index
    %get3A_10 = arith.constant 0 : index
    %get3A_11 = vector.load %arg1[%get3A_9, %get3A_10] : memref<5120x128xf32, #tpu.memory_space<vmem>>, vector<5120x128xf32>
    %mul3A = arith.mulf %get3A_11, %add3A : vector<5120x128xf32>
    %get3A_12 = arith.constant 0 : index
    %get3A_13 = arith.constant 0 : index
    %get3A_14 = vector.load %arg2[%get3A_12, %get3A_13] : memref<1x128xf32, #tpu.memory_space<vmem>>, vector<1x128xf32>
    %add3A_15 = vector.broadcast %get3A_14 : vector<1x128xf32> to vector<5120x128xf32>
    %add3A_16 = arith.addf %mul3A, %add3A_15 : vector<5120x128xf32>
    %max3A = arith.constant 0.000000e+00 : f32
    %max3A_17 = vector.broadcast %max3A : f32 to vector<5120x128xf32>
    %max3A_18 = arith.maximumf %add3A_16, %max3A_17 : vector<5120x128xf32>
    %get3A_19 = arith.constant 0 : index
    %get3A_20 = arith.constant 0 : index
    %get3A_21 = vector.load %arg5[%get3A_19, %get3A_20] : memref<5120x128xf32, #tpu.memory_space<vmem>>, vector<5120x128xf32>
    %slice3A = vector.extract_strided_slice %get3A_21 {offsets = [0, 0], sizes = [5120, 64], strides = [1, 1]} : vector<5120x128xf32> to vector<5120x64xf32>
    %slice3A_22 = vector.extract_strided_slice %get3A_21 {offsets = [0, 64], sizes = [5120, 64], strides = [1, 1]} : vector<5120x128xf32> to vector<5120x64xf32>
    %get3A_23 = arith.constant 0 : index
    %get3A_24 = arith.constant 0 : index
    %get3A_25 = vector.load %arg3[%get3A_23, %get3A_24] : memref<5120x128xf32, #tpu.memory_space<vmem>>, vector<5120x128xf32>
    %slice3A_26 = vector.extract_strided_slice %get3A_25 {offsets = [0, 0], sizes = [5120, 64], strides = [1, 1]} : vector<5120x128xf32> to vector<5120x64xf32>
    %dot_general3A = arith.constant dense<0.000000e+00> : vector<64x64xf32>
    %dot_general3A_27 = tpu.matmul %slice3A, %slice3A_26, %dot_general3A {dimension_numbers = #tpu.dot_dimension_numbers<[0], [0], [1], [1], [0, 1, 1, 1], [], []>, transpose_lhs_hint = false} : vector<5120x64xf32>, vector<5120x64xf32>, vector<64x64xf32> -> vector<64x64xf32>
    %slice3A_28 = vector.extract_strided_slice %get3A_25 {offsets = [0, 64], sizes = [5120, 64], strides = [1, 1]} : vector<5120x128xf32> to vector<5120x64xf32>
    %dot_general3A_29 = arith.constant dense<0.000000e+00> : vector<64x64xf32>
    %dot_general3A_30 = tpu.matmul %slice3A_22, %slice3A_28, %dot_general3A_29 {dimension_numbers = #tpu.dot_dimension_numbers<[0], [0], [1], [1], [0, 1, 1, 1], [], []>, transpose_lhs_hint = false} : vector<5120x64xf32>, vector<5120x64xf32>, vector<64x64xf32> -> vector<64x64xf32>
    %add3A_31 = arith.addf %dot_general3A_27, %dot_general3A_30 : vector<64x64xf32>
    %get3A_32 = arith.constant 0 : index
    %get3A_33 = arith.constant 0 : index
    %get3A_34 = vector.load %arg4[%get3A_32, %get3A_33] : memref<5120x128xf32, #tpu.memory_space<vmem>>, vector<5120x128xf32>
    %slice3A_35 = vector.extract_strided_slice %get3A_34 {offsets = [0, 0], sizes = [5120, 64], strides = [1, 1]} : vector<5120x128xf32> to vector<5120x64xf32>
    %dot_general3A_36 = arith.constant dense<0.000000e+00> : vector<64x64xf32>
    %dot_general3A_37 = tpu.matmul %slice3A, %slice3A_35, %dot_general3A_36 {dimension_numbers = #tpu.dot_dimension_numbers<[0], [0], [1], [1], [0, 1, 1, 1], [], []>, transpose_lhs_hint = false} : vector<5120x64xf32>, vector<5120x64xf32>, vector<64x64xf32> -> vector<64x64xf32>
    %slice3A_38 = vector.extract_strided_slice %get3A_34 {offsets = [0, 64], sizes = [5120, 64], strides = [1, 1]} : vector<5120x128xf32> to vector<5120x64xf32>
    %dot_general3A_39 = arith.constant dense<0.000000e+00> : vector<64x64xf32>
    %dot_general3A_40 = tpu.matmul %slice3A_22, %slice3A_38, %dot_general3A_39 {dimension_numbers = #tpu.dot_dimension_numbers<[0], [0], [1], [1], [0, 1, 1, 1], [], []>, transpose_lhs_hint = false} : vector<5120x64xf32>, vector<5120x64xf32>, vector<64x64xf32> -> vector<64x64xf32>
    %add3A_41 = arith.addf %dot_general3A_37, %dot_general3A_40 : vector<64x64xf32>
    %slice3A_42 = vector.extract_strided_slice %max3A_18 {offsets = [0, 0], sizes = [5120, 64], strides = [1, 1]} : vector<5120x128xf32> to vector<5120x64xf32>
    %dot_general3A_43 = arith.constant dense<0.000000e+00> : vector<64x64xf32>
    %dot_general3A_44 = tpu.matmul %slice3A, %slice3A_42, %dot_general3A_43 {dimension_numbers = #tpu.dot_dimension_numbers<[0], [0], [1], [1], [0, 1, 1, 1], [], []>, transpose_lhs_hint = false} : vector<5120x64xf32>, vector<5120x64xf32>, vector<64x64xf32> -> vector<64x64xf32>
    %slice3A_45 = vector.extract_strided_slice %max3A_18 {offsets = [0, 64], sizes = [5120, 64], strides = [1, 1]} : vector<5120x128xf32> to vector<5120x64xf32>
    %dot_general3A_46 = arith.constant dense<0.000000e+00> : vector<64x64xf32>
    %dot_general3A_47 = tpu.matmul %slice3A_22, %slice3A_45, %dot_general3A_46 {dimension_numbers = #tpu.dot_dimension_numbers<[0], [0], [1], [1], [0, 1, 1, 1], [], []>, transpose_lhs_hint = false} : vector<5120x64xf32>, vector<5120x64xf32>, vector<64x64xf32> -> vector<64x64xf32>
    %add3A_48 = arith.addf %dot_general3A_44, %dot_general3A_47 : vector<64x64xf32>
    %concatenate3A = tpu.concatenate %add3A_31, %add3A_41, %add3A_48 in 1 : vector<64x64xf32>, vector<64x64xf32>, vector<64x64xf32> -> vector<64x192xf32>
    %reduce_sum3A = arith.constant dense<0.000000e+00> : vector<64xf32>
    %reduce_sum3A_49 = vector.multi_reduction <add>, %slice3A, %reduce_sum3A [0] : vector<5120x64xf32> to vector<64xf32>
    %broadcast_in_dim3A = vector.shape_cast %reduce_sum3A_49 : vector<64xf32> to vector<1x64xf32>
    %reduce_sum3A_50 = arith.constant dense<0.000000e+00> : vector<64xf32>
    %reduce_sum3A_51 = vector.multi_reduction <add>, %slice3A_22, %reduce_sum3A_50 [0] : vector<5120x64xf32> to vector<64xf32>
    %broadcast_in_dim3A_52 = vector.shape_cast %reduce_sum3A_51 : vector<64xf32> to vector<1x64xf32>
    %add3A_53 = arith.addf %broadcast_in_dim3A, %broadcast_in_dim3A_52 : vector<1x64xf32>
    %max3A_54 = arith.constant 1.000000e+00 : f32
    %max3A_55 = vector.broadcast %max3A_54 : f32 to vector<1x64xf32>
    %max3A_56 = arith.maximumf %add3A_53, %max3A_55 : vector<1x64xf32>
    %div3A = arith.constant 1.000000e+00 : f32
    %div3A_57 = vector.broadcast %div3A : f32 to vector<1x64xf32>
    %div3A_58 = arith.divf %div3A_57, %max3A_56 : vector<1x64xf32>
    %transpose3A = tpu.transpose %div3A_58, [1, 0] : vector<1x64xf32> -> vector<64x1xf32>
    %mul3A_59 = vector.broadcast %transpose3A : vector<64x1xf32> to vector<64x192xf32>
    %mul3A_60 = arith.mulf %concatenate3A, %mul3A_59 : vector<64x192xf32>
    %get3A_61 = arith.constant 0 : index
    %get3A_62 = arith.constant 0 : index
    %get3A_63 = vector.load %arg6[%get3A_61, %get3A_62] : memref<192x10xf32, #tpu.memory_space<vmem>>, vector<192x10xf32>
    %dot_general3A_64 = arith.constant dense<0.000000e+00> : vector<64x10xf32>
    %dot_general3A_65 = tpu.matmul %mul3A_60, %get3A_63, %dot_general3A_64 {dimension_numbers = #tpu.dot_dimension_numbers<[1], [0], [0], [1], [0, 0, 1, 1], [], []>, transpose_lhs_hint = false} : vector<64x192xf32>, vector<192x10xf32>, vector<64x10xf32> -> vector<64x10xf32>
    %get3A_66 = arith.constant 0 : index
    %get3A_67 = arith.constant 0 : index
    %get3A_68 = vector.load %arg7[%get3A_66, %get3A_67] : memref<1x10xf32, #tpu.memory_space<vmem>>, vector<1x10xf32>
    %add3A_69 = vector.broadcast %get3A_68 : vector<1x10xf32> to vector<64x10xf32>
    %add3A_70 = arith.addf %dot_general3A_65, %add3A_69 : vector<64x10xf32>
    %reduce_max3A = arith.constant dense<0xFF800000> : vector<64xf32>
    %reduce_max3A_71 = vector.multi_reduction <maximumf>, %add3A_70, %reduce_max3A [1] : vector<64x10xf32> to vector<64xf32>
    %broadcast_in_dim3A_72 = vector.shape_cast %reduce_max3A_71 : vector<64xf32> to vector<64x1xf32>
    %sub3A = vector.broadcast %broadcast_in_dim3A_72 : vector<64x1xf32> to vector<64x10xf32>
    %sub3A_73 = arith.subf %add3A_70, %sub3A : vector<64x10xf32>
    %exp3A = math.exp %sub3A_73 : vector<64x10xf32>
    %reduce_sum3A_74 = arith.constant dense<0.000000e+00> : vector<64xf32>
    %reduce_sum3A_75 = vector.multi_reduction <add>, %exp3A, %reduce_sum3A_74 [1] : vector<64x10xf32> to vector<64xf32>
    %broadcast_in_dim3A_76 = vector.shape_cast %reduce_sum3A_75 : vector<64xf32> to vector<64x1xf32>
    %div3A_77 = vector.broadcast %broadcast_in_dim3A_76 : vector<64x1xf32> to vector<64x10xf32>
    %div3A_78 = arith.divf %exp3A, %div3A_77 : vector<64x10xf32>
    %swap3A = arith.constant 0 : index
    %swap3A_79 = arith.constant 0 : index
    %swap3A_80 = vector.load %arg8[%swap3A, %swap3A_79] : memref<64x10xf32, #tpu.memory_space<vmem>>, vector<64x10xf32>
    tpu.vector_store %arg8[%swap3A, %swap3A_79], %div3A_78 {strides = array<i32>} : memref<64x10xf32, #tpu.memory_space<vmem>>, vector<64x10xf32>,
    return
  }
}

</mosaic_0001>

<sc_bundles>
// kernel: kernel.11.cloned.1.call-start
scs
__scs_entry_jumppad:
0x0: {  	(pc) =	sbr.rel $0x88, $3  }
0x1: {  	(tag) =	ssettag $0x0;
	lr =	simm.s32 $0x1  }
0x2: {  	[smem:$0x3F96] =	sst lr;
	_ =	strace $0xD0000000  }
0x3: {  	_ = 	snop  }
0x4: {  	_ = 	snop  }
0x5: {  	_ = 	snop  }
0x6: {  	_ = 	snop  }
0x7: {  	_ = 	snop  }
__scs_overlays_trampoline_lowered:
0x8: {  	[smem:$0x3FA5] =	sst s0  }
0x9: {  	[smem:$0x3FA6] =	sst s1  }
0xa: {  	[smem:$0x3FA7] =	sst s2  }
0xb: {  	[smem:$0x3FA8] =	sst s3  }
0xc: {  	[smem:$0x3FA9] =	sst s4  }
0xd: {  	[smem:$0x3FAA] =	sst s5  }
0xe: {  	[smem:$0x3FAB] =	sst s6  }
0xf: {  	[smem:$0x3FAC] =	sst s7  }
0x10: {  	[smem:$0x3FAD] =	sst s8  }
0x11: {  	[smem:$0x3FAE] =	sst s9;
	s0 =	simm.s32 @!p0 $0x0  }
0x12: {  	s1 =	sld [smem:$0x3F94];
	s0 =	simm.s32 @p0 $0x1  }
0x13: {  	[smem:$0x3FAF] =	sst s0;
	s0 =	simm.s32 @!p1 $0x0  }
0x14: {  	s2 =	sld [smem:$0x3F93];
	s0 =	simm.s32 @p1 $0x1  }
0x15: {  	[smem:$0x3FB0] =	sst s0;
	s0 =	simm.s32 @!p2 $0x0  }
0x16: {  	s3 =	sld [smem:$0x3FDB];
	s0 =	simm.s32 @p2 $0x1  }
0x17: {  	s4 =	simm.s32 $0x1BF5;
	[smem:$0x3FB2] =	sst s0  }
0x18: {  	s0 =	sld [smem:$0x3F95];
	_ =	swait.ge [sflag:s4], $0x0  }
0x19: {  	s7 =	sld [smem:$0x3F96]  }
0x1a: {  	s8 =	sadd.s32 $0xFFFFE003, lr  }
0x1b: {  	s9 =	sadd.s32 $0xFFFFFEF7, lr;
	s5 =	simm.s32 $0xFFFFFFFF;
	p2 =	slt.u32 s8, $0xFFFFF086  }
0x1c: {  	p1 =	slt.u32 s9, $0xF7A;
	s5 =	simm.s32 @!p2 $0x0  }
0x1d: {  	s5 =	simm.s32 @p1 $0x1;
	p0 =	seq.s32 s7, s2  }
0x1e: {  	s7 =	smul.u32 @!p0 $0xF7A, s2;
	p2 =	seq.s32 @!p0 s5, $0x0  }
0x1f: {  	s9 =	smul.u32 $0xF7A, s1;
	s8 =	simm.s32 @!p0 $0x1BF5;
	p2 =	por !p2, p0  }
0x20: {  	[sflag:s8] =	ssyncset.s32 @!p0 $0xFFFFF086;
	s6 =	sadd.s32 @!p0 s3, s7;
	s7 =	simm.s32 @!p0 $0x108  }
0x21: {  	s3 =	sadd.s32 s3, s9;
	s6 =	sadd.s32 @!p0 $0x88, s6;
	s7 =	simm.s32 @p2 $0x1082  }
0x22: {  	[simem:s7], [sflag:s8] =	dma.local @!p0 [hbm:s6], $0xF7A  }
0x23: {  	s9 =	sor.u32 $0xD0000000, s2;
	s6 =	simm.s32 $0x108;
	_ =	swait.ge @!p0 [sflag:s8], $0x0  }
0x24: {  	s3 =	sadd.s32 $0x88, s3;
	s6 =	simm.s32 @!p1 $0x1082;
	[sflag:s4] =	ssyncset.s32 $0xFFFFF086  }
0x25: {  	[simem:s6], [sflag:s4] =	dma.local [hbm:s3], $0xF7A  }
0x26: {  	[smem:$0x3F96] =	sst s1;
	(tag) =	ssettag s2;
	_ =	strace s9  }
0x27: {  	s1 =	sld [smem:$0x3FA6]  }
0x28: {  	s2 =	sld [smem:$0x3FA7]  }
0x29: {  	s4 =	sld [smem:$0x3FA9]  }
0x2a: {  	p0 =	seq.s32 s5, $0x0;
	s5 =	sld [smem:$0x3FAA]  }
0x2b: {  	s6 =	sld [smem:$0x3FAB]  }
0x2c: {  	s7 =	sld [smem:$0x3FAC]  }
0x2d: {  	s3 =	simm.s32 $0x108;
	s8 =	sld [smem:$0x3FAD]  }
0x2e: {  	s3 =	simm.s32 @!p0 $0x1082;
	s9 =	sld [smem:$0x3FAE]  }
0x2f: {  	lr =	sadd.s32 s0, s3;
	s0 =	sld [smem:$0x3FA5]  }
0x30: {  	s3 =	sld [smem:$0x3FA8]  }
0x31: {  	[smem:$0x3FB1] =	sst s10  }
0x32: {  	s10 =	sld [smem:$0x3FAF];
	_ =	sdelay $0x3  }
0x33: {  	p0 =	seq.s32 s10, $0x1;
	s10 =	sld [smem:$0x3FB1];
	_ =	sdelay $0x3  }
0x34: {  	[smem:$0x3FB1] =	sst s10  }
0x35: {  	s10 =	sld [smem:$0x3FB0];
	_ =	sdelay $0x3  }
0x36: {  	p1 =	seq.s32 s10, $0x1;
	s10 =	sld [smem:$0x3FB1];
	_ =	sdelay $0x3  }
0x37: {  	[smem:$0x3FB1] =	sst s10  }
0x38: {  	s10 =	sld [smem:$0x3FB2]  }
0x39: {  	_ = 	snop;
	(pc) =	sbr.ind lr, $3  }
0x3a: {  	_ = 	snop  }
0x3b: {  	_ = 	snop  }
0x3c: {  	p2 =	seq.s32 s10, $0x1;
	s10 =	sld [smem:$0x3FB1]  }
0x3d: {  	_ =	shalt  }
0x3e: {  	_ =	shalt  }
0x3f: {  	_ =	shalt  }
0x40: {  	_ =	shalt  }
0x41: {  	_ =	shalt  }
0x42: {  	_ =	shalt  }
0x43: {  	_ =	shalt  }
0x44: {  	_ =	shalt  }
0x45: {  	_ =	shalt  }
0x46: {  	_ =	shalt  }
0x47: {  	_ =	shalt  }
0x48: {  	_ =	shalt  }
0x49: {  	_ =	shalt  }
0x4a: {  	_ =	shalt  }
0x4b: {  	_ =	shalt  }
0x4c: {  	_ =	shalt  }
0x4d: {  	_ =	shalt  }
0x4e: {  	_ =	shalt  }
0x4f: {  	_ =	shalt  }
0x50: {  	_ =	shalt  }
0x51: {  	_ =	shalt  }
0x52: {  	_ =	shalt  }
0x53: {  	_ =	shalt  }
0x54: {  	_ =	shalt  }
0x55: {  	_ =	shalt  }
0x56: {  	_ =	shalt  }
0x57: {  	_ =	shalt  }
0x58: {  	_ =	shalt  }
0x59: {  	_ =	shalt  }
0x5a: {  	_ =	shalt  }
0x5b: {  	_ =	shalt  }
0x5c: {  	_ =	shalt  }
0x5d: {  	_ =	shalt  }
0x5e: {  	_ =	shalt  }
0x5f: {  	_ =	shalt  }
0x60: {  	_ =	shalt  }
0x61: {  	_ =	shalt  }
0x62: {  	_ =	shalt  }
0x63: {  	_ =	shalt  }
0x64: {  	_ =	shalt  }
0x65: {  	_ =	shalt  }
0x66: {  	_ =	shalt  }
0x67: {  	_ =	shalt  }
0x68: {  	_ =	shalt  }
0x69: {  	_ =	shalt  }
0x6a: {  	_ =	shalt  }
0x6b: {  	_ =	shalt  }
0x6c: {  	_ =	shalt  }
0x6d: {  	_ =	shalt  }
0x6e: {  	_ =	shalt  }
0x6f: {  	_ =	shalt  }
0x70: {  	_ =	shalt  }
0x71: {  	_ =	shalt  }
0x72: {  	_ =	shalt  }
0x73: {  	_ =	shalt  }
0x74: {  	_ =	shalt  }
0x75: {  	_ =	shalt  }
0x76: {  	_ =	shalt  }
0x77: {  	_ =	shalt  }
0x78: {  	_ =	shalt  }
0x79: {  	_ =	shalt  }
0x7a: {  	_ =	shalt  }
0x7b: {  	_ =	shalt  }
0x7c: {  	_ =	shalt  }
0x7d: {  	_ =	shalt  }
0x7e: {  	_ =	shalt  }
0x7f: {  	_ =	shalt  }
0x80: {  	_ =	shalt  }
0x81: {  	_ =	shalt  }
0x82: {  	_ =	shalt  }
0x83: {  	_ =	shalt  }
0x84: {  	_ =	shalt  }
0x85: {  	_ =	shalt  }
0x86: {  	_ =	shalt  }
0x87: {  	_ =	shalt  }
.Lfunc_end0:
.L_simem_size_0:
called_computation_lowered:
.L_overlay_start_0:
0x88: {  	s2 =	sld [smem:$0x3FD9]  }
0x89: {  	s3 =	sld [smem:$0x3FFE];
	_ =	sdelay $0x1  }
0x8a: {  	s1 =	srdreg.scid  }
0x8b: {  	s0 =	sand.u32 $0x1, s1  }
0x8c: {  	s16 =	sshll.u32 s0, $0xA;
	s2 =	sadd.s32 s3, s2  }
0x8d: {  	s2 =	sadd.s32 s2, s16  }
0x8e: {  	[smem:$0x3FBD] =	sst s2  }
0x8f: {  	_ = 	snop  }
0x90: {  	(tm) =	ssettm $0x1  }
0x91: {  	s17 =	sld [smem:$0x3FFB];
	_ =	sdelay $0x3  }
0x92: {  	_ =	strace s17  }
0x93: {  	s2 =	sld [smem:$0x3FFC];
	_ =	sdelay $0x3  }
0x94: {  	_ =	strace s2  }
0x95: {  	s2 =	sld [smem:$0x3FFD];
	_ =	sdelay $0x3  }
0x96: {  	_ =	strace s2  }
0x97: {  	_ =	strace $0x8FFFFFFF  }
0x98: {  	s18 =	sld [smem:$0x3FDB];
	_ =	sdelay $0x1  }
0x99: {  	s19 =	simm.s32 $_scs_section_size  }
0x9a: {  	s4 =	simm.s32 $_size__tile_overlayer_lowered;
	s5 =	simm.s32 $_tile_overlayer_lowered  }
0x9b: {  	s22 =	simm.s32 $0x1BFF;
	s21 =	sshll.u32 s5, $0x1;
	s2 =	sadd.s32 s19, s18  }
0x9c: {  	s6 =	simm.s32 $0x0;
	s20 =	sshll.u32 s4, $0x1;
	s4 =	sadd.s32 s21, s2  }
0x9d: {  	[timem:s6], [sflag:s22] =	dma.local [hbm:s4], s20  }
0x9e: {  	_ =	swait.ge [sflag:s22], s20  }
0x9f: {  	s3 =	ssub.s32 $0x0, s20;
	[sflag:s22] =	ssyncset.done $0x0  }
0xa0: {  	[sflag:s22] =	ssyncadd.s32 s3;
	_ =	sdelay $0x1  }
0xa1: {  	s23 =	simm.s32 $0x1B8B  }
0xa2: {  	_ =	swait.ge [sflag:s23], $0x1  }
0xa3: {  	[sflag:s23] =	ssyncset.done $0x0  }
0xa4: {  	s25 =	simm.s32 $0x1B8E;
	s24 =	sld [smem:$0x3FFE];
	[sflag:s23] =	ssyncadd.s32 $0xFFFFFFFF  }
0xa5: {  	s26 =	simm.s32 $execute0_lowered;
	[smem:$0x3FD2] =	sst s25  }
0xa6: {  	s4 =	sshll.u32 s26, $0x1;
	_ =	strace $0x80000046;
	[dreg:$0x1] =	wrdreg $0xFFFFFFFF  }
0xa7: {  	s28 =	simm.s32 $_size_execute0_lowered;
	s2 =	sadd.s32 s2, s4;
	[dreg:$0x0] =	wrdreg $0x0  }
0xa8: {  	s4 =	sshll.u32 s28, $0x1;
	[dreg:$0x2] =	wrdreg s2  }
0xa9: {  	[dreg:$0x3] =	wrdreg s4  }
0xaa: {  	[dreg:$0x4] =	wrdreg $0xC0  }
0xab: {  	_ =	task [dreg:s6], $0x5FFFF  }
0xac: {  	[dreg:$0x1] =	wrdreg $0xFFFFFFFF  }
0xad: {  	[dreg:$0x0] =	wrdreg $0x60  }
0xae: {  	[dreg:$0x2] =	wrdreg s24  }
0xaf: {  	[dreg:$0x3] =	wrdreg $0x57800  }
0xb0: {  	[dreg:$0x4] =	wrdreg $0x9  }
0xb1: {  	_ =	task.clear_ibuf [dreg:s6], $0x5FFFF;
	_ =	strace $0x90000046  }
0xb2: {  	s29 =	simm.s32 $0x9;
	_ =	strace $0x80000048  }
0xb3: {  	_ =	swait.ge [sflag:s29], $0x1  }
0xb4: {  	[sflag:s29] =	ssyncadd.s32 $0xFFFFFFFF  }
0xb5: {  	_ =	strace $0x90000048  }
0xb6: {  	_ =	sfence  }
0xb7: {  	s30 =	sld [smem:$0x0];
	_ =	sdelay $0x2  }
0xb8: {  	s31 =	sshll.u32 s1, $0xD;
	s1 =	sshrl.u32 s1, $0x2  }
0xb9: {  	s3 =	sand.u32 $0x4000, s31;
	s1 =	sadd.s32 s1, s30  }
0xba: {  	s0 =	sor.u32 s3, s0;
	s1 =	sshll.u32 s1, $0x11  }
0xbb: {  	s0 =	sor.u32 s1, s0  }
0xbc: {  	s0 =	sadd.s32 $0x8F2B, s0  }
0xbd: {  	[sflag:s0] =	ssyncadd.remote.s32 $0x1  }
0xbe: {  	_ =	sfence.sel $0xFFFF  }
0xbf: {  	[dreg:$0x0] =	wrdreg $0xFFFFFFFF;
	(pc) =	sbr.abs _section_cstart, $3  }
0xc0: {  	[dreg:$0x1] =	wrdreg $0xFFFFFFFF  }
0xc1: {  	_ =	task.clear_ibuf [dreg:s6], $0x2FFFF;
	_ =	strace $0x9FFFFFFF  }
0xc2: {  	(tm) =	ssettm $0x7FFFFFFF  }
0xc3: {  	_ =	shalt  }
tec
execute0_lowered:
.L_overlay_start_1:
0x0: {  	(tag) =	ssettag $0x1  }
0x1: {  	s1 =	srdreg.scid;
	s6 =	rddreg [dreg:$0x0]  }
0x2: {  	s0 =	stileid.u32;
	s2 =	rddreg [dreg:$0x1];
	s3 =	simm.s32 $0x0  }
0x3: {  	s11 =	simm.s32 $0x80;
	s12 =	simm.s32 $0x2780;
	s15 =	simm.s32 $0x0  }
0x4: {  	s4 =	sand.u32 $0x1, s1;
	s28 =	sshll.u32 s0, $0x1;
	s1 =	rddreg [dreg:$0x2]  }
0x5: {  	s8 =	smul.u32 $0x2800, s0;
	[smem:$0x7FF] =	sst s3;
	p0 =	sgt.u32 s0, $0x1  }
0x6: {  	s13 =	sshll.u32 s0, $0x6;
	s5 =	sor.u32 s4, s28;
	s9 =	smul.u32 $0x28000, s4  }
0x7: {  	_ =	strace $0x80000047;
	s4 =	ssub.s32 $0x2, s4;
	s13 =	sor.u32 $0x1C01, s13  }
0x8: {  	s7 =	smul.u32 $0x4E, s5;
	s5 =	smin.u32 s5, $0x4;
	s31 =	sshrl.u32 s4, $0x1  }
0x9: {  	s29 =	sadd.s32 s8, s9;
	s10 =	ssub.s32 s4, s31;
	s4 =	sadd.s32 s8, s2  }
0xa: {  	s9 =	simm.s32 $0x2F80;
	s5 =	sadd.s32 s5, s7;
	s7 =	sshrl.u32 s29, $0x3  }
0xb: {  	s8 =	smax.u32 s10, $0x1;
	s10 =	simm.s32 $0x1;
	s5 =	sshll.u32 s5, $0x4  }
0xc: {  	v0 =	vimm.f32 $0.0e+00;
	vm0 =	vcmask $0x300;
	s14 =	sshrl.u32 s4, $0x3;
	s7 =	sadd.s32 s7, s6;
	s30 =	sadd.s32 s5, s6  }
0xd: {  	v1 =	vsel vm0, $0x3F800000, v0;
	s7 =	sadd.s32 $0x17800, s7;
	s5 =	sadd.s32 $0xDA40, s30;
	s6 =	sadd.s32 $0xDF20, s30  }
.LBB2_1:
0xe: {  	s16 =	simm.s32 $0x0  }
.LBB2_2:
0xf: {  	p1 =	sne.s32 s16, $0x1FC0  }
.Ltmp0:
0x10: {  	_ = 	snop;
	(pc) =	sbr.rel @p1 .LBB2_2-.Ltmp0, $3  }
0x11: {  	_ =	sdelay $0x1  }
0x12: {  	s17 =	sshra.s32 s16, $0x2  }
0x13: {  	s16 =	sadd.s32 $0x40, s16;
	[tilespmem:s17+$0x2780] =	vst v1  }
0x14: {  	s16 =	simm.s32 $0x40;
	s17 =	simm.s32 $0x0  }
.LBB2_4:
0x15: {  	p1 =	sne.s32 s16, $0x9FC0;
	[tilespmem:s17+$0x2F80] =	vst v0;
	s17 =	smov.u32 s16;
	s16 =	sadd.s32 $0x40, s16  }
.Ltmp1:
0x16: {  	(pc) =	sbr.rel @p1 .LBB2_4-.Ltmp1, $2  }
0x17: {  	_ =	sdelay $0x2  }
0x18: {  	s17 =	sshra.s32 s17, $0x2  }
0x19: {  	[tilespmem:s17+$0x2F80] =	vst v0  }
0x1a: {  	[spmem:s4] =	stream.linear.scatter [tilespmem:s9], [sflag:$0x1], $0x2800, $0x38;
	[tilespmem:$0x7F80] =	vst v63  }
0x1b: {  	_ =	swait.ge [sflag:s10], $0x2800  }
0x1c: {  	[sflag:s10] =	ssyncset.done $0x0  }
0x1d: {  	[sflag:s10] =	ssyncadd.s32 $0xFFFFD800  }
0x1e: {  	[bflag:$0x0] =	sbarrier.arrive $0xFFFF  }
0x1f: {  	[tilespmem:s3], [sflag:$0x1] =	stream.linear.gather [hbm4b:s5+s3], $0x2700, $0x38;
	[tilespmem:$0x7F80] =	vst v63  }
0x20: {  	_ =	swait.ge [sflag:s10], $0x2700  }
0x21: {  	[sflag:s10] =	ssyncset.done $0x0  }
0x22: {  	s16 =	simm.s32 @!p0 $0x0;
	s17 =	simm.s32 @!p0 $0x2700;
	[sflag:s10] =	ssyncadd.s32 $0xFFFFD900  }
0x23: {  	[tilespmem:s17], [sflag:$0x1] =	stream.linear.gather @!p0 [hbm4b:s6+s16], $0x80, $0x38;
	[tilespmem:$0x7F80] =	vst v63  }
0x24: {  	s17 =	simm.s32 @!p0 $0x4F  }
0x25: {  	s16 =	simm.s32 @!p0 $0x1;
	s17 =	simm.s32 @p0 $0x4E  }
0x26: {  	_ =	swait.ge @!p0 [sflag:s16], $0x80;
	p1 =	sne.s32 s17, $0x1  }
.Ltmp2:
0x27: {  	[sflag:s16] =	ssyncset.done @!p0 $0x0;
	(pc) =	sbr.rel @!p1 .LBB2_7-.Ltmp2, $4  }
0x28: {  	[sflag:s16] =	ssyncadd.s32 @!p0 $0xFFFFFF80;
	s16 =	simm.s32 $0x0  }
0x29: {  	[spmem:s2] =	stream.indirect.scatter.add.f32 [tilespmem:s12], [sflag:$0x1], $0x10, s16, s11, $0xb8;
	[tilespmem:$0x7F80] =	vst v63  }
0x2a: {  	_ =	swait.ge [sflag:s10], $0x800  }
0x2b: {  	s17 =	sadd.s32 $0xFFFFFFFF, s17;
	[sflag:s10] =	ssyncset.done $0x0  }
.LBB2_6:
0x2c: {  	p1 =	sne.s32 s17, $0x1;
	[sflag:s10] =	ssyncadd.s32 $0xFFFFF800;
	s16 =	sadd.s32 $0x80, s16  }
.Ltmp3:
0x2d: {  	s17 =	sadd.s32 $0xFFFFFFFF, s17;
	(pc) =	sbr.rel @p1 .LBB2_6-.Ltmp3, $4  }
0x2e: {  	_ = 	snop  }
0x2f: {  	[spmem:s2] =	stream.indirect.scatter.add.f32 [tilespmem:s12], [sflag:$0x1], $0x10, s16, s11, $0xb8;
	[tilespmem:$0x7F80] =	vst v63  }
0x30: {  	_ =	swait.ge [sflag:s10], $0x800  }
0x31: {  	[sflag:s10] =	ssyncset.done $0x0  }
.LBB2_7:
0x32: {  	s15 =	sadd.s32 $0x1, s15  }
0x33: {  	[sflag:s10] =	ssyncadd.s32 $0xFFFFF800;
	p1 =	sne.s32 s15, s8  }
.Ltmp4:
0x34: {  	[bflag:$0x0] =	sbarrier.arrive $0xFFFF;
	(pc) =	sbr.rel @p1 .LBB2_1-.Ltmp4, $4  }
0x35: {  	[hbm:s7], [sflag:s13] =	dma.local [spmem:s14], $0x500  }
0x36: {  	_ =	swait.ge [sflag:s10], $0x500  }
0x37: {  	[sflag:s10] =	ssyncset.done $0x0  }
0x38: {  	[sflag:s10] =	ssyncadd.s32 $0xFFFFFB00  }
0x39: {  	_ =	sfence.sel $0x180000  }
0x3a: {  	[bflag:$0x0] =	sbarrier.arrive $0xFFFF  }
0x3b: {  	p0 =	sne.s32 s0, $0x0;
	_ =	strace $0x90000047  }
0x3c: {  	s0 =	sadd.s32 @!p0 $0x100000, s1;
	[bflag:$0x2] =	sbarrier.arrive $0xFFFF  }
0x3d: {  	[sflag:s0] =	ssyncadd.tile.s32 @!p0 $0x1;
	_ =	shalt  }
.Lfunc_end2:
_tile_overlayer_lowered:
.L_overlay_start_2:
0x3e: {  	(tag) =	ssettag $0x2  }
0x3f: {  	s0 =	rddreg [dreg:$0x0];
	s2 =	stileid.u32  }
0x40: {  	s1 =	rddreg [dreg:$0x1];
	p0 =	sne.s32 s2, $0x0  }
0x41: {  	s3 =	rddreg [dreg:$0x2];
	[bflag:$0x3] =	sbarrier.arrive $0xFFFF;
	s2 =	simm.s32 @!p0 $0x1C01  }
0x42: {  	[timem:s3], [sflag:s2] =	dma.local @!p0 [hbm:s0], s1  }
0x43: {  	s0 =	simm.s32 @!p0 $0x1  }
0x44: {  	_ =	swait.ge @!p0 [sflag:s0], s1  }
0x45: {  	s1 =	ssub.s32 @!p0 $0x0, s1;
	[sflag:s0] =	ssyncset.done @!p0 $0x0  }
0x46: {  	[sflag:s0] =	ssyncadd.s32 @!p0 s1  }
0x47: {  	[bflag:$0x3] =	sbarrier.arrive $0xFFFF  }
0x48: {  	_ =	shalt  }

// kernel: kernel.14.cloned.1.call-start
scs
__scs_entry_jumppad:
0x0: {  	(pc) =	sbr.rel $0x88, $3  }
0x1: {  	(tag) =	ssettag $0x0;
	lr =	simm.s32 $0x1  }
0x2: {  	[smem:$0x3F96] =	sst lr;
	_ =	strace $0xD0000000  }
0x3: {  	_ = 	snop  }
0x4: {  	_ = 	snop  }
0x5: {  	_ = 	snop  }
0x6: {  	_ = 	snop  }
0x7: {  	_ = 	snop  }
__scs_overlays_trampoline_lowered:
0x8: {  	[smem:$0x3FA5] =	sst s0  }
0x9: {  	[smem:$0x3FA6] =	sst s1  }
0xa: {  	[smem:$0x3FA7] =	sst s2  }
0xb: {  	[smem:$0x3FA8] =	sst s3  }
0xc: {  	[smem:$0x3FA9] =	sst s4  }
0xd: {  	[smem:$0x3FAA] =	sst s5  }
0xe: {  	[smem:$0x3FAB] =	sst s6  }
0xf: {  	[smem:$0x3FAC] =	sst s7  }
0x10: {  	[smem:$0x3FAD] =	sst s8  }
0x11: {  	[smem:$0x3FAE] =	sst s9;
	s0 =	simm.s32 @!p0 $0x0  }
0x12: {  	s1 =	sld [smem:$0x3F94];
	s0 =	simm.s32 @p0 $0x1  }
0x13: {  	[smem:$0x3FAF] =	sst s0;
	s0 =	simm.s32 @!p1 $0x0  }
0x14: {  	s2 =	sld [smem:$0x3F93];
	s0 =	simm.s32 @p1 $0x1  }
0x15: {  	[smem:$0x3FB0] =	sst s0;
	s0 =	simm.s32 @!p2 $0x0  }
0x16: {  	s3 =	sld [smem:$0x3FDB];
	s0 =	simm.s32 @p2 $0x1  }
0x17: {  	s4 =	simm.s32 $0x1BF5;
	[smem:$0x3FB2] =	sst s0  }
0x18: {  	s0 =	sld [smem:$0x3F95];
	_ =	swait.ge [sflag:s4], $0x0  }
0x19: {  	s7 =	sld [smem:$0x3F96]  }
0x1a: {  	s8 =	sadd.s32 $0xFFFFE003, lr  }
0x1b: {  	s9 =	sadd.s32 $0xFFFFFEF7, lr;
	s5 =	simm.s32 $0xFFFFFFFF;
	p2 =	slt.u32 s8, $0xFFFFF086  }
0x1c: {  	p1 =	slt.u32 s9, $0xF7A;
	s5 =	simm.s32 @!p2 $0x0  }
0x1d: {  	s5 =	simm.s32 @p1 $0x1;
	p0 =	seq.s32 s7, s2  }
0x1e: {  	s7 =	smul.u32 @!p0 $0xF7A, s2;
	p2 =	seq.s32 @!p0 s5, $0x0  }
0x1f: {  	s9 =	smul.u32 $0xF7A, s1;
	s8 =	simm.s32 @!p0 $0x1BF5;
	p2 =	por !p2, p0  }
0x20: {  	[sflag:s8] =	ssyncset.s32 @!p0 $0xFFFFF086;
	s6 =	sadd.s32 @!p0 s3, s7;
	s7 =	simm.s32 @!p0 $0x108  }
0x21: {  	s3 =	sadd.s32 s3, s9;
	s6 =	sadd.s32 @!p0 $0x88, s6;
	s7 =	simm.s32 @p2 $0x1082  }
0x22: {  	[simem:s7], [sflag:s8] =	dma.local @!p0 [hbm:s6], $0xF7A  }
0x23: {  	s9 =	sor.u32 $0xD0000000, s2;
	s6 =	simm.s32 $0x108;
	_ =	swait.ge @!p0 [sflag:s8], $0x0  }
0x24: {  	s3 =	sadd.s32 $0x88, s3;
	s6 =	simm.s32 @!p1 $0x1082;
	[sflag:s4] =	ssyncset.s32 $0xFFFFF086  }
0x25: {  	[simem:s6], [sflag:s4] =	dma.local [hbm:s3], $0xF7A  }
0x26: {  	[smem:$0x3F96] =	sst s1;
	(tag) =	ssettag s2;
	_ =	strace s9  }
0x27: {  	s1 =	sld [smem:$0x3FA6]  }
0x28: {  	s2 =	sld [smem:$0x3FA7]  }
0x29: {  	s4 =	sld [smem:$0x3FA9]  }
0x2a: {  	p0 =	seq.s32 s5, $0x0;
	s5 =	sld [smem:$0x3FAA]  }
0x2b: {  	s6 =	sld [smem:$0x3FAB]  }
0x2c: {  	s7 =	sld [smem:$0x3FAC]  }
0x2d: {  	s3 =	simm.s32 $0x108;
	s8 =	sld [smem:$0x3FAD]  }
0x2e: {  	s3 =	simm.s32 @!p0 $0x1082;
	s9 =	sld [smem:$0x3FAE]  }
0x2f: {  	lr =	sadd.s32 s0, s3;
	s0 =	sld [smem:$0x3FA5]  }
0x30: {  	s3 =	sld [smem:$0x3FA8]  }
0x31: {  	[smem:$0x3FB1] =	sst s10  }
0x32: {  	s10 =	sld [smem:$0x3FAF];
	_ =	sdelay $0x3  }
0x33: {  	p0 =	seq.s32 s10, $0x1;
	s10 =	sld [smem:$0x3FB1];
	_ =	sdelay $0x3  }
0x34: {  	[smem:$0x3FB1] =	sst s10  }
0x35: {  	s10 =	sld [smem:$0x3FB0];
	_ =	sdelay $0x3  }
0x36: {  	p1 =	seq.s32 s10, $0x1;
	s10 =	sld [smem:$0x3FB1];
	_ =	sdelay $0x3  }
0x37: {  	[smem:$0x3FB1] =	sst s10  }
0x38: {  	s10 =	sld [smem:$0x3FB2]  }
0x39: {  	_ = 	snop;
	(pc) =	sbr.ind lr, $3  }
0x3a: {  	_ = 	snop  }
0x3b: {  	_ = 	snop  }
0x3c: {  	p2 =	seq.s32 s10, $0x1;
	s10 =	sld [smem:$0x3FB1]  }
0x3d: {  	_ =	shalt  }
0x3e: {  	_ =	shalt  }
0x3f: {  	_ =	shalt  }
0x40: {  	_ =	shalt  }
0x41: {  	_ =	shalt  }
0x42: {  	_ =	shalt  }
0x43: {  	_ =	shalt  }
0x44: {  	_ =	shalt  }
0x45: {  	_ =	shalt  }
0x46: {  	_ =	shalt  }
0x47: {  	_ =	shalt  }
0x48: {  	_ =	shalt  }
0x49: {  	_ =	shalt  }
0x4a: {  	_ =	shalt  }
0x4b: {  	_ =	shalt  }
0x4c: {  	_ =	shalt  }
0x4d: {  	_ =	shalt  }
0x4e: {  	_ =	shalt  }
0x4f: {  	_ =	shalt  }
0x50: {  	_ =	shalt  }
0x51: {  	_ =	shalt  }
0x52: {  	_ =	shalt  }
0x53: {  	_ =	shalt  }
0x54: {  	_ =	shalt  }
0x55: {  	_ =	shalt  }
0x56: {  	_ =	shalt  }
0x57: {  	_ =	shalt  }
0x58: {  	_ =	shalt  }
0x59: {  	_ =	shalt  }
0x5a: {  	_ =	shalt  }
0x5b: {  	_ =	shalt  }
0x5c: {  	_ =	shalt  }
0x5d: {  	_ =	shalt  }
0x5e: {  	_ =	shalt  }
0x5f: {  	_ =	shalt  }
0x60: {  	_ =	shalt  }
0x61: {  	_ =	shalt  }
0x62: {  	_ =	shalt  }
0x63: {  	_ =	shalt  }
0x64: {  	_ =	shalt  }
0x65: {  	_ =	shalt  }
0x66: {  	_ =	shalt  }
0x67: {  	_ =	shalt  }
0x68: {  	_ =	shalt  }
0x69: {  	_ =	shalt  }
0x6a: {  	_ =	shalt  }
0x6b: {  	_ =	shalt  }
0x6c: {  	_ =	shalt  }
0x6d: {  	_ =	shalt  }
0x6e: {  	_ =	shalt  }
0x6f: {  	_ =	shalt  }
0x70: {  	_ =	shalt  }
0x71: {  	_ =	shalt  }
0x72: {  	_ =	shalt  }
0x73: {  	_ =	shalt  }
0x74: {  	_ =	shalt  }
0x75: {  	_ =	shalt  }
0x76: {  	_ =	shalt  }
0x77: {  	_ =	shalt  }
0x78: {  	_ =	shalt  }
0x79: {  	_ =	shalt  }
0x7a: {  	_ =	shalt  }
0x7b: {  	_ =	shalt  }
0x7c: {  	_ =	shalt  }
0x7d: {  	_ =	shalt  }
0x7e: {  	_ =	shalt  }
0x7f: {  	_ =	shalt  }
0x80: {  	_ =	shalt  }
0x81: {  	_ =	shalt  }
0x82: {  	_ =	shalt  }
0x83: {  	_ =	shalt  }
0x84: {  	_ =	shalt  }
0x85: {  	_ =	shalt  }
0x86: {  	_ =	shalt  }
0x87: {  	_ =	shalt  }
.Lfunc_end0:
.L_simem_size_0:
called_computation.1_lowered:
.L_overlay_start_0:
0x88: {  	s2 =	sld [smem:$0x3FD9]  }
0x89: {  	s3 =	sld [smem:$0x3FFE];
	_ =	sdelay $0x1  }
0x8a: {  	s1 =	srdreg.scid  }
0x8b: {  	s0 =	sand.u32 $0x1, s1  }
0x8c: {  	s16 =	sshll.u32 s0, $0xA;
	s2 =	sadd.s32 s3, s2  }
0x8d: {  	s2 =	sadd.s32 s2, s16  }
0x8e: {  	[smem:$0x3FBD] =	sst s2  }
0x8f: {  	_ = 	snop  }
0x90: {  	(tm) =	ssettm $0x1  }
0x91: {  	s17 =	sld [smem:$0x3FFB];
	_ =	sdelay $0x3  }
0x92: {  	_ =	strace s17  }
0x93: {  	s2 =	sld [smem:$0x3FFC];
	_ =	sdelay $0x3  }
0x94: {  	_ =	strace s2  }
0x95: {  	s2 =	sld [smem:$0x3FFD];
	_ =	sdelay $0x3  }
0x96: {  	_ =	strace s2  }
0x97: {  	_ =	strace $0x8FFFFFFF  }
0x98: {  	s18 =	sld [smem:$0x3FDB];
	_ =	sdelay $0x1  }
0x99: {  	s19 =	simm.s32 $_scs_section_size  }
0x9a: {  	s4 =	simm.s32 $_size__tile_overlayer_lowered;
	s5 =	simm.s32 $_tile_overlayer_lowered  }
0x9b: {  	s22 =	simm.s32 $0x1BFF;
	s21 =	sshll.u32 s5, $0x1;
	s2 =	sadd.s32 s19, s18  }
0x9c: {  	s6 =	simm.s32 $0x0;
	s20 =	sshll.u32 s4, $0x1;
	s4 =	sadd.s32 s21, s2  }
0x9d: {  	[timem:s6], [sflag:s22] =	dma.local [hbm:s4], s20  }
0x9e: {  	_ =	swait.ge [sflag:s22], s20  }
0x9f: {  	s3 =	ssub.s32 $0x0, s20;
	[sflag:s22] =	ssyncset.done $0x0  }
0xa0: {  	[sflag:s22] =	ssyncadd.s32 s3;
	_ =	sdelay $0x1  }
0xa1: {  	s23 =	simm.s32 $0x1B8B  }
0xa2: {  	_ =	swait.ge [sflag:s23], $0x1  }
0xa3: {  	[sflag:s23] =	ssyncset.done $0x0  }
0xa4: {  	s25 =	simm.s32 $0x1B8E;
	s24 =	sld [smem:$0x3FFE];
	[sflag:s23] =	ssyncadd.s32 $0xFFFFFFFF  }
0xa5: {  	s26 =	simm.s32 $execute0_lowered;
	[smem:$0x3FD2] =	sst s25  }
0xa6: {  	s4 =	sshll.u32 s26, $0x1;
	_ =	strace $0x80000049;
	[dreg:$0x1] =	wrdreg $0xFFFFFFFF  }
0xa7: {  	s28 =	simm.s32 $_size_execute0_lowered;
	s2 =	sadd.s32 s2, s4;
	[dreg:$0x0] =	wrdreg $0x0  }
0xa8: {  	s4 =	sshll.u32 s28, $0x1;
	[dreg:$0x2] =	wrdreg s2  }
0xa9: {  	[dreg:$0x3] =	wrdreg s4  }
0xaa: {  	[dreg:$0x4] =	wrdreg $0xC0  }
0xab: {  	_ =	task [dreg:s6], $0x5FFFF  }
0xac: {  	[dreg:$0x1] =	wrdreg $0xFFFFFFFF  }
0xad: {  	[dreg:$0x0] =	wrdreg $0x60  }
0xae: {  	[dreg:$0x2] =	wrdreg s24  }
0xaf: {  	[dreg:$0x3] =	wrdreg $0x12F000  }
0xb0: {  	[dreg:$0x4] =	wrdreg $0x9  }
0xb1: {  	_ =	task.clear_ibuf [dreg:s6], $0x5FFFF;
	_ =	strace $0x90000049  }
0xb2: {  	s29 =	simm.s32 $0x9;
	_ =	strace $0x8000004B  }
0xb3: {  	_ =	swait.ge [sflag:s29], $0x1  }
0xb4: {  	[sflag:s29] =	ssyncadd.s32 $0xFFFFFFFF  }
0xb5: {  	_ =	strace $0x9000004B  }
0xb6: {  	_ =	sfence  }
0xb7: {  	s30 =	sld [smem:$0x0];
	_ =	sdelay $0x2  }
0xb8: {  	s31 =	sshll.u32 s1, $0xD;
	s1 =	sshrl.u32 s1, $0x2  }
0xb9: {  	s3 =	sand.u32 $0x4000, s31;
	s1 =	sadd.s32 s1, s30  }
0xba: {  	s0 =	sor.u32 s3, s0;
	s1 =	sshll.u32 s1, $0x11  }
0xbb: {  	s0 =	sor.u32 s1, s0  }
0xbc: {  	s0 =	sadd.s32 $0x8F2B, s0  }
0xbd: {  	[sflag:s0] =	ssyncadd.remote.s32 $0x1  }
0xbe: {  	_ =	sfence.sel $0xFFFF  }
0xbf: {  	[dreg:$0x0] =	wrdreg $0xFFFFFFFF;
	(pc) =	sbr.abs _section_cstart, $3  }
0xc0: {  	[dreg:$0x1] =	wrdreg $0xFFFFFFFF  }
0xc1: {  	_ =	task.clear_ibuf [dreg:s6], $0x2FFFF;
	_ =	strace $0x9FFFFFFF  }
0xc2: {  	(tm) =	ssettm $0x7FFFFFFF  }
0xc3: {  	_ =	shalt  }
tec
execute0_lowered:
.L_overlay_start_1:
0x0: {  	(tag) =	ssettag $0x1  }
0x1: {  	s0 =	srdreg.scid;
	s3 =	rddreg [dreg:$0x0]  }
0x2: {  	s9 =	stileid.u32;
	s2 =	rddreg [dreg:$0x1]  }
0x3: {  	s5 =	simm.s32 $0x0;
	s29 =	simm.s32 $0xCF00;
	s31 =	simm.s32 $0xEF00  }
0x4: {  	s28 =	simm.s32 $0x8;
	s30 =	simm.s32 $0x4;
	s10 =	simm.s32 $0x0  }
0x5: {  	s0 =	sand.u32 $0x1, s0;
	s1 =	sshll.u32 s9, $0x1;
	s6 =	smul.u32 $0xA000, s9  }
0x6: {  	[smem:$0x7FF] =	sst s5;
	s7 =	smul.u32 $0x28000, s9;
	p0 =	slt.u32 s9, $0x2  }
0x7: {  	s5 =	simm.s32 $0x4F;
	s1 =	sor.u32 s0, s1;
	s17 =	smul.u32 $0xA0000, s0  }
0x8: {  	_ =	strace $0x8000004A;
	s0 =	ssub.s32 $0x2, s0;
	s5 =	simm.s32 @!p0 $0x4E  }
0x9: {  	p0 =	sgt.u32 s9, $0x1;
	s9 =	simm.s32 $0xB;
	s4 =	smul.u32 $0x4E, s1  }
0xa: {  	s1 =	smin.u32 s1, $0x4;
	s8 =	sshrl.u32 s0, $0x1;
	s7 =	sshrl.u32 s7, $0x2  }
0xb: {  	s11 =	sadd.s32 s6, s2;
	s0 =	ssub.s32 s0, s8;
	s7 =	sadd.s32 s7, s2  }
0xc: {  	s8 =	simm.s32 $0x6;
	[dreg:$0x3] =	wrdreg s11;
	s19 =	sadd.s32 $0x2000, s7  }
0xd: {  	s1 =	sadd.s32 s1, s4;
	s20 =	sadd.s32 $0x4000, s7;
	[dreg:$0x4] =	wrdreg s19  }
0xe: {  	s4 =	sadd.s32 s6, s17;
	s21 =	sadd.s32 $0x6000, s7;
	[dreg:$0x5] =	wrdreg s20  }
0xf: {  	s22 =	sadd.s32 $0x8000, s7;
	s0 =	smax.u32 s0, $0x1;
	[dreg:$0x6] =	wrdreg s21  }
0x10: {  	s7 =	simm.s32 $0xA;
	s1 =	sshll.u32 s1, $0x4;
	[dreg:$0x7] =	wrdreg s22  }
0x11: {  	s18 =	sshrl.u32 s4, $0x3;
	s4 =	sadd.s32 $0x17800, s3;
	[dreg:$0xd] =	wrdreg s0  }
0x12: {  	s20 =	simm.s32 $0x80;
	s21 =	simm.s32 $0x4F00;
	s1 =	sadd.s32 s1, s3  }
0x13: {  	s22 =	simm.s32 $0x6F00;
	s19 =	simm.s32 $0x2;
	s23 =	sadd.s32 $0x3E00, s1  }
0x14: {  	s0 =	simm.s32 $0x9;
	s24 =	sadd.s32 $0xDA40, s1;
	[dreg:$0x8] =	wrdreg s23  }
0x15: {  	s3 =	sadd.s32 s18, s3;
	s25 =	sadd.s32 $0x42E0, s1;
	[dreg:$0x9] =	wrdreg s24  }
0x16: {  	s18 =	simm.s32 $0xD;
	s1 =	sadd.s32 $0xDF20, s1;
	[dreg:$0xa] =	wrdreg s25  }
0x17: {  	s26 =	sadd.s32 $0x2B800, s3;
	s3 =	simm.s32 $0x5;
	[dreg:$0xb] =	wrdreg s1  }
0x18: {  	[dreg:$0xc] =	wrdreg s26;
	s24 =	simm.s32 $0x8F00;
	s26 =	simm.s32 $0xAF00  }
0x19: {  	v0 =	vimm.f32 $0.0e+00;
	s1 =	simm.s32 $0x1;
	s23 =	simm.s32 $0x7;
	s25 =	simm.s32 $0x3  }
.LBB2_1:
0x1a: {  	[dreg:$0xe] =	wrdreg s10;
	s13 =	simm.s32 $0x100;
	s12 =	simm.s32 $0x0  }
.LBB2_2:
0x1b: {  	p1 =	sne.s32 s13, $0x7F00;
	[tilespmem:s12+$0x10F30] =	vst v0;
	s10 =	smov.u32 s13;
	s13 =	sadd.s32 $0x100, s13  }
.Ltmp0:
0x1c: {  	[tilespmem:s12+$0x10F20] =	vst v0;
	(pc) =	sbr.rel @p1 .LBB2_2-.Ltmp0, $3  }
0x1d: {  	[tilespmem:s12+$0x10F00] =	vst v0  }
0x1e: {  	[tilespmem:s12+$0x10F10] =	vst v0;
	_ =	sdelay $0x1  }
0x1f: {  	s12 =	sshra.s32 s10, $0x2  }
0x20: {  	[tilespmem:s12+$0x10F30] =	vst v0  }
0x21: {  	[tilespmem:s12+$0x10F20] =	vst v0  }
0x22: {  	[tilespmem:s12+$0x10F00] =	vst v0  }
0x23: {  	[tilespmem:s12+$0x10F10] =	vst v0;
	s10 =	simm.s32 $0x10F00  }
0x24: {  	[spmem:s11] =	stream.linear.scatter [tilespmem:s10], [sflag:$0xD], $0x2000, $0x38;
	[tilespmem:$0x1CF00] =	vst v63  }
0x25: {  	_ =	swait.ge [sflag:s18], $0x2000  }
0x26: {  	[sflag:s18] =	ssyncset.done $0x0  }
0x27: {  	s6 =	rddreg [dreg:$0x4];
	[sflag:s18] =	ssyncadd.s32 $0xFFFFE000  }
0x28: {  	[spmem:s6] =	stream.linear.scatter [tilespmem:s10], [sflag:$0xD], $0x2000, $0x38;
	[tilespmem:$0x1CF00] =	vst v63  }
0x29: {  	_ =	swait.ge [sflag:s18], $0x2000  }
0x2a: {  	[sflag:s18] =	ssyncset.done $0x0  }
0x2b: {  	s16 =	rddreg [dreg:$0x5];
	[sflag:s18] =	ssyncadd.s32 $0xFFFFE000  }
0x2c: {  	[spmem:s16] =	stream.linear.scatter [tilespmem:s10], [sflag:$0xD], $0x2000, $0x38;
	[tilespmem:$0x1CF00] =	vst v63  }
0x2d: {  	_ =	swait.ge [sflag:s18], $0x2000  }
0x2e: {  	[sflag:s18] =	ssyncset.done $0x0  }
0x2f: {  	s17 =	rddreg [dreg:$0x6];
	[sflag:s18] =	ssyncadd.s32 $0xFFFFE000  }
0x30: {  	[spmem:s17] =	stream.linear.scatter [tilespmem:s10], [sflag:$0xD], $0x2000, $0x38;
	[tilespmem:$0x1CF00] =	vst v63  }
0x31: {  	_ =	swait.ge [sflag:s18], $0x2000  }
0x32: {  	[sflag:s18] =	ssyncset.done $0x0  }
0x33: {  	s11 =	rddreg [dreg:$0x7];
	[sflag:s18] =	ssyncadd.s32 $0xFFFFE000  }
0x34: {  	[spmem:s11] =	stream.linear.scatter [tilespmem:s10], [sflag:$0xD], $0x2000, $0x38;
	[tilespmem:$0x1CF00] =	vst v63  }
0x35: {  	_ =	swait.ge [sflag:s18], $0x2000  }
0x36: {  	[sflag:s18] =	ssyncset.done $0x0  }
0x37: {  	[sflag:s18] =	ssyncadd.s32 $0xFFFFE000  }
0x38: {  	[bflag:$0x0] =	sbarrier.arrive $0xFFFF  }
0x39: {  	s12 =	simm.s32 $0x0;
	s13 =	rddreg [dreg:$0x8]  }
0x3a: {  	[tilespmem:s12], [sflag:$0xD] =	stream.linear.gather [hbm4b:s13+s12], $0x2700, $0x38;
	[tilespmem:$0x1CF00] =	vst v63  }
0x3b: {  	_ =	swait.ge [sflag:s18], $0x2700  }
0x3c: {  	[sflag:s18] =	ssyncset.done $0x0  }
0x3d: {  	s15 =	simm.s32 $0x2780;
	s14 =	rddreg [dreg:$0x9];
	[sflag:s18] =	ssyncadd.s32 $0xFFFFD900  }
0x3e: {  	[tilespmem:s15], [sflag:$0xD] =	stream.linear.gather [hbm4b:s14+s12], $0x2700, $0x38;
	[tilespmem:$0x1CF00] =	vst v63  }
0x3f: {  	_ =	swait.ge [sflag:s18], $0x2700  }
0x40: {  	s10 =	simm.s32 @!p0 $0x0;
	[sflag:s18] =	ssyncset.done $0x0  }
0x41: {  	s12 =	simm.s32 @!p0 $0x2700;
	s6 =	rddreg [dreg:$0xa];
	[sflag:s18] =	ssyncadd.s32 $0xFFFFD900  }
0x42: {  	[tilespmem:s12], [sflag:$0xD] =	stream.linear.gather @!p0 [hbm4b:s6+s10], $0x80, $0x38;
	[tilespmem:$0x1CF00] =	vst v63  }
0x43: {  	s12 =	simm.s32 @!p0 $0xD  }
0x44: {  	_ =	swait.ge @!p0 [sflag:s12], $0x80  }
0x45: {  	[sflag:s12] =	ssyncset.done @!p0 $0x0  }
0x46: {  	s13 =	simm.s32 @!p0 $0x4E80;
	s6 =	rddreg [dreg:$0xb];
	[sflag:s12] =	ssyncadd.s32 @!p0 $0xFFFFFF80  }
0x47: {  	[tilespmem:s13], [sflag:$0xD] =	stream.linear.gather @!p0 [hbm4b:s6+s10], $0x80, $0x38;
	[tilespmem:$0x1CF00] =	vst v63  }
0x48: {  	_ =	swait.ge @!p0 [sflag:s12], $0x80  }
0x49: {  	[sflag:s12] =	ssyncset.done @!p0 $0x0  }
0x4a: {  	s16 =	simm.s32 $0x0;
	[sflag:s12] =	ssyncadd.s32 @!p0 $0xFFFFFF80  }
0x4b: {  	[tilespmem:s21], [sflag:$0x1] =	stream.indirect.gather [hbm4b:s4+s20], $0x40, s16, s20, $0xb8;
	[tilespmem:$0x1CF00] =	vst v63  }
0x4c: {  	_ = 	snop  }
0x4d: {  	[tilespmem:s22], [sflag:$0x2] =	stream.indirect.gather [hbm4b:s4+s20], $0x40, s20, s20, $0xb8;
	[tilespmem:$0x1CF00] =	vst v63  }
0x4e: {  	s17 =	simm.s32 $0x100  }
0x4f: {  	[tilespmem:s24], [sflag:$0x3] =	stream.indirect.gather [hbm4b:s4+s20], $0x40, s17, s20, $0xb8;
	[tilespmem:$0x1CF00] =	vst v63  }
0x50: {  	s10 =	simm.s32 $0x180  }
0x51: {  	[tilespmem:s26], [sflag:$0x4] =	stream.indirect.gather [hbm4b:s4+s20], $0x40, s10, s20, $0xb8;
	[tilespmem:$0x1CF00] =	vst v63  }
0x52: {  	s11 =	simm.s32 $0x200  }
0x53: {  	[tilespmem:s29], [sflag:$0x5] =	stream.indirect.gather [hbm4b:s4+s20], $0x40, s11, s20, $0xb8;
	[tilespmem:$0x1CF00] =	vst v63  }
0x54: {  	s12 =	simm.s32 $0x280  }
0x55: {  	[tilespmem:s31], [sflag:$0x6] =	stream.indirect.gather [hbm4b:s4+s20], $0x40, s12, s20, $0xb8;
	[tilespmem:$0x1CF00] =	vst v63  }
0x56: {  	_ =	swait.ge [sflag:s1], $0x2000  }
0x57: {  	p1 =	por $0x1, $0x1;
	[sflag:s1] =	ssyncset.done $0x0  }
0x58: {  	s13 =	simm.s32 $0x2780;
	s12 =	simm.s32 @!p1 $0xC;
	[sflag:s1] =	ssyncadd.s32 $0xFFFFE000  }
0x59: {  	[spmem:s2] =	stream.indirect.scatter.add.f32 [tilespmem:s21], [sflag:$0x7], $0x40, s13, s20, $0xb8;
	[tilespmem:$0x1CF00] =	vst v63  }
0x5a: {  	_ =	swait.ge @!p1 [sflag:s12], $0x2000  }
0x5b: {  	s10 =	simm.s32 @!p1 $0x280;
	[sflag:s12] =	ssyncset.done @!p1 $0x0  }
0x5c: {  	s13 =	simm.s32 @!p1 $0x80;
	[sflag:s12] =	ssyncadd.s32 @!p1 $0xFFFFE000;
	s12 =	simm.s32 @!p1 $0xEF00  }
0x5d: {  	[tilespmem:s12], [sflag:$0x6] =	stream.indirect.gather @!p1 [hbm4b:s4+s13], $0x40, s10, s13, $0xb8;
	[tilespmem:$0x1CF00] =	vst v63  }
0x5e: {  	_ =	swait.ge [sflag:s19], $0x2000  }
0x5f: {  	[sflag:s19] =	ssyncset.done $0x0  }
0x60: {  	s14 =	simm.s32 $0x2800;
	[sflag:s19] =	ssyncadd.s32 $0xFFFFE000  }
0x61: {  	[spmem:s2] =	stream.indirect.scatter.add.f32 [tilespmem:s22], [sflag:$0x8], $0x40, s14, s20, $0xb8;
	[tilespmem:$0x1CF00] =	vst v63  }
0x62: {  	p2 =	sle.u32 s5, $0x6;
	_ =	swait.ge [sflag:s23], $0x2000  }
0x63: {  	s10 =	simm.s32 @!p2 $0x4F00;
	[sflag:s23] =	ssyncset.done $0x0  }
0x64: {  	s12 =	simm.s32 @!p2 $0x300;
	s13 =	simm.s32 @!p2 $0x80;
	[sflag:s23] =	ssyncadd.s32 $0xFFFFE000  }
0x65: {  	[tilespmem:s10], [sflag:$0x1] =	stream.indirect.gather @!p2 [hbm4b:s4+s13], $0x40, s12, s13, $0xb8;
	[tilespmem:$0x1CF00] =	vst v63  }
0x66: {  	_ =	swait.ge [sflag:s25], $0x2000  }
0x67: {  	[sflag:s25] =	ssyncset.done $0x0  }
0x68: {  	s15 =	simm.s32 $0x2880;
	[sflag:s25] =	ssyncadd.s32 $0xFFFFE000  }
0x69: {  	[spmem:s2] =	stream.indirect.scatter.add.f32 [tilespmem:s24], [sflag:$0x9], $0x40, s15, s20, $0xb8;
	[tilespmem:$0x1CF00] =	vst v63  }
0x6a: {  	p2 =	sle.u32 s5, $0x7;
	_ =	swait.ge [sflag:s28], $0x2000  }
0x6b: {  	s10 =	simm.s32 @!p2 $0x6F00;
	[sflag:s28] =	ssyncset.done $0x0  }
0x6c: {  	s12 =	simm.s32 @!p2 $0x380;
	s13 =	simm.s32 @!p2 $0x80;
	[sflag:s28] =	ssyncadd.s32 $0xFFFFE000  }
0x6d: {  	[tilespmem:s10], [sflag:$0x2] =	stream.indirect.gather @!p2 [hbm4b:s4+s13], $0x40, s12, s13, $0xb8;
	[tilespmem:$0x1CF00] =	vst v63  }
0x6e: {  	_ =	swait.ge [sflag:s30], $0x2000  }
0x6f: {  	[sflag:s30] =	ssyncset.done $0x0  }
0x70: {  	s16 =	simm.s32 $0x2900;
	[sflag:s30] =	ssyncadd.s32 $0xFFFFE000  }
0x71: {  	[spmem:s2] =	stream.indirect.scatter.add.f32 [tilespmem:s26], [sflag:$0xA], $0x40, s16, s20, $0xb8;
	[tilespmem:$0x1CF00] =	vst v63  }
0x72: {  	p2 =	sle.u32 s5, $0x8;
	_ =	swait.ge [sflag:s0], $0x2000  }
0x73: {  	s10 =	simm.s32 @!p2 $0x8F00;
	[sflag:s0] =	ssyncset.done $0x0  }
0x74: {  	s12 =	simm.s32 @!p2 $0x400;
	s13 =	simm.s32 @!p2 $0x80;
	[sflag:s0] =	ssyncadd.s32 $0xFFFFE000  }
0x75: {  	[tilespmem:s10], [sflag:$0x3] =	stream.indirect.gather @!p2 [hbm4b:s4+s13], $0x40, s12, s13, $0xb8;
	[tilespmem:$0x1CF00] =	vst v63  }
0x76: {  	_ =	swait.ge [sflag:s3], $0x2000  }
0x77: {  	[sflag:s3] =	ssyncset.done $0x0  }
0x78: {  	s17 =	simm.s32 $0x2980;
	[sflag:s3] =	ssyncadd.s32 $0xFFFFE000  }
0x79: {  	[spmem:s2] =	stream.indirect.scatter.add.f32 [tilespmem:s29], [sflag:$0xB], $0x40, s17, s20, $0xb8;
	[tilespmem:$0x1CF00] =	vst v63  }
0x7a: {  	p2 =	sle.u32 s5, $0x9;
	_ =	swait.ge [sflag:s7], $0x2000  }
0x7b: {  	s10 =	simm.s32 @!p2 $0xAF00;
	[sflag:s7] =	ssyncset.done $0x0  }
0x7c: {  	s12 =	simm.s32 @!p2 $0x480;
	s13 =	simm.s32 @!p2 $0x80;
	[sflag:s7] =	ssyncadd.s32 $0xFFFFE000  }
0x7d: {  	[tilespmem:s10], [sflag:$0x4] =	stream.indirect.gather @!p2 [hbm4b:s4+s13], $0x40, s12, s13, $0xb8;
	[tilespmem:$0x1CF00] =	vst v63  }
0x7e: {  	s10 =	simm.s32 @!p1 $0xA00  }
0x7f: {  	s10 =	simm.s32 @p1 $0xA00;
	_ =	swait.ge [sflag:s8], $0x2000  }
0x80: {  	s12 =	simm.s32 $0xA;
	s10 =	sshra.s32 s10, $0x2;
	[sflag:s8] =	ssyncset.done $0x0  }
0x81: {  	p2 =	sle.u32 s5, $0xA;
	s10 =	sadd.s32 $0x2780, s10;
	[sflag:s8] =	ssyncadd.s32 $0xFFFFE000  }
0x82: {  	[spmem:s2] =	stream.indirect.scatter.add.f32 [tilespmem:s31], [sflag:$0xC], $0x40, s10, s20, $0xb8;
	[tilespmem:$0x1CF00] =	vst v63  }
0x83: {  	s13 =	simm.s32 $0xC00;
	s15 =	simm.s32 @!p2 $0xCF00;
	_ =	swait.ge [sflag:s9], $0x2000  }
0x84: {  	s16 =	simm.s32 @!p2 $0x500;
	s10 =	simm.s32 @!p2 $0x80;
	[sflag:s9] =	ssyncset.done $0x0  }
.LBB2_4:
0x85: {  	[sflag:s9] =	ssyncadd.s32 $0xFFFFE000  }
0x86: {  	s12 =	sadd.s32 $0x6, s12;
	s14 =	smov.u32 s13;
	s13 =	sadd.s32 $0xC00, s13  }
0x87: {  	[tilespmem:s15], [sflag:$0x5] =	stream.indirect.gather @!p2 [hbm4b:s4+s10], $0x40, s16, s10, $0xb8;
	[tilespmem:$0x1CF00] =	vst v63  }
0x88: {  	s15 =	sshra.s32 s14, $0x2;
	p1 =	sne.s32 s13, $0x9C00;
	_ =	swait.ge [sflag:s1], $0x2000  }
0x89: {  	p2 =	seq.s32 s14, $0x0;
	s10 =	sadd.s32 $0x2780, s15;
	[sflag:s1] =	ssyncset.done $0x0  }
0x8a: {  	s16 =	simm.s32 @!p2 $0xC;
	s6 =	sshra.s32 @!p2 s14, $0x2;
	[sflag:s1] =	ssyncadd.s32 $0xFFFFE000  }
0x8b: {  	[spmem:s2] =	stream.indirect.scatter.add.f32 [tilespmem:s21], [sflag:$0x7], $0x40, s10, s20, $0xb8;
	[tilespmem:$0x1CF00] =	vst v63  }
0x8c: {  	s6 =	sadd.s32 @!p2 $0x280, s6;
	s10 =	sadd.s32 @!p2 $0xA00, s14;
	_ =	swait.ge @!p2 [sflag:s16], $0x2000  }
0x8d: {  	s17 =	simm.s32 @!p2 $0x80;
	s10 =	simm.s32 @p2 $0xA00;
	[sflag:s16] =	ssyncset.done @!p2 $0x0  }
0x8e: {  	s11 =	simm.s32 @!p2 $0xEF00;
	[sflag:s16] =	ssyncadd.s32 @!p2 $0xFFFFE000;
	s16 =	sshra.s32 s10, $0x2  }
0x8f: {  	[tilespmem:s11], [sflag:$0x6] =	stream.indirect.gather @!p2 [hbm4b:s4+s17], $0x40, s6, s17, $0xb8;
	[tilespmem:$0x1CF00] =	vst v63  }
0x90: {  	_ =	swait.ge [sflag:s19], $0x2000  }
0x91: {  	s6 =	sadd.s32 $0x2800, s15;
	[sflag:s19] =	ssyncset.done $0x0  }
0x92: {  	s10 =	sadd.s32 $0xFFFFFFFC, s12;
	[sflag:s19] =	ssyncadd.s32 $0xFFFFE000  }
0x93: {  	[spmem:s2] =	stream.indirect.scatter.add.f32 [tilespmem:s22], [sflag:$0x8], $0x40, s6, s20, $0xb8;
	[tilespmem:$0x1CF00] =	vst v63  }
0x94: {  	p2 =	sge.u32 s10, s5;
	_ =	swait.ge [sflag:s23], $0x2000  }
0x95: {  	s10 =	simm.s32 @!p2 $0x4F00;
	s6 =	sshra.s32 @!p2 s14, $0x2;
	[sflag:s23] =	ssyncset.done $0x0  }
0x96: {  	s11 =	simm.s32 @!p2 $0x80;
	s6 =	sadd.s32 @!p2 $0x300, s6;
	[sflag:s23] =	ssyncadd.s32 $0xFFFFE000  }
0x97: {  	[tilespmem:s10], [sflag:$0x1] =	stream.indirect.gather @!p2 [hbm4b:s4+s11], $0x40, s6, s11, $0xb8;
	[tilespmem:$0x1CF00] =	vst v63  }
0x98: {  	_ =	swait.ge [sflag:s25], $0x2000  }
0x99: {  	s6 =	sadd.s32 $0x2880, s15;
	[sflag:s25] =	ssyncset.done $0x0  }
0x9a: {  	s10 =	sadd.s32 $0xFFFFFFFD, s12;
	[sflag:s25] =	ssyncadd.s32 $0xFFFFE000  }
0x9b: {  	[spmem:s2] =	stream.indirect.scatter.add.f32 [tilespmem:s24], [sflag:$0x9], $0x40, s6, s20, $0xb8;
	[tilespmem:$0x1CF00] =	vst v63  }
0x9c: {  	p2 =	sge.u32 s10, s5;
	_ =	swait.ge [sflag:s28], $0x2000  }
0x9d: {  	s10 =	simm.s32 @!p2 $0x6F00;
	s6 =	sshra.s32 @!p2 s14, $0x2;
	[sflag:s28] =	ssyncset.done $0x0  }
0x9e: {  	s11 =	simm.s32 @!p2 $0x80;
	s6 =	sadd.s32 @!p2 $0x380, s6;
	[sflag:s28] =	ssyncadd.s32 $0xFFFFE000  }
0x9f: {  	[tilespmem:s10], [sflag:$0x2] =	stream.indirect.gather @!p2 [hbm4b:s4+s11], $0x40, s6, s11, $0xb8;
	[tilespmem:$0x1CF00] =	vst v63  }
0xa0: {  	_ =	swait.ge [sflag:s30], $0x2000  }
0xa1: {  	s6 =	sadd.s32 $0x2900, s15;
	[sflag:s30] =	ssyncset.done $0x0  }
0xa2: {  	s10 =	sadd.s32 $0xFFFFFFFE, s12;
	[sflag:s30] =	ssyncadd.s32 $0xFFFFE000  }
0xa3: {  	[spmem:s2] =	stream.indirect.scatter.add.f32 [tilespmem:s26], [sflag:$0xA], $0x40, s6, s20, $0xb8;
	[tilespmem:$0x1CF00] =	vst v63  }
0xa4: {  	p2 =	sge.u32 s10, s5;
	_ =	swait.ge [sflag:s0], $0x2000  }
0xa5: {  	s10 =	simm.s32 @!p2 $0x8F00;
	s6 =	sshra.s32 @!p2 s14, $0x2;
	[sflag:s0] =	ssyncset.done $0x0  }
0xa6: {  	s11 =	simm.s32 @!p2 $0x80;
	s6 =	sadd.s32 @!p2 $0x400, s6;
	[sflag:s0] =	ssyncadd.s32 $0xFFFFE000  }
0xa7: {  	[tilespmem:s10], [sflag:$0x3] =	stream.indirect.gather @!p2 [hbm4b:s4+s11], $0x40, s6, s11, $0xb8;
	[tilespmem:$0x1CF00] =	vst v63  }
0xa8: {  	_ =	swait.ge [sflag:s3], $0x2000  }
0xa9: {  	s6 =	sadd.s32 $0x2980, s15;
	[sflag:s3] =	ssyncset.done $0x0  }
0xaa: {  	s10 =	sadd.s32 $0xFFFFFFFF, s12;
	[sflag:s3] =	ssyncadd.s32 $0xFFFFE000  }
0xab: {  	[spmem:s2] =	stream.indirect.scatter.add.f32 [tilespmem:s29], [sflag:$0xB], $0x40, s6, s20, $0xb8;
	[tilespmem:$0x1CF00] =	vst v63  }
0xac: {  	p2 =	sge.u32 s10, s5;
	_ =	swait.ge [sflag:s7], $0x2000  }
0xad: {  	s10 =	simm.s32 @!p2 $0xAF00;
	s6 =	sshra.s32 @!p2 s14, $0x2;
	[sflag:s7] =	ssyncset.done $0x0  }
0xae: {  	s11 =	simm.s32 @!p2 $0x80;
	s6 =	sadd.s32 @!p2 $0x480, s6;
	[sflag:s7] =	ssyncadd.s32 $0xFFFFE000  }
0xaf: {  	[tilespmem:s10], [sflag:$0x4] =	stream.indirect.gather @!p2 [hbm4b:s4+s11], $0x40, s6, s11, $0xb8;
	[tilespmem:$0x1CF00] =	vst v63  }
0xb0: {  	_ =	swait.ge [sflag:s8], $0x2000  }
.Ltmp1:
0xb1: {  	s6 =	sadd.s32 $0x2780, s16;
	[sflag:s8] =	ssyncset.done $0x0;
	(pc) =	sbr.rel @p1 .LBB2_4-.Ltmp1, $4  }
0xb2: {  	p2 =	sge.u32 s12, s5;
	[sflag:s8] =	ssyncadd.s32 $0xFFFFE000  }
0xb3: {  	[spmem:s2] =	stream.indirect.scatter.add.f32 [tilespmem:s31], [sflag:$0xC], $0x40, s6, s20, $0xb8;
	[tilespmem:$0x1CF00] =	vst v63  }
0xb4: {  	s15 =	simm.s32 @!p2 $0xCF00;
	s6 =	sshra.s32 @!p2 s14, $0x2;
	_ =	swait.ge [sflag:s9], $0x2000  }
0xb5: {  	s10 =	simm.s32 @!p2 $0x80;
	s16 =	sadd.s32 @!p2 $0x500, s6;
	[sflag:s9] =	ssyncset.done $0x0  }
0xb6: {  	[sflag:s9] =	ssyncadd.s32 $0xFFFFE000;
	s6 =	simm.s32 @!p0 $0x1  }
0xb7: {  	[tilespmem:s15], [sflag:$0x5] =	stream.indirect.gather @!p2 [hbm4b:s4+s10], $0x40, s16, s10, $0xb8;
	[tilespmem:$0x1CF00] =	vst v63  }
0xb8: {  	_ =	swait.ge @!p0 [sflag:s6], $0x2000  }
0xb9: {  	s11 =	simm.s32 @!p0 $0x4F00;
	[sflag:s6] =	ssyncset.done @!p0 $0x0  }
0xba: {  	s10 =	simm.s32 @!p0 $0x4E80;
	[sflag:s6] =	ssyncadd.s32 @!p0 $0xFFFFE000;
	s6 =	simm.s32 @!p0 $0x80  }
0xbb: {  	[spmem:s2] =	stream.indirect.scatter.add.f32 @!p0 [tilespmem:s11], [sflag:$0x7], $0x40, s10, s6, $0xb8;
	[tilespmem:$0x1CF00] =	vst v63  }
0xbc: {  	s6 =	simm.s32 @!p0 $0x7  }
0xbd: {  	_ =	swait.ge @!p0 [sflag:s6], $0x2000  }
0xbe: {  	[sflag:s6] =	ssyncset.done @!p0 $0x0  }
0xbf: {  	s13 =	simm.s32 $0xC;
	[sflag:s6] =	ssyncadd.s32 @!p0 $0xFFFFE000  }
0xc0: {  	_ =	swait.ge [sflag:s13], $0x2000  }
0xc1: {  	[sflag:s13] =	ssyncset.done $0x0  }
0xc2: {  	[sflag:s13] =	ssyncadd.s32 $0xFFFFE000  }
0xc3: {  	s14 =	stileid.u32;
	[bflag:$0x0] =	sbarrier.arrive $0xFFFF  }
0xc4: {  	s6 =	sshll.u32 s14, $0x6;
	s11 =	rddreg [dreg:$0x3]  }
0xc5: {  	s6 =	sor.u32 $0x1C0D, s6;
	s12 =	rddreg [dreg:$0xc];
	s15 =	sshrl.u32 s11, $0x3  }
0xc6: {  	[hbm:s12], [sflag:s6] =	dma.local [spmem:s15], $0x1400  }
0xc7: {  	_ =	swait.ge [sflag:s18], $0x1400  }
0xc8: {  	s16 =	rddreg [dreg:$0xe]  }
0xc9: {  	s17 =	rddreg [dreg:$0xd];
	s10 =	sadd.s32 $0x1, s16  }
0xca: {  	p1 =	sne.s32 s10, s17  }
.Ltmp2:
0xcb: {  	_ = 	snop;
	(pc) =	sbr.rel @p1 .LBB2_1-.Ltmp2, $3  }
0xcc: {  	_ =	sdelay $0x1  }
0xcd: {  	[sflag:s18] =	ssyncset.done $0x0  }
0xce: {  	[sflag:s18] =	ssyncadd.s32 $0xFFFFEC00  }
0xcf: {  	_ =	sfence.sel $0x180000  }
0xd0: {  	[bflag:$0x0] =	sbarrier.arrive $0xFFFF  }
0xd1: {  	_ =	strace $0x9000004A  }
0xd2: {  	s0 =	stileid.u32;
	[bflag:$0x2] =	sbarrier.arrive $0xFFFF  }
0xd3: {  	p0 =	sne.s32 s0, $0x0;
	s0 =	rddreg [dreg:$0x2]  }
0xd4: {  	s0 =	sadd.s32 @!p0 $0x100000, s0  }
0xd5: {  	[sflag:s0] =	ssyncadd.tile.s32 @!p0 $0x1;
	_ =	shalt  }
.Lfunc_end2:
_tile_overlayer_lowered:
.L_overlay_start_2:
0xd6: {  	(tag) =	ssettag $0x2  }
0xd7: {  	s0 =	rddreg [dreg:$0x0];
	s2 =	stileid.u32  }
0xd8: {  	s1 =	rddreg [dreg:$0x1];
	p0 =	sne.s32 s2, $0x0  }
0xd9: {  	s3 =	rddreg [dreg:$0x2];
	[bflag:$0x3] =	sbarrier.arrive $0xFFFF;
	s2 =	simm.s32 @!p0 $0x1C0D  }
0xda: {  	[timem:s3], [sflag:s2] =	dma.local @!p0 [hbm:s0], s1  }
0xdb: {  	s0 =	simm.s32 @!p0 $0xD  }
0xdc: {  	_ =	swait.ge @!p0 [sflag:s0], s1  }
0xdd: {  	s1 =	ssub.s32 @!p0 $0x0, s1;
	[sflag:s0] =	ssyncset.done @!p0 $0x0  }
0xde: {  	[sflag:s0] =	ssyncadd.s32 @!p0 s1  }
0xdf: {  	[bflag:$0x3] =	sbarrier.arrive $0xFFFF  }
0xe0: {  	_ =	shalt  }

// kernel: kernel.17.cloned.1.call-start
scs
__scs_entry_jumppad:
0x0: {  	(pc) =	sbr.rel $0x88, $3  }
0x1: {  	(tag) =	ssettag $0x0;
	lr =	simm.s32 $0x1  }
0x2: {  	[smem:$0x3F96] =	sst lr;
	_ =	strace $0xD0000000  }
0x3: {  	_ = 	snop  }
0x4: {  	_ = 	snop  }
0x5: {  	_ = 	snop  }
0x6: {  	_ = 	snop  }
0x7: {  	_ = 	snop  }
__scs_overlays_trampoline_lowered:
0x8: {  	[smem:$0x3FA5] =	sst s0  }
0x9: {  	[smem:$0x3FA6] =	sst s1  }
0xa: {  	[smem:$0x3FA7] =	sst s2  }
0xb: {  	[smem:$0x3FA8] =	sst s3  }
0xc: {  	[smem:$0x3FA9] =	sst s4  }
0xd: {  	[smem:$0x3FAA] =	sst s5  }
0xe: {  	[smem:$0x3FAB] =	sst s6  }
0xf: {  	[smem:$0x3FAC] =	sst s7  }
0x10: {  	[smem:$0x3FAD] =	sst s8  }
0x11: {  	[smem:$0x3FAE] =	sst s9;
	s0 =	simm.s32 @!p0 $0x0  }
0x12: {  	s1 =	sld [smem:$0x3F94];
	s0 =	simm.s32 @p0 $0x1  }
0x13: {  	[smem:$0x3FAF] =	sst s0;
	s0 =	simm.s32 @!p1 $0x0  }
0x14: {  	s2 =	sld [smem:$0x3F93];
	s0 =	simm.s32 @p1 $0x1  }
0x15: {  	[smem:$0x3FB0] =	sst s0;
	s0 =	simm.s32 @!p2 $0x0  }
0x16: {  	s3 =	sld [smem:$0x3FDB];
	s0 =	simm.s32 @p2 $0x1  }
0x17: {  	s4 =	simm.s32 $0x1BF5;
	[smem:$0x3FB2] =	sst s0  }
0x18: {  	s0 =	sld [smem:$0x3F95];
	_ =	swait.ge [sflag:s4], $0x0  }
0x19: {  	s7 =	sld [smem:$0x3F96]  }
0x1a: {  	s8 =	sadd.s32 $0xFFFFE003, lr  }
0x1b: {  	s9 =	sadd.s32 $0xFFFFFEF7, lr;
	s5 =	simm.s32 $0xFFFFFFFF;
	p2 =	slt.u32 s8, $0xFFFFF086  }
0x1c: {  	p1 =	slt.u32 s9, $0xF7A;
	s5 =	simm.s32 @!p2 $0x0  }
0x1d: {  	s5 =	simm.s32 @p1 $0x1;
	p0 =	seq.s32 s7, s2  }
0x1e: {  	s7 =	smul.u32 @!p0 $0xF7A, s2;
	p2 =	seq.s32 @!p0 s5, $0x0  }
0x1f: {  	s9 =	smul.u32 $0xF7A, s1;
	s8 =	simm.s32 @!p0 $0x1BF5;
	p2 =	por !p2, p0  }
0x20: {  	[sflag:s8] =	ssyncset.s32 @!p0 $0xFFFFF086;
	s6 =	sadd.s32 @!p0 s3, s7;
	s7 =	simm.s32 @!p0 $0x108  }
0x21: {  	s3 =	sadd.s32 s3, s9;
	s6 =	sadd.s32 @!p0 $0x88, s6;
	s7 =	simm.s32 @p2 $0x1082  }
0x22: {  	[simem:s7], [sflag:s8] =	dma.local @!p0 [hbm:s6], $0xF7A  }
0x23: {  	s9 =	sor.u32 $0xD0000000, s2;
	s6 =	simm.s32 $0x108;
	_ =	swait.ge @!p0 [sflag:s8], $0x0  }
0x24: {  	s3 =	sadd.s32 $0x88, s3;
	s6 =	simm.s32 @!p1 $0x1082;
	[sflag:s4] =	ssyncset.s32 $0xFFFFF086  }
0x25: {  	[simem:s6], [sflag:s4] =	dma.local [hbm:s3], $0xF7A  }
0x26: {  	[smem:$0x3F96] =	sst s1;
	(tag) =	ssettag s2;
	_ =	strace s9  }
0x27: {  	s1 =	sld [smem:$0x3FA6]  }
0x28: {  	s2 =	sld [smem:$0x3FA7]  }
0x29: {  	s4 =	sld [smem:$0x3FA9]  }
0x2a: {  	p0 =	seq.s32 s5, $0x0;
	s5 =	sld [smem:$0x3FAA]  }
0x2b: {  	s6 =	sld [smem:$0x3FAB]  }
0x2c: {  	s7 =	sld [smem:$0x3FAC]  }
0x2d: {  	s3 =	simm.s32 $0x108;
	s8 =	sld [smem:$0x3FAD]  }
0x2e: {  	s3 =	simm.s32 @!p0 $0x1082;
	s9 =	sld [smem:$0x3FAE]  }
0x2f: {  	lr =	sadd.s32 s0, s3;
	s0 =	sld [smem:$0x3FA5]  }
0x30: {  	s3 =	sld [smem:$0x3FA8]  }
0x31: {  	[smem:$0x3FB1] =	sst s10  }
0x32: {  	s10 =	sld [smem:$0x3FAF];
	_ =	sdelay $0x3  }
0x33: {  	p0 =	seq.s32 s10, $0x1;
	s10 =	sld [smem:$0x3FB1];
	_ =	sdelay $0x3  }
0x34: {  	[smem:$0x3FB1] =	sst s10  }
0x35: {  	s10 =	sld [smem:$0x3FB0];
	_ =	sdelay $0x3  }
0x36: {  	p1 =	seq.s32 s10, $0x1;
	s10 =	sld [smem:$0x3FB1];
	_ =	sdelay $0x3  }
0x37: {  	[smem:$0x3FB1] =	sst s10  }
0x38: {  	s10 =	sld [smem:$0x3FB2]  }
0x39: {  	_ = 	snop;
	(pc) =	sbr.ind lr, $3  }
0x3a: {  	_ = 	snop  }
0x3b: {  	_ = 	snop  }
0x3c: {  	p2 =	seq.s32 s10, $0x1;
	s10 =	sld [smem:$0x3FB1]  }
0x3d: {  	_ =	shalt  }
0x3e: {  	_ =	shalt  }
0x3f: {  	_ =	shalt  }
0x40: {  	_ =	shalt  }
0x41: {  	_ =	shalt  }
0x42: {  	_ =	shalt  }
0x43: {  	_ =	shalt  }
0x44: {  	_ =	shalt  }
0x45: {  	_ =	shalt  }
0x46: {  	_ =	shalt  }
0x47: {  	_ =	shalt  }
0x48: {  	_ =	shalt  }
0x49: {  	_ =	shalt  }
0x4a: {  	_ =	shalt  }
0x4b: {  	_ =	shalt  }
0x4c: {  	_ =	shalt  }
0x4d: {  	_ =	shalt  }
0x4e: {  	_ =	shalt  }
0x4f: {  	_ =	shalt  }
0x50: {  	_ =	shalt  }
0x51: {  	_ =	shalt  }
0x52: {  	_ =	shalt  }
0x53: {  	_ =	shalt  }
0x54: {  	_ =	shalt  }
0x55: {  	_ =	shalt  }
0x56: {  	_ =	shalt  }
0x57: {  	_ =	shalt  }
0x58: {  	_ =	shalt  }
0x59: {  	_ =	shalt  }
0x5a: {  	_ =	shalt  }
0x5b: {  	_ =	shalt  }
0x5c: {  	_ =	shalt  }
0x5d: {  	_ =	shalt  }
0x5e: {  	_ =	shalt  }
0x5f: {  	_ =	shalt  }
0x60: {  	_ =	shalt  }
0x61: {  	_ =	shalt  }
0x62: {  	_ =	shalt  }
0x63: {  	_ =	shalt  }
0x64: {  	_ =	shalt  }
0x65: {  	_ =	shalt  }
0x66: {  	_ =	shalt  }
0x67: {  	_ =	shalt  }
0x68: {  	_ =	shalt  }
0x69: {  	_ =	shalt  }
0x6a: {  	_ =	shalt  }
0x6b: {  	_ =	shalt  }
0x6c: {  	_ =	shalt  }
0x6d: {  	_ =	shalt  }
0x6e: {  	_ =	shalt  }
0x6f: {  	_ =	shalt  }
0x70: {  	_ =	shalt  }
0x71: {  	_ =	shalt  }
0x72: {  	_ =	shalt  }
0x73: {  	_ =	shalt  }
0x74: {  	_ =	shalt  }
0x75: {  	_ =	shalt  }
0x76: {  	_ =	shalt  }
0x77: {  	_ =	shalt  }
0x78: {  	_ =	shalt  }
0x79: {  	_ =	shalt  }
0x7a: {  	_ =	shalt  }
0x7b: {  	_ =	shalt  }
0x7c: {  	_ =	shalt  }
0x7d: {  	_ =	shalt  }
0x7e: {  	_ =	shalt  }
0x7f: {  	_ =	shalt  }
0x80: {  	_ =	shalt  }
0x81: {  	_ =	shalt  }
0x82: {  	_ =	shalt  }
0x83: {  	_ =	shalt  }
0x84: {  	_ =	shalt  }
0x85: {  	_ =	shalt  }
0x86: {  	_ =	shalt  }
0x87: {  	_ =	shalt  }
.Lfunc_end0:
.L_simem_size_0:
called_computation.2_lowered:
.L_overlay_start_0:
0x88: {  	s2 =	sld [smem:$0x3FD9]  }
0x89: {  	s3 =	sld [smem:$0x3FFE];
	_ =	sdelay $0x1  }
0x8a: {  	s1 =	srdreg.scid  }
0x8b: {  	s0 =	sand.u32 $0x1, s1  }
0x8c: {  	s16 =	sshll.u32 s0, $0xA;
	s2 =	sadd.s32 s3, s2  }
0x8d: {  	s2 =	sadd.s32 s2, s16  }
0x8e: {  	[smem:$0x3FBD] =	sst s2  }
0x8f: {  	_ = 	snop  }
0x90: {  	(tm) =	ssettm $0x1  }
0x91: {  	s17 =	sld [smem:$0x3FFB];
	_ =	sdelay $0x3  }
0x92: {  	_ =	strace s17  }
0x93: {  	s2 =	sld [smem:$0x3FFC];
	_ =	sdelay $0x3  }
0x94: {  	_ =	strace s2  }
0x95: {  	s2 =	sld [smem:$0x3FFD];
	_ =	sdelay $0x3  }
0x96: {  	_ =	strace s2  }
0x97: {  	_ =	strace $0x8FFFFFFF  }
0x98: {  	s18 =	sld [smem:$0x3FDB];
	_ =	sdelay $0x1  }
0x99: {  	s19 =	simm.s32 $_scs_section_size  }
0x9a: {  	s4 =	simm.s32 $_size__tile_overlayer_lowered;
	s5 =	simm.s32 $_tile_overlayer_lowered  }
0x9b: {  	s22 =	simm.s32 $0x1BFF;
	s21 =	sshll.u32 s5, $0x1;
	s2 =	sadd.s32 s19, s18  }
0x9c: {  	s6 =	simm.s32 $0x0;
	s20 =	sshll.u32 s4, $0x1;
	s4 =	sadd.s32 s21, s2  }
0x9d: {  	[timem:s6], [sflag:s22] =	dma.local [hbm:s4], s20  }
0x9e: {  	_ =	swait.ge [sflag:s22], s20  }
0x9f: {  	s3 =	ssub.s32 $0x0, s20;
	[sflag:s22] =	ssyncset.done $0x0  }
0xa0: {  	[sflag:s22] =	ssyncadd.s32 s3;
	_ =	sdelay $0x1  }
0xa1: {  	s23 =	simm.s32 $0x1B8B  }
0xa2: {  	_ =	swait.ge [sflag:s23], $0x1  }
0xa3: {  	[sflag:s23] =	ssyncset.done $0x0  }
0xa4: {  	s25 =	simm.s32 $0x1B8E;
	s24 =	sld [smem:$0x3FFE];
	[sflag:s23] =	ssyncadd.s32 $0xFFFFFFFF  }
0xa5: {  	s26 =	simm.s32 $execute0_lowered;
	[smem:$0x3FD2] =	sst s25  }
0xa6: {  	s4 =	sshll.u32 s26, $0x1;
	_ =	strace $0x8000004C;
	[dreg:$0x1] =	wrdreg $0xFFFFFFFF  }
0xa7: {  	s28 =	simm.s32 $_size_execute0_lowered;
	s2 =	sadd.s32 s2, s4;
	[dreg:$0x0] =	wrdreg $0x0  }
0xa8: {  	s4 =	sshll.u32 s28, $0x1;
	[dreg:$0x2] =	wrdreg s2  }
0xa9: {  	[dreg:$0x3] =	wrdreg s4  }
0xaa: {  	[dreg:$0x4] =	wrdreg $0xC0  }
0xab: {  	_ =	task [dreg:s6], $0x5FFFF  }
0xac: {  	[dreg:$0x1] =	wrdreg $0xFFFFFFFF  }
0xad: {  	[dreg:$0x0] =	wrdreg $0x60  }
0xae: {  	[dreg:$0x2] =	wrdreg s24  }
0xaf: {  	[dreg:$0x3] =	wrdreg $0x12F000  }
0xb0: {  	[dreg:$0x4] =	wrdreg $0x9  }
0xb1: {  	_ =	task.clear_ibuf [dreg:s6], $0x5FFFF;
	_ =	strace $0x9000004C  }
0xb2: {  	s29 =	simm.s32 $0x9;
	_ =	strace $0x8000004E  }
0xb3: {  	_ =	swait.ge [sflag:s29], $0x1  }
0xb4: {  	[sflag:s29] =	ssyncadd.s32 $0xFFFFFFFF  }
0xb5: {  	_ =	strace $0x9000004E  }
0xb6: {  	_ =	sfence  }
0xb7: {  	s30 =	sld [smem:$0x0];
	_ =	sdelay $0x2  }
0xb8: {  	s31 =	sshll.u32 s1, $0xD;
	s1 =	sshrl.u32 s1, $0x2  }
0xb9: {  	s3 =	sand.u32 $0x4000, s31;
	s1 =	sadd.s32 s1, s30  }
0xba: {  	s0 =	sor.u32 s3, s0;
	s1 =	sshll.u32 s1, $0x11  }
0xbb: {  	s0 =	sor.u32 s1, s0  }
0xbc: {  	s0 =	sadd.s32 $0x8F2B, s0  }
0xbd: {  	[sflag:s0] =	ssyncadd.remote.s32 $0x1  }
0xbe: {  	_ =	sfence.sel $0xFFFF  }
0xbf: {  	[dreg:$0x0] =	wrdreg $0xFFFFFFFF;
	(pc) =	sbr.abs _section_cstart, $3  }
0xc0: {  	[dreg:$0x1] =	wrdreg $0xFFFFFFFF  }
0xc1: {  	_ =	task.clear_ibuf [dreg:s6], $0x2FFFF;
	_ =	strace $0x9FFFFFFF  }
0xc2: {  	(tm) =	ssettm $0x7FFFFFFF  }
0xc3: {  	_ =	shalt  }
tec
execute0_lowered:
.L_overlay_start_1:
0x0: {  	(tag) =	ssettag $0x1  }
0x1: {  	s0 =	srdreg.scid;
	s3 =	rddreg [dreg:$0x0]  }
0x2: {  	s9 =	stileid.u32;
	s2 =	rddreg [dreg:$0x1]  }
0x3: {  	s5 =	simm.s32 $0x0;
	s29 =	simm.s32 $0xCF00;
	s31 =	simm.s32 $0xEF00  }
0x4: {  	s28 =	simm.s32 $0x8;
	s30 =	simm.s32 $0x4;
	s10 =	simm.s32 $0x0  }
0x5: {  	s0 =	sand.u32 $0x1, s0;
	s1 =	sshll.u32 s9, $0x1;
	s6 =	smul.u32 $0xA000, s9  }
0x6: {  	[smem:$0x7FF] =	sst s5;
	s7 =	smul.u32 $0x28000, s9;
	p0 =	slt.u32 s9, $0x2  }
0x7: {  	s5 =	simm.s32 $0x4F;
	s1 =	sor.u32 s0, s1;
	s17 =	smul.u32 $0xA0000, s0  }
0x8: {  	_ =	strace $0x8000004D;
	s0 =	ssub.s32 $0x2, s0;
	s5 =	simm.s32 @!p0 $0x4E  }
0x9: {  	p0 =	sgt.u32 s9, $0x1;
	s9 =	simm.s32 $0xB;
	s4 =	smul.u32 $0x4E, s1  }
0xa: {  	s1 =	smin.u32 s1, $0x4;
	s8 =	sshrl.u32 s0, $0x1;
	s7 =	sshrl.u32 s7, $0x2  }
0xb: {  	s11 =	sadd.s32 s6, s2;
	s0 =	ssub.s32 s0, s8;
	s7 =	sadd.s32 s7, s2  }
0xc: {  	s8 =	simm.s32 $0x6;
	[dreg:$0x3] =	wrdreg s11;
	s19 =	sadd.s32 $0x2000, s7  }
0xd: {  	s1 =	sadd.s32 s1, s4;
	s20 =	sadd.s32 $0x4000, s7;
	[dreg:$0x4] =	wrdreg s19  }
0xe: {  	s4 =	sadd.s32 s6, s17;
	s21 =	sadd.s32 $0x6000, s7;
	[dreg:$0x5] =	wrdreg s20  }
0xf: {  	s22 =	sadd.s32 $0x8000, s7;
	s0 =	smax.u32 s0, $0x1;
	[dreg:$0x6] =	wrdreg s21  }
0x10: {  	s7 =	simm.s32 $0xA;
	s1 =	sshll.u32 s1, $0x4;
	[dreg:$0x7] =	wrdreg s22  }
0x11: {  	s18 =	sshrl.u32 s4, $0x3;
	s4 =	sadd.s32 $0x17800, s3;
	[dreg:$0xd] =	wrdreg s0  }
0x12: {  	s20 =	simm.s32 $0x80;
	s21 =	simm.s32 $0x4F00;
	s1 =	sadd.s32 s1, s3  }
0x13: {  	s22 =	simm.s32 $0x6F00;
	s19 =	simm.s32 $0x2;
	s23 =	sadd.s32 $0x3E00, s1  }
0x14: {  	s0 =	simm.s32 $0x9;
	s24 =	sadd.s32 $0xDA40, s1;
	[dreg:$0x8] =	wrdreg s23  }
0x15: {  	s3 =	sadd.s32 s18, s3;
	s25 =	sadd.s32 $0x42E0, s1;
	[dreg:$0x9] =	wrdreg s24  }
0x16: {  	s18 =	simm.s32 $0xD;
	s1 =	sadd.s32 $0xDF20, s1;
	[dreg:$0xa] =	wrdreg s25  }
0x17: {  	s26 =	sadd.s32 $0x2B800, s3;
	s3 =	simm.s32 $0x5;
	[dreg:$0xb] =	wrdreg s1  }
0x18: {  	[dreg:$0xc] =	wrdreg s26;
	s24 =	simm.s32 $0x8F00;
	s26 =	simm.s32 $0xAF00  }
0x19: {  	v0 =	vimm.f32 $0.0e+00;
	s1 =	simm.s32 $0x1;
	s23 =	simm.s32 $0x7;
	s25 =	simm.s32 $0x3  }
.LBB2_1:
0x1a: {  	[dreg:$0xe] =	wrdreg s10;
	s13 =	simm.s32 $0x100;
	s12 =	simm.s32 $0x0  }
.LBB2_2:
0x1b: {  	p1 =	sne.s32 s13, $0x7F00;
	[tilespmem:s12+$0x10F30] =	vst v0;
	s10 =	smov.u32 s13;
	s13 =	sadd.s32 $0x100, s13  }
.Ltmp0:
0x1c: {  	[tilespmem:s12+$0x10F20] =	vst v0;
	(pc) =	sbr.rel @p1 .LBB2_2-.Ltmp0, $3  }
0x1d: {  	[tilespmem:s12+$0x10F00] =	vst v0  }
0x1e: {  	[tilespmem:s12+$0x10F10] =	vst v0;
	_ =	sdelay $0x1  }
0x1f: {  	s12 =	sshra.s32 s10, $0x2  }
0x20: {  	[tilespmem:s12+$0x10F30] =	vst v0  }
0x21: {  	[tilespmem:s12+$0x10F20] =	vst v0  }
0x22: {  	[tilespmem:s12+$0x10F00] =	vst v0  }
0x23: {  	[tilespmem:s12+$0x10F10] =	vst v0;
	s10 =	simm.s32 $0x10F00  }
0x24: {  	[spmem:s11] =	stream.linear.scatter [tilespmem:s10], [sflag:$0xD], $0x2000, $0x38;
	[tilespmem:$0x1CF00] =	vst v63  }
0x25: {  	_ =	swait.ge [sflag:s18], $0x2000  }
0x26: {  	[sflag:s18] =	ssyncset.done $0x0  }
0x27: {  	s6 =	rddreg [dreg:$0x4];
	[sflag:s18] =	ssyncadd.s32 $0xFFFFE000  }
0x28: {  	[spmem:s6] =	stream.linear.scatter [tilespmem:s10], [sflag:$0xD], $0x2000, $0x38;
	[tilespmem:$0x1CF00] =	vst v63  }
0x29: {  	_ =	swait.ge [sflag:s18], $0x2000  }
0x2a: {  	[sflag:s18] =	ssyncset.done $0x0  }
0x2b: {  	s16 =	rddreg [dreg:$0x5];
	[sflag:s18] =	ssyncadd.s32 $0xFFFFE000  }
0x2c: {  	[spmem:s16] =	stream.linear.scatter [tilespmem:s10], [sflag:$0xD], $0x2000, $0x38;
	[tilespmem:$0x1CF00] =	vst v63  }
0x2d: {  	_ =	swait.ge [sflag:s18], $0x2000  }
0x2e: {  	[sflag:s18] =	ssyncset.done $0x0  }
0x2f: {  	s17 =	rddreg [dreg:$0x6];
	[sflag:s18] =	ssyncadd.s32 $0xFFFFE000  }
0x30: {  	[spmem:s17] =	stream.linear.scatter [tilespmem:s10], [sflag:$0xD], $0x2000, $0x38;
	[tilespmem:$0x1CF00] =	vst v63  }
0x31: {  	_ =	swait.ge [sflag:s18], $0x2000  }
0x32: {  	[sflag:s18] =	ssyncset.done $0x0  }
0x33: {  	s11 =	rddreg [dreg:$0x7];
	[sflag:s18] =	ssyncadd.s32 $0xFFFFE000  }
0x34: {  	[spmem:s11] =	stream.linear.scatter [tilespmem:s10], [sflag:$0xD], $0x2000, $0x38;
	[tilespmem:$0x1CF00] =	vst v63  }
0x35: {  	_ =	swait.ge [sflag:s18], $0x2000  }
0x36: {  	[sflag:s18] =	ssyncset.done $0x0  }
0x37: {  	[sflag:s18] =	ssyncadd.s32 $0xFFFFE000  }
0x38: {  	[bflag:$0x0] =	sbarrier.arrive $0xFFFF  }
0x39: {  	s12 =	simm.s32 $0x0;
	s13 =	rddreg [dreg:$0x8]  }
0x3a: {  	[tilespmem:s12], [sflag:$0xD] =	stream.linear.gather [hbm4b:s13+s12], $0x2700, $0x38;
	[tilespmem:$0x1CF00] =	vst v63  }
0x3b: {  	_ =	swait.ge [sflag:s18], $0x2700  }
0x3c: {  	[sflag:s18] =	ssyncset.done $0x0  }
0x3d: {  	s15 =	simm.s32 $0x2780;
	s14 =	rddreg [dreg:$0x9];
	[sflag:s18] =	ssyncadd.s32 $0xFFFFD900  }
0x3e: {  	[tilespmem:s15], [sflag:$0xD] =	stream.linear.gather [hbm4b:s14+s12], $0x2700, $0x38;
	[tilespmem:$0x1CF00] =	vst v63  }
0x3f: {  	_ =	swait.ge [sflag:s18], $0x2700  }
0x40: {  	s10 =	simm.s32 @!p0 $0x0;
	[sflag:s18] =	ssyncset.done $0x0  }
0x41: {  	s12 =	simm.s32 @!p0 $0x2700;
	s6 =	rddreg [dreg:$0xa];
	[sflag:s18] =	ssyncadd.s32 $0xFFFFD900  }
0x42: {  	[tilespmem:s12], [sflag:$0xD] =	stream.linear.gather @!p0 [hbm4b:s6+s10], $0x80, $0x38;
	[tilespmem:$0x1CF00] =	vst v63  }
0x43: {  	s12 =	simm.s32 @!p0 $0xD  }
0x44: {  	_ =	swait.ge @!p0 [sflag:s12], $0x80  }
0x45: {  	[sflag:s12] =	ssyncset.done @!p0 $0x0  }
0x46: {  	s13 =	simm.s32 @!p0 $0x4E80;
	s6 =	rddreg [dreg:$0xb];
	[sflag:s12] =	ssyncadd.s32 @!p0 $0xFFFFFF80  }
0x47: {  	[tilespmem:s13], [sflag:$0xD] =	stream.linear.gather @!p0 [hbm4b:s6+s10], $0x80, $0x38;
	[tilespmem:$0x1CF00] =	vst v63  }
0x48: {  	_ =	swait.ge @!p0 [sflag:s12], $0x80  }
0x49: {  	[sflag:s12] =	ssyncset.done @!p0 $0x0  }
0x4a: {  	s16 =	simm.s32 $0x0;
	[sflag:s12] =	ssyncadd.s32 @!p0 $0xFFFFFF80  }
0x4b: {  	[tilespmem:s21], [sflag:$0x1] =	stream.indirect.gather [hbm4b:s4+s20], $0x40, s16, s20, $0xb8;
	[tilespmem:$0x1CF00] =	vst v63  }
0x4c: {  	_ = 	snop  }
0x4d: {  	[tilespmem:s22], [sflag:$0x2] =	stream.indirect.gather [hbm4b:s4+s20], $0x40, s20, s20, $0xb8;
	[tilespmem:$0x1CF00] =	vst v63  }
0x4e: {  	s17 =	simm.s32 $0x100  }
0x4f: {  	[tilespmem:s24], [sflag:$0x3] =	stream.indirect.gather [hbm4b:s4+s20], $0x40, s17, s20, $0xb8;
	[tilespmem:$0x1CF00] =	vst v63  }
0x50: {  	s10 =	simm.s32 $0x180  }
0x51: {  	[tilespmem:s26], [sflag:$0x4] =	stream.indirect.gather [hbm4b:s4+s20], $0x40, s10, s20, $0xb8;
	[tilespmem:$0x1CF00] =	vst v63  }
0x52: {  	s11 =	simm.s32 $0x200  }
0x53: {  	[tilespmem:s29], [sflag:$0x5] =	stream.indirect.gather [hbm4b:s4+s20], $0x40, s11, s20, $0xb8;
	[tilespmem:$0x1CF00] =	vst v63  }
0x54: {  	s12 =	simm.s32 $0x280  }
0x55: {  	[tilespmem:s31], [sflag:$0x6] =	stream.indirect.gather [hbm4b:s4+s20], $0x40, s12, s20, $0xb8;
	[tilespmem:$0x1CF00] =	vst v63  }
0x56: {  	_ =	swait.ge [sflag:s1], $0x2000  }
0x57: {  	p1 =	por $0x1, $0x1;
	[sflag:s1] =	ssyncset.done $0x0  }
0x58: {  	s13 =	simm.s32 $0x2780;
	s12 =	simm.s32 @!p1 $0xC;
	[sflag:s1] =	ssyncadd.s32 $0xFFFFE000  }
0x59: {  	[spmem:s2] =	stream.indirect.scatter.add.f32 [tilespmem:s21], [sflag:$0x7], $0x40, s13, s20, $0xb8;
	[tilespmem:$0x1CF00] =	vst v63  }
0x5a: {  	_ =	swait.ge @!p1 [sflag:s12], $0x2000  }
0x5b: {  	s10 =	simm.s32 @!p1 $0x280;
	[sflag:s12] =	ssyncset.done @!p1 $0x0  }
0x5c: {  	s13 =	simm.s32 @!p1 $0x80;
	[sflag:s12] =	ssyncadd.s32 @!p1 $0xFFFFE000;
	s12 =	simm.s32 @!p1 $0xEF00  }
0x5d: {  	[tilespmem:s12], [sflag:$0x6] =	stream.indirect.gather @!p1 [hbm4b:s4+s13], $0x40, s10, s13, $0xb8;
	[tilespmem:$0x1CF00] =	vst v63  }
0x5e: {  	_ =	swait.ge [sflag:s19], $0x2000  }
0x5f: {  	[sflag:s19] =	ssyncset.done $0x0  }
0x60: {  	s14 =	simm.s32 $0x2800;
	[sflag:s19] =	ssyncadd.s32 $0xFFFFE000  }
0x61: {  	[spmem:s2] =	stream.indirect.scatter.add.f32 [tilespmem:s22], [sflag:$0x8], $0x40, s14, s20, $0xb8;
	[tilespmem:$0x1CF00] =	vst v63  }
0x62: {  	p2 =	sle.u32 s5, $0x6;
	_ =	swait.ge [sflag:s23], $0x2000  }
0x63: {  	s10 =	simm.s32 @!p2 $0x4F00;
	[sflag:s23] =	ssyncset.done $0x0  }
0x64: {  	s12 =	simm.s32 @!p2 $0x300;
	s13 =	simm.s32 @!p2 $0x80;
	[sflag:s23] =	ssyncadd.s32 $0xFFFFE000  }
0x65: {  	[tilespmem:s10], [sflag:$0x1] =	stream.indirect.gather @!p2 [hbm4b:s4+s13], $0x40, s12, s13, $0xb8;
	[tilespmem:$0x1CF00] =	vst v63  }
0x66: {  	_ =	swait.ge [sflag:s25], $0x2000  }
0x67: {  	[sflag:s25] =	ssyncset.done $0x0  }
0x68: {  	s15 =	simm.s32 $0x2880;
	[sflag:s25] =	ssyncadd.s32 $0xFFFFE000  }
0x69: {  	[spmem:s2] =	stream.indirect.scatter.add.f32 [tilespmem:s24], [sflag:$0x9], $0x40, s15, s20, $0xb8;
	[tilespmem:$0x1CF00] =	vst v63  }
0x6a: {  	p2 =	sle.u32 s5, $0x7;
	_ =	swait.ge [sflag:s28], $0x2000  }
0x6b: {  	s10 =	simm.s32 @!p2 $0x6F00;
	[sflag:s28] =	ssyncset.done $0x0  }
0x6c: {  	s12 =	simm.s32 @!p2 $0x380;
	s13 =	simm.s32 @!p2 $0x80;
	[sflag:s28] =	ssyncadd.s32 $0xFFFFE000  }
0x6d: {  	[tilespmem:s10], [sflag:$0x2] =	stream.indirect.gather @!p2 [hbm4b:s4+s13], $0x40, s12, s13, $0xb8;
	[tilespmem:$0x1CF00] =	vst v63  }
0x6e: {  	_ =	swait.ge [sflag:s30], $0x2000  }
0x6f: {  	[sflag:s30] =	ssyncset.done $0x0  }
0x70: {  	s16 =	simm.s32 $0x2900;
	[sflag:s30] =	ssyncadd.s32 $0xFFFFE000  }
0x71: {  	[spmem:s2] =	stream.indirect.scatter.add.f32 [tilespmem:s26], [sflag:$0xA], $0x40, s16, s20, $0xb8;
	[tilespmem:$0x1CF00] =	vst v63  }
0x72: {  	p2 =	sle.u32 s5, $0x8;
	_ =	swait.ge [sflag:s0], $0x2000  }
0x73: {  	s10 =	simm.s32 @!p2 $0x8F00;
	[sflag:s0] =	ssyncset.done $0x0  }
0x74: {  	s12 =	simm.s32 @!p2 $0x400;
	s13 =	simm.s32 @!p2 $0x80;
	[sflag:s0] =	ssyncadd.s32 $0xFFFFE000  }
0x75: {  	[tilespmem:s10], [sflag:$0x3] =	stream.indirect.gather @!p2 [hbm4b:s4+s13], $0x40, s12, s13, $0xb8;
	[tilespmem:$0x1CF00] =	vst v63  }
0x76: {  	_ =	swait.ge [sflag:s3], $0x2000  }
0x77: {  	[sflag:s3] =	ssyncset.done $0x0  }
0x78: {  	s17 =	simm.s32 $0x2980;
	[sflag:s3] =	ssyncadd.s32 $0xFFFFE000  }
0x79: {  	[spmem:s2] =	stream.indirect.scatter.add.f32 [tilespmem:s29], [sflag:$0xB], $0x40, s17, s20, $0xb8;
	[tilespmem:$0x1CF00] =	vst v63  }
0x7a: {  	p2 =	sle.u32 s5, $0x9;
	_ =	swait.ge [sflag:s7], $0x2000  }
0x7b: {  	s10 =	simm.s32 @!p2 $0xAF00;
	[sflag:s7] =	ssyncset.done $0x0  }
0x7c: {  	s12 =	simm.s32 @!p2 $0x480;
	s13 =	simm.s32 @!p2 $0x80;
	[sflag:s7] =	ssyncadd.s32 $0xFFFFE000  }
0x7d: {  	[tilespmem:s10], [sflag:$0x4] =	stream.indirect.gather @!p2 [hbm4b:s4+s13], $0x40, s12, s13, $0xb8;
	[tilespmem:$0x1CF00] =	vst v63  }
0x7e: {  	s10 =	simm.s32 @!p1 $0xA00  }
0x7f: {  	s10 =	simm.s32 @p1 $0xA00;
	_ =	swait.ge [sflag:s8], $0x2000  }
0x80: {  	s12 =	simm.s32 $0xA;
	s10 =	sshra.s32 s10, $0x2;
	[sflag:s8] =	ssyncset.done $0x0  }
0x81: {  	p2 =	sle.u32 s5, $0xA;
	s10 =	sadd.s32 $0x2780, s10;
	[sflag:s8] =	ssyncadd.s32 $0xFFFFE000  }
0x82: {  	[spmem:s2] =	stream.indirect.scatter.add.f32 [tilespmem:s31], [sflag:$0xC], $0x40, s10, s20, $0xb8;
	[tilespmem:$0x1CF00] =	vst v63  }
0x83: {  	s13 =	simm.s32 $0xC00;
	s15 =	simm.s32 @!p2 $0xCF00;
	_ =	swait.ge [sflag:s9], $0x2000  }
0x84: {  	s16 =	simm.s32 @!p2 $0x500;
	s10 =	simm.s32 @!p2 $0x80;
	[sflag:s9] =	ssyncset.done $0x0  }
.LBB2_4:
0x85: {  	[sflag:s9] =	ssyncadd.s32 $0xFFFFE000  }
0x86: {  	s12 =	sadd.s32 $0x6, s12;
	s14 =	smov.u32 s13;
	s13 =	sadd.s32 $0xC00, s13  }
0x87: {  	[tilespmem:s15], [sflag:$0x5] =	stream.indirect.gather @!p2 [hbm4b:s4+s10], $0x40, s16, s10, $0xb8;
	[tilespmem:$0x1CF00] =	vst v63  }
0x88: {  	s15 =	sshra.s32 s14, $0x2;
	p1 =	sne.s32 s13, $0x9C00;
	_ =	swait.ge [sflag:s1], $0x2000  }
0x89: {  	p2 =	seq.s32 s14, $0x0;
	s10 =	sadd.s32 $0x2780, s15;
	[sflag:s1] =	ssyncset.done $0x0  }
0x8a: {  	s16 =	simm.s32 @!p2 $0xC;
	s6 =	sshra.s32 @!p2 s14, $0x2;
	[sflag:s1] =	ssyncadd.s32 $0xFFFFE000  }
0x8b: {  	[spmem:s2] =	stream.indirect.scatter.add.f32 [tilespmem:s21], [sflag:$0x7], $0x40, s10, s20, $0xb8;
	[tilespmem:$0x1CF00] =	vst v63  }
0x8c: {  	s6 =	sadd.s32 @!p2 $0x280, s6;
	s10 =	sadd.s32 @!p2 $0xA00, s14;
	_ =	swait.ge @!p2 [sflag:s16], $0x2000  }
0x8d: {  	s17 =	simm.s32 @!p2 $0x80;
	s10 =	simm.s32 @p2 $0xA00;
	[sflag:s16] =	ssyncset.done @!p2 $0x0  }
0x8e: {  	s11 =	simm.s32 @!p2 $0xEF00;
	[sflag:s16] =	ssyncadd.s32 @!p2 $0xFFFFE000;
	s16 =	sshra.s32 s10, $0x2  }
0x8f: {  	[tilespmem:s11], [sflag:$0x6] =	stream.indirect.gather @!p2 [hbm4b:s4+s17], $0x40, s6, s17, $0xb8;
	[tilespmem:$0x1CF00] =	vst v63  }
0x90: {  	_ =	swait.ge [sflag:s19], $0x2000  }
0x91: {  	s6 =	sadd.s32 $0x2800, s15;
	[sflag:s19] =	ssyncset.done $0x0  }
0x92: {  	s10 =	sadd.s32 $0xFFFFFFFC, s12;
	[sflag:s19] =	ssyncadd.s32 $0xFFFFE000  }
0x93: {  	[spmem:s2] =	stream.indirect.scatter.add.f32 [tilespmem:s22], [sflag:$0x8], $0x40, s6, s20, $0xb8;
	[tilespmem:$0x1CF00] =	vst v63  }
0x94: {  	p2 =	sge.u32 s10, s5;
	_ =	swait.ge [sflag:s23], $0x2000  }
0x95: {  	s10 =	simm.s32 @!p2 $0x4F00;
	s6 =	sshra.s32 @!p2 s14, $0x2;
	[sflag:s23] =	ssyncset.done $0x0  }
0x96: {  	s11 =	simm.s32 @!p2 $0x80;
	s6 =	sadd.s32 @!p2 $0x300, s6;
	[sflag:s23] =	ssyncadd.s32 $0xFFFFE000  }
0x97: {  	[tilespmem:s10], [sflag:$0x1] =	stream.indirect.gather @!p2 [hbm4b:s4+s11], $0x40, s6, s11, $0xb8;
	[tilespmem:$0x1CF00] =	vst v63  }
0x98: {  	_ =	swait.ge [sflag:s25], $0x2000  }
0x99: {  	s6 =	sadd.s32 $0x2880, s15;
	[sflag:s25] =	ssyncset.done $0x0  }
0x9a: {  	s10 =	sadd.s32 $0xFFFFFFFD, s12;
	[sflag:s25] =	ssyncadd.s32 $0xFFFFE000  }
0x9b: {  	[spmem:s2] =	stream.indirect.scatter.add.f32 [tilespmem:s24], [sflag:$0x9], $0x40, s6, s20, $0xb8;
	[tilespmem:$0x1CF00] =	vst v63  }
0x9c: {  	p2 =	sge.u32 s10, s5;
	_ =	swait.ge [sflag:s28], $0x2000  }
0x9d: {  	s10 =	simm.s32 @!p2 $0x6F00;
	s6 =	sshra.s32 @!p2 s14, $0x2;
	[sflag:s28] =	ssyncset.done $0x0  }
0x9e: {  	s11 =	simm.s32 @!p2 $0x80;
	s6 =	sadd.s32 @!p2 $0x380, s6;
	[sflag:s28] =	ssyncadd.s32 $0xFFFFE000  }
0x9f: {  	[tilespmem:s10], [sflag:$0x2] =	stream.indirect.gather @!p2 [hbm4b:s4+s11], $0x40, s6, s11, $0xb8;
	[tilespmem:$0x1CF00] =	vst v63  }
0xa0: {  	_ =	swait.ge [sflag:s30], $0x2000  }
0xa1: {  	s6 =	sadd.s32 $0x2900, s15;
	[sflag:s30] =	ssyncset.done $0x0  }
0xa2: {  	s10 =	sadd.s32 $0xFFFFFFFE, s12;
	[sflag:s30] =	ssyncadd.s32 $0xFFFFE000  }
0xa3: {  	[spmem:s2] =	stream.indirect.scatter.add.f32 [tilespmem:s26], [sflag:$0xA], $0x40, s6, s20, $0xb8;
	[tilespmem:$0x1CF00] =	vst v63  }
0xa4: {  	p2 =	sge.u32 s10, s5;
	_ =	swait.ge [sflag:s0], $0x2000  }
0xa5: {  	s10 =	simm.s32 @!p2 $0x8F00;
	s6 =	sshra.s32 @!p2 s14, $0x2;
	[sflag:s0] =	ssyncset.done $0x0  }
0xa6: {  	s11 =	simm.s32 @!p2 $0x80;
	s6 =	sadd.s32 @!p2 $0x400, s6;
	[sflag:s0] =	ssyncadd.s32 $0xFFFFE000  }
0xa7: {  	[tilespmem:s10], [sflag:$0x3] =	stream.indirect.gather @!p2 [hbm4b:s4+s11], $0x40, s6, s11, $0xb8;
	[tilespmem:$0x1CF00] =	vst v63  }
0xa8: {  	_ =	swait.ge [sflag:s3], $0x2000  }
0xa9: {  	s6 =	sadd.s32 $0x2980, s15;
	[sflag:s3] =	ssyncset.done $0x0  }
0xaa: {  	s10 =	sadd.s32 $0xFFFFFFFF, s12;
	[sflag:s3] =	ssyncadd.s32 $0xFFFFE000  }
0xab: {  	[spmem:s2] =	stream.indirect.scatter.add.f32 [tilespmem:s29], [sflag:$0xB], $0x40, s6, s20, $0xb8;
	[tilespmem:$0x1CF00] =	vst v63  }
0xac: {  	p2 =	sge.u32 s10, s5;
	_ =	swait.ge [sflag:s7], $0x2000  }
0xad: {  	s10 =	simm.s32 @!p2 $0xAF00;
	s6 =	sshra.s32 @!p2 s14, $0x2;
	[sflag:s7] =	ssyncset.done $0x0  }
0xae: {  	s11 =	simm.s32 @!p2 $0x80;
	s6 =	sadd.s32 @!p2 $0x480, s6;
	[sflag:s7] =	ssyncadd.s32 $0xFFFFE000  }
0xaf: {  	[tilespmem:s10], [sflag:$0x4] =	stream.indirect.gather @!p2 [hbm4b:s4+s11], $0x40, s6, s11, $0xb8;
	[tilespmem:$0x1CF00] =	vst v63  }
0xb0: {  	_ =	swait.ge [sflag:s8], $0x2000  }
.Ltmp1:
0xb1: {  	s6 =	sadd.s32 $0x2780, s16;
	[sflag:s8] =	ssyncset.done $0x0;
	(pc) =	sbr.rel @p1 .LBB2_4-.Ltmp1, $4  }
0xb2: {  	p2 =	sge.u32 s12, s5;
	[sflag:s8] =	ssyncadd.s32 $0xFFFFE000  }
0xb3: {  	[spmem:s2] =	stream.indirect.scatter.add.f32 [tilespmem:s31], [sflag:$0xC], $0x40, s6, s20, $0xb8;
	[tilespmem:$0x1CF00] =	vst v63  }
0xb4: {  	s15 =	simm.s32 @!p2 $0xCF00;
	s6 =	sshra.s32 @!p2 s14, $0x2;
	_ =	swait.ge [sflag:s9], $0x2000  }
0xb5: {  	s10 =	simm.s32 @!p2 $0x80;
	s16 =	sadd.s32 @!p2 $0x500, s6;
	[sflag:s9] =	ssyncset.done $0x0  }
0xb6: {  	[sflag:s9] =	ssyncadd.s32 $0xFFFFE000;
	s6 =	simm.s32 @!p0 $0x1  }
0xb7: {  	[tilespmem:s15], [sflag:$0x5] =	stream.indirect.gather @!p2 [hbm4b:s4+s10], $0x40, s16, s10, $0xb8;
	[tilespmem:$0x1CF00] =	vst v63  }
0xb8: {  	_ =	swait.ge @!p0 [sflag:s6], $0x2000  }
0xb9: {  	s11 =	simm.s32 @!p0 $0x4F00;
	[sflag:s6] =	ssyncset.done @!p0 $0x0  }
0xba: {  	s10 =	simm.s32 @!p0 $0x4E80;
	[sflag:s6] =	ssyncadd.s32 @!p0 $0xFFFFE000;
	s6 =	simm.s32 @!p0 $0x80  }
0xbb: {  	[spmem:s2] =	stream.indirect.scatter.add.f32 @!p0 [tilespmem:s11], [sflag:$0x7], $0x40, s10, s6, $0xb8;
	[tilespmem:$0x1CF00] =	vst v63  }
0xbc: {  	s6 =	simm.s32 @!p0 $0x7  }
0xbd: {  	_ =	swait.ge @!p0 [sflag:s6], $0x2000  }
0xbe: {  	[sflag:s6] =	ssyncset.done @!p0 $0x0  }
0xbf: {  	s13 =	simm.s32 $0xC;
	[sflag:s6] =	ssyncadd.s32 @!p0 $0xFFFFE000  }
0xc0: {  	_ =	swait.ge [sflag:s13], $0x2000  }
0xc1: {  	[sflag:s13] =	ssyncset.done $0x0  }
0xc2: {  	[sflag:s13] =	ssyncadd.s32 $0xFFFFE000  }
0xc3: {  	s14 =	stileid.u32;
	[bflag:$0x0] =	sbarrier.arrive $0xFFFF  }
0xc4: {  	s6 =	sshll.u32 s14, $0x6;
	s11 =	rddreg [dreg:$0x3]  }
0xc5: {  	s6 =	sor.u32 $0x1C0D, s6;
	s12 =	rddreg [dreg:$0xc];
	s15 =	sshrl.u32 s11, $0x3  }
0xc6: {  	[hbm:s12], [sflag:s6] =	dma.local [spmem:s15], $0x1400  }
0xc7: {  	_ =	swait.ge [sflag:s18], $0x1400  }
0xc8: {  	s16 =	rddreg [dreg:$0xe]  }
0xc9: {  	s17 =	rddreg [dreg:$0xd];
	s10 =	sadd.s32 $0x1, s16  }
0xca: {  	p1 =	sne.s32 s10, s17  }
.Ltmp2:
0xcb: {  	_ = 	snop;
	(pc) =	sbr.rel @p1 .LBB2_1-.Ltmp2, $3  }
0xcc: {  	_ =	sdelay $0x1  }
0xcd: {  	[sflag:s18] =	ssyncset.done $0x0  }
0xce: {  	[sflag:s18] =	ssyncadd.s32 $0xFFFFEC00  }
0xcf: {  	_ =	sfence.sel $0x180000  }
0xd0: {  	[bflag:$0x0] =	sbarrier.arrive $0xFFFF  }
0xd1: {  	_ =	strace $0x9000004D  }
0xd2: {  	s0 =	stileid.u32;
	[bflag:$0x2] =	sbarrier.arrive $0xFFFF  }
0xd3: {  	p0 =	sne.s32 s0, $0x0;
	s0 =	rddreg [dreg:$0x2]  }
0xd4: {  	s0 =	sadd.s32 @!p0 $0x100000, s0  }
0xd5: {  	[sflag:s0] =	ssyncadd.tile.s32 @!p0 $0x1;
	_ =	shalt  }
.Lfunc_end2:
_tile_overlayer_lowered:
.L_overlay_start_2:
0xd6: {  	(tag) =	ssettag $0x2  }
0xd7: {  	s0 =	rddreg [dreg:$0x0];
	s2 =	stileid.u32  }
0xd8: {  	s1 =	rddreg [dreg:$0x1];
	p0 =	sne.s32 s2, $0x0  }
0xd9: {  	s3 =	rddreg [dreg:$0x2];
	[bflag:$0x3] =	sbarrier.arrive $0xFFFF;
	s2 =	simm.s32 @!p0 $0x1C0D  }
0xda: {  	[timem:s3], [sflag:s2] =	dma.local @!p0 [hbm:s0], s1  }
0xdb: {  	s0 =	simm.s32 @!p0 $0xD  }
0xdc: {  	_ =	swait.ge @!p0 [sflag:s0], s1  }
0xdd: {  	s1 =	ssub.s32 @!p0 $0x0, s1;
	[sflag:s0] =	ssyncset.done @!p0 $0x0  }
0xde: {  	[sflag:s0] =	ssyncadd.s32 @!p0 s1  }
0xdf: {  	[bflag:$0x3] =	sbarrier.arrive $0xFFFF  }
0xe0: {  	_ =	shalt  }

// kernel: kernel.20.cloned.1.call-start
scs
__scs_entry_jumppad:
0x0: {  	(pc) =	sbr.rel $0x88, $3  }
0x1: {  	(tag) =	ssettag $0x0;
	lr =	simm.s32 $0x1  }
0x2: {  	[smem:$0x3F96] =	sst lr;
	_ =	strace $0xD0000000  }
0x3: {  	_ = 	snop  }
0x4: {  	_ = 	snop  }
0x5: {  	_ = 	snop  }
0x6: {  	_ = 	snop  }
0x7: {  	_ = 	snop  }
__scs_overlays_trampoline_lowered:
0x8: {  	[smem:$0x3FA5] =	sst s0  }
0x9: {  	[smem:$0x3FA6] =	sst s1  }
0xa: {  	[smem:$0x3FA7] =	sst s2  }
0xb: {  	[smem:$0x3FA8] =	sst s3  }
0xc: {  	[smem:$0x3FA9] =	sst s4  }
0xd: {  	[smem:$0x3FAA] =	sst s5  }
0xe: {  	[smem:$0x3FAB] =	sst s6  }
0xf: {  	[smem:$0x3FAC] =	sst s7  }
0x10: {  	[smem:$0x3FAD] =	sst s8  }
0x11: {  	[smem:$0x3FAE] =	sst s9;
	s0 =	simm.s32 @!p0 $0x0  }
0x12: {  	s1 =	sld [smem:$0x3F94];
	s0 =	simm.s32 @p0 $0x1  }
0x13: {  	[smem:$0x3FAF] =	sst s0;
	s0 =	simm.s32 @!p1 $0x0  }
0x14: {  	s2 =	sld [smem:$0x3F93];
	s0 =	simm.s32 @p1 $0x1  }
0x15: {  	[smem:$0x3FB0] =	sst s0;
	s0 =	simm.s32 @!p2 $0x0  }
0x16: {  	s3 =	sld [smem:$0x3FDB];
	s0 =	simm.s32 @p2 $0x1  }
0x17: {  	s4 =	simm.s32 $0x1BF5;
	[smem:$0x3FB2] =	sst s0  }
0x18: {  	s0 =	sld [smem:$0x3F95];
	_ =	swait.ge [sflag:s4], $0x0  }
0x19: {  	s7 =	sld [smem:$0x3F96]  }
0x1a: {  	s8 =	sadd.s32 $0xFFFFE003, lr  }
0x1b: {  	s9 =	sadd.s32 $0xFFFFFEF7, lr;
	s5 =	simm.s32 $0xFFFFFFFF;
	p2 =	slt.u32 s8, $0xFFFFF086  }
0x1c: {  	p1 =	slt.u32 s9, $0xF7A;
	s5 =	simm.s32 @!p2 $0x0  }
0x1d: {  	s5 =	simm.s32 @p1 $0x1;
	p0 =	seq.s32 s7, s2  }
0x1e: {  	s7 =	smul.u32 @!p0 $0xF7A, s2;
	p2 =	seq.s32 @!p0 s5, $0x0  }
0x1f: {  	s9 =	smul.u32 $0xF7A, s1;
	s8 =	simm.s32 @!p0 $0x1BF5;
	p2 =	por !p2, p0  }
0x20: {  	[sflag:s8] =	ssyncset.s32 @!p0 $0xFFFFF086;
	s6 =	sadd.s32 @!p0 s3, s7;
	s7 =	simm.s32 @!p0 $0x108  }
0x21: {  	s3 =	sadd.s32 s3, s9;
	s6 =	sadd.s32 @!p0 $0x88, s6;
	s7 =	simm.s32 @p2 $0x1082  }
0x22: {  	[simem:s7], [sflag:s8] =	dma.local @!p0 [hbm:s6], $0xF7A  }
0x23: {  	s9 =	sor.u32 $0xD0000000, s2;
	s6 =	simm.s32 $0x108;
	_ =	swait.ge @!p0 [sflag:s8], $0x0  }
0x24: {  	s3 =	sadd.s32 $0x88, s3;
	s6 =	simm.s32 @!p1 $0x1082;
	[sflag:s4] =	ssyncset.s32 $0xFFFFF086  }
0x25: {  	[simem:s6], [sflag:s4] =	dma.local [hbm:s3], $0xF7A  }
0x26: {  	[smem:$0x3F96] =	sst s1;
	(tag) =	ssettag s2;
	_ =	strace s9  }
0x27: {  	s1 =	sld [smem:$0x3FA6]  }
0x28: {  	s2 =	sld [smem:$0x3FA7]  }
0x29: {  	s4 =	sld [smem:$0x3FA9]  }
0x2a: {  	p0 =	seq.s32 s5, $0x0;
	s5 =	sld [smem:$0x3FAA]  }
0x2b: {  	s6 =	sld [smem:$0x3FAB]  }
0x2c: {  	s7 =	sld [smem:$0x3FAC]  }
0x2d: {  	s3 =	simm.s32 $0x108;
	s8 =	sld [smem:$0x3FAD]  }
0x2e: {  	s3 =	simm.s32 @!p0 $0x1082;
	s9 =	sld [smem:$0x3FAE]  }
0x2f: {  	lr =	sadd.s32 s0, s3;
	s0 =	sld [smem:$0x3FA5]  }
0x30: {  	s3 =	sld [smem:$0x3FA8]  }
0x31: {  	[smem:$0x3FB1] =	sst s10  }
0x32: {  	s10 =	sld [smem:$0x3FAF];
	_ =	sdelay $0x3  }
0x33: {  	p0 =	seq.s32 s10, $0x1;
	s10 =	sld [smem:$0x3FB1];
	_ =	sdelay $0x3  }
0x34: {  	[smem:$0x3FB1] =	sst s10  }
0x35: {  	s10 =	sld [smem:$0x3FB0];
	_ =	sdelay $0x3  }
0x36: {  	p1 =	seq.s32 s10, $0x1;
	s10 =	sld [smem:$0x3FB1];
	_ =	sdelay $0x3  }
0x37: {  	[smem:$0x3FB1] =	sst s10  }
0x38: {  	s10 =	sld [smem:$0x3FB2]  }
0x39: {  	_ = 	snop;
	(pc) =	sbr.ind lr, $3  }
0x3a: {  	_ = 	snop  }
0x3b: {  	_ = 	snop  }
0x3c: {  	p2 =	seq.s32 s10, $0x1;
	s10 =	sld [smem:$0x3FB1]  }
0x3d: {  	_ =	shalt  }
0x3e: {  	_ =	shalt  }
0x3f: {  	_ =	shalt  }
0x40: {  	_ =	shalt  }
0x41: {  	_ =	shalt  }
0x42: {  	_ =	shalt  }
0x43: {  	_ =	shalt  }
0x44: {  	_ =	shalt  }
0x45: {  	_ =	shalt  }
0x46: {  	_ =	shalt  }
0x47: {  	_ =	shalt  }
0x48: {  	_ =	shalt  }
0x49: {  	_ =	shalt  }
0x4a: {  	_ =	shalt  }
0x4b: {  	_ =	shalt  }
0x4c: {  	_ =	shalt  }
0x4d: {  	_ =	shalt  }
0x4e: {  	_ =	shalt  }
0x4f: {  	_ =	shalt  }
0x50: {  	_ =	shalt  }
0x51: {  	_ =	shalt  }
0x52: {  	_ =	shalt  }
0x53: {  	_ =	shalt  }
0x54: {  	_ =	shalt  }
0x55: {  	_ =	shalt  }
0x56: {  	_ =	shalt  }
0x57: {  	_ =	shalt  }
0x58: {  	_ =	shalt  }
0x59: {  	_ =	shalt  }
0x5a: {  	_ =	shalt  }
0x5b: {  	_ =	shalt  }
0x5c: {  	_ =	shalt  }
0x5d: {  	_ =	shalt  }
0x5e: {  	_ =	shalt  }
0x5f: {  	_ =	shalt  }
0x60: {  	_ =	shalt  }
0x61: {  	_ =	shalt  }
0x62: {  	_ =	shalt  }
0x63: {  	_ =	shalt  }
0x64: {  	_ =	shalt  }
0x65: {  	_ =	shalt  }
0x66: {  	_ =	shalt  }
0x67: {  	_ =	shalt  }
0x68: {  	_ =	shalt  }
0x69: {  	_ =	shalt  }
0x6a: {  	_ =	shalt  }
0x6b: {  	_ =	shalt  }
0x6c: {  	_ =	shalt  }
0x6d: {  	_ =	shalt  }
0x6e: {  	_ =	shalt  }
0x6f: {  	_ =	shalt  }
0x70: {  	_ =	shalt  }
0x71: {  	_ =	shalt  }
0x72: {  	_ =	shalt  }
0x73: {  	_ =	shalt  }
0x74: {  	_ =	shalt  }
0x75: {  	_ =	shalt  }
0x76: {  	_ =	shalt  }
0x77: {  	_ =	shalt  }
0x78: {  	_ =	shalt  }
0x79: {  	_ =	shalt  }
0x7a: {  	_ =	shalt  }
0x7b: {  	_ =	shalt  }
0x7c: {  	_ =	shalt  }
0x7d: {  	_ =	shalt  }
0x7e: {  	_ =	shalt  }
0x7f: {  	_ =	shalt  }
0x80: {  	_ =	shalt  }
0x81: {  	_ =	shalt  }
0x82: {  	_ =	shalt  }
0x83: {  	_ =	shalt  }
0x84: {  	_ =	shalt  }
0x85: {  	_ =	shalt  }
0x86: {  	_ =	shalt  }
0x87: {  	_ =	shalt  }
.Lfunc_end0:
.L_simem_size_0:
called_computation.3_lowered:
.L_overlay_start_0:
0x88: {  	s2 =	sld [smem:$0x3FD9]  }
0x89: {  	s3 =	sld [smem:$0x3FFE];
	_ =	sdelay $0x1  }
0x8a: {  	s1 =	srdreg.scid  }
0x8b: {  	s0 =	sand.u32 $0x1, s1  }
0x8c: {  	s16 =	sshll.u32 s0, $0xA;
	s2 =	sadd.s32 s3, s2  }
0x8d: {  	s2 =	sadd.s32 s2, s16  }
0x8e: {  	[smem:$0x3FBD] =	sst s2  }
0x8f: {  	_ = 	snop  }
0x90: {  	(tm) =	ssettm $0x1  }
0x91: {  	s17 =	sld [smem:$0x3FFB];
	_ =	sdelay $0x3  }
0x92: {  	_ =	strace s17  }
0x93: {  	s2 =	sld [smem:$0x3FFC];
	_ =	sdelay $0x3  }
0x94: {  	_ =	strace s2  }
0x95: {  	s2 =	sld [smem:$0x3FFD];
	_ =	sdelay $0x3  }
0x96: {  	_ =	strace s2  }
0x97: {  	_ =	strace $0x8FFFFFFF  }
0x98: {  	s18 =	sld [smem:$0x3FDB];
	_ =	sdelay $0x1  }
0x99: {  	s19 =	simm.s32 $_scs_section_size  }
0x9a: {  	s4 =	simm.s32 $_size__tile_overlayer_lowered;
	s5 =	simm.s32 $_tile_overlayer_lowered  }
0x9b: {  	s22 =	simm.s32 $0x1BFF;
	s21 =	sshll.u32 s5, $0x1;
	s2 =	sadd.s32 s19, s18  }
0x9c: {  	s6 =	simm.s32 $0x0;
	s20 =	sshll.u32 s4, $0x1;
	s4 =	sadd.s32 s21, s2  }
0x9d: {  	[timem:s6], [sflag:s22] =	dma.local [hbm:s4], s20  }
0x9e: {  	_ =	swait.ge [sflag:s22], s20  }
0x9f: {  	s3 =	ssub.s32 $0x0, s20;
	[sflag:s22] =	ssyncset.done $0x0  }
0xa0: {  	[sflag:s22] =	ssyncadd.s32 s3;
	_ =	sdelay $0x1  }
0xa1: {  	s23 =	simm.s32 $0x1B8B  }
0xa2: {  	_ =	swait.ge [sflag:s23], $0x1  }
0xa3: {  	[sflag:s23] =	ssyncset.done $0x0  }
0xa4: {  	s25 =	simm.s32 $0x1B8E;
	s24 =	sld [smem:$0x3FFE];
	[sflag:s23] =	ssyncadd.s32 $0xFFFFFFFF  }
0xa5: {  	s26 =	simm.s32 $execute0_lowered;
	[smem:$0x3FD2] =	sst s25  }
0xa6: {  	s4 =	sshll.u32 s26, $0x1;
	_ =	strace $0x8000004F;
	[dreg:$0x1] =	wrdreg $0xFFFFFFFF  }
0xa7: {  	s28 =	simm.s32 $_size_execute0_lowered;
	s2 =	sadd.s32 s2, s4;
	[dreg:$0x0] =	wrdreg $0x0  }
0xa8: {  	s4 =	sshll.u32 s28, $0x1;
	[dreg:$0x2] =	wrdreg s2  }
0xa9: {  	[dreg:$0x3] =	wrdreg s4  }
0xaa: {  	[dreg:$0x4] =	wrdreg $0xC0  }
0xab: {  	_ =	task [dreg:s6], $0x5FFFF  }
0xac: {  	[dreg:$0x1] =	wrdreg $0xFFFFFFFF  }
0xad: {  	[dreg:$0x0] =	wrdreg $0x60  }
0xae: {  	[dreg:$0x2] =	wrdreg s24  }
0xaf: {  	[dreg:$0x3] =	wrdreg $0x12F000  }
0xb0: {  	[dreg:$0x4] =	wrdreg $0x9  }
0xb1: {  	_ =	task.clear_ibuf [dreg:s6], $0x5FFFF;
	_ =	strace $0x9000004F  }
0xb2: {  	s29 =	simm.s32 $0x9;
	_ =	strace $0x80000051  }
0xb3: {  	_ =	swait.ge [sflag:s29], $0x1  }
0xb4: {  	[sflag:s29] =	ssyncadd.s32 $0xFFFFFFFF  }
0xb5: {  	_ =	strace $0x90000051  }
0xb6: {  	_ =	sfence  }
0xb7: {  	s30 =	sld [smem:$0x0];
	_ =	sdelay $0x2  }
0xb8: {  	s31 =	sshll.u32 s1, $0xD;
	s1 =	sshrl.u32 s1, $0x2  }
0xb9: {  	s3 =	sand.u32 $0x4000, s31;
	s1 =	sadd.s32 s1, s30  }
0xba: {  	s0 =	sor.u32 s3, s0;
	s1 =	sshll.u32 s1, $0x11  }
0xbb: {  	s0 =	sor.u32 s1, s0  }
0xbc: {  	s0 =	sadd.s32 $0x8F2B, s0  }
0xbd: {  	[sflag:s0] =	ssyncadd.remote.s32 $0x1  }
0xbe: {  	_ =	sfence.sel $0xFFFF  }
0xbf: {  	[dreg:$0x0] =	wrdreg $0xFFFFFFFF;
	(pc) =	sbr.abs _section_cstart, $3  }
0xc0: {  	[dreg:$0x1] =	wrdreg $0xFFFFFFFF  }
0xc1: {  	_ =	task.clear_ibuf [dreg:s6], $0x2FFFF;
	_ =	strace $0x9FFFFFFF  }
0xc2: {  	(tm) =	ssettm $0x7FFFFFFF  }
0xc3: {  	_ =	shalt  }
tec
execute0_lowered:
.L_overlay_start_1:
0x0: {  	(tag) =	ssettag $0x1  }
0x1: {  	s0 =	srdreg.scid;
	s3 =	rddreg [dreg:$0x0]  }
0x2: {  	s9 =	stileid.u32;
	s2 =	rddreg [dreg:$0x1]  }
0x3: {  	s5 =	simm.s32 $0x0;
	s29 =	simm.s32 $0xCF00;
	s31 =	simm.s32 $0xEF00  }
0x4: {  	s28 =	simm.s32 $0x8;
	s30 =	simm.s32 $0x4;
	s10 =	simm.s32 $0x0  }
0x5: {  	s0 =	sand.u32 $0x1, s0;
	s1 =	sshll.u32 s9, $0x1;
	s6 =	smul.u32 $0xA000, s9  }
0x6: {  	[smem:$0x7FF] =	sst s5;
	s7 =	smul.u32 $0x28000, s9;
	p0 =	slt.u32 s9, $0x2  }
0x7: {  	s5 =	simm.s32 $0x4F;
	s1 =	sor.u32 s0, s1;
	s17 =	smul.u32 $0xA0000, s0  }
0x8: {  	_ =	strace $0x80000050;
	s0 =	ssub.s32 $0x2, s0;
	s5 =	simm.s32 @!p0 $0x4E  }
0x9: {  	p0 =	sgt.u32 s9, $0x1;
	s9 =	simm.s32 $0xB;
	s4 =	smul.u32 $0x4E, s1  }
0xa: {  	s1 =	smin.u32 s1, $0x4;
	s8 =	sshrl.u32 s0, $0x1;
	s7 =	sshrl.u32 s7, $0x2  }
0xb: {  	s11 =	sadd.s32 s6, s2;
	s0 =	ssub.s32 s0, s8;
	s7 =	sadd.s32 s7, s2  }
0xc: {  	s8 =	simm.s32 $0x6;
	[dreg:$0x3] =	wrdreg s11;
	s19 =	sadd.s32 $0x2000, s7  }
0xd: {  	s1 =	sadd.s32 s1, s4;
	s20 =	sadd.s32 $0x4000, s7;
	[dreg:$0x4] =	wrdreg s19  }
0xe: {  	s4 =	sadd.s32 s6, s17;
	s21 =	sadd.s32 $0x6000, s7;
	[dreg:$0x5] =	wrdreg s20  }
0xf: {  	s22 =	sadd.s32 $0x8000, s7;
	s0 =	smax.u32 s0, $0x1;
	[dreg:$0x6] =	wrdreg s21  }
0x10: {  	s7 =	simm.s32 $0xA;
	s1 =	sshll.u32 s1, $0x4;
	[dreg:$0x7] =	wrdreg s22  }
0x11: {  	s18 =	sshrl.u32 s4, $0x3;
	s4 =	sadd.s32 $0x17800, s3;
	[dreg:$0xd] =	wrdreg s0  }
0x12: {  	s20 =	simm.s32 $0x80;
	s21 =	simm.s32 $0x4F00;
	s1 =	sadd.s32 s1, s3  }
0x13: {  	s22 =	simm.s32 $0x6F00;
	s19 =	simm.s32 $0x2;
	s23 =	sadd.s32 $0x3E00, s1  }
0x14: {  	s0 =	simm.s32 $0x9;
	s24 =	sadd.s32 $0xDA40, s1;
	[dreg:$0x8] =	wrdreg s23  }
0x15: {  	s3 =	sadd.s32 s18, s3;
	s25 =	sadd.s32 $0x42E0, s1;
	[dreg:$0x9] =	wrdreg s24  }
0x16: {  	s18 =	simm.s32 $0xD;
	s1 =	sadd.s32 $0xDF20, s1;
	[dreg:$0xa] =	wrdreg s25  }
0x17: {  	s26 =	sadd.s32 $0x2B800, s3;
	s3 =	simm.s32 $0x5;
	[dreg:$0xb] =	wrdreg s1  }
0x18: {  	[dreg:$0xc] =	wrdreg s26;
	s24 =	simm.s32 $0x8F00;
	s26 =	simm.s32 $0xAF00  }
0x19: {  	v0 =	vimm.f32 $0.0e+00;
	s1 =	simm.s32 $0x1;
	s23 =	simm.s32 $0x7;
	s25 =	simm.s32 $0x3  }
.LBB2_1:
0x1a: {  	[dreg:$0xe] =	wrdreg s10;
	s13 =	simm.s32 $0x100;
	s12 =	simm.s32 $0x0  }
.LBB2_2:
0x1b: {  	p1 =	sne.s32 s13, $0x7F00;
	[tilespmem:s12+$0x10F30] =	vst v0;
	s10 =	smov.u32 s13;
	s13 =	sadd.s32 $0x100, s13  }
.Ltmp0:
0x1c: {  	[tilespmem:s12+$0x10F20] =	vst v0;
	(pc) =	sbr.rel @p1 .LBB2_2-.Ltmp0, $3  }
0x1d: {  	[tilespmem:s12+$0x10F00] =	vst v0  }
0x1e: {  	[tilespmem:s12+$0x10F10] =	vst v0;
	_ =	sdelay $0x1  }
0x1f: {  	s12 =	sshra.s32 s10, $0x2  }
0x20: {  	[tilespmem:s12+$0x10F30] =	vst v0  }
0x21: {  	[tilespmem:s12+$0x10F20] =	vst v0  }
0x22: {  	[tilespmem:s12+$0x10F00] =	vst v0  }
0x23: {  	[tilespmem:s12+$0x10F10] =	vst v0;
	s10 =	simm.s32 $0x10F00  }
0x24: {  	[spmem:s11] =	stream.linear.scatter [tilespmem:s10], [sflag:$0xD], $0x2000, $0x38;
	[tilespmem:$0x1CF00] =	vst v63  }
0x25: {  	_ =	swait.ge [sflag:s18], $0x2000  }
0x26: {  	[sflag:s18] =	ssyncset.done $0x0  }
0x27: {  	s6 =	rddreg [dreg:$0x4];
	[sflag:s18] =	ssyncadd.s32 $0xFFFFE000  }
0x28: {  	[spmem:s6] =	stream.linear.scatter [tilespmem:s10], [sflag:$0xD], $0x2000, $0x38;
	[tilespmem:$0x1CF00] =	vst v63  }
0x29: {  	_ =	swait.ge [sflag:s18], $0x2000  }
0x2a: {  	[sflag:s18] =	ssyncset.done $0x0  }
0x2b: {  	s16 =	rddreg [dreg:$0x5];
	[sflag:s18] =	ssyncadd.s32 $0xFFFFE000  }
0x2c: {  	[spmem:s16] =	stream.linear.scatter [tilespmem:s10], [sflag:$0xD], $0x2000, $0x38;
	[tilespmem:$0x1CF00] =	vst v63  }
0x2d: {  	_ =	swait.ge [sflag:s18], $0x2000  }
0x2e: {  	[sflag:s18] =	ssyncset.done $0x0  }
0x2f: {  	s17 =	rddreg [dreg:$0x6];
	[sflag:s18] =	ssyncadd.s32 $0xFFFFE000  }
0x30: {  	[spmem:s17] =	stream.linear.scatter [tilespmem:s10], [sflag:$0xD], $0x2000, $0x38;
	[tilespmem:$0x1CF00] =	vst v63  }
0x31: {  	_ =	swait.ge [sflag:s18], $0x2000  }
0x32: {  	[sflag:s18] =	ssyncset.done $0x0  }
0x33: {  	s11 =	rddreg [dreg:$0x7];
	[sflag:s18] =	ssyncadd.s32 $0xFFFFE000  }
0x34: {  	[spmem:s11] =	stream.linear.scatter [tilespmem:s10], [sflag:$0xD], $0x2000, $0x38;
	[tilespmem:$0x1CF00] =	vst v63  }
0x35: {  	_ =	swait.ge [sflag:s18], $0x2000  }
0x36: {  	[sflag:s18] =	ssyncset.done $0x0  }
0x37: {  	[sflag:s18] =	ssyncadd.s32 $0xFFFFE000  }
0x38: {  	[bflag:$0x0] =	sbarrier.arrive $0xFFFF  }
0x39: {  	s12 =	simm.s32 $0x0;
	s13 =	rddreg [dreg:$0x8]  }
0x3a: {  	[tilespmem:s12], [sflag:$0xD] =	stream.linear.gather [hbm4b:s13+s12], $0x2700, $0x38;
	[tilespmem:$0x1CF00] =	vst v63  }
0x3b: {  	_ =	swait.ge [sflag:s18], $0x2700  }
0x3c: {  	[sflag:s18] =	ssyncset.done $0x0  }
0x3d: {  	s15 =	simm.s32 $0x2780;
	s14 =	rddreg [dreg:$0x9];
	[sflag:s18] =	ssyncadd.s32 $0xFFFFD900  }
0x3e: {  	[tilespmem:s15], [sflag:$0xD] =	stream.linear.gather [hbm4b:s14+s12], $0x2700, $0x38;
	[tilespmem:$0x1CF00] =	vst v63  }
0x3f: {  	_ =	swait.ge [sflag:s18], $0x2700  }
0x40: {  	s10 =	simm.s32 @!p0 $0x0;
	[sflag:s18] =	ssyncset.done $0x0  }
0x41: {  	s12 =	simm.s32 @!p0 $0x2700;
	s6 =	rddreg [dreg:$0xa];
	[sflag:s18] =	ssyncadd.s32 $0xFFFFD900  }
0x42: {  	[tilespmem:s12], [sflag:$0xD] =	stream.linear.gather @!p0 [hbm4b:s6+s10], $0x80, $0x38;
	[tilespmem:$0x1CF00] =	vst v63  }
0x43: {  	s12 =	simm.s32 @!p0 $0xD  }
0x44: {  	_ =	swait.ge @!p0 [sflag:s12], $0x80  }
0x45: {  	[sflag:s12] =	ssyncset.done @!p0 $0x0  }
0x46: {  	s13 =	simm.s32 @!p0 $0x4E80;
	s6 =	rddreg [dreg:$0xb];
	[sflag:s12] =	ssyncadd.s32 @!p0 $0xFFFFFF80  }
0x47: {  	[tilespmem:s13], [sflag:$0xD] =	stream.linear.gather @!p0 [hbm4b:s6+s10], $0x80, $0x38;
	[tilespmem:$0x1CF00] =	vst v63  }
0x48: {  	_ =	swait.ge @!p0 [sflag:s12], $0x80  }
0x49: {  	[sflag:s12] =	ssyncset.done @!p0 $0x0  }
0x4a: {  	s16 =	simm.s32 $0x0;
	[sflag:s12] =	ssyncadd.s32 @!p0 $0xFFFFFF80  }
0x4b: {  	[tilespmem:s21], [sflag:$0x1] =	stream.indirect.gather [hbm4b:s4+s20], $0x40, s16, s20, $0xb8;
	[tilespmem:$0x1CF00] =	vst v63  }
0x4c: {  	_ = 	snop  }
0x4d: {  	[tilespmem:s22], [sflag:$0x2] =	stream.indirect.gather [hbm4b:s4+s20], $0x40, s20, s20, $0xb8;
	[tilespmem:$0x1CF00] =	vst v63  }
0x4e: {  	s17 =	simm.s32 $0x100  }
0x4f: {  	[tilespmem:s24], [sflag:$0x3] =	stream.indirect.gather [hbm4b:s4+s20], $0x40, s17, s20, $0xb8;
	[tilespmem:$0x1CF00] =	vst v63  }
0x50: {  	s10 =	simm.s32 $0x180  }
0x51: {  	[tilespmem:s26], [sflag:$0x4] =	stream.indirect.gather [hbm4b:s4+s20], $0x40, s10, s20, $0xb8;
	[tilespmem:$0x1CF00] =	vst v63  }
0x52: {  	s11 =	simm.s32 $0x200  }
0x53: {  	[tilespmem:s29], [sflag:$0x5] =	stream.indirect.gather [hbm4b:s4+s20], $0x40, s11, s20, $0xb8;
	[tilespmem:$0x1CF00] =	vst v63  }
0x54: {  	s12 =	simm.s32 $0x280  }
0x55: {  	[tilespmem:s31], [sflag:$0x6] =	stream.indirect.gather [hbm4b:s4+s20], $0x40, s12, s20, $0xb8;
	[tilespmem:$0x1CF00] =	vst v63  }
0x56: {  	_ =	swait.ge [sflag:s1], $0x2000  }
0x57: {  	p1 =	por $0x1, $0x1;
	[sflag:s1] =	ssyncset.done $0x0  }
0x58: {  	s13 =	simm.s32 $0x2780;
	s12 =	simm.s32 @!p1 $0xC;
	[sflag:s1] =	ssyncadd.s32 $0xFFFFE000  }
0x59: {  	[spmem:s2] =	stream.indirect.scatter.add.f32 [tilespmem:s21], [sflag:$0x7], $0x40, s13, s20, $0xb8;
	[tilespmem:$0x1CF00] =	vst v63  }
0x5a: {  	_ =	swait.ge @!p1 [sflag:s12], $0x2000  }
0x5b: {  	s10 =	simm.s32 @!p1 $0x280;
	[sflag:s12] =	ssyncset.done @!p1 $0x0  }
0x5c: {  	s13 =	simm.s32 @!p1 $0x80;
	[sflag:s12] =	ssyncadd.s32 @!p1 $0xFFFFE000;
	s12 =	simm.s32 @!p1 $0xEF00  }
0x5d: {  	[tilespmem:s12], [sflag:$0x6] =	stream.indirect.gather @!p1 [hbm4b:s4+s13], $0x40, s10, s13, $0xb8;
	[tilespmem:$0x1CF00] =	vst v63  }
0x5e: {  	_ =	swait.ge [sflag:s19], $0x2000  }
0x5f: {  	[sflag:s19] =	ssyncset.done $0x0  }
0x60: {  	s14 =	simm.s32 $0x2800;
	[sflag:s19] =	ssyncadd.s32 $0xFFFFE000  }
0x61: {  	[spmem:s2] =	stream.indirect.scatter.add.f32 [tilespmem:s22], [sflag:$0x8], $0x40, s14, s20, $0xb8;
	[tilespmem:$0x1CF00] =	vst v63  }
0x62: {  	p2 =	sle.u32 s5, $0x6;
	_ =	swait.ge [sflag:s23], $0x2000  }
0x63: {  	s10 =	simm.s32 @!p2 $0x4F00;
	[sflag:s23] =	ssyncset.done $0x0  }
0x64: {  	s12 =	simm.s32 @!p2 $0x300;
	s13 =	simm.s32 @!p2 $0x80;
	[sflag:s23] =	ssyncadd.s32 $0xFFFFE000  }
0x65: {  	[tilespmem:s10], [sflag:$0x1] =	stream.indirect.gather @!p2 [hbm4b:s4+s13], $0x40, s12, s13, $0xb8;
	[tilespmem:$0x1CF00] =	vst v63  }
0x66: {  	_ =	swait.ge [sflag:s25], $0x2000  }
0x67: {  	[sflag:s25] =	ssyncset.done $0x0  }
0x68: {  	s15 =	simm.s32 $0x2880;
	[sflag:s25] =	ssyncadd.s32 $0xFFFFE000  }
0x69: {  	[spmem:s2] =	stream.indirect.scatter.add.f32 [tilespmem:s24], [sflag:$0x9], $0x40, s15, s20, $0xb8;
	[tilespmem:$0x1CF00] =	vst v63  }
0x6a: {  	p2 =	sle.u32 s5, $0x7;
	_ =	swait.ge [sflag:s28], $0x2000  }
0x6b: {  	s10 =	simm.s32 @!p2 $0x6F00;
	[sflag:s28] =	ssyncset.done $0x0  }
0x6c: {  	s12 =	simm.s32 @!p2 $0x380;
	s13 =	simm.s32 @!p2 $0x80;
	[sflag:s28] =	ssyncadd.s32 $0xFFFFE000  }
0x6d: {  	[tilespmem:s10], [sflag:$0x2] =	stream.indirect.gather @!p2 [hbm4b:s4+s13], $0x40, s12, s13, $0xb8;
	[tilespmem:$0x1CF00] =	vst v63  }
0x6e: {  	_ =	swait.ge [sflag:s30], $0x2000  }
0x6f: {  	[sflag:s30] =	ssyncset.done $0x0  }
0x70: {  	s16 =	simm.s32 $0x2900;
	[sflag:s30] =	ssyncadd.s32 $0xFFFFE000  }
0x71: {  	[spmem:s2] =	stream.indirect.scatter.add.f32 [tilespmem:s26], [sflag:$0xA], $0x40, s16, s20, $0xb8;
	[tilespmem:$0x1CF00] =	vst v63  }
0x72: {  	p2 =	sle.u32 s5, $0x8;
	_ =	swait.ge [sflag:s0], $0x2000  }
0x73: {  	s10 =	simm.s32 @!p2 $0x8F00;
	[sflag:s0] =	ssyncset.done $0x0  }
0x74: {  	s12 =	simm.s32 @!p2 $0x400;
	s13 =	simm.s32 @!p2 $0x80;
	[sflag:s0] =	ssyncadd.s32 $0xFFFFE000  }
0x75: {  	[tilespmem:s10], [sflag:$0x3] =	stream.indirect.gather @!p2 [hbm4b:s4+s13], $0x40, s12, s13, $0xb8;
	[tilespmem:$0x1CF00] =	vst v63  }
0x76: {  	_ =	swait.ge [sflag:s3], $0x2000  }
0x77: {  	[sflag:s3] =	ssyncset.done $0x0  }
0x78: {  	s17 =	simm.s32 $0x2980;
	[sflag:s3] =	ssyncadd.s32 $0xFFFFE000  }
0x79: {  	[spmem:s2] =	stream.indirect.scatter.add.f32 [tilespmem:s29], [sflag:$0xB], $0x40, s17, s20, $0xb8;
	[tilespmem:$0x1CF00] =	vst v63  }
0x7a: {  	p2 =	sle.u32 s5, $0x9;
	_ =	swait.ge [sflag:s7], $0x2000  }
0x7b: {  	s10 =	simm.s32 @!p2 $0xAF00;
	[sflag:s7] =	ssyncset.done $0x0  }
0x7c: {  	s12 =	simm.s32 @!p2 $0x480;
	s13 =	simm.s32 @!p2 $0x80;
	[sflag:s7] =	ssyncadd.s32 $0xFFFFE000  }
0x7d: {  	[tilespmem:s10], [sflag:$0x4] =	stream.indirect.gather @!p2 [hbm4b:s4+s13], $0x40, s12, s13, $0xb8;
	[tilespmem:$0x1CF00] =	vst v63  }
0x7e: {  	s10 =	simm.s32 @!p1 $0xA00  }
0x7f: {  	s10 =	simm.s32 @p1 $0xA00;
	_ =	swait.ge [sflag:s8], $0x2000  }
0x80: {  	s12 =	simm.s32 $0xA;
	s10 =	sshra.s32 s10, $0x2;
	[sflag:s8] =	ssyncset.done $0x0  }
0x81: {  	p2 =	sle.u32 s5, $0xA;
	s10 =	sadd.s32 $0x2780, s10;
	[sflag:s8] =	ssyncadd.s32 $0xFFFFE000  }
0x82: {  	[spmem:s2] =	stream.indirect.scatter.add.f32 [tilespmem:s31], [sflag:$0xC], $0x40, s10, s20, $0xb8;
	[tilespmem:$0x1CF00] =	vst v63  }
0x83: {  	s13 =	simm.s32 $0xC00;
	s15 =	simm.s32 @!p2 $0xCF00;
	_ =	swait.ge [sflag:s9], $0x2000  }
0x84: {  	s16 =	simm.s32 @!p2 $0x500;
	s10 =	simm.s32 @!p2 $0x80;
	[sflag:s9] =	ssyncset.done $0x0  }
.LBB2_4:
0x85: {  	[sflag:s9] =	ssyncadd.s32 $0xFFFFE000  }
0x86: {  	s12 =	sadd.s32 $0x6, s12;
	s14 =	smov.u32 s13;
	s13 =	sadd.s32 $0xC00, s13  }
0x87: {  	[tilespmem:s15], [sflag:$0x5] =	stream.indirect.gather @!p2 [hbm4b:s4+s10], $0x40, s16, s10, $0xb8;
	[tilespmem:$0x1CF00] =	vst v63  }
0x88: {  	s15 =	sshra.s32 s14, $0x2;
	p1 =	sne.s32 s13, $0x9C00;
	_ =	swait.ge [sflag:s1], $0x2000  }
0x89: {  	p2 =	seq.s32 s14, $0x0;
	s10 =	sadd.s32 $0x2780, s15;
	[sflag:s1] =	ssyncset.done $0x0  }
0x8a: {  	s16 =	simm.s32 @!p2 $0xC;
	s6 =	sshra.s32 @!p2 s14, $0x2;
	[sflag:s1] =	ssyncadd.s32 $0xFFFFE000  }
0x8b: {  	[spmem:s2] =	stream.indirect.scatter.add.f32 [tilespmem:s21], [sflag:$0x7], $0x40, s10, s20, $0xb8;
	[tilespmem:$0x1CF00] =	vst v63  }
0x8c: {  	s6 =	sadd.s32 @!p2 $0x280, s6;
	s10 =	sadd.s32 @!p2 $0xA00, s14;
	_ =	swait.ge @!p2 [sflag:s16], $0x2000  }
0x8d: {  	s17 =	simm.s32 @!p2 $0x80;
	s10 =	simm.s32 @p2 $0xA00;
	[sflag:s16] =	ssyncset.done @!p2 $0x0  }
0x8e: {  	s11 =	simm.s32 @!p2 $0xEF00;
	[sflag:s16] =	ssyncadd.s32 @!p2 $0xFFFFE000;
	s16 =	sshra.s32 s10, $0x2  }
0x8f: {  	[tilespmem:s11], [sflag:$0x6] =	stream.indirect.gather @!p2 [hbm4b:s4+s17], $0x40, s6, s17, $0xb8;
	[tilespmem:$0x1CF00] =	vst v63  }
0x90: {  	_ =	swait.ge [sflag:s19], $0x2000  }
0x91: {  	s6 =	sadd.s32 $0x2800, s15;
	[sflag:s19] =	ssyncset.done $0x0  }
0x92: {  	s10 =	sadd.s32 $0xFFFFFFFC, s12;
	[sflag:s19] =	ssyncadd.s32 $0xFFFFE000  }
0x93: {  	[spmem:s2] =	stream.indirect.scatter.add.f32 [tilespmem:s22], [sflag:$0x8], $0x40, s6, s20, $0xb8;
	[tilespmem:$0x1CF00] =	vst v63  }
0x94: {  	p2 =	sge.u32 s10, s5;
	_ =	swait.ge [sflag:s23], $0x2000  }
0x95: {  	s10 =	simm.s32 @!p2 $0x4F00;
	s6 =	sshra.s32 @!p2 s14, $0x2;
	[sflag:s23] =	ssyncset.done $0x0  }
0x96: {  	s11 =	simm.s32 @!p2 $0x80;
	s6 =	sadd.s32 @!p2 $0x300, s6;
	[sflag:s23] =	ssyncadd.s32 $0xFFFFE000  }
0x97: {  	[tilespmem:s10], [sflag:$0x1] =	stream.indirect.gather @!p2 [hbm4b:s4+s11], $0x40, s6, s11, $0xb8;
	[tilespmem:$0x1CF00] =	vst v63  }
0x98: {  	_ =	swait.ge [sflag:s25], $0x2000  }
0x99: {  	s6 =	sadd.s32 $0x2880, s15;
	[sflag:s25] =	ssyncset.done $0x0  }
0x9a: {  	s10 =	sadd.s32 $0xFFFFFFFD, s12;
	[sflag:s25] =	ssyncadd.s32 $0xFFFFE000  }
0x9b: {  	[spmem:s2] =	stream.indirect.scatter.add.f32 [tilespmem:s24], [sflag:$0x9], $0x40, s6, s20, $0xb8;
	[tilespmem:$0x1CF00] =	vst v63  }
0x9c: {  	p2 =	sge.u32 s10, s5;
	_ =	swait.ge [sflag:s28], $0x2000  }
0x9d: {  	s10 =	simm.s32 @!p2 $0x6F00;
	s6 =	sshra.s32 @!p2 s14, $0x2;
	[sflag:s28] =	ssyncset.done $0x0  }
0x9e: {  	s11 =	simm.s32 @!p2 $0x80;
	s6 =	sadd.s32 @!p2 $0x380, s6;
	[sflag:s28] =	ssyncadd.s32 $0xFFFFE000  }
0x9f: {  	[tilespmem:s10], [sflag:$0x2] =	stream.indirect.gather @!p2 [hbm4b:s4+s11], $0x40, s6, s11, $0xb8;
	[tilespmem:$0x1CF00] =	vst v63  }
0xa0: {  	_ =	swait.ge [sflag:s30], $0x2000  }
0xa1: {  	s6 =	sadd.s32 $0x2900, s15;
	[sflag:s30] =	ssyncset.done $0x0  }
0xa2: {  	s10 =	sadd.s32 $0xFFFFFFFE, s12;
	[sflag:s30] =	ssyncadd.s32 $0xFFFFE000  }
0xa3: {  	[spmem:s2] =	stream.indirect.scatter.add.f32 [tilespmem:s26], [sflag:$0xA], $0x40, s6, s20, $0xb8;
	[tilespmem:$0x1CF00] =	vst v63  }
0xa4: {  	p2 =	sge.u32 s10, s5;
	_ =	swait.ge [sflag:s0], $0x2000  }
0xa5: {  	s10 =	simm.s32 @!p2 $0x8F00;
	s6 =	sshra.s32 @!p2 s14, $0x2;
	[sflag:s0] =	ssyncset.done $0x0  }
0xa6: {  	s11 =	simm.s32 @!p2 $0x80;
	s6 =	sadd.s32 @!p2 $0x400, s6;
	[sflag:s0] =	ssyncadd.s32 $0xFFFFE000  }
0xa7: {  	[tilespmem:s10], [sflag:$0x3] =	stream.indirect.gather @!p2 [hbm4b:s4+s11], $0x40, s6, s11, $0xb8;
	[tilespmem:$0x1CF00] =	vst v63  }
0xa8: {  	_ =	swait.ge [sflag:s3], $0x2000  }
0xa9: {  	s6 =	sadd.s32 $0x2980, s15;
	[sflag:s3] =	ssyncset.done $0x0  }
0xaa: {  	s10 =	sadd.s32 $0xFFFFFFFF, s12;
	[sflag:s3] =	ssyncadd.s32 $0xFFFFE000  }
0xab: {  	[spmem:s2] =	stream.indirect.scatter.add.f32 [tilespmem:s29], [sflag:$0xB], $0x40, s6, s20, $0xb8;
	[tilespmem:$0x1CF00] =	vst v63  }
0xac: {  	p2 =	sge.u32 s10, s5;
	_ =	swait.ge [sflag:s7], $0x2000  }
0xad: {  	s10 =	simm.s32 @!p2 $0xAF00;
	s6 =	sshra.s32 @!p2 s14, $0x2;
	[sflag:s7] =	ssyncset.done $0x0  }
0xae: {  	s11 =	simm.s32 @!p2 $0x80;
	s6 =	sadd.s32 @!p2 $0x480, s6;
	[sflag:s7] =	ssyncadd.s32 $0xFFFFE000  }
0xaf: {  	[tilespmem:s10], [sflag:$0x4] =	stream.indirect.gather @!p2 [hbm4b:s4+s11], $0x40, s6, s11, $0xb8;
	[tilespmem:$0x1CF00] =	vst v63  }
0xb0: {  	_ =	swait.ge [sflag:s8], $0x2000  }
.Ltmp1:
0xb1: {  	s6 =	sadd.s32 $0x2780, s16;
	[sflag:s8] =	ssyncset.done $0x0;
	(pc) =	sbr.rel @p1 .LBB2_4-.Ltmp1, $4  }
0xb2: {  	p2 =	sge.u32 s12, s5;
	[sflag:s8] =	ssyncadd.s32 $0xFFFFE000  }
0xb3: {  	[spmem:s2] =	stream.indirect.scatter.add.f32 [tilespmem:s31], [sflag:$0xC], $0x40, s6, s20, $0xb8;
	[tilespmem:$0x1CF00] =	vst v63  }
0xb4: {  	s15 =	simm.s32 @!p2 $0xCF00;
	s6 =	sshra.s32 @!p2 s14, $0x2;
	_ =	swait.ge [sflag:s9], $0x2000  }
0xb5: {  	s10 =	simm.s32 @!p2 $0x80;
	s16 =	sadd.s32 @!p2 $0x500, s6;
	[sflag:s9] =	ssyncset.done $0x0  }
0xb6: {  	[sflag:s9] =	ssyncadd.s32 $0xFFFFE000;
	s6 =	simm.s32 @!p0 $0x1  }
0xb7: {  	[tilespmem:s15], [sflag:$0x5] =	stream.indirect.gather @!p2 [hbm4b:s4+s10], $0x40, s16, s10, $0xb8;
	[tilespmem:$0x1CF00] =	vst v63  }
0xb8: {  	_ =	swait.ge @!p0 [sflag:s6], $0x2000  }
0xb9: {  	s11 =	simm.s32 @!p0 $0x4F00;
	[sflag:s6] =	ssyncset.done @!p0 $0x0  }
0xba: {  	s10 =	simm.s32 @!p0 $0x4E80;
	[sflag:s6] =	ssyncadd.s32 @!p0 $0xFFFFE000;
	s6 =	simm.s32 @!p0 $0x80  }
0xbb: {  	[spmem:s2] =	stream.indirect.scatter.add.f32 @!p0 [tilespmem:s11], [sflag:$0x7], $0x40, s10, s6, $0xb8;
	[tilespmem:$0x1CF00] =	vst v63  }
0xbc: {  	s6 =	simm.s32 @!p0 $0x7  }
0xbd: {  	_ =	swait.ge @!p0 [sflag:s6], $0x2000  }
0xbe: {  	[sflag:s6] =	ssyncset.done @!p0 $0x0  }
0xbf: {  	s13 =	simm.s32 $0xC;
	[sflag:s6] =	ssyncadd.s32 @!p0 $0xFFFFE000  }
0xc0: {  	_ =	swait.ge [sflag:s13], $0x2000  }
0xc1: {  	[sflag:s13] =	ssyncset.done $0x0  }
0xc2: {  	[sflag:s13] =	ssyncadd.s32 $0xFFFFE000  }
0xc3: {  	s14 =	stileid.u32;
	[bflag:$0x0] =	sbarrier.arrive $0xFFFF  }
0xc4: {  	s6 =	sshll.u32 s14, $0x6;
	s11 =	rddreg [dreg:$0x3]  }
0xc5: {  	s6 =	sor.u32 $0x1C0D, s6;
	s12 =	rddreg [dreg:$0xc];
	s15 =	sshrl.u32 s11, $0x3  }
0xc6: {  	[hbm:s12], [sflag:s6] =	dma.local [spmem:s15], $0x1400  }
0xc7: {  	_ =	swait.ge [sflag:s18], $0x1400  }
0xc8: {  	s16 =	rddreg [dreg:$0xe]  }
0xc9: {  	s17 =	rddreg [dreg:$0xd];
	s10 =	sadd.s32 $0x1, s16  }
0xca: {  	p1 =	sne.s32 s10, s17  }
.Ltmp2:
0xcb: {  	_ = 	snop;
	(pc) =	sbr.rel @p1 .LBB2_1-.Ltmp2, $3  }
0xcc: {  	_ =	sdelay $0x1  }
0xcd: {  	[sflag:s18] =	ssyncset.done $0x0  }
0xce: {  	[sflag:s18] =	ssyncadd.s32 $0xFFFFEC00  }
0xcf: {  	_ =	sfence.sel $0x180000  }
0xd0: {  	[bflag:$0x0] =	sbarrier.arrive $0xFFFF  }
0xd1: {  	_ =	strace $0x90000050  }
0xd2: {  	s0 =	stileid.u32;
	[bflag:$0x2] =	sbarrier.arrive $0xFFFF  }
0xd3: {  	p0 =	sne.s32 s0, $0x0;
	s0 =	rddreg [dreg:$0x2]  }
0xd4: {  	s0 =	sadd.s32 @!p0 $0x100000, s0  }
0xd5: {  	[sflag:s0] =	ssyncadd.tile.s32 @!p0 $0x1;
	_ =	shalt  }
.Lfunc_end2:
_tile_overlayer_lowered:
.L_overlay_start_2:
0xd6: {  	(tag) =	ssettag $0x2  }
0xd7: {  	s0 =	rddreg [dreg:$0x0];
	s2 =	stileid.u32  }
0xd8: {  	s1 =	rddreg [dreg:$0x1];
	p0 =	sne.s32 s2, $0x0  }
0xd9: {  	s3 =	rddreg [dreg:$0x2];
	[bflag:$0x3] =	sbarrier.arrive $0xFFFF;
	s2 =	simm.s32 @!p0 $0x1C0D  }
0xda: {  	[timem:s3], [sflag:s2] =	dma.local @!p0 [hbm:s0], s1  }
0xdb: {  	s0 =	simm.s32 @!p0 $0xD  }
0xdc: {  	_ =	swait.ge @!p0 [sflag:s0], s1  }
0xdd: {  	s1 =	ssub.s32 @!p0 $0x0, s1;
	[sflag:s0] =	ssyncset.done @!p0 $0x0  }
0xde: {  	[sflag:s0] =	ssyncadd.s32 @!p0 s1  }
0xdf: {  	[bflag:$0x3] =	sbarrier.arrive $0xFFFF  }
0xe0: {  	_ =	shalt  }

</sc_bundles>
